<compile_context>
chip_gen: v7x
topology: tpu7x:2x2x1
jax: 0.10.2.dev20260603
libtpu: 0.0.44.dev20260713+nightly
codegen_flags: <defaults>
</compile_context>

<pallas_src>
import jax
import jax.numpy as jnp
from jax import lax
from jax.experimental import pallas as pl
from jax.experimental.pallas import tpu as pltpu
from jax.experimental.pallas import tpu_sc as plsc

_VOCAB = 100000
_D = 64
_NB = 4096
_NT = 200
_NC = 2
_NS = 16
_NW = _NC * _NS
_BL = 128
_LANES = 16


def _body(x_hbm, w_hbm, out_hbm, xstg, idx_v, rows0, rows1, tr0, tr1,
          gsem0, gsem1, wsem0, wsem1):
    wid = lax.axis_index("s") * _NC + lax.axis_index("c")
    b0 = wid * _BL
    iota = lax.iota(jnp.int32, _LANES)

    pltpu.sync_copy(x_hbm.at[pl.ds(b0, _BL)], xstg.at[:, pl.ds(0, _NT)])

    @plsc.parallel_loop(0, _NT * (_BL // _LANES), unroll=8)
    def _cols(j):
        t = j >> 3
        k = j & 7
        tcol = jnp.full((_LANES,), t, jnp.int32)
        v = plsc.load_gather(xstg, [iota + k * _LANES, tcol])
        idx_v[t, pl.ds(k * _LANES, _LANES)] = v

    def fire(t, rows, gsem):
        pltpu.async_copy(w_hbm.at[idx_v.at[t]], rows, gsem)

    def drain(t, rows, gsem):
        pltpu.make_async_copy(w_hbm.at[idx_v.at[t]], rows, gsem).wait()

    def transpose(rows, tr):
        @plsc.parallel_loop(0, _BL // _LANES, unroll=4)
        def _tp(k):
            b_idx = iota + (k << 4)
            for d0 in range(_D):
                dvec = (iota + d0) & (_D - 1)
                v = plsc.load_gather(rows, [b_idx, dvec])
                plsc.store_scatter(tr, [dvec, b_idx], v)

    def put(t, tr, wsem):
        for dh in range(_D // 8):
            pltpu.async_copy(tr.at[pl.ds(8 * dh, 8)], out_hbm.at[t, dh, wid],
                             wsem)

    def wait_put(t, tr, wsem):
        for dh in range(_D // 8):
            pltpu.make_async_copy(tr.at[pl.ds(8 * dh, 8)],
                                  out_hbm.at[t, dh, wid], wsem).wait()

    fire(0, rows0, gsem0)
    fire(1, rows1, gsem1)

    @pl.loop(0, _NT // 2)
    def _block(u):
        t0 = 2 * u
        drain(t0, rows0, gsem0)

        @pl.when(u > 0)
        def _():
            wait_put(t0 - 2, tr0, wsem0)

        transpose(rows0, tr0)
        put(t0, tr0, wsem0)

        @pl.when(u < _NT // 2 - 1)
        def _():
            fire(t0 + 2, rows0, gsem0)

        drain(t0 + 1, rows1, gsem1)

        @pl.when(u > 0)
        def _():
            wait_put(t0 - 1, tr1, wsem1)

        transpose(rows1, tr1)
        put(t0 + 1, tr1, wsem1)

        @pl.when(u < _NT // 2 - 1)
        def _():
            fire(t0 + 3, rows1, gsem1)

    wait_put(_NT - 2, tr0, wsem0)
    wait_put(_NT - 1, tr1, wsem1)


@jax.jit
def _lookup(x, weight):
    mesh = plsc.VectorSubcoreMesh(
        core_axis_name="c", subcore_axis_name="s",
        num_cores=_NC, num_subcores=_NS,
    )
    return pl.kernel(
        _body,
        out_type=jax.ShapeDtypeStruct((_NT, _D // 8, _NB // _BL, 8, _BL),
                                      jnp.float32),
        mesh=mesh,
        scratch_types=[
            pltpu.VMEM((_BL, _NT + 1), jnp.int32),
            pltpu.VMEM((_NT, _BL), jnp.int32),
            pltpu.VMEM((_BL, _D), jnp.float32),
            pltpu.VMEM((_BL, _D), jnp.float32),
            pltpu.VMEM((_D, _BL), jnp.float32),
            pltpu.VMEM((_D, _BL), jnp.float32),
            pltpu.SemaphoreType.DMA,
            pltpu.SemaphoreType.DMA,
            pltpu.SemaphoreType.DMA,
            pltpu.SemaphoreType.DMA,
        ],
        compiler_params=pltpu.CompilerParams(
            use_tc_tiling_on_sc=False, needs_layout_passes=False),
    )(x, weight)


def kernel(x, weight):
    out5d = _lookup(x, weight)
    return jnp.transpose(out5d, (2, 4, 0, 1, 3)).reshape(_NB, _NT, _D)

# --- scband reference (transcript-rebuilt; emitter-appended) ---
"""Pipeline reference for scband-token-embedding-51728586113522 (READ-ONLY COPY).

The authoritative reference and input builder live on the scoring server;
editing this copy changes nothing except your own understanding.
"""

import jax, jax.numpy as jnp
import numpy as np

VOCAB = 100000
D_MODEL = 64
PAD = 0

def setup_inputs(seed: int = 0) -> dict:
    key = jax.random.key(seed)
    k1, k2 = jax.random.split(key)
    x = jax.random.randint(k1, (4096, 200), 0, VOCAB, dtype=jnp.int64 if jax.config.jax_enable_x64 else jnp.int32).astype(jnp.int32)
    # xavier_uniform init for embedding table, padding row zeroed (padding_idx=PAD)
    limit = float(np.sqrt(6.0 / (VOCAB + D_MODEL)))
    weight = jax.random.uniform(k2, (VOCAB, D_MODEL), minval=-limit, maxval=limit, dtype=jnp.float32)
    weight = weight.at[PAD].set(0.0)
    return {"x": x, "weight": weight}

def reference(x, weight):
    # TokenEmbedding.forward: x = self.tokenConv(x)  (nn.Embedding lookup)
    out = jnp.take(weight, x, axis=0)
    return out

if __name__ == "__main__":
    import jax
    _d = setup_inputs()
    print(jax.jit(kernel)(*tuple(_d.values())))

</pallas_src>

<mosaic_0001>
#map = affine_map<(d0, d1) -> (0, 0)>
#map1 = affine_map<(d0, d1) -> (0, 0, 0, 0, 0)>
module attributes {stable_mosaic.version = 14 : i64} {
  func.func @_body(%arg0: i32, %arg1: i32, %arg2: memref<4096x200xi32, #tpu.memory_space<hbm>>, %arg3: memref<100000x64xf32, #tpu.memory_space<hbm>>, %arg4: memref<200x8x32x8x128xf32, #tpu.memory_space<hbm>>, %arg5: memref<128x201xi32, #tpu.memory_space<vmem>>, %arg6: memref<200x128xi32, #tpu.memory_space<vmem>>, %arg7: memref<128x64xf32, #tpu.memory_space<vmem>>, %arg8: memref<128x64xf32, #tpu.memory_space<vmem>>, %arg9: memref<64x128xf32, #tpu.memory_space<vmem>>, %arg10: memref<64x128xf32, #tpu.memory_space<vmem>>, %arg11: memref<!tpu.dma_semaphore, #tpu.memory_space<semaphore_mem>>, %arg12: memref<!tpu.dma_semaphore, #tpu.memory_space<semaphore_mem>>, %arg13: memref<!tpu.dma_semaphore, #tpu.memory_space<semaphore_mem>>, %arg14: memref<!tpu.dma_semaphore, #tpu.memory_space<semaphore_mem>>) attributes {dimension_semantics = [#tpu.dimension_semantics<core_parallel>, #tpu.dimension_semantics<subcore_parallel>], iteration_bounds = array<i64: 2, 16>, scalar_prefetch = 0 : i64, scratch_operands = 10 : i64, tpu.core_type = #tpu.core_type<sc_vector_subcore>, window_params = [{transform_indices = #map}, {transform_indices = #map}, {transform_indices = #map1}]} {
    %mul3A = arith.constant 2 : i32
    %mul3A_0 = arith.muli %arg1, %mul3A : i32
    %add3A = arith.addi %mul3A_0, %arg0 : i32
    %mul3A_1 = arith.constant 128 : i32
    %mul3A_2 = arith.muli %add3A, %mul3A_1 : i32
    %iota3A = tpu.iota {dimensions = array<i32: 0>} : vector<16xi32>
    "tpu.region"() ({
      %run_scoped3A = tpu.sem_alloc : memref<!tpu.dma_semaphore, #tpu.memory_space<semaphore_mem>>
      %dma_start3A_277 = arith.constant 0 : i32
      %dma_start3A_278 = arith.constant 0 : i32
      %dma_start3A_279 = tpu.memref_slice %arg5[%dma_start3A_277, %dma_start3A_278] : memref<128x201xi32, #tpu.memory_space<vmem>> -> memref<128x200xi32, #tpu.memory_space<vmem>>
      %dma_start3A_280 = arith.constant 0 : i32
      %dma_start3A_281 = tpu.memref_slice %arg2[%mul3A_2, %dma_start3A_280] : memref<4096x200xi32, #tpu.memory_space<hbm>> -> memref<128x200xi32, #tpu.memory_space<hbm>>
      %dma_start3A_282 = arith.constant 0 : i32
      %dma_start3A_283 = arith.constant 0 : i32
      %dma_start3A_284 = tpu.memref_slice %arg5[%dma_start3A_282, %dma_start3A_283] : memref<128x201xi32, #tpu.memory_space<vmem>> -> memref<128x200xi32, #tpu.memory_space<vmem>>
      %dma_start3A_285 = arith.constant 0 : i32
      %dma_start3A_286 = tpu.memref_slice %arg2[%mul3A_2, %dma_start3A_285] : memref<4096x200xi32, #tpu.memory_space<hbm>> -> memref<128x200xi32, #tpu.memory_space<hbm>>
      tpu.enqueue_dma source(%dma_start3A_286 : memref<128x200xi32, #tpu.memory_space<hbm>>) target(%dma_start3A_284 : memref<128x200xi32, #tpu.memory_space<vmem>>) target_semaphore(%run_scoped3A : memref<!tpu.dma_semaphore, #tpu.memory_space<semaphore_mem>>)
      %dma_wait3A_287 = arith.constant 0 : i32
      %dma_wait3A_288 = arith.constant 0 : i32
      %dma_wait3A_289 = tpu.memref_slice %arg5[%dma_wait3A_287, %dma_wait3A_288] : memref<128x201xi32, #tpu.memory_space<vmem>> -> memref<128x200xi32, #tpu.memory_space<vmem>>
      %dma_wait3A_290 = arith.constant 0 : i32
      %dma_wait3A_291 = tpu.memref_slice %arg2[%mul3A_2, %dma_wait3A_290] : memref<4096x200xi32, #tpu.memory_space<hbm>> -> memref<128x200xi32, #tpu.memory_space<hbm>>
      %dma_wait3A_292 = arith.constant 0 : i32
      %dma_wait3A_293 = arith.constant 0 : i32
      %dma_wait3A_294 = tpu.memref_slice %arg5[%dma_wait3A_292, %dma_wait3A_293] : memref<128x201xi32, #tpu.memory_space<vmem>> -> memref<128x200xi32, #tpu.memory_space<vmem>>
      %dma_wait3A_295 = arith.constant 0 : i32
      %dma_wait3A_296 = tpu.memref_slice %arg2[%mul3A_2, %dma_wait3A_295] : memref<4096x200xi32, #tpu.memory_space<hbm>> -> memref<128x200xi32, #tpu.memory_space<hbm>>
      tpu.wait_dma2 semaphore(%run_scoped3A : memref<!tpu.dma_semaphore, #tpu.memory_space<semaphore_mem>>) src(%dma_wait3A_296 : memref<128x200xi32, #tpu.memory_space<hbm>>) dst(%dma_wait3A_294 : memref<128x200xi32, #tpu.memory_space<vmem>>)
      tpu.yield
    }) : () -> ()
    %parallel_loop3A = arith.constant 0 : i32
    %parallel_loop3A_3 = arith.constant 1600 : i32
    %parallel_loop3A_4 = arith.constant 1 : i32
    scf.for %parallel_loop3A_277 = %parallel_loop3A to %parallel_loop3A_3 step %parallel_loop3A_4  : i32 {
      %parallel_loop3A_278 = arith.constant 3 : i32
      %parallel_loop3A_279 = arith.shrsi %parallel_loop3A_277, %parallel_loop3A_278 : i32
      %parallel_loop3A_280 = arith.constant 7 : i32
      %parallel_loop3A_281 = arith.andi %parallel_loop3A_277, %parallel_loop3A_280 : i32
      %parallel_loop3A_282 = vector.broadcast %parallel_loop3A_279 : i32 to vector<16xi32>
      %parallel_loop3A_283 = arith.constant 16 : i32
      %parallel_loop3A_284 = arith.muli %parallel_loop3A_281, %parallel_loop3A_283 : i32
      %parallel_loop3A_285 = vector.broadcast %parallel_loop3A_284 : i32 to vector<16xi32>
      %parallel_loop3A_286 = arith.addi %iota3A, %parallel_loop3A_285 : vector<16xi32>
      %parallel_loop3A_287 = tpu.vector_load_idx %arg5[%parallel_loop3A_286, %parallel_loop3A_282] : memref<128x201xi32, #tpu.memory_space<vmem>>[vector<16xi32>, vector<16xi32>], vector<16xi32>,
      %parallel_loop3A_288 = arith.constant 16 : i32
      %parallel_loop3A_289 = arith.muli %parallel_loop3A_281, %parallel_loop3A_288 : i32
      %parallel_loop3A_290 = arith.index_cast %parallel_loop3A_279 : i32 to index
      %parallel_loop3A_291 = arith.index_cast %parallel_loop3A_289 : i32 to index
      %parallel_loop3A_292 = tpu.vector_load %arg6[%parallel_loop3A_290, %parallel_loop3A_291] {strides = array<i32>} : memref<200x128xi32, #tpu.memory_space<vmem>>, vector<16xi32>,
      tpu.vector_store %arg6[%parallel_loop3A_290, %parallel_loop3A_291], %parallel_loop3A_287 {strides = array<i32>} : memref<200x128xi32, #tpu.memory_space<vmem>>, vector<16xi32>,
    } {sc.loop_unroll_factor = 8 : i64, sc.parallel_access}
    %dma_start3A = arith.constant 0 : i32
    %dma_start3A_5 = arith.constant 0 : i32
    %dma_start3A_6 = tpu.memref_slice %arg6[%dma_start3A, %dma_start3A_5] : memref<200x128xi32, #tpu.memory_space<vmem>> -> memref<1x128xi32, #tpu.memory_space<vmem>>
    %dma_start3A_7 = tpu.memref_squeeze %dma_start3A_6 : memref<1x128xi32, #tpu.memory_space<vmem>> -> memref<128xi32, #tpu.memory_space<vmem>>
    %dma_start3A_8 = arith.constant 0 : i32
    %dma_start3A_9 = arith.constant 0 : i32
    %dma_start3A_10 = tpu.memref_slice %arg3[%dma_start3A_8, %dma_start3A_9] : memref<100000x64xf32, #tpu.memory_space<hbm>> -> memref<100000x64xf32, #tpu.memory_space<hbm>>
    tpu.enqueue_indirect_dma source(%dma_start3A_10 : memref<100000x64xf32, #tpu.memory_space<hbm>>) target(%arg7 : memref<128x64xf32, #tpu.memory_space<vmem>>) offsets(%dma_start3A_7 : memref<128xi32, #tpu.memory_space<vmem>>) semaphore(%arg11 : memref<!tpu.dma_semaphore, #tpu.memory_space<semaphore_mem>>)
    %dma_start3A_11 = arith.constant 1 : i32
    %dma_start3A_12 = arith.constant 0 : i32
    %dma_start3A_13 = tpu.memref_slice %arg6[%dma_start3A_11, %dma_start3A_12] : memref<200x128xi32, #tpu.memory_space<vmem>> -> memref<1x128xi32, #tpu.memory_space<vmem>>
    %dma_start3A_14 = tpu.memref_squeeze %dma_start3A_13 : memref<1x128xi32, #tpu.memory_space<vmem>> -> memref<128xi32, #tpu.memory_space<vmem>>
    %dma_start3A_15 = arith.constant 0 : i32
    %dma_start3A_16 = arith.constant 0 : i32
    %dma_start3A_17 = tpu.memref_slice %arg3[%dma_start3A_15, %dma_start3A_16] : memref<100000x64xf32, #tpu.memory_space<hbm>> -> memref<100000x64xf32, #tpu.memory_space<hbm>>
    tpu.enqueue_indirect_dma source(%dma_start3A_17 : memref<100000x64xf32, #tpu.memory_space<hbm>>) target(%arg8 : memref<128x64xf32, #tpu.memory_space<vmem>>) offsets(%dma_start3A_14 : memref<128xi32, #tpu.memory_space<vmem>>) semaphore(%arg12 : memref<!tpu.dma_semaphore, #tpu.memory_space<semaphore_mem>>)
    %scan3A = arith.constant 0 : i32
    %scan3A_18 = arith.constant 100 : i32
    %scan3A_19 = arith.addi %scan3A, %scan3A_18 : i32
    %scan3A_20 = arith.constant 1 : i32
    scf.for %scan3A_277 = %scan3A to %scan3A_19 step %scan3A_20  : i32 {
      %mul3A_278 = arith.constant 1 : i32
      %mul3A_279 = arith.muli %scan3A_277, %mul3A_278 : i32
      %add3A_280 = arith.constant 0 : i32
      %add3A_281 = arith.addi %add3A_280, %mul3A_279 : i32
      %mul3A_282 = arith.constant 2 : i32
      %mul3A_283 = arith.muli %mul3A_282, %add3A_281 : i32
      %dma_wait3A_284 = arith.constant 0 : i32
      %dma_wait3A_285 = tpu.memref_slice %arg6[%mul3A_283, %dma_wait3A_284] : memref<200x128xi32, #tpu.memory_space<vmem>> -> memref<1x128xi32, #tpu.memory_space<vmem>>
      %dma_wait3A_286 = tpu.memref_squeeze %dma_wait3A_285 : memref<1x128xi32, #tpu.memory_space<vmem>> -> memref<128xi32, #tpu.memory_space<vmem>>
      %dma_wait3A_287 = arith.constant 0 : i32
      %dma_wait3A_288 = arith.constant 0 : i32
      %dma_wait3A_289 = tpu.memref_slice %arg3[%dma_wait3A_287, %dma_wait3A_288] : memref<100000x64xf32, #tpu.memory_space<hbm>> -> memref<100000x64xf32, #tpu.memory_space<hbm>>
      tpu.wait_indirect_dma semaphore(%arg11 : memref<!tpu.dma_semaphore, #tpu.memory_space<semaphore_mem>>) src(%dma_wait3A_289 : memref<100000x64xf32, #tpu.memory_space<hbm>>) dst(%arg7 : memref<128x64xf32, #tpu.memory_space<vmem>>)
      %gt3A = arith.constant 0 : i32
      %gt3A_290 = arith.cmpi sgt, %add3A_281, %gt3A : i32
      %convert_element_type3A = arith.extui %gt3A_290 : i1 to i32
      %cond3A = arith.constant 0 : i32
      %cond3A_291 = arith.cmpi ne, %convert_element_type3A, %cond3A : i32
      scf.if %cond3A_291 {
        %sub3A = arith.constant 2 : i32
        %sub3A_562 = arith.subi %mul3A_283, %sub3A : i32
        %dma_wait3A_563 = arith.constant 0 : i32
        %dma_wait3A_564 = arith.constant 0 : i32
        %dma_wait3A_565 = arith.constant 0 : i32
        %dma_wait3A_566 = tpu.memref_slice %arg9[%dma_wait3A_564, %dma_wait3A_565] : memref<64x128xf32, #tpu.memory_space<vmem>> -> memref<8x128xf32, #tpu.memory_space<vmem>>
        %dma_wait3A_567 = arith.constant 0 : i32
        %dma_wait3A_568 = arith.constant 0 : i32
        %dma_wait3A_569 = tpu.memref_slice %arg4[%sub3A_562, %dma_wait3A_563, %add3A, %dma_wait3A_567, %dma_wait3A_568] : memref<200x8x32x8x128xf32, #tpu.memory_space<hbm>> -> memref<1x1x1x8x128xf32, #tpu.memory_space<hbm>>
        %dma_wait3A_570 = tpu.memref_squeeze %dma_wait3A_569 : memref<1x1x1x8x128xf32, #tpu.memory_space<hbm>> -> memref<8x128xf32, #tpu.memory_space<hbm>>
        %dma_wait3A_571 = arith.constant 0 : i32
        %dma_wait3A_572 = arith.constant 0 : i32
        %dma_wait3A_573 = tpu.memref_slice %arg4[%sub3A_562, %dma_wait3A_563, %add3A, %dma_wait3A_571, %dma_wait3A_572] : memref<200x8x32x8x128xf32, #tpu.memory_space<hbm>> -> memref<1x1x1x8x128xf32, #tpu.memory_space<hbm>>
        %dma_wait3A_574 = tpu.memref_squeeze %dma_wait3A_573 : memref<1x1x1x8x128xf32, #tpu.memory_space<hbm>> -> memref<8x128xf32, #tpu.memory_space<hbm>>
        %dma_wait3A_575 = arith.constant 0 : i32
        %dma_wait3A_576 = arith.constant 0 : i32
        %dma_wait3A_577 = tpu.memref_slice %arg9[%dma_wait3A_575, %dma_wait3A_576] : memref<64x128xf32, #tpu.memory_space<vmem>> -> memref<8x128xf32, #tpu.memory_space<vmem>>
        tpu.wait_dma2 semaphore(%arg13 : memref<!tpu.dma_semaphore, #tpu.memory_space<semaphore_mem>>) src(%dma_wait3A_577 : memref<8x128xf32, #tpu.memory_space<vmem>>) dst(%dma_wait3A_574 : memref<8x128xf32, #tpu.memory_space<hbm>>)
        %dma_wait3A_578 = arith.constant 1 : i32
        %dma_wait3A_579 = arith.constant 8 : i32
        %dma_wait3A_580 = arith.constant 0 : i32
        %dma_wait3A_581 = tpu.memref_slice %arg9[%dma_wait3A_579, %dma_wait3A_580] : memref<64x128xf32, #tpu.memory_space<vmem>> -> memref<8x128xf32, #tpu.memory_space<vmem>>
        %dma_wait3A_582 = arith.constant 0 : i32
        %dma_wait3A_583 = arith.constant 0 : i32
        %dma_wait3A_584 = tpu.memref_slice %arg4[%sub3A_562, %dma_wait3A_578, %add3A, %dma_wait3A_582, %dma_wait3A_583] : memref<200x8x32x8x128xf32, #tpu.memory_space<hbm>> -> memref<1x1x1x8x128xf32, #tpu.memory_space<hbm>>
        %dma_wait3A_585 = tpu.memref_squeeze %dma_wait3A_584 : memref<1x1x1x8x128xf32, #tpu.memory_space<hbm>> -> memref<8x128xf32, #tpu.memory_space<hbm>>
        %dma_wait3A_586 = arith.constant 0 : i32
        %dma_wait3A_587 = arith.constant 0 : i32
        %dma_wait3A_588 = tpu.memref_slice %arg4[%sub3A_562, %dma_wait3A_578, %add3A, %dma_wait3A_586, %dma_wait3A_587] : memref<200x8x32x8x128xf32, #tpu.memory_space<hbm>> -> memref<1x1x1x8x128xf32, #tpu.memory_space<hbm>>
        %dma_wait3A_589 = tpu.memref_squeeze %dma_wait3A_588 : memref<1x1x1x8x128xf32, #tpu.memory_space<hbm>> -> memref<8x128xf32, #tpu.memory_space<hbm>>
        %dma_wait3A_590 = arith.constant 8 : i32
        %dma_wait3A_591 = arith.constant 0 : i32
        %dma_wait3A_592 = tpu.memref_slice %arg9[%dma_wait3A_590, %dma_wait3A_591] : memref<64x128xf32, #tpu.memory_space<vmem>> -> memref<8x128xf32, #tpu.memory_space<vmem>>
        tpu.wait_dma2 semaphore(%arg13 : memref<!tpu.dma_semaphore, #tpu.memory_space<semaphore_mem>>) src(%dma_wait3A_592 : memref<8x128xf32, #tpu.memory_space<vmem>>) dst(%dma_wait3A_589 : memref<8x128xf32, #tpu.memory_space<hbm>>)
        %dma_wait3A_593 = arith.constant 2 : i32
        %dma_wait3A_594 = arith.constant 16 : i32
        %dma_wait3A_595 = arith.constant 0 : i32
        %dma_wait3A_596 = tpu.memref_slice %arg9[%dma_wait3A_594, %dma_wait3A_595] : memref<64x128xf32, #tpu.memory_space<vmem>> -> memref<8x128xf32, #tpu.memory_space<vmem>>
        %dma_wait3A_597 = arith.constant 0 : i32
        %dma_wait3A_598 = arith.constant 0 : i32
        %dma_wait3A_599 = tpu.memref_slice %arg4[%sub3A_562, %dma_wait3A_593, %add3A, %dma_wait3A_597, %dma_wait3A_598] : memref<200x8x32x8x128xf32, #tpu.memory_space<hbm>> -> memref<1x1x1x8x128xf32, #tpu.memory_space<hbm>>
        %dma_wait3A_600 = tpu.memref_squeeze %dma_wait3A_599 : memref<1x1x1x8x128xf32, #tpu.memory_space<hbm>> -> memref<8x128xf32, #tpu.memory_space<hbm>>
        %dma_wait3A_601 = arith.constant 0 : i32
        %dma_wait3A_602 = arith.constant 0 : i32
        %dma_wait3A_603 = tpu.memref_slice %arg4[%sub3A_562, %dma_wait3A_593, %add3A, %dma_wait3A_601, %dma_wait3A_602] : memref<200x8x32x8x128xf32, #tpu.memory_space<hbm>> -> memref<1x1x1x8x128xf32, #tpu.memory_space<hbm>>
        %dma_wait3A_604 = tpu.memref_squeeze %dma_wait3A_603 : memref<1x1x1x8x128xf32, #tpu.memory_space<hbm>> -> memref<8x128xf32, #tpu.memory_space<hbm>>
        %dma_wait3A_605 = arith.constant 16 : i32
        %dma_wait3A_606 = arith.constant 0 : i32
        %dma_wait3A_607 = tpu.memref_slice %arg9[%dma_wait3A_605, %dma_wait3A_606] : memref<64x128xf32, #tpu.memory_space<vmem>> -> memref<8x128xf32, #tpu.memory_space<vmem>>
        tpu.wait_dma2 semaphore(%arg13 : memref<!tpu.dma_semaphore, #tpu.memory_space<semaphore_mem>>) src(%dma_wait3A_607 : memref<8x128xf32, #tpu.memory_space<vmem>>) dst(%dma_wait3A_604 : memref<8x128xf32, #tpu.memory_space<hbm>>)
        %dma_wait3A_608 = arith.constant 3 : i32
        %dma_wait3A_609 = arith.constant 24 : i32
        %dma_wait3A_610 = arith.constant 0 : i32
        %dma_wait3A_611 = tpu.memref_slice %arg9[%dma_wait3A_609, %dma_wait3A_610] : memref<64x128xf32, #tpu.memory_space<vmem>> -> memref<8x128xf32, #tpu.memory_space<vmem>>
        %dma_wait3A_612 = arith.constant 0 : i32
        %dma_wait3A_613 = arith.constant 0 : i32
        %dma_wait3A_614 = tpu.memref_slice %arg4[%sub3A_562, %dma_wait3A_608, %add3A, %dma_wait3A_612, %dma_wait3A_613] : memref<200x8x32x8x128xf32, #tpu.memory_space<hbm>> -> memref<1x1x1x8x128xf32, #tpu.memory_space<hbm>>
        %dma_wait3A_615 = tpu.memref_squeeze %dma_wait3A_614 : memref<1x1x1x8x128xf32, #tpu.memory_space<hbm>> -> memref<8x128xf32, #tpu.memory_space<hbm>>
        %dma_wait3A_616 = arith.constant 0 : i32
        %dma_wait3A_617 = arith.constant 0 : i32
        %dma_wait3A_618 = tpu.memref_slice %arg4[%sub3A_562, %dma_wait3A_608, %add3A, %dma_wait3A_616, %dma_wait3A_617] : memref<200x8x32x8x128xf32, #tpu.memory_space<hbm>> -> memref<1x1x1x8x128xf32, #tpu.memory_space<hbm>>
        %dma_wait3A_619 = tpu.memref_squeeze %dma_wait3A_618 : memref<1x1x1x8x128xf32, #tpu.memory_space<hbm>> -> memref<8x128xf32, #tpu.memory_space<hbm>>
        %dma_wait3A_620 = arith.constant 24 : i32
        %dma_wait3A_621 = arith.constant 0 : i32
        %dma_wait3A_622 = tpu.memref_slice %arg9[%dma_wait3A_620, %dma_wait3A_621] : memref<64x128xf32, #tpu.memory_space<vmem>> -> memref<8x128xf32, #tpu.memory_space<vmem>>
        tpu.wait_dma2 semaphore(%arg13 : memref<!tpu.dma_semaphore, #tpu.memory_space<semaphore_mem>>) src(%dma_wait3A_622 : memref<8x128xf32, #tpu.memory_space<vmem>>) dst(%dma_wait3A_619 : memref<8x128xf32, #tpu.memory_space<hbm>>)
        %dma_wait3A_623 = arith.constant 4 : i32
        %dma_wait3A_624 = arith.constant 32 : i32
        %dma_wait3A_625 = arith.constant 0 : i32
        %dma_wait3A_626 = tpu.memref_slice %arg9[%dma_wait3A_624, %dma_wait3A_625] : memref<64x128xf32, #tpu.memory_space<vmem>> -> memref<8x128xf32, #tpu.memory_space<vmem>>
        %dma_wait3A_627 = arith.constant 0 : i32
        %dma_wait3A_628 = arith.constant 0 : i32
        %dma_wait3A_629 = tpu.memref_slice %arg4[%sub3A_562, %dma_wait3A_623, %add3A, %dma_wait3A_627, %dma_wait3A_628] : memref<200x8x32x8x128xf32, #tpu.memory_space<hbm>> -> memref<1x1x1x8x128xf32, #tpu.memory_space<hbm>>
        %dma_wait3A_630 = tpu.memref_squeeze %dma_wait3A_629 : memref<1x1x1x8x128xf32, #tpu.memory_space<hbm>> -> memref<8x128xf32, #tpu.memory_space<hbm>>
        %dma_wait3A_631 = arith.constant 0 : i32
        %dma_wait3A_632 = arith.constant 0 : i32
        %dma_wait3A_633 = tpu.memref_slice %arg4[%sub3A_562, %dma_wait3A_623, %add3A, %dma_wait3A_631, %dma_wait3A_632] : memref<200x8x32x8x128xf32, #tpu.memory_space<hbm>> -> memref<1x1x1x8x128xf32, #tpu.memory_space<hbm>>
        %dma_wait3A_634 = tpu.memref_squeeze %dma_wait3A_633 : memref<1x1x1x8x128xf32, #tpu.memory_space<hbm>> -> memref<8x128xf32, #tpu.memory_space<hbm>>
        %dma_wait3A_635 = arith.constant 32 : i32
        %dma_wait3A_636 = arith.constant 0 : i32
        %dma_wait3A_637 = tpu.memref_slice %arg9[%dma_wait3A_635, %dma_wait3A_636] : memref<64x128xf32, #tpu.memory_space<vmem>> -> memref<8x128xf32, #tpu.memory_space<vmem>>
        tpu.wait_dma2 semaphore(%arg13 : memref<!tpu.dma_semaphore, #tpu.memory_space<semaphore_mem>>) src(%dma_wait3A_637 : memref<8x128xf32, #tpu.memory_space<vmem>>) dst(%dma_wait3A_634 : memref<8x128xf32, #tpu.memory_space<hbm>>)
        %dma_wait3A_638 = arith.constant 5 : i32
        %dma_wait3A_639 = arith.constant 40 : i32
        %dma_wait3A_640 = arith.constant 0 : i32
        %dma_wait3A_641 = tpu.memref_slice %arg9[%dma_wait3A_639, %dma_wait3A_640] : memref<64x128xf32, #tpu.memory_space<vmem>> -> memref<8x128xf32, #tpu.memory_space<vmem>>
        %dma_wait3A_642 = arith.constant 0 : i32
        %dma_wait3A_643 = arith.constant 0 : i32
        %dma_wait3A_644 = tpu.memref_slice %arg4[%sub3A_562, %dma_wait3A_638, %add3A, %dma_wait3A_642, %dma_wait3A_643] : memref<200x8x32x8x128xf32, #tpu.memory_space<hbm>> -> memref<1x1x1x8x128xf32, #tpu.memory_space<hbm>>
        %dma_wait3A_645 = tpu.memref_squeeze %dma_wait3A_644 : memref<1x1x1x8x128xf32, #tpu.memory_space<hbm>> -> memref<8x128xf32, #tpu.memory_space<hbm>>
        %dma_wait3A_646 = arith.constant 0 : i32
        %dma_wait3A_647 = arith.constant 0 : i32
        %dma_wait3A_648 = tpu.memref_slice %arg4[%sub3A_562, %dma_wait3A_638, %add3A, %dma_wait3A_646, %dma_wait3A_647] : memref<200x8x32x8x128xf32, #tpu.memory_space<hbm>> -> memref<1x1x1x8x128xf32, #tpu.memory_space<hbm>>
        %dma_wait3A_649 = tpu.memref_squeeze %dma_wait3A_648 : memref<1x1x1x8x128xf32, #tpu.memory_space<hbm>> -> memref<8x128xf32, #tpu.memory_space<hbm>>
        %dma_wait3A_650 = arith.constant 40 : i32
        %dma_wait3A_651 = arith.constant 0 : i32
        %dma_wait3A_652 = tpu.memref_slice %arg9[%dma_wait3A_650, %dma_wait3A_651] : memref<64x128xf32, #tpu.memory_space<vmem>> -> memref<8x128xf32, #tpu.memory_space<vmem>>
        tpu.wait_dma2 semaphore(%arg13 : memref<!tpu.dma_semaphore, #tpu.memory_space<semaphore_mem>>) src(%dma_wait3A_652 : memref<8x128xf32, #tpu.memory_space<vmem>>) dst(%dma_wait3A_649 : memref<8x128xf32, #tpu.memory_space<hbm>>)
        %dma_wait3A_653 = arith.constant 6 : i32
        %dma_wait3A_654 = arith.constant 48 : i32
        %dma_wait3A_655 = arith.constant 0 : i32
        %dma_wait3A_656 = tpu.memref_slice %arg9[%dma_wait3A_654, %dma_wait3A_655] : memref<64x128xf32, #tpu.memory_space<vmem>> -> memref<8x128xf32, #tpu.memory_space<vmem>>
        %dma_wait3A_657 = arith.constant 0 : i32
        %dma_wait3A_658 = arith.constant 0 : i32
        %dma_wait3A_659 = tpu.memref_slice %arg4[%sub3A_562, %dma_wait3A_653, %add3A, %dma_wait3A_657, %dma_wait3A_658] : memref<200x8x32x8x128xf32, #tpu.memory_space<hbm>> -> memref<1x1x1x8x128xf32, #tpu.memory_space<hbm>>
        %dma_wait3A_660 = tpu.memref_squeeze %dma_wait3A_659 : memref<1x1x1x8x128xf32, #tpu.memory_space<hbm>> -> memref<8x128xf32, #tpu.memory_space<hbm>>
        %dma_wait3A_661 = arith.constant 0 : i32
        %dma_wait3A_662 = arith.constant 0 : i32
        %dma_wait3A_663 = tpu.memref_slice %arg4[%sub3A_562, %dma_wait3A_653, %add3A, %dma_wait3A_661, %dma_wait3A_662] : memref<200x8x32x8x128xf32, #tpu.memory_space<hbm>> -> memref<1x1x1x8x128xf32, #tpu.memory_space<hbm>>
        %dma_wait3A_664 = tpu.memref_squeeze %dma_wait3A_663 : memref<1x1x1x8x128xf32, #tpu.memory_space<hbm>> -> memref<8x128xf32, #tpu.memory_space<hbm>>
        %dma_wait3A_665 = arith.constant 48 : i32
        %dma_wait3A_666 = arith.constant 0 : i32
        %dma_wait3A_667 = tpu.memref_slice %arg9[%dma_wait3A_665, %dma_wait3A_666] : memref<64x128xf32, #tpu.memory_space<vmem>> -> memref<8x128xf32, #tpu.memory_space<vmem>>
        tpu.wait_dma2 semaphore(%arg13 : memref<!tpu.dma_semaphore, #tpu.memory_space<semaphore_mem>>) src(%dma_wait3A_667 : memref<8x128xf32, #tpu.memory_space<vmem>>) dst(%dma_wait3A_664 : memref<8x128xf32, #tpu.memory_space<hbm>>)
        %dma_wait3A_668 = arith.constant 7 : i32
        %dma_wait3A_669 = arith.constant 56 : i32
        %dma_wait3A_670 = arith.constant 0 : i32
        %dma_wait3A_671 = tpu.memref_slice %arg9[%dma_wait3A_669, %dma_wait3A_670] : memref<64x128xf32, #tpu.memory_space<vmem>> -> memref<8x128xf32, #tpu.memory_space<vmem>>
        %dma_wait3A_672 = arith.constant 0 : i32
        %dma_wait3A_673 = arith.constant 0 : i32
        %dma_wait3A_674 = tpu.memref_slice %arg4[%sub3A_562, %dma_wait3A_668, %add3A, %dma_wait3A_672, %dma_wait3A_673] : memref<200x8x32x8x128xf32, #tpu.memory_space<hbm>> -> memref<1x1x1x8x128xf32, #tpu.memory_space<hbm>>
        %dma_wait3A_675 = tpu.memref_squeeze %dma_wait3A_674 : memref<1x1x1x8x128xf32, #tpu.memory_space<hbm>> -> memref<8x128xf32, #tpu.memory_space<hbm>>
        %dma_wait3A_676 = arith.constant 0 : i32
        %dma_wait3A_677 = arith.constant 0 : i32
        %dma_wait3A_678 = tpu.memref_slice %arg4[%sub3A_562, %dma_wait3A_668, %add3A, %dma_wait3A_676, %dma_wait3A_677] : memref<200x8x32x8x128xf32, #tpu.memory_space<hbm>> -> memref<1x1x1x8x128xf32, #tpu.memory_space<hbm>>
        %dma_wait3A_679 = tpu.memref_squeeze %dma_wait3A_678 : memref<1x1x1x8x128xf32, #tpu.memory_space<hbm>> -> memref<8x128xf32, #tpu.memory_space<hbm>>
        %dma_wait3A_680 = arith.constant 56 : i32
        %dma_wait3A_681 = arith.constant 0 : i32
        %dma_wait3A_682 = tpu.memref_slice %arg9[%dma_wait3A_680, %dma_wait3A_681] : memref<64x128xf32, #tpu.memory_space<vmem>> -> memref<8x128xf32, #tpu.memory_space<vmem>>
        tpu.wait_dma2 semaphore(%arg13 : memref<!tpu.dma_semaphore, #tpu.memory_space<semaphore_mem>>) src(%dma_wait3A_682 : memref<8x128xf32, #tpu.memory_space<vmem>>) dst(%dma_wait3A_679 : memref<8x128xf32, #tpu.memory_space<hbm>>)
      } else {
      }
      %parallel_loop3A_292 = arith.constant 0 : i32
      %parallel_loop3A_293 = arith.constant 8 : i32
      %parallel_loop3A_294 = arith.constant 1 : i32
      scf.for %parallel_loop3A_562 = %parallel_loop3A_292 to %parallel_loop3A_293 step %parallel_loop3A_294  : i32 {
        %parallel_loop3A_563 = arith.constant 4 : i32
        %parallel_loop3A_564 = arith.shli %parallel_loop3A_562, %parallel_loop3A_563 : i32
        %parallel_loop3A_565 = vector.broadcast %parallel_loop3A_564 : i32 to vector<16xi32>
        %parallel_loop3A_566 = arith.addi %iota3A, %parallel_loop3A_565 : vector<16xi32>
        %parallel_loop3A_567 = arith.constant 0 : i32
        %parallel_loop3A_568 = vector.broadcast %parallel_loop3A_567 : i32 to vector<16xi32>
        %parallel_loop3A_569 = arith.addi %iota3A, %parallel_loop3A_568 : vector<16xi32>
        %parallel_loop3A_570 = arith.constant 63 : i32
        %parallel_loop3A_571 = vector.broadcast %parallel_loop3A_570 : i32 to vector<16xi32>
        %parallel_loop3A_572 = arith.andi %parallel_loop3A_569, %parallel_loop3A_571 : vector<16xi32>
        %parallel_loop3A_573 = tpu.vector_load_idx %arg7[%parallel_loop3A_566, %parallel_loop3A_572] : memref<128x64xf32, #tpu.memory_space<vmem>>[vector<16xi32>, vector<16xi32>], vector<16xf32>,
        tpu.vector_store_idx %arg9[%parallel_loop3A_572, %parallel_loop3A_566], %parallel_loop3A_573 : memref<64x128xf32, #tpu.memory_space<vmem>>[vector<16xi32>, vector<16xi32>], vector<16xf32>,
        %parallel_loop3A_574 = arith.constant 1 : i32
        %parallel_loop3A_575 = vector.broadcast %parallel_loop3A_574 : i32 to vector<16xi32>
        %parallel_loop3A_576 = arith.addi %iota3A, %parallel_loop3A_575 : vector<16xi32>
        %parallel_loop3A_577 = arith.constant 63 : i32
        %parallel_loop3A_578 = vector.broadcast %parallel_loop3A_577 : i32 to vector<16xi32>
        %parallel_loop3A_579 = arith.andi %parallel_loop3A_576, %parallel_loop3A_578 : vector<16xi32>
        %parallel_loop3A_580 = tpu.vector_load_idx %arg7[%parallel_loop3A_566, %parallel_loop3A_579] : memref<128x64xf32, #tpu.memory_space<vmem>>[vector<16xi32>, vector<16xi32>], vector<16xf32>,
        tpu.vector_store_idx %arg9[%parallel_loop3A_579, %parallel_loop3A_566], %parallel_loop3A_580 : memref<64x128xf32, #tpu.memory_space<vmem>>[vector<16xi32>, vector<16xi32>], vector<16xf32>,
        %parallel_loop3A_581 = arith.constant 2 : i32
        %parallel_loop3A_582 = vector.broadcast %parallel_loop3A_581 : i32 to vector<16xi32>
        %parallel_loop3A_583 = arith.addi %iota3A, %parallel_loop3A_582 : vector<16xi32>
        %parallel_loop3A_584 = arith.constant 63 : i32
        %parallel_loop3A_585 = vector.broadcast %parallel_loop3A_584 : i32 to vector<16xi32>
        %parallel_loop3A_586 = arith.andi %parallel_loop3A_583, %parallel_loop3A_585 : vector<16xi32>
        %parallel_loop3A_587 = tpu.vector_load_idx %arg7[%parallel_loop3A_566, %parallel_loop3A_586] : memref<128x64xf32, #tpu.memory_space<vmem>>[vector<16xi32>, vector<16xi32>], vector<16xf32>,
        tpu.vector_store_idx %arg9[%parallel_loop3A_586, %parallel_loop3A_566], %parallel_loop3A_587 : memref<64x128xf32, #tpu.memory_space<vmem>>[vector<16xi32>, vector<16xi32>], vector<16xf32>,
        %parallel_loop3A_588 = arith.constant 3 : i32
        %parallel_loop3A_589 = vector.broadcast %parallel_loop3A_588 : i32 to vector<16xi32>
        %parallel_loop3A_590 = arith.addi %iota3A, %parallel_loop3A_589 : vector<16xi32>
        %parallel_loop3A_591 = arith.constant 63 : i32
        %parallel_loop3A_592 = vector.broadcast %parallel_loop3A_591 : i32 to vector<16xi32>
        %parallel_loop3A_593 = arith.andi %parallel_loop3A_590, %parallel_loop3A_592 : vector<16xi32>
        %parallel_loop3A_594 = tpu.vector_load_idx %arg7[%parallel_loop3A_566, %parallel_loop3A_593] : memref<128x64xf32, #tpu.memory_space<vmem>>[vector<16xi32>, vector<16xi32>], vector<16xf32>,
        tpu.vector_store_idx %arg9[%parallel_loop3A_593, %parallel_loop3A_566], %parallel_loop3A_594 : memref<64x128xf32, #tpu.memory_space<vmem>>[vector<16xi32>, vector<16xi32>], vector<16xf32>,
        %parallel_loop3A_595 = arith.constant 4 : i32
        %parallel_loop3A_596 = vector.broadcast %parallel_loop3A_595 : i32 to vector<16xi32>
        %parallel_loop3A_597 = arith.addi %iota3A, %parallel_loop3A_596 : vector<16xi32>
        %parallel_loop3A_598 = arith.constant 63 : i32
        %parallel_loop3A_599 = vector.broadcast %parallel_loop3A_598 : i32 to vector<16xi32>
        %parallel_loop3A_600 = arith.andi %parallel_loop3A_597, %parallel_loop3A_599 : vector<16xi32>
        %parallel_loop3A_601 = tpu.vector_load_idx %arg7[%parallel_loop3A_566, %parallel_loop3A_600] : memref<128x64xf32, #tpu.memory_space<vmem>>[vector<16xi32>, vector<16xi32>], vector<16xf32>,
        tpu.vector_store_idx %arg9[%parallel_loop3A_600, %parallel_loop3A_566], %parallel_loop3A_601 : memref<64x128xf32, #tpu.memory_space<vmem>>[vector<16xi32>, vector<16xi32>], vector<16xf32>,
        %parallel_loop3A_602 = arith.constant 5 : i32
        %parallel_loop3A_603 = vector.broadcast %parallel_loop3A_602 : i32 to vector<16xi32>
        %parallel_loop3A_604 = arith.addi %iota3A, %parallel_loop3A_603 : vector<16xi32>
        %parallel_loop3A_605 = arith.constant 63 : i32
        %parallel_loop3A_606 = vector.broadcast %parallel_loop3A_605 : i32 to vector<16xi32>
        %parallel_loop3A_607 = arith.andi %parallel_loop3A_604, %parallel_loop3A_606 : vector<16xi32>
        %parallel_loop3A_608 = tpu.vector_load_idx %arg7[%parallel_loop3A_566, %parallel_loop3A_607] : memref<128x64xf32, #tpu.memory_space<vmem>>[vector<16xi32>, vector<16xi32>], vector<16xf32>,
        tpu.vector_store_idx %arg9[%parallel_loop3A_607, %parallel_loop3A_566], %parallel_loop3A_608 : memref<64x128xf32, #tpu.memory_space<vmem>>[vector<16xi32>, vector<16xi32>], vector<16xf32>,
        %parallel_loop3A_609 = arith.constant 6 : i32
        %parallel_loop3A_610 = vector.broadcast %parallel_loop3A_609 : i32 to vector<16xi32>
        %parallel_loop3A_611 = arith.addi %iota3A, %parallel_loop3A_610 : vector<16xi32>
        %parallel_loop3A_612 = arith.constant 63 : i32
        %parallel_loop3A_613 = vector.broadcast %parallel_loop3A_612 : i32 to vector<16xi32>
        %parallel_loop3A_614 = arith.andi %parallel_loop3A_611, %parallel_loop3A_613 : vector<16xi32>
        %parallel_loop3A_615 = tpu.vector_load_idx %arg7[%parallel_loop3A_566, %parallel_loop3A_614] : memref<128x64xf32, #tpu.memory_space<vmem>>[vector<16xi32>, vector<16xi32>], vector<16xf32>,
        tpu.vector_store_idx %arg9[%parallel_loop3A_614, %parallel_loop3A_566], %parallel_loop3A_615 : memref<64x128xf32, #tpu.memory_space<vmem>>[vector<16xi32>, vector<16xi32>], vector<16xf32>,
        %parallel_loop3A_616 = arith.constant 7 : i32
        %parallel_loop3A_617 = vector.broadcast %parallel_loop3A_616 : i32 to vector<16xi32>
        %parallel_loop3A_618 = arith.addi %iota3A, %parallel_loop3A_617 : vector<16xi32>
        %parallel_loop3A_619 = arith.constant 63 : i32
        %parallel_loop3A_620 = vector.broadcast %parallel_loop3A_619 : i32 to vector<16xi32>
        %parallel_loop3A_621 = arith.andi %parallel_loop3A_618, %parallel_loop3A_620 : vector<16xi32>
        %parallel_loop3A_622 = tpu.vector_load_idx %arg7[%parallel_loop3A_566, %parallel_loop3A_621] : memref<128x64xf32, #tpu.memory_space<vmem>>[vector<16xi32>, vector<16xi32>], vector<16xf32>,
        tpu.vector_store_idx %arg9[%parallel_loop3A_621, %parallel_loop3A_566], %parallel_loop3A_622 : memref<64x128xf32, #tpu.memory_space<vmem>>[vector<16xi32>, vector<16xi32>], vector<16xf32>,
        %parallel_loop3A_623 = arith.constant 8 : i32
        %parallel_loop3A_624 = vector.broadcast %parallel_loop3A_623 : i32 to vector<16xi32>
        %parallel_loop3A_625 = arith.addi %iota3A, %parallel_loop3A_624 : vector<16xi32>
        %parallel_loop3A_626 = arith.constant 63 : i32
        %parallel_loop3A_627 = vector.broadcast %parallel_loop3A_626 : i32 to vector<16xi32>
        %parallel_loop3A_628 = arith.andi %parallel_loop3A_625, %parallel_loop3A_627 : vector<16xi32>
        %parallel_loop3A_629 = tpu.vector_load_idx %arg7[%parallel_loop3A_566, %parallel_loop3A_628] : memref<128x64xf32, #tpu.memory_space<vmem>>[vector<16xi32>, vector<16xi32>], vector<16xf32>,
        tpu.vector_store_idx %arg9[%parallel_loop3A_628, %parallel_loop3A_566], %parallel_loop3A_629 : memref<64x128xf32, #tpu.memory_space<vmem>>[vector<16xi32>, vector<16xi32>], vector<16xf32>,
        %parallel_loop3A_630 = arith.constant 9 : i32
        %parallel_loop3A_631 = vector.broadcast %parallel_loop3A_630 : i32 to vector<16xi32>
        %parallel_loop3A_632 = arith.addi %iota3A, %parallel_loop3A_631 : vector<16xi32>
        %parallel_loop3A_633 = arith.constant 63 : i32
        %parallel_loop3A_634 = vector.broadcast %parallel_loop3A_633 : i32 to vector<16xi32>
        %parallel_loop3A_635 = arith.andi %parallel_loop3A_632, %parallel_loop3A_634 : vector<16xi32>
        %parallel_loop3A_636 = tpu.vector_load_idx %arg7[%parallel_loop3A_566, %parallel_loop3A_635] : memref<128x64xf32, #tpu.memory_space<vmem>>[vector<16xi32>, vector<16xi32>], vector<16xf32>,
        tpu.vector_store_idx %arg9[%parallel_loop3A_635, %parallel_loop3A_566], %parallel_loop3A_636 : memref<64x128xf32, #tpu.memory_space<vmem>>[vector<16xi32>, vector<16xi32>], vector<16xf32>,
        %parallel_loop3A_637 = arith.constant 10 : i32
        %parallel_loop3A_638 = vector.broadcast %parallel_loop3A_637 : i32 to vector<16xi32>
        %parallel_loop3A_639 = arith.addi %iota3A, %parallel_loop3A_638 : vector<16xi32>
        %parallel_loop3A_640 = arith.constant 63 : i32
        %parallel_loop3A_641 = vector.broadcast %parallel_loop3A_640 : i32 to vector<16xi32>
        %parallel_loop3A_642 = arith.andi %parallel_loop3A_639, %parallel_loop3A_641 : vector<16xi32>
        %parallel_loop3A_643 = tpu.vector_load_idx %arg7[%parallel_loop3A_566, %parallel_loop3A_642] : memref<128x64xf32, #tpu.memory_space<vmem>>[vector<16xi32>, vector<16xi32>], vector<16xf32>,
        tpu.vector_store_idx %arg9[%parallel_loop3A_642, %parallel_loop3A_566], %parallel_loop3A_643 : memref<64x128xf32, #tpu.memory_space<vmem>>[vector<16xi32>, vector<16xi32>], vector<16xf32>,
        %parallel_loop3A_644 = arith.constant 11 : i32
        %parallel_loop3A_645 = vector.broadcast %parallel_loop3A_644 : i32 to vector<16xi32>
        %parallel_loop3A_646 = arith.addi %iota3A, %parallel_loop3A_645 : vector<16xi32>
        %parallel_loop3A_647 = arith.constant 63 : i32
        %parallel_loop3A_648 = vector.broadcast %parallel_loop3A_647 : i32 to vector<16xi32>
        %parallel_loop3A_649 = arith.andi %parallel_loop3A_646, %parallel_loop3A_648 : vector<16xi32>
        %parallel_loop3A_650 = tpu.vector_load_idx %arg7[%parallel_loop3A_566, %parallel_loop3A_649] : memref<128x64xf32, #tpu.memory_space<vmem>>[vector<16xi32>, vector<16xi32>], vector<16xf32>,
        tpu.vector_store_idx %arg9[%parallel_loop3A_649, %parallel_loop3A_566], %parallel_loop3A_650 : memref<64x128xf32, #tpu.memory_space<vmem>>[vector<16xi32>, vector<16xi32>], vector<16xf32>,
        %parallel_loop3A_651 = arith.constant 12 : i32
        %parallel_loop3A_652 = vector.broadcast %parallel_loop3A_651 : i32 to vector<16xi32>
        %parallel_loop3A_653 = arith.addi %iota3A, %parallel_loop3A_652 : vector<16xi32>
        %parallel_loop3A_654 = arith.constant 63 : i32
        %parallel_loop3A_655 = vector.broadcast %parallel_loop3A_654 : i32 to vector<16xi32>
        %parallel_loop3A_656 = arith.andi %parallel_loop3A_653, %parallel_loop3A_655 : vector<16xi32>
        %parallel_loop3A_657 = tpu.vector_load_idx %arg7[%parallel_loop3A_566, %parallel_loop3A_656] : memref<128x64xf32, #tpu.memory_space<vmem>>[vector<16xi32>, vector<16xi32>], vector<16xf32>,
        tpu.vector_store_idx %arg9[%parallel_loop3A_656, %parallel_loop3A_566], %parallel_loop3A_657 : memref<64x128xf32, #tpu.memory_space<vmem>>[vector<16xi32>, vector<16xi32>], vector<16xf32>,
        %parallel_loop3A_658 = arith.constant 13 : i32
        %parallel_loop3A_659 = vector.broadcast %parallel_loop3A_658 : i32 to vector<16xi32>
        %parallel_loop3A_660 = arith.addi %iota3A, %parallel_loop3A_659 : vector<16xi32>
        %parallel_loop3A_661 = arith.constant 63 : i32
        %parallel_loop3A_662 = vector.broadcast %parallel_loop3A_661 : i32 to vector<16xi32>
        %parallel_loop3A_663 = arith.andi %parallel_loop3A_660, %parallel_loop3A_662 : vector<16xi32>
        %parallel_loop3A_664 = tpu.vector_load_idx %arg7[%parallel_loop3A_566, %parallel_loop3A_663] : memref<128x64xf32, #tpu.memory_space<vmem>>[vector<16xi32>, vector<16xi32>], vector<16xf32>,
        tpu.vector_store_idx %arg9[%parallel_loop3A_663, %parallel_loop3A_566], %parallel_loop3A_664 : memref<64x128xf32, #tpu.memory_space<vmem>>[vector<16xi32>, vector<16xi32>], vector<16xf32>,
        %parallel_loop3A_665 = arith.constant 14 : i32
        %parallel_loop3A_666 = vector.broadcast %parallel_loop3A_665 : i32 to vector<16xi32>
        %parallel_loop3A_667 = arith.addi %iota3A, %parallel_loop3A_666 : vector<16xi32>
        %parallel_loop3A_668 = arith.constant 63 : i32
        %parallel_loop3A_669 = vector.broadcast %parallel_loop3A_668 : i32 to vector<16xi32>
        %parallel_loop3A_670 = arith.andi %parallel_loop3A_667, %parallel_loop3A_669 : vector<16xi32>
        %parallel_loop3A_671 = tpu.vector_load_idx %arg7[%parallel_loop3A_566, %parallel_loop3A_670] : memref<128x64xf32, #tpu.memory_space<vmem>>[vector<16xi32>, vector<16xi32>], vector<16xf32>,
        tpu.vector_store_idx %arg9[%parallel_loop3A_670, %parallel_loop3A_566], %parallel_loop3A_671 : memref<64x128xf32, #tpu.memory_space<vmem>>[vector<16xi32>, vector<16xi32>], vector<16xf32>,
        %parallel_loop3A_672 = arith.constant 15 : i32
        %parallel_loop3A_673 = vector.broadcast %parallel_loop3A_672 : i32 to vector<16xi32>
        %parallel_loop3A_674 = arith.addi %iota3A, %parallel_loop3A_673 : vector<16xi32>
        %parallel_loop3A_675 = arith.constant 63 : i32
        %parallel_loop3A_676 = vector.broadcast %parallel_loop3A_675 : i32 to vector<16xi32>
        %parallel_loop3A_677 = arith.andi %parallel_loop3A_674, %parallel_loop3A_676 : vector<16xi32>
        %parallel_loop3A_678 = tpu.vector_load_idx %arg7[%parallel_loop3A_566, %parallel_loop3A_677] : memref<128x64xf32, #tpu.memory_space<vmem>>[vector<16xi32>, vector<16xi32>], vector<16xf32>,
        tpu.vector_store_idx %arg9[%parallel_loop3A_677, %parallel_loop3A_566], %parallel_loop3A_678 : memref<64x128xf32, #tpu.memory_space<vmem>>[vector<16xi32>, vector<16xi32>], vector<16xf32>,
        %parallel_loop3A_679 = arith.constant 16 : i32
        %parallel_loop3A_680 = vector.broadcast %parallel_loop3A_679 : i32 to vector<16xi32>
        %parallel_loop3A_681 = arith.addi %iota3A, %parallel_loop3A_680 : vector<16xi32>
        %parallel_loop3A_682 = arith.constant 63 : i32
        %parallel_loop3A_683 = vector.broadcast %parallel_loop3A_682 : i32 to vector<16xi32>
        %parallel_loop3A_684 = arith.andi %parallel_loop3A_681, %parallel_loop3A_683 : vector<16xi32>
        %parallel_loop3A_685 = tpu.vector_load_idx %arg7[%parallel_loop3A_566, %parallel_loop3A_684] : memref<128x64xf32, #tpu.memory_space<vmem>>[vector<16xi32>, vector<16xi32>], vector<16xf32>,
        tpu.vector_store_idx %arg9[%parallel_loop3A_684, %parallel_loop3A_566], %parallel_loop3A_685 : memref<64x128xf32, #tpu.memory_space<vmem>>[vector<16xi32>, vector<16xi32>], vector<16xf32>,
        %parallel_loop3A_686 = arith.constant 17 : i32
        %parallel_loop3A_687 = vector.broadcast %parallel_loop3A_686 : i32 to vector<16xi32>
        %parallel_loop3A_688 = arith.addi %iota3A, %parallel_loop3A_687 : vector<16xi32>
        %parallel_loop3A_689 = arith.constant 63 : i32
        %parallel_loop3A_690 = vector.broadcast %parallel_loop3A_689 : i32 to vector<16xi32>
        %parallel_loop3A_691 = arith.andi %parallel_loop3A_688, %parallel_loop3A_690 : vector<16xi32>
        %parallel_loop3A_692 = tpu.vector_load_idx %arg7[%parallel_loop3A_566, %parallel_loop3A_691] : memref<128x64xf32, #tpu.memory_space<vmem>>[vector<16xi32>, vector<16xi32>], vector<16xf32>,
        tpu.vector_store_idx %arg9[%parallel_loop3A_691, %parallel_loop3A_566], %parallel_loop3A_692 : memref<64x128xf32, #tpu.memory_space<vmem>>[vector<16xi32>, vector<16xi32>], vector<16xf32>,
        %parallel_loop3A_693 = arith.constant 18 : i32
        %parallel_loop3A_694 = vector.broadcast %parallel_loop3A_693 : i32 to vector<16xi32>
        %parallel_loop3A_695 = arith.addi %iota3A, %parallel_loop3A_694 : vector<16xi32>
        %parallel_loop3A_696 = arith.constant 63 : i32
        %parallel_loop3A_697 = vector.broadcast %parallel_loop3A_696 : i32 to vector<16xi32>
        %parallel_loop3A_698 = arith.andi %parallel_loop3A_695, %parallel_loop3A_697 : vector<16xi32>
        %parallel_loop3A_699 = tpu.vector_load_idx %arg7[%parallel_loop3A_566, %parallel_loop3A_698] : memref<128x64xf32, #tpu.memory_space<vmem>>[vector<16xi32>, vector<16xi32>], vector<16xf32>,
        tpu.vector_store_idx %arg9[%parallel_loop3A_698, %parallel_loop3A_566], %parallel_loop3A_699 : memref<64x128xf32, #tpu.memory_space<vmem>>[vector<16xi32>, vector<16xi32>], vector<16xf32>,
        %parallel_loop3A_700 = arith.constant 19 : i32
        %parallel_loop3A_701 = vector.broadcast %parallel_loop3A_700 : i32 to vector<16xi32>
        %parallel_loop3A_702 = arith.addi %iota3A, %parallel_loop3A_701 : vector<16xi32>
        %parallel_loop3A_703 = arith.constant 63 : i32
        %parallel_loop3A_704 = vector.broadcast %parallel_loop3A_703 : i32 to vector<16xi32>
        %parallel_loop3A_705 = arith.andi %parallel_loop3A_702, %parallel_loop3A_704 : vector<16xi32>
        %parallel_loop3A_706 = tpu.vector_load_idx %arg7[%parallel_loop3A_566, %parallel_loop3A_705] : memref<128x64xf32, #tpu.memory_space<vmem>>[vector<16xi32>, vector<16xi32>], vector<16xf32>,
        tpu.vector_store_idx %arg9[%parallel_loop3A_705, %parallel_loop3A_566], %parallel_loop3A_706 : memref<64x128xf32, #tpu.memory_space<vmem>>[vector<16xi32>, vector<16xi32>], vector<16xf32>,
        %parallel_loop3A_707 = arith.constant 20 : i32
        %parallel_loop3A_708 = vector.broadcast %parallel_loop3A_707 : i32 to vector<16xi32>
        %parallel_loop3A_709 = arith.addi %iota3A, %parallel_loop3A_708 : vector<16xi32>
        %parallel_loop3A_710 = arith.constant 63 : i32
        %parallel_loop3A_711 = vector.broadcast %parallel_loop3A_710 : i32 to vector<16xi32>
        %parallel_loop3A_712 = arith.andi %parallel_loop3A_709, %parallel_loop3A_711 : vector<16xi32>
        %parallel_loop3A_713 = tpu.vector_load_idx %arg7[%parallel_loop3A_566, %parallel_loop3A_712] : memref<128x64xf32, #tpu.memory_space<vmem>>[vector<16xi32>, vector<16xi32>], vector<16xf32>,
        tpu.vector_store_idx %arg9[%parallel_loop3A_712, %parallel_loop3A_566], %parallel_loop3A_713 : memref<64x128xf32, #tpu.memory_space<vmem>>[vector<16xi32>, vector<16xi32>], vector<16xf32>,
        %parallel_loop3A_714 = arith.constant 21 : i32
        %parallel_loop3A_715 = vector.broadcast %parallel_loop3A_714 : i32 to vector<16xi32>
        %parallel_loop3A_716 = arith.addi %iota3A, %parallel_loop3A_715 : vector<16xi32>
        %parallel_loop3A_717 = arith.constant 63 : i32
        %parallel_loop3A_718 = vector.broadcast %parallel_loop3A_717 : i32 to vector<16xi32>
        %parallel_loop3A_719 = arith.andi %parallel_loop3A_716, %parallel_loop3A_718 : vector<16xi32>
        %parallel_loop3A_720 = tpu.vector_load_idx %arg7[%parallel_loop3A_566, %parallel_loop3A_719] : memref<128x64xf32, #tpu.memory_space<vmem>>[vector<16xi32>, vector<16xi32>], vector<16xf32>,
        tpu.vector_store_idx %arg9[%parallel_loop3A_719, %parallel_loop3A_566], %parallel_loop3A_720 : memref<64x128xf32, #tpu.memory_space<vmem>>[vector<16xi32>, vector<16xi32>], vector<16xf32>,
        %parallel_loop3A_721 = arith.constant 22 : i32
        %parallel_loop3A_722 = vector.broadcast %parallel_loop3A_721 : i32 to vector<16xi32>
        %parallel_loop3A_723 = arith.addi %iota3A, %parallel_loop3A_722 : vector<16xi32>
        %parallel_loop3A_724 = arith.constant 63 : i32
        %parallel_loop3A_725 = vector.broadcast %parallel_loop3A_724 : i32 to vector<16xi32>
        %parallel_loop3A_726 = arith.andi %parallel_loop3A_723, %parallel_loop3A_725 : vector<16xi32>
        %parallel_loop3A_727 = tpu.vector_load_idx %arg7[%parallel_loop3A_566, %parallel_loop3A_726] : memref<128x64xf32, #tpu.memory_space<vmem>>[vector<16xi32>, vector<16xi32>], vector<16xf32>,
        tpu.vector_store_idx %arg9[%parallel_loop3A_726, %parallel_loop3A_566], %parallel_loop3A_727 : memref<64x128xf32, #tpu.memory_space<vmem>>[vector<16xi32>, vector<16xi32>], vector<16xf32>,
        %parallel_loop3A_728 = arith.constant 23 : i32
        %parallel_loop3A_729 = vector.broadcast %parallel_loop3A_728 : i32 to vector<16xi32>
        %parallel_loop3A_730 = arith.addi %iota3A, %parallel_loop3A_729 : vector<16xi32>
        %parallel_loop3A_731 = arith.constant 63 : i32
        %parallel_loop3A_732 = vector.broadcast %parallel_loop3A_731 : i32 to vector<16xi32>
        %parallel_loop3A_733 = arith.andi %parallel_loop3A_730, %parallel_loop3A_732 : vector<16xi32>
        %parallel_loop3A_734 = tpu.vector_load_idx %arg7[%parallel_loop3A_566, %parallel_loop3A_733] : memref<128x64xf32, #tpu.memory_space<vmem>>[vector<16xi32>, vector<16xi32>], vector<16xf32>,
        tpu.vector_store_idx %arg9[%parallel_loop3A_733, %parallel_loop3A_566], %parallel_loop3A_734 : memref<64x128xf32, #tpu.memory_space<vmem>>[vector<16xi32>, vector<16xi32>], vector<16xf32>,
        %parallel_loop3A_735 = arith.constant 24 : i32
        %parallel_loop3A_736 = vector.broadcast %parallel_loop3A_735 : i32 to vector<16xi32>
        %parallel_loop3A_737 = arith.addi %iota3A, %parallel_loop3A_736 : vector<16xi32>
        %parallel_loop3A_738 = arith.constant 63 : i32
        %parallel_loop3A_739 = vector.broadcast %parallel_loop3A_738 : i32 to vector<16xi32>
        %parallel_loop3A_740 = arith.andi %parallel_loop3A_737, %parallel_loop3A_739 : vector<16xi32>
        %parallel_loop3A_741 = tpu.vector_load_idx %arg7[%parallel_loop3A_566, %parallel_loop3A_740] : memref<128x64xf32, #tpu.memory_space<vmem>>[vector<16xi32>, vector<16xi32>], vector<16xf32>,
        tpu.vector_store_idx %arg9[%parallel_loop3A_740, %parallel_loop3A_566], %parallel_loop3A_741 : memref<64x128xf32, #tpu.memory_space<vmem>>[vector<16xi32>, vector<16xi32>], vector<16xf32>,
        %parallel_loop3A_742 = arith.constant 25 : i32
        %parallel_loop3A_743 = vector.broadcast %parallel_loop3A_742 : i32 to vector<16xi32>
        %parallel_loop3A_744 = arith.addi %iota3A, %parallel_loop3A_743 : vector<16xi32>
        %parallel_loop3A_745 = arith.constant 63 : i32
        %parallel_loop3A_746 = vector.broadcast %parallel_loop3A_745 : i32 to vector<16xi32>
        %parallel_loop3A_747 = arith.andi %parallel_loop3A_744, %parallel_loop3A_746 : vector<16xi32>
        %parallel_loop3A_748 = tpu.vector_load_idx %arg7[%parallel_loop3A_566, %parallel_loop3A_747] : memref<128x64xf32, #tpu.memory_space<vmem>>[vector<16xi32>, vector<16xi32>], vector<16xf32>,
        tpu.vector_store_idx %arg9[%parallel_loop3A_747, %parallel_loop3A_566], %parallel_loop3A_748 : memref<64x128xf32, #tpu.memory_space<vmem>>[vector<16xi32>, vector<16xi32>], vector<16xf32>,
        %parallel_loop3A_749 = arith.constant 26 : i32
        %parallel_loop3A_750 = vector.broadcast %parallel_loop3A_749 : i32 to vector<16xi32>
        %parallel_loop3A_751 = arith.addi %iota3A, %parallel_loop3A_750 : vector<16xi32>
        %parallel_loop3A_752 = arith.constant 63 : i32
        %parallel_loop3A_753 = vector.broadcast %parallel_loop3A_752 : i32 to vector<16xi32>
        %parallel_loop3A_754 = arith.andi %parallel_loop3A_751, %parallel_loop3A_753 : vector<16xi32>
        %parallel_loop3A_755 = tpu.vector_load_idx %arg7[%parallel_loop3A_566, %parallel_loop3A_754] : memref<128x64xf32, #tpu.memory_space<vmem>>[vector<16xi32>, vector<16xi32>], vector<16xf32>,
        tpu.vector_store_idx %arg9[%parallel_loop3A_754, %parallel_loop3A_566], %parallel_loop3A_755 : memref<64x128xf32, #tpu.memory_space<vmem>>[vector<16xi32>, vector<16xi32>], vector<16xf32>,
        %parallel_loop3A_756 = arith.constant 27 : i32
        %parallel_loop3A_757 = vector.broadcast %parallel_loop3A_756 : i32 to vector<16xi32>
        %parallel_loop3A_758 = arith.addi %iota3A, %parallel_loop3A_757 : vector<16xi32>
        %parallel_loop3A_759 = arith.constant 63 : i32
        %parallel_loop3A_760 = vector.broadcast %parallel_loop3A_759 : i32 to vector<16xi32>
        %parallel_loop3A_761 = arith.andi %parallel_loop3A_758, %parallel_loop3A_760 : vector<16xi32>
        %parallel_loop3A_762 = tpu.vector_load_idx %arg7[%parallel_loop3A_566, %parallel_loop3A_761] : memref<128x64xf32, #tpu.memory_space<vmem>>[vector<16xi32>, vector<16xi32>], vector<16xf32>,
        tpu.vector_store_idx %arg9[%parallel_loop3A_761, %parallel_loop3A_566], %parallel_loop3A_762 : memref<64x128xf32, #tpu.memory_space<vmem>>[vector<16xi32>, vector<16xi32>], vector<16xf32>,
        %parallel_loop3A_763 = arith.constant 28 : i32
        %parallel_loop3A_764 = vector.broadcast %parallel_loop3A_763 : i32 to vector<16xi32>
        %parallel_loop3A_765 = arith.addi %iota3A, %parallel_loop3A_764 : vector<16xi32>
        %parallel_loop3A_766 = arith.constant 63 : i32
        %parallel_loop3A_767 = vector.broadcast %parallel_loop3A_766 : i32 to vector<16xi32>
        %parallel_loop3A_768 = arith.andi %parallel_loop3A_765, %parallel_loop3A_767 : vector<16xi32>
        %parallel_loop3A_769 = tpu.vector_load_idx %arg7[%parallel_loop3A_566, %parallel_loop3A_768] : memref<128x64xf32, #tpu.memory_space<vmem>>[vector<16xi32>, vector<16xi32>], vector<16xf32>,
        tpu.vector_store_idx %arg9[%parallel_loop3A_768, %parallel_loop3A_566], %parallel_loop3A_769 : memref<64x128xf32, #tpu.memory_space<vmem>>[vector<16xi32>, vector<16xi32>], vector<16xf32>,
        %parallel_loop3A_770 = arith.constant 29 : i32
        %parallel_loop3A_771 = vector.broadcast %parallel_loop3A_770 : i32 to vector<16xi32>
        %parallel_loop3A_772 = arith.addi %iota3A, %parallel_loop3A_771 : vector<16xi32>
        %parallel_loop3A_773 = arith.constant 63 : i32
        %parallel_loop3A_774 = vector.broadcast %parallel_loop3A_773 : i32 to vector<16xi32>
        %parallel_loop3A_775 = arith.andi %parallel_loop3A_772, %parallel_loop3A_774 : vector<16xi32>
        %parallel_loop3A_776 = tpu.vector_load_idx %arg7[%parallel_loop3A_566, %parallel_loop3A_775] : memref<128x64xf32, #tpu.memory_space<vmem>>[vector<16xi32>, vector<16xi32>], vector<16xf32>,
        tpu.vector_store_idx %arg9[%parallel_loop3A_775, %parallel_loop3A_566], %parallel_loop3A_776 : memref<64x128xf32, #tpu.memory_space<vmem>>[vector<16xi32>, vector<16xi32>], vector<16xf32>,
        %parallel_loop3A_777 = arith.constant 30 : i32
        %parallel_loop3A_778 = vector.broadcast %parallel_loop3A_777 : i32 to vector<16xi32>
        %parallel_loop3A_779 = arith.addi %iota3A, %parallel_loop3A_778 : vector<16xi32>
        %parallel_loop3A_780 = arith.constant 63 : i32
        %parallel_loop3A_781 = vector.broadcast %parallel_loop3A_780 : i32 to vector<16xi32>
        %parallel_loop3A_782 = arith.andi %parallel_loop3A_779, %parallel_loop3A_781 : vector<16xi32>
        %parallel_loop3A_783 = tpu.vector_load_idx %arg7[%parallel_loop3A_566, %parallel_loop3A_782] : memref<128x64xf32, #tpu.memory_space<vmem>>[vector<16xi32>, vector<16xi32>], vector<16xf32>,
        tpu.vector_store_idx %arg9[%parallel_loop3A_782, %parallel_loop3A_566], %parallel_loop3A_783 : memref<64x128xf32, #tpu.memory_space<vmem>>[vector<16xi32>, vector<16xi32>], vector<16xf32>,
        %parallel_loop3A_784 = arith.constant 31 : i32
        %parallel_loop3A_785 = vector.broadcast %parallel_loop3A_784 : i32 to vector<16xi32>
        %parallel_loop3A_786 = arith.addi %iota3A, %parallel_loop3A_785 : vector<16xi32>
        %parallel_loop3A_787 = arith.constant 63 : i32
        %parallel_loop3A_788 = vector.broadcast %parallel_loop3A_787 : i32 to vector<16xi32>
        %parallel_loop3A_789 = arith.andi %parallel_loop3A_786, %parallel_loop3A_788 : vector<16xi32>
        %parallel_loop3A_790 = tpu.vector_load_idx %arg7[%parallel_loop3A_566, %parallel_loop3A_789] : memref<128x64xf32, #tpu.memory_space<vmem>>[vector<16xi32>, vector<16xi32>], vector<16xf32>,
        tpu.vector_store_idx %arg9[%parallel_loop3A_789, %parallel_loop3A_566], %parallel_loop3A_790 : memref<64x128xf32, #tpu.memory_space<vmem>>[vector<16xi32>, vector<16xi32>], vector<16xf32>,
        %parallel_loop3A_791 = arith.constant 32 : i32
        %parallel_loop3A_792 = vector.broadcast %parallel_loop3A_791 : i32 to vector<16xi32>
        %parallel_loop3A_793 = arith.addi %iota3A, %parallel_loop3A_792 : vector<16xi32>
        %parallel_loop3A_794 = arith.constant 63 : i32
        %parallel_loop3A_795 = vector.broadcast %parallel_loop3A_794 : i32 to vector<16xi32>
        %parallel_loop3A_796 = arith.andi %parallel_loop3A_793, %parallel_loop3A_795 : vector<16xi32>
        %parallel_loop3A_797 = tpu.vector_load_idx %arg7[%parallel_loop3A_566, %parallel_loop3A_796] : memref<128x64xf32, #tpu.memory_space<vmem>>[vector<16xi32>, vector<16xi32>], vector<16xf32>,
        tpu.vector_store_idx %arg9[%parallel_loop3A_796, %parallel_loop3A_566], %parallel_loop3A_797 : memref<64x128xf32, #tpu.memory_space<vmem>>[vector<16xi32>, vector<16xi32>], vector<16xf32>,
        %parallel_loop3A_798 = arith.constant 33 : i32
        %parallel_loop3A_799 = vector.broadcast %parallel_loop3A_798 : i32 to vector<16xi32>
        %parallel_loop3A_800 = arith.addi %iota3A, %parallel_loop3A_799 : vector<16xi32>
        %parallel_loop3A_801 = arith.constant 63 : i32
        %parallel_loop3A_802 = vector.broadcast %parallel_loop3A_801 : i32 to vector<16xi32>
        %parallel_loop3A_803 = arith.andi %parallel_loop3A_800, %parallel_loop3A_802 : vector<16xi32>
        %parallel_loop3A_804 = tpu.vector_load_idx %arg7[%parallel_loop3A_566, %parallel_loop3A_803] : memref<128x64xf32, #tpu.memory_space<vmem>>[vector<16xi32>, vector<16xi32>], vector<16xf32>,
        tpu.vector_store_idx %arg9[%parallel_loop3A_803, %parallel_loop3A_566], %parallel_loop3A_804 : memref<64x128xf32, #tpu.memory_space<vmem>>[vector<16xi32>, vector<16xi32>], vector<16xf32>,
        %parallel_loop3A_805 = arith.constant 34 : i32
        %parallel_loop3A_806 = vector.broadcast %parallel_loop3A_805 : i32 to vector<16xi32>
        %parallel_loop3A_807 = arith.addi %iota3A, %parallel_loop3A_806 : vector<16xi32>
        %parallel_loop3A_808 = arith.constant 63 : i32
        %parallel_loop3A_809 = vector.broadcast %parallel_loop3A_808 : i32 to vector<16xi32>
        %parallel_loop3A_810 = arith.andi %parallel_loop3A_807, %parallel_loop3A_809 : vector<16xi32>
        %parallel_loop3A_811 = tpu.vector_load_idx %arg7[%parallel_loop3A_566, %parallel_loop3A_810] : memref<128x64xf32, #tpu.memory_space<vmem>>[vector<16xi32>, vector<16xi32>], vector<16xf32>,
        tpu.vector_store_idx %arg9[%parallel_loop3A_810, %parallel_loop3A_566], %parallel_loop3A_811 : memref<64x128xf32, #tpu.memory_space<vmem>>[vector<16xi32>, vector<16xi32>], vector<16xf32>,
        %parallel_loop3A_812 = arith.constant 35 : i32
        %parallel_loop3A_813 = vector.broadcast %parallel_loop3A_812 : i32 to vector<16xi32>
        %parallel_loop3A_814 = arith.addi %iota3A, %parallel_loop3A_813 : vector<16xi32>
        %parallel_loop3A_815 = arith.constant 63 : i32
        %parallel_loop3A_816 = vector.broadcast %parallel_loop3A_815 : i32 to vector<16xi32>
        %parallel_loop3A_817 = arith.andi %parallel_loop3A_814, %parallel_loop3A_816 : vector<16xi32>
        %parallel_loop3A_818 = tpu.vector_load_idx %arg7[%parallel_loop3A_566, %parallel_loop3A_817] : memref<128x64xf32, #tpu.memory_space<vmem>>[vector<16xi32>, vector<16xi32>], vector<16xf32>,
        tpu.vector_store_idx %arg9[%parallel_loop3A_817, %parallel_loop3A_566], %parallel_loop3A_818 : memref<64x128xf32, #tpu.memory_space<vmem>>[vector<16xi32>, vector<16xi32>], vector<16xf32>,
        %parallel_loop3A_819 = arith.constant 36 : i32
        %parallel_loop3A_820 = vector.broadcast %parallel_loop3A_819 : i32 to vector<16xi32>
        %parallel_loop3A_821 = arith.addi %iota3A, %parallel_loop3A_820 : vector<16xi32>
        %parallel_loop3A_822 = arith.constant 63 : i32
        %parallel_loop3A_823 = vector.broadcast %parallel_loop3A_822 : i32 to vector<16xi32>
        %parallel_loop3A_824 = arith.andi %parallel_loop3A_821, %parallel_loop3A_823 : vector<16xi32>
        %parallel_loop3A_825 = tpu.vector_load_idx %arg7[%parallel_loop3A_566, %parallel_loop3A_824] : memref<128x64xf32, #tpu.memory_space<vmem>>[vector<16xi32>, vector<16xi32>], vector<16xf32>,
        tpu.vector_store_idx %arg9[%parallel_loop3A_824, %parallel_loop3A_566], %parallel_loop3A_825 : memref<64x128xf32, #tpu.memory_space<vmem>>[vector<16xi32>, vector<16xi32>], vector<16xf32>,
        %parallel_loop3A_826 = arith.constant 37 : i32
        %parallel_loop3A_827 = vector.broadcast %parallel_loop3A_826 : i32 to vector<16xi32>
        %parallel_loop3A_828 = arith.addi %iota3A, %parallel_loop3A_827 : vector<16xi32>
        %parallel_loop3A_829 = arith.constant 63 : i32
        %parallel_loop3A_830 = vector.broadcast %parallel_loop3A_829 : i32 to vector<16xi32>
        %parallel_loop3A_831 = arith.andi %parallel_loop3A_828, %parallel_loop3A_830 : vector<16xi32>
        %parallel_loop3A_832 = tpu.vector_load_idx %arg7[%parallel_loop3A_566, %parallel_loop3A_831] : memref<128x64xf32, #tpu.memory_space<vmem>>[vector<16xi32>, vector<16xi32>], vector<16xf32>,
        tpu.vector_store_idx %arg9[%parallel_loop3A_831, %parallel_loop3A_566], %parallel_loop3A_832 : memref<64x128xf32, #tpu.memory_space<vmem>>[vector<16xi32>, vector<16xi32>], vector<16xf32>,
        %parallel_loop3A_833 = arith.constant 38 : i32
        %parallel_loop3A_834 = vector.broadcast %parallel_loop3A_833 : i32 to vector<16xi32>
        %parallel_loop3A_835 = arith.addi %iota3A, %parallel_loop3A_834 : vector<16xi32>
        %parallel_loop3A_836 = arith.constant 63 : i32
        %parallel_loop3A_837 = vector.broadcast %parallel_loop3A_836 : i32 to vector<16xi32>
        %parallel_loop3A_838 = arith.andi %parallel_loop3A_835, %parallel_loop3A_837 : vector<16xi32>
        %parallel_loop3A_839 = tpu.vector_load_idx %arg7[%parallel_loop3A_566, %parallel_loop3A_838] : memref<128x64xf32, #tpu.memory_space<vmem>>[vector<16xi32>, vector<16xi32>], vector<16xf32>,
        tpu.vector_store_idx %arg9[%parallel_loop3A_838, %parallel_loop3A_566], %parallel_loop3A_839 : memref<64x128xf32, #tpu.memory_space<vmem>>[vector<16xi32>, vector<16xi32>], vector<16xf32>,
        %parallel_loop3A_840 = arith.constant 39 : i32
        %parallel_loop3A_841 = vector.broadcast %parallel_loop3A_840 : i32 to vector<16xi32>
        %parallel_loop3A_842 = arith.addi %iota3A, %parallel_loop3A_841 : vector<16xi32>
        %parallel_loop3A_843 = arith.constant 63 : i32
        %parallel_loop3A_844 = vector.broadcast %parallel_loop3A_843 : i32 to vector<16xi32>
        %parallel_loop3A_845 = arith.andi %parallel_loop3A_842, %parallel_loop3A_844 : vector<16xi32>
        %parallel_loop3A_846 = tpu.vector_load_idx %arg7[%parallel_loop3A_566, %parallel_loop3A_845] : memref<128x64xf32, #tpu.memory_space<vmem>>[vector<16xi32>, vector<16xi32>], vector<16xf32>,
        tpu.vector_store_idx %arg9[%parallel_loop3A_845, %parallel_loop3A_566], %parallel_loop3A_846 : memref<64x128xf32, #tpu.memory_space<vmem>>[vector<16xi32>, vector<16xi32>], vector<16xf32>,
        %parallel_loop3A_847 = arith.constant 40 : i32
        %parallel_loop3A_848 = vector.broadcast %parallel_loop3A_847 : i32 to vector<16xi32>
        %parallel_loop3A_849 = arith.addi %iota3A, %parallel_loop3A_848 : vector<16xi32>
        %parallel_loop3A_850 = arith.constant 63 : i32
        %parallel_loop3A_851 = vector.broadcast %parallel_loop3A_850 : i32 to vector<16xi32>
        %parallel_loop3A_852 = arith.andi %parallel_loop3A_849, %parallel_loop3A_851 : vector<16xi32>
        %parallel_loop3A_853 = tpu.vector_load_idx %arg7[%parallel_loop3A_566, %parallel_loop3A_852] : memref<128x64xf32, #tpu.memory_space<vmem>>[vector<16xi32>, vector<16xi32>], vector<16xf32>,
        tpu.vector_store_idx %arg9[%parallel_loop3A_852, %parallel_loop3A_566], %parallel_loop3A_853 : memref<64x128xf32, #tpu.memory_space<vmem>>[vector<16xi32>, vector<16xi32>], vector<16xf32>,
        %parallel_loop3A_854 = arith.constant 41 : i32
        %parallel_loop3A_855 = vector.broadcast %parallel_loop3A_854 : i32 to vector<16xi32>
        %parallel_loop3A_856 = arith.addi %iota3A, %parallel_loop3A_855 : vector<16xi32>
        %parallel_loop3A_857 = arith.constant 63 : i32
        %parallel_loop3A_858 = vector.broadcast %parallel_loop3A_857 : i32 to vector<16xi32>
        %parallel_loop3A_859 = arith.andi %parallel_loop3A_856, %parallel_loop3A_858 : vector<16xi32>
        %parallel_loop3A_860 = tpu.vector_load_idx %arg7[%parallel_loop3A_566, %parallel_loop3A_859] : memref<128x64xf32, #tpu.memory_space<vmem>>[vector<16xi32>, vector<16xi32>], vector<16xf32>,
        tpu.vector_store_idx %arg9[%parallel_loop3A_859, %parallel_loop3A_566], %parallel_loop3A_860 : memref<64x128xf32, #tpu.memory_space<vmem>>[vector<16xi32>, vector<16xi32>], vector<16xf32>,
        %parallel_loop3A_861 = arith.constant 42 : i32
        %parallel_loop3A_862 = vector.broadcast %parallel_loop3A_861 : i32 to vector<16xi32>
        %parallel_loop3A_863 = arith.addi %iota3A, %parallel_loop3A_862 : vector<16xi32>
        %parallel_loop3A_864 = arith.constant 63 : i32
        %parallel_loop3A_865 = vector.broadcast %parallel_loop3A_864 : i32 to vector<16xi32>
        %parallel_loop3A_866 = arith.andi %parallel_loop3A_863, %parallel_loop3A_865 : vector<16xi32>
        %parallel_loop3A_867 = tpu.vector_load_idx %arg7[%parallel_loop3A_566, %parallel_loop3A_866] : memref<128x64xf32, #tpu.memory_space<vmem>>[vector<16xi32>, vector<16xi32>], vector<16xf32>,
        tpu.vector_store_idx %arg9[%parallel_loop3A_866, %parallel_loop3A_566], %parallel_loop3A_867 : memref<64x128xf32, #tpu.memory_space<vmem>>[vector<16xi32>, vector<16xi32>], vector<16xf32>,
        %parallel_loop3A_868 = arith.constant 43 : i32
        %parallel_loop3A_869 = vector.broadcast %parallel_loop3A_868 : i32 to vector<16xi32>
        %parallel_loop3A_870 = arith.addi %iota3A, %parallel_loop3A_869 : vector<16xi32>
        %parallel_loop3A_871 = arith.constant 63 : i32
        %parallel_loop3A_872 = vector.broadcast %parallel_loop3A_871 : i32 to vector<16xi32>
        %parallel_loop3A_873 = arith.andi %parallel_loop3A_870, %parallel_loop3A_872 : vector<16xi32>
        %parallel_loop3A_874 = tpu.vector_load_idx %arg7[%parallel_loop3A_566, %parallel_loop3A_873] : memref<128x64xf32, #tpu.memory_space<vmem>>[vector<16xi32>, vector<16xi32>], vector<16xf32>,
        tpu.vector_store_idx %arg9[%parallel_loop3A_873, %parallel_loop3A_566], %parallel_loop3A_874 : memref<64x128xf32, #tpu.memory_space<vmem>>[vector<16xi32>, vector<16xi32>], vector<16xf32>,
        %parallel_loop3A_875 = arith.constant 44 : i32
        %parallel_loop3A_876 = vector.broadcast %parallel_loop3A_875 : i32 to vector<16xi32>
        %parallel_loop3A_877 = arith.addi %iota3A, %parallel_loop3A_876 : vector<16xi32>
        %parallel_loop3A_878 = arith.constant 63 : i32
        %parallel_loop3A_879 = vector.broadcast %parallel_loop3A_878 : i32 to vector<16xi32>
        %parallel_loop3A_880 = arith.andi %parallel_loop3A_877, %parallel_loop3A_879 : vector<16xi32>
        %parallel_loop3A_881 = tpu.vector_load_idx %arg7[%parallel_loop3A_566, %parallel_loop3A_880] : memref<128x64xf32, #tpu.memory_space<vmem>>[vector<16xi32>, vector<16xi32>], vector<16xf32>,
        tpu.vector_store_idx %arg9[%parallel_loop3A_880, %parallel_loop3A_566], %parallel_loop3A_881 : memref<64x128xf32, #tpu.memory_space<vmem>>[vector<16xi32>, vector<16xi32>], vector<16xf32>,
        %parallel_loop3A_882 = arith.constant 45 : i32
        %parallel_loop3A_883 = vector.broadcast %parallel_loop3A_882 : i32 to vector<16xi32>
        %parallel_loop3A_884 = arith.addi %iota3A, %parallel_loop3A_883 : vector<16xi32>
        %parallel_loop3A_885 = arith.constant 63 : i32
        %parallel_loop3A_886 = vector.broadcast %parallel_loop3A_885 : i32 to vector<16xi32>
        %parallel_loop3A_887 = arith.andi %parallel_loop3A_884, %parallel_loop3A_886 : vector<16xi32>
        %parallel_loop3A_888 = tpu.vector_load_idx %arg7[%parallel_loop3A_566, %parallel_loop3A_887] : memref<128x64xf32, #tpu.memory_space<vmem>>[vector<16xi32>, vector<16xi32>], vector<16xf32>,
        tpu.vector_store_idx %arg9[%parallel_loop3A_887, %parallel_loop3A_566], %parallel_loop3A_888 : memref<64x128xf32, #tpu.memory_space<vmem>>[vector<16xi32>, vector<16xi32>], vector<16xf32>,
        %parallel_loop3A_889 = arith.constant 46 : i32
        %parallel_loop3A_890 = vector.broadcast %parallel_loop3A_889 : i32 to vector<16xi32>
        %parallel_loop3A_891 = arith.addi %iota3A, %parallel_loop3A_890 : vector<16xi32>
        %parallel_loop3A_892 = arith.constant 63 : i32
        %parallel_loop3A_893 = vector.broadcast %parallel_loop3A_892 : i32 to vector<16xi32>
        %parallel_loop3A_894 = arith.andi %parallel_loop3A_891, %parallel_loop3A_893 : vector<16xi32>
        %parallel_loop3A_895 = tpu.vector_load_idx %arg7[%parallel_loop3A_566, %parallel_loop3A_894] : memref<128x64xf32, #tpu.memory_space<vmem>>[vector<16xi32>, vector<16xi32>], vector<16xf32>,
        tpu.vector_store_idx %arg9[%parallel_loop3A_894, %parallel_loop3A_566], %parallel_loop3A_895 : memref<64x128xf32, #tpu.memory_space<vmem>>[vector<16xi32>, vector<16xi32>], vector<16xf32>,
        %parallel_loop3A_896 = arith.constant 47 : i32
        %parallel_loop3A_897 = vector.broadcast %parallel_loop3A_896 : i32 to vector<16xi32>
        %parallel_loop3A_898 = arith.addi %iota3A, %parallel_loop3A_897 : vector<16xi32>
        %parallel_loop3A_899 = arith.constant 63 : i32
        %parallel_loop3A_900 = vector.broadcast %parallel_loop3A_899 : i32 to vector<16xi32>
        %parallel_loop3A_901 = arith.andi %parallel_loop3A_898, %parallel_loop3A_900 : vector<16xi32>
        %parallel_loop3A_902 = tpu.vector_load_idx %arg7[%parallel_loop3A_566, %parallel_loop3A_901] : memref<128x64xf32, #tpu.memory_space<vmem>>[vector<16xi32>, vector<16xi32>], vector<16xf32>,
        tpu.vector_store_idx %arg9[%parallel_loop3A_901, %parallel_loop3A_566], %parallel_loop3A_902 : memref<64x128xf32, #tpu.memory_space<vmem>>[vector<16xi32>, vector<16xi32>], vector<16xf32>,
        %parallel_loop3A_903 = arith.constant 48 : i32
        %parallel_loop3A_904 = vector.broadcast %parallel_loop3A_903 : i32 to vector<16xi32>
        %parallel_loop3A_905 = arith.addi %iota3A, %parallel_loop3A_904 : vector<16xi32>
        %parallel_loop3A_906 = arith.constant 63 : i32
        %parallel_loop3A_907 = vector.broadcast %parallel_loop3A_906 : i32 to vector<16xi32>
        %parallel_loop3A_908 = arith.andi %parallel_loop3A_905, %parallel_loop3A_907 : vector<16xi32>
        %parallel_loop3A_909 = tpu.vector_load_idx %arg7[%parallel_loop3A_566, %parallel_loop3A_908] : memref<128x64xf32, #tpu.memory_space<vmem>>[vector<16xi32>, vector<16xi32>], vector<16xf32>,
        tpu.vector_store_idx %arg9[%parallel_loop3A_908, %parallel_loop3A_566], %parallel_loop3A_909 : memref<64x128xf32, #tpu.memory_space<vmem>>[vector<16xi32>, vector<16xi32>], vector<16xf32>,
        %parallel_loop3A_910 = arith.constant 49 : i32
        %parallel_loop3A_911 = vector.broadcast %parallel_loop3A_910 : i32 to vector<16xi32>
        %parallel_loop3A_912 = arith.addi %iota3A, %parallel_loop3A_911 : vector<16xi32>
        %parallel_loop3A_913 = arith.constant 63 : i32
        %parallel_loop3A_914 = vector.broadcast %parallel_loop3A_913 : i32 to vector<16xi32>
        %parallel_loop3A_915 = arith.andi %parallel_loop3A_912, %parallel_loop3A_914 : vector<16xi32>
        %parallel_loop3A_916 = tpu.vector_load_idx %arg7[%parallel_loop3A_566, %parallel_loop3A_915] : memref<128x64xf32, #tpu.memory_space<vmem>>[vector<16xi32>, vector<16xi32>], vector<16xf32>,
        tpu.vector_store_idx %arg9[%parallel_loop3A_915, %parallel_loop3A_566], %parallel_loop3A_916 : memref<64x128xf32, #tpu.memory_space<vmem>>[vector<16xi32>, vector<16xi32>], vector<16xf32>,
        %parallel_loop3A_917 = arith.constant 50 : i32
        %parallel_loop3A_918 = vector.broadcast %parallel_loop3A_917 : i32 to vector<16xi32>
        %parallel_loop3A_919 = arith.addi %iota3A, %parallel_loop3A_918 : vector<16xi32>
        %parallel_loop3A_920 = arith.constant 63 : i32
        %parallel_loop3A_921 = vector.broadcast %parallel_loop3A_920 : i32 to vector<16xi32>
        %parallel_loop3A_922 = arith.andi %parallel_loop3A_919, %parallel_loop3A_921 : vector<16xi32>
        %parallel_loop3A_923 = tpu.vector_load_idx %arg7[%parallel_loop3A_566, %parallel_loop3A_922] : memref<128x64xf32, #tpu.memory_space<vmem>>[vector<16xi32>, vector<16xi32>], vector<16xf32>,
        tpu.vector_store_idx %arg9[%parallel_loop3A_922, %parallel_loop3A_566], %parallel_loop3A_923 : memref<64x128xf32, #tpu.memory_space<vmem>>[vector<16xi32>, vector<16xi32>], vector<16xf32>,
        %parallel_loop3A_924 = arith.constant 51 : i32
        %parallel_loop3A_925 = vector.broadcast %parallel_loop3A_924 : i32 to vector<16xi32>
        %parallel_loop3A_926 = arith.addi %iota3A, %parallel_loop3A_925 : vector<16xi32>
        %parallel_loop3A_927 = arith.constant 63 : i32
        %parallel_loop3A_928 = vector.broadcast %parallel_loop3A_927 : i32 to vector<16xi32>
        %parallel_loop3A_929 = arith.andi %parallel_loop3A_926, %parallel_loop3A_928 : vector<16xi32>
        %parallel_loop3A_930 = tpu.vector_load_idx %arg7[%parallel_loop3A_566, %parallel_loop3A_929] : memref<128x64xf32, #tpu.memory_space<vmem>>[vector<16xi32>, vector<16xi32>], vector<16xf32>,
        tpu.vector_store_idx %arg9[%parallel_loop3A_929, %parallel_loop3A_566], %parallel_loop3A_930 : memref<64x128xf32, #tpu.memory_space<vmem>>[vector<16xi32>, vector<16xi32>], vector<16xf32>,
        %parallel_loop3A_931 = arith.constant 52 : i32
        %parallel_loop3A_932 = vector.broadcast %parallel_loop3A_931 : i32 to vector<16xi32>
        %parallel_loop3A_933 = arith.addi %iota3A, %parallel_loop3A_932 : vector<16xi32>
        %parallel_loop3A_934 = arith.constant 63 : i32
        %parallel_loop3A_935 = vector.broadcast %parallel_loop3A_934 : i32 to vector<16xi32>
        %parallel_loop3A_936 = arith.andi %parallel_loop3A_933, %parallel_loop3A_935 : vector<16xi32>
        %parallel_loop3A_937 = tpu.vector_load_idx %arg7[%parallel_loop3A_566, %parallel_loop3A_936] : memref<128x64xf32, #tpu.memory_space<vmem>>[vector<16xi32>, vector<16xi32>], vector<16xf32>,
        tpu.vector_store_idx %arg9[%parallel_loop3A_936, %parallel_loop3A_566], %parallel_loop3A_937 : memref<64x128xf32, #tpu.memory_space<vmem>>[vector<16xi32>, vector<16xi32>], vector<16xf32>,
        %parallel_loop3A_938 = arith.constant 53 : i32
        %parallel_loop3A_939 = vector.broadcast %parallel_loop3A_938 : i32 to vector<16xi32>
        %parallel_loop3A_940 = arith.addi %iota3A, %parallel_loop3A_939 : vector<16xi32>
        %parallel_loop3A_941 = arith.constant 63 : i32
        %parallel_loop3A_942 = vector.broadcast %parallel_loop3A_941 : i32 to vector<16xi32>
        %parallel_loop3A_943 = arith.andi %parallel_loop3A_940, %parallel_loop3A_942 : vector<16xi32>
        %parallel_loop3A_944 = tpu.vector_load_idx %arg7[%parallel_loop3A_566, %parallel_loop3A_943] : memref<128x64xf32, #tpu.memory_space<vmem>>[vector<16xi32>, vector<16xi32>], vector<16xf32>,
        tpu.vector_store_idx %arg9[%parallel_loop3A_943, %parallel_loop3A_566], %parallel_loop3A_944 : memref<64x128xf32, #tpu.memory_space<vmem>>[vector<16xi32>, vector<16xi32>], vector<16xf32>,
        %parallel_loop3A_945 = arith.constant 54 : i32
        %parallel_loop3A_946 = vector.broadcast %parallel_loop3A_945 : i32 to vector<16xi32>
        %parallel_loop3A_947 = arith.addi %iota3A, %parallel_loop3A_946 : vector<16xi32>
        %parallel_loop3A_948 = arith.constant 63 : i32
        %parallel_loop3A_949 = vector.broadcast %parallel_loop3A_948 : i32 to vector<16xi32>
        %parallel_loop3A_950 = arith.andi %parallel_loop3A_947, %parallel_loop3A_949 : vector<16xi32>
        %parallel_loop3A_951 = tpu.vector_load_idx %arg7[%parallel_loop3A_566, %parallel_loop3A_950] : memref<128x64xf32, #tpu.memory_space<vmem>>[vector<16xi32>, vector<16xi32>], vector<16xf32>,
        tpu.vector_store_idx %arg9[%parallel_loop3A_950, %parallel_loop3A_566], %parallel_loop3A_951 : memref<64x128xf32, #tpu.memory_space<vmem>>[vector<16xi32>, vector<16xi32>], vector<16xf32>,
        %parallel_loop3A_952 = arith.constant 55 : i32
        %parallel_loop3A_953 = vector.broadcast %parallel_loop3A_952 : i32 to vector<16xi32>
        %parallel_loop3A_954 = arith.addi %iota3A, %parallel_loop3A_953 : vector<16xi32>
        %parallel_loop3A_955 = arith.constant 63 : i32
        %parallel_loop3A_956 = vector.broadcast %parallel_loop3A_955 : i32 to vector<16xi32>
        %parallel_loop3A_957 = arith.andi %parallel_loop3A_954, %parallel_loop3A_956 : vector<16xi32>
        %parallel_loop3A_958 = tpu.vector_load_idx %arg7[%parallel_loop3A_566, %parallel_loop3A_957] : memref<128x64xf32, #tpu.memory_space<vmem>>[vector<16xi32>, vector<16xi32>], vector<16xf32>,
        tpu.vector_store_idx %arg9[%parallel_loop3A_957, %parallel_loop3A_566], %parallel_loop3A_958 : memref<64x128xf32, #tpu.memory_space<vmem>>[vector<16xi32>, vector<16xi32>], vector<16xf32>,
        %parallel_loop3A_959 = arith.constant 56 : i32
        %parallel_loop3A_960 = vector.broadcast %parallel_loop3A_959 : i32 to vector<16xi32>
        %parallel_loop3A_961 = arith.addi %iota3A, %parallel_loop3A_960 : vector<16xi32>
        %parallel_loop3A_962 = arith.constant 63 : i32
        %parallel_loop3A_963 = vector.broadcast %parallel_loop3A_962 : i32 to vector<16xi32>
        %parallel_loop3A_964 = arith.andi %parallel_loop3A_961, %parallel_loop3A_963 : vector<16xi32>
        %parallel_loop3A_965 = tpu.vector_load_idx %arg7[%parallel_loop3A_566, %parallel_loop3A_964] : memref<128x64xf32, #tpu.memory_space<vmem>>[vector<16xi32>, vector<16xi32>], vector<16xf32>,
        tpu.vector_store_idx %arg9[%parallel_loop3A_964, %parallel_loop3A_566], %parallel_loop3A_965 : memref<64x128xf32, #tpu.memory_space<vmem>>[vector<16xi32>, vector<16xi32>], vector<16xf32>,
        %parallel_loop3A_966 = arith.constant 57 : i32
        %parallel_loop3A_967 = vector.broadcast %parallel_loop3A_966 : i32 to vector<16xi32>
        %parallel_loop3A_968 = arith.addi %iota3A, %parallel_loop3A_967 : vector<16xi32>
        %parallel_loop3A_969 = arith.constant 63 : i32
        %parallel_loop3A_970 = vector.broadcast %parallel_loop3A_969 : i32 to vector<16xi32>
        %parallel_loop3A_971 = arith.andi %parallel_loop3A_968, %parallel_loop3A_970 : vector<16xi32>
        %parallel_loop3A_972 = tpu.vector_load_idx %arg7[%parallel_loop3A_566, %parallel_loop3A_971] : memref<128x64xf32, #tpu.memory_space<vmem>>[vector<16xi32>, vector<16xi32>], vector<16xf32>,
        tpu.vector_store_idx %arg9[%parallel_loop3A_971, %parallel_loop3A_566], %parallel_loop3A_972 : memref<64x128xf32, #tpu.memory_space<vmem>>[vector<16xi32>, vector<16xi32>], vector<16xf32>,
        %parallel_loop3A_973 = arith.constant 58 : i32
        %parallel_loop3A_974 = vector.broadcast %parallel_loop3A_973 : i32 to vector<16xi32>
        %parallel_loop3A_975 = arith.addi %iota3A, %parallel_loop3A_974 : vector<16xi32>
        %parallel_loop3A_976 = arith.constant 63 : i32
        %parallel_loop3A_977 = vector.broadcast %parallel_loop3A_976 : i32 to vector<16xi32>
        %parallel_loop3A_978 = arith.andi %parallel_loop3A_975, %parallel_loop3A_977 : vector<16xi32>
        %parallel_loop3A_979 = tpu.vector_load_idx %arg7[%parallel_loop3A_566, %parallel_loop3A_978] : memref<128x64xf32, #tpu.memory_space<vmem>>[vector<16xi32>, vector<16xi32>], vector<16xf32>,
        tpu.vector_store_idx %arg9[%parallel_loop3A_978, %parallel_loop3A_566], %parallel_loop3A_979 : memref<64x128xf32, #tpu.memory_space<vmem>>[vector<16xi32>, vector<16xi32>], vector<16xf32>,
        %parallel_loop3A_980 = arith.constant 59 : i32
        %parallel_loop3A_981 = vector.broadcast %parallel_loop3A_980 : i32 to vector<16xi32>
        %parallel_loop3A_982 = arith.addi %iota3A, %parallel_loop3A_981 : vector<16xi32>
        %parallel_loop3A_983 = arith.constant 63 : i32
        %parallel_loop3A_984 = vector.broadcast %parallel_loop3A_983 : i32 to vector<16xi32>
        %parallel_loop3A_985 = arith.andi %parallel_loop3A_982, %parallel_loop3A_984 : vector<16xi32>
        %parallel_loop3A_986 = tpu.vector_load_idx %arg7[%parallel_loop3A_566, %parallel_loop3A_985] : memref<128x64xf32, #tpu.memory_space<vmem>>[vector<16xi32>, vector<16xi32>], vector<16xf32>,
        tpu.vector_store_idx %arg9[%parallel_loop3A_985, %parallel_loop3A_566], %parallel_loop3A_986 : memref<64x128xf32, #tpu.memory_space<vmem>>[vector<16xi32>, vector<16xi32>], vector<16xf32>,
        %parallel_loop3A_987 = arith.constant 60 : i32
        %parallel_loop3A_988 = vector.broadcast %parallel_loop3A_987 : i32 to vector<16xi32>
        %parallel_loop3A_989 = arith.addi %iota3A, %parallel_loop3A_988 : vector<16xi32>
        %parallel_loop3A_990 = arith.constant 63 : i32
        %parallel_loop3A_991 = vector.broadcast %parallel_loop3A_990 : i32 to vector<16xi32>
        %parallel_loop3A_992 = arith.andi %parallel_loop3A_989, %parallel_loop3A_991 : vector<16xi32>
        %parallel_loop3A_993 = tpu.vector_load_idx %arg7[%parallel_loop3A_566, %parallel_loop3A_992] : memref<128x64xf32, #tpu.memory_space<vmem>>[vector<16xi32>, vector<16xi32>], vector<16xf32>,
        tpu.vector_store_idx %arg9[%parallel_loop3A_992, %parallel_loop3A_566], %parallel_loop3A_993 : memref<64x128xf32, #tpu.memory_space<vmem>>[vector<16xi32>, vector<16xi32>], vector<16xf32>,
        %parallel_loop3A_994 = arith.constant 61 : i32
        %parallel_loop3A_995 = vector.broadcast %parallel_loop3A_994 : i32 to vector<16xi32>
        %parallel_loop3A_996 = arith.addi %iota3A, %parallel_loop3A_995 : vector<16xi32>
        %parallel_loop3A_997 = arith.constant 63 : i32
        %parallel_loop3A_998 = vector.broadcast %parallel_loop3A_997 : i32 to vector<16xi32>
        %parallel_loop3A_999 = arith.andi %parallel_loop3A_996, %parallel_loop3A_998 : vector<16xi32>
        %parallel_loop3A_1000 = tpu.vector_load_idx %arg7[%parallel_loop3A_566, %parallel_loop3A_999] : memref<128x64xf32, #tpu.memory_space<vmem>>[vector<16xi32>, vector<16xi32>], vector<16xf32>,
        tpu.vector_store_idx %arg9[%parallel_loop3A_999, %parallel_loop3A_566], %parallel_loop3A_1000 : memref<64x128xf32, #tpu.memory_space<vmem>>[vector<16xi32>, vector<16xi32>], vector<16xf32>,
        %parallel_loop3A_1001 = arith.constant 62 : i32
        %parallel_loop3A_1002 = vector.broadcast %parallel_loop3A_1001 : i32 to vector<16xi32>
        %parallel_loop3A_1003 = arith.addi %iota3A, %parallel_loop3A_1002 : vector<16xi32>
        %parallel_loop3A_1004 = arith.constant 63 : i32
        %parallel_loop3A_1005 = vector.broadcast %parallel_loop3A_1004 : i32 to vector<16xi32>
        %parallel_loop3A_1006 = arith.andi %parallel_loop3A_1003, %parallel_loop3A_1005 : vector<16xi32>
        %parallel_loop3A_1007 = tpu.vector_load_idx %arg7[%parallel_loop3A_566, %parallel_loop3A_1006] : memref<128x64xf32, #tpu.memory_space<vmem>>[vector<16xi32>, vector<16xi32>], vector<16xf32>,
        tpu.vector_store_idx %arg9[%parallel_loop3A_1006, %parallel_loop3A_566], %parallel_loop3A_1007 : memref<64x128xf32, #tpu.memory_space<vmem>>[vector<16xi32>, vector<16xi32>], vector<16xf32>,
        %parallel_loop3A_1008 = arith.constant 63 : i32
        %parallel_loop3A_1009 = vector.broadcast %parallel_loop3A_1008 : i32 to vector<16xi32>
        %parallel_loop3A_1010 = arith.addi %iota3A, %parallel_loop3A_1009 : vector<16xi32>
        %parallel_loop3A_1011 = arith.constant 63 : i32
        %parallel_loop3A_1012 = vector.broadcast %parallel_loop3A_1011 : i32 to vector<16xi32>
        %parallel_loop3A_1013 = arith.andi %parallel_loop3A_1010, %parallel_loop3A_1012 : vector<16xi32>
        %parallel_loop3A_1014 = tpu.vector_load_idx %arg7[%parallel_loop3A_566, %parallel_loop3A_1013] : memref<128x64xf32, #tpu.memory_space<vmem>>[vector<16xi32>, vector<16xi32>], vector<16xf32>,
        tpu.vector_store_idx %arg9[%parallel_loop3A_1013, %parallel_loop3A_566], %parallel_loop3A_1014 : memref<64x128xf32, #tpu.memory_space<vmem>>[vector<16xi32>, vector<16xi32>], vector<16xf32>,
      } {sc.loop_unroll_factor = 4 : i64, sc.parallel_access}
      %dma_start3A_295 = arith.constant 0 : i32
      %dma_start3A_296 = arith.constant 0 : i32
      %dma_start3A_297 = arith.constant 0 : i32
      %dma_start3A_298 = tpu.memref_slice %arg9[%dma_start3A_296, %dma_start3A_297] : memref<64x128xf32, #tpu.memory_space<vmem>> -> memref<8x128xf32, #tpu.memory_space<vmem>>
      %dma_start3A_299 = arith.constant 0 : i32
      %dma_start3A_300 = arith.constant 0 : i32
      %dma_start3A_301 = tpu.memref_slice %arg4[%mul3A_283, %dma_start3A_295, %add3A, %dma_start3A_299, %dma_start3A_300] : memref<200x8x32x8x128xf32, #tpu.memory_space<hbm>> -> memref<1x1x1x8x128xf32, #tpu.memory_space<hbm>>
      %dma_start3A_302 = tpu.memref_squeeze %dma_start3A_301 : memref<1x1x1x8x128xf32, #tpu.memory_space<hbm>> -> memref<8x128xf32, #tpu.memory_space<hbm>>
      %dma_start3A_303 = arith.constant 0 : i32
      %dma_start3A_304 = arith.constant 0 : i32
      %dma_start3A_305 = tpu.memref_slice %arg4[%mul3A_283, %dma_start3A_295, %add3A, %dma_start3A_303, %dma_start3A_304] : memref<200x8x32x8x128xf32, #tpu.memory_space<hbm>> -> memref<1x1x1x8x128xf32, #tpu.memory_space<hbm>>
      %dma_start3A_306 = tpu.memref_squeeze %dma_start3A_305 : memref<1x1x1x8x128xf32, #tpu.memory_space<hbm>> -> memref<8x128xf32, #tpu.memory_space<hbm>>
      %dma_start3A_307 = arith.constant 0 : i32
      %dma_start3A_308 = arith.constant 0 : i32
      %dma_start3A_309 = tpu.memref_slice %arg9[%dma_start3A_307, %dma_start3A_308] : memref<64x128xf32, #tpu.memory_space<vmem>> -> memref<8x128xf32, #tpu.memory_space<vmem>>
      tpu.enqueue_dma source(%dma_start3A_309 : memref<8x128xf32, #tpu.memory_space<vmem>>) target(%dma_start3A_306 : memref<8x128xf32, #tpu.memory_space<hbm>>) target_semaphore(%arg13 : memref<!tpu.dma_semaphore, #tpu.memory_space<semaphore_mem>>)
      %dma_start3A_310 = arith.constant 1 : i32
      %dma_start3A_311 = arith.constant 8 : i32
      %dma_start3A_312 = arith.constant 0 : i32
      %dma_start3A_313 = tpu.memref_slice %arg9[%dma_start3A_311, %dma_start3A_312] : memref<64x128xf32, #tpu.memory_space<vmem>> -> memref<8x128xf32, #tpu.memory_space<vmem>>
      %dma_start3A_314 = arith.constant 0 : i32
      %dma_start3A_315 = arith.constant 0 : i32
      %dma_start3A_316 = tpu.memref_slice %arg4[%mul3A_283, %dma_start3A_310, %add3A, %dma_start3A_314, %dma_start3A_315] : memref<200x8x32x8x128xf32, #tpu.memory_space<hbm>> -> memref<1x1x1x8x128xf32, #tpu.memory_space<hbm>>
      %dma_start3A_317 = tpu.memref_squeeze %dma_start3A_316 : memref<1x1x1x8x128xf32, #tpu.memory_space<hbm>> -> memref<8x128xf32, #tpu.memory_space<hbm>>
      %dma_start3A_318 = arith.constant 0 : i32
      %dma_start3A_319 = arith.constant 0 : i32
      %dma_start3A_320 = tpu.memref_slice %arg4[%mul3A_283, %dma_start3A_310, %add3A, %dma_start3A_318, %dma_start3A_319] : memref<200x8x32x8x128xf32, #tpu.memory_space<hbm>> -> memref<1x1x1x8x128xf32, #tpu.memory_space<hbm>>
      %dma_start3A_321 = tpu.memref_squeeze %dma_start3A_320 : memref<1x1x1x8x128xf32, #tpu.memory_space<hbm>> -> memref<8x128xf32, #tpu.memory_space<hbm>>
      %dma_start3A_322 = arith.constant 8 : i32
      %dma_start3A_323 = arith.constant 0 : i32
      %dma_start3A_324 = tpu.memref_slice %arg9[%dma_start3A_322, %dma_start3A_323] : memref<64x128xf32, #tpu.memory_space<vmem>> -> memref<8x128xf32, #tpu.memory_space<vmem>>
      tpu.enqueue_dma source(%dma_start3A_324 : memref<8x128xf32, #tpu.memory_space<vmem>>) target(%dma_start3A_321 : memref<8x128xf32, #tpu.memory_space<hbm>>) target_semaphore(%arg13 : memref<!tpu.dma_semaphore, #tpu.memory_space<semaphore_mem>>)
      %dma_start3A_325 = arith.constant 2 : i32
      %dma_start3A_326 = arith.constant 16 : i32
      %dma_start3A_327 = arith.constant 0 : i32
      %dma_start3A_328 = tpu.memref_slice %arg9[%dma_start3A_326, %dma_start3A_327] : memref<64x128xf32, #tpu.memory_space<vmem>> -> memref<8x128xf32, #tpu.memory_space<vmem>>
      %dma_start3A_329 = arith.constant 0 : i32
      %dma_start3A_330 = arith.constant 0 : i32
      %dma_start3A_331 = tpu.memref_slice %arg4[%mul3A_283, %dma_start3A_325, %add3A, %dma_start3A_329, %dma_start3A_330] : memref<200x8x32x8x128xf32, #tpu.memory_space<hbm>> -> memref<1x1x1x8x128xf32, #tpu.memory_space<hbm>>
      %dma_start3A_332 = tpu.memref_squeeze %dma_start3A_331 : memref<1x1x1x8x128xf32, #tpu.memory_space<hbm>> -> memref<8x128xf32, #tpu.memory_space<hbm>>
      %dma_start3A_333 = arith.constant 0 : i32
      %dma_start3A_334 = arith.constant 0 : i32
      %dma_start3A_335 = tpu.memref_slice %arg4[%mul3A_283, %dma_start3A_325, %add3A, %dma_start3A_333, %dma_start3A_334] : memref<200x8x32x8x128xf32, #tpu.memory_space<hbm>> -> memref<1x1x1x8x128xf32, #tpu.memory_space<hbm>>
      %dma_start3A_336 = tpu.memref_squeeze %dma_start3A_335 : memref<1x1x1x8x128xf32, #tpu.memory_space<hbm>> -> memref<8x128xf32, #tpu.memory_space<hbm>>
      %dma_start3A_337 = arith.constant 16 : i32
      %dma_start3A_338 = arith.constant 0 : i32
      %dma_start3A_339 = tpu.memref_slice %arg9[%dma_start3A_337, %dma_start3A_338] : memref<64x128xf32, #tpu.memory_space<vmem>> -> memref<8x128xf32, #tpu.memory_space<vmem>>
      tpu.enqueue_dma source(%dma_start3A_339 : memref<8x128xf32, #tpu.memory_space<vmem>>) target(%dma_start3A_336 : memref<8x128xf32, #tpu.memory_space<hbm>>) target_semaphore(%arg13 : memref<!tpu.dma_semaphore, #tpu.memory_space<semaphore_mem>>)
      %dma_start3A_340 = arith.constant 3 : i32
      %dma_start3A_341 = arith.constant 24 : i32
      %dma_start3A_342 = arith.constant 0 : i32
      %dma_start3A_343 = tpu.memref_slice %arg9[%dma_start3A_341, %dma_start3A_342] : memref<64x128xf32, #tpu.memory_space<vmem>> -> memref<8x128xf32, #tpu.memory_space<vmem>>
      %dma_start3A_344 = arith.constant 0 : i32
      %dma_start3A_345 = arith.constant 0 : i32
      %dma_start3A_346 = tpu.memref_slice %arg4[%mul3A_283, %dma_start3A_340, %add3A, %dma_start3A_344, %dma_start3A_345] : memref<200x8x32x8x128xf32, #tpu.memory_space<hbm>> -> memref<1x1x1x8x128xf32, #tpu.memory_space<hbm>>
      %dma_start3A_347 = tpu.memref_squeeze %dma_start3A_346 : memref<1x1x1x8x128xf32, #tpu.memory_space<hbm>> -> memref<8x128xf32, #tpu.memory_space<hbm>>
      %dma_start3A_348 = arith.constant 0 : i32
      %dma_start3A_349 = arith.constant 0 : i32
      %dma_start3A_350 = tpu.memref_slice %arg4[%mul3A_283, %dma_start3A_340, %add3A, %dma_start3A_348, %dma_start3A_349] : memref<200x8x32x8x128xf32, #tpu.memory_space<hbm>> -> memref<1x1x1x8x128xf32, #tpu.memory_space<hbm>>
      %dma_start3A_351 = tpu.memref_squeeze %dma_start3A_350 : memref<1x1x1x8x128xf32, #tpu.memory_space<hbm>> -> memref<8x128xf32, #tpu.memory_space<hbm>>
      %dma_start3A_352 = arith.constant 24 : i32
      %dma_start3A_353 = arith.constant 0 : i32
      %dma_start3A_354 = tpu.memref_slice %arg9[%dma_start3A_352, %dma_start3A_353] : memref<64x128xf32, #tpu.memory_space<vmem>> -> memref<8x128xf32, #tpu.memory_space<vmem>>
      tpu.enqueue_dma source(%dma_start3A_354 : memref<8x128xf32, #tpu.memory_space<vmem>>) target(%dma_start3A_351 : memref<8x128xf32, #tpu.memory_space<hbm>>) target_semaphore(%arg13 : memref<!tpu.dma_semaphore, #tpu.memory_space<semaphore_mem>>)
      %dma_start3A_355 = arith.constant 4 : i32
      %dma_start3A_356 = arith.constant 32 : i32
      %dma_start3A_357 = arith.constant 0 : i32
      %dma_start3A_358 = tpu.memref_slice %arg9[%dma_start3A_356, %dma_start3A_357] : memref<64x128xf32, #tpu.memory_space<vmem>> -> memref<8x128xf32, #tpu.memory_space<vmem>>
      %dma_start3A_359 = arith.constant 0 : i32
      %dma_start3A_360 = arith.constant 0 : i32
      %dma_start3A_361 = tpu.memref_slice %arg4[%mul3A_283, %dma_start3A_355, %add3A, %dma_start3A_359, %dma_start3A_360] : memref<200x8x32x8x128xf32, #tpu.memory_space<hbm>> -> memref<1x1x1x8x128xf32, #tpu.memory_space<hbm>>
      %dma_start3A_362 = tpu.memref_squeeze %dma_start3A_361 : memref<1x1x1x8x128xf32, #tpu.memory_space<hbm>> -> memref<8x128xf32, #tpu.memory_space<hbm>>
      %dma_start3A_363 = arith.constant 0 : i32
      %dma_start3A_364 = arith.constant 0 : i32
      %dma_start3A_365 = tpu.memref_slice %arg4[%mul3A_283, %dma_start3A_355, %add3A, %dma_start3A_363, %dma_start3A_364] : memref<200x8x32x8x128xf32, #tpu.memory_space<hbm>> -> memref<1x1x1x8x128xf32, #tpu.memory_space<hbm>>
      %dma_start3A_366 = tpu.memref_squeeze %dma_start3A_365 : memref<1x1x1x8x128xf32, #tpu.memory_space<hbm>> -> memref<8x128xf32, #tpu.memory_space<hbm>>
      %dma_start3A_367 = arith.constant 32 : i32
      %dma_start3A_368 = arith.constant 0 : i32
      %dma_start3A_369 = tpu.memref_slice %arg9[%dma_start3A_367, %dma_start3A_368] : memref<64x128xf32, #tpu.memory_space<vmem>> -> memref<8x128xf32, #tpu.memory_space<vmem>>
      tpu.enqueue_dma source(%dma_start3A_369 : memref<8x128xf32, #tpu.memory_space<vmem>>) target(%dma_start3A_366 : memref<8x128xf32, #tpu.memory_space<hbm>>) target_semaphore(%arg13 : memref<!tpu.dma_semaphore, #tpu.memory_space<semaphore_mem>>)
      %dma_start3A_370 = arith.constant 5 : i32
      %dma_start3A_371 = arith.constant 40 : i32
      %dma_start3A_372 = arith.constant 0 : i32
      %dma_start3A_373 = tpu.memref_slice %arg9[%dma_start3A_371, %dma_start3A_372] : memref<64x128xf32, #tpu.memory_space<vmem>> -> memref<8x128xf32, #tpu.memory_space<vmem>>
      %dma_start3A_374 = arith.constant 0 : i32
      %dma_start3A_375 = arith.constant 0 : i32
      %dma_start3A_376 = tpu.memref_slice %arg4[%mul3A_283, %dma_start3A_370, %add3A, %dma_start3A_374, %dma_start3A_375] : memref<200x8x32x8x128xf32, #tpu.memory_space<hbm>> -> memref<1x1x1x8x128xf32, #tpu.memory_space<hbm>>
      %dma_start3A_377 = tpu.memref_squeeze %dma_start3A_376 : memref<1x1x1x8x128xf32, #tpu.memory_space<hbm>> -> memref<8x128xf32, #tpu.memory_space<hbm>>
      %dma_start3A_378 = arith.constant 0 : i32
      %dma_start3A_379 = arith.constant 0 : i32
      %dma_start3A_380 = tpu.memref_slice %arg4[%mul3A_283, %dma_start3A_370, %add3A, %dma_start3A_378, %dma_start3A_379] : memref<200x8x32x8x128xf32, #tpu.memory_space<hbm>> -> memref<1x1x1x8x128xf32, #tpu.memory_space<hbm>>
      %dma_start3A_381 = tpu.memref_squeeze %dma_start3A_380 : memref<1x1x1x8x128xf32, #tpu.memory_space<hbm>> -> memref<8x128xf32, #tpu.memory_space<hbm>>
      %dma_start3A_382 = arith.constant 40 : i32
      %dma_start3A_383 = arith.constant 0 : i32
      %dma_start3A_384 = tpu.memref_slice %arg9[%dma_start3A_382, %dma_start3A_383] : memref<64x128xf32, #tpu.memory_space<vmem>> -> memref<8x128xf32, #tpu.memory_space<vmem>>
      tpu.enqueue_dma source(%dma_start3A_384 : memref<8x128xf32, #tpu.memory_space<vmem>>) target(%dma_start3A_381 : memref<8x128xf32, #tpu.memory_space<hbm>>) target_semaphore(%arg13 : memref<!tpu.dma_semaphore, #tpu.memory_space<semaphore_mem>>)
      %dma_start3A_385 = arith.constant 6 : i32
      %dma_start3A_386 = arith.constant 48 : i32
      %dma_start3A_387 = arith.constant 0 : i32
      %dma_start3A_388 = tpu.memref_slice %arg9[%dma_start3A_386, %dma_start3A_387] : memref<64x128xf32, #tpu.memory_space<vmem>> -> memref<8x128xf32, #tpu.memory_space<vmem>>
      %dma_start3A_389 = arith.constant 0 : i32
      %dma_start3A_390 = arith.constant 0 : i32
      %dma_start3A_391 = tpu.memref_slice %arg4[%mul3A_283, %dma_start3A_385, %add3A, %dma_start3A_389, %dma_start3A_390] : memref<200x8x32x8x128xf32, #tpu.memory_space<hbm>> -> memref<1x1x1x8x128xf32, #tpu.memory_space<hbm>>
      %dma_start3A_392 = tpu.memref_squeeze %dma_start3A_391 : memref<1x1x1x8x128xf32, #tpu.memory_space<hbm>> -> memref<8x128xf32, #tpu.memory_space<hbm>>
      %dma_start3A_393 = arith.constant 0 : i32
      %dma_start3A_394 = arith.constant 0 : i32
      %dma_start3A_395 = tpu.memref_slice %arg4[%mul3A_283, %dma_start3A_385, %add3A, %dma_start3A_393, %dma_start3A_394] : memref<200x8x32x8x128xf32, #tpu.memory_space<hbm>> -> memref<1x1x1x8x128xf32, #tpu.memory_space<hbm>>
      %dma_start3A_396 = tpu.memref_squeeze %dma_start3A_395 : memref<1x1x1x8x128xf32, #tpu.memory_space<hbm>> -> memref<8x128xf32, #tpu.memory_space<hbm>>
      %dma_start3A_397 = arith.constant 48 : i32
      %dma_start3A_398 = arith.constant 0 : i32
      %dma_start3A_399 = tpu.memref_slice %arg9[%dma_start3A_397, %dma_start3A_398] : memref<64x128xf32, #tpu.memory_space<vmem>> -> memref<8x128xf32, #tpu.memory_space<vmem>>
      tpu.enqueue_dma source(%dma_start3A_399 : memref<8x128xf32, #tpu.memory_space<vmem>>) target(%dma_start3A_396 : memref<8x128xf32, #tpu.memory_space<hbm>>) target_semaphore(%arg13 : memref<!tpu.dma_semaphore, #tpu.memory_space<semaphore_mem>>)
      %dma_start3A_400 = arith.constant 7 : i32
      %dma_start3A_401 = arith.constant 56 : i32
      %dma_start3A_402 = arith.constant 0 : i32
      %dma_start3A_403 = tpu.memref_slice %arg9[%dma_start3A_401, %dma_start3A_402] : memref<64x128xf32, #tpu.memory_space<vmem>> -> memref<8x128xf32, #tpu.memory_space<vmem>>
      %dma_start3A_404 = arith.constant 0 : i32
      %dma_start3A_405 = arith.constant 0 : i32
      %dma_start3A_406 = tpu.memref_slice %arg4[%mul3A_283, %dma_start3A_400, %add3A, %dma_start3A_404, %dma_start3A_405] : memref<200x8x32x8x128xf32, #tpu.memory_space<hbm>> -> memref<1x1x1x8x128xf32, #tpu.memory_space<hbm>>
      %dma_start3A_407 = tpu.memref_squeeze %dma_start3A_406 : memref<1x1x1x8x128xf32, #tpu.memory_space<hbm>> -> memref<8x128xf32, #tpu.memory_space<hbm>>
      %dma_start3A_408 = arith.constant 0 : i32
      %dma_start3A_409 = arith.constant 0 : i32
      %dma_start3A_410 = tpu.memref_slice %arg4[%mul3A_283, %dma_start3A_400, %add3A, %dma_start3A_408, %dma_start3A_409] : memref<200x8x32x8x128xf32, #tpu.memory_space<hbm>> -> memref<1x1x1x8x128xf32, #tpu.memory_space<hbm>>
      %dma_start3A_411 = tpu.memref_squeeze %dma_start3A_410 : memref<1x1x1x8x128xf32, #tpu.memory_space<hbm>> -> memref<8x128xf32, #tpu.memory_space<hbm>>
      %dma_start3A_412 = arith.constant 56 : i32
      %dma_start3A_413 = arith.constant 0 : i32
      %dma_start3A_414 = tpu.memref_slice %arg9[%dma_start3A_412, %dma_start3A_413] : memref<64x128xf32, #tpu.memory_space<vmem>> -> memref<8x128xf32, #tpu.memory_space<vmem>>
      tpu.enqueue_dma source(%dma_start3A_414 : memref<8x128xf32, #tpu.memory_space<vmem>>) target(%dma_start3A_411 : memref<8x128xf32, #tpu.memory_space<hbm>>) target_semaphore(%arg13 : memref<!tpu.dma_semaphore, #tpu.memory_space<semaphore_mem>>)
      %lt3A = arith.constant 99 : i32
      %lt3A_415 = arith.cmpi slt, %add3A_281, %lt3A : i32
      %convert_element_type3A_416 = arith.extui %lt3A_415 : i1 to i32
      %cond3A_417 = arith.constant 0 : i32
      %cond3A_418 = arith.cmpi ne, %convert_element_type3A_416, %cond3A_417 : i32
      scf.if %cond3A_418 {
        %add3A_562 = arith.constant 2 : i32
        %add3A_563 = arith.addi %mul3A_283, %add3A_562 : i32
        %dma_start3A_564 = arith.constant 0 : i32
        %dma_start3A_565 = tpu.memref_slice %arg6[%add3A_563, %dma_start3A_564] : memref<200x128xi32, #tpu.memory_space<vmem>> -> memref<1x128xi32, #tpu.memory_space<vmem>>
        %dma_start3A_566 = tpu.memref_squeeze %dma_start3A_565 : memref<1x128xi32, #tpu.memory_space<vmem>> -> memref<128xi32, #tpu.memory_space<vmem>>
        %dma_start3A_567 = arith.constant 0 : i32
        %dma_start3A_568 = arith.constant 0 : i32
        %dma_start3A_569 = tpu.memref_slice %arg3[%dma_start3A_567, %dma_start3A_568] : memref<100000x64xf32, #tpu.memory_space<hbm>> -> memref<100000x64xf32, #tpu.memory_space<hbm>>
        tpu.enqueue_indirect_dma source(%dma_start3A_569 : memref<100000x64xf32, #tpu.memory_space<hbm>>) target(%arg7 : memref<128x64xf32, #tpu.memory_space<vmem>>) offsets(%dma_start3A_566 : memref<128xi32, #tpu.memory_space<vmem>>) semaphore(%arg11 : memref<!tpu.dma_semaphore, #tpu.memory_space<semaphore_mem>>)
      } else {
      }
      %add3A_419 = arith.constant 1 : i32
      %add3A_420 = arith.addi %mul3A_283, %add3A_419 : i32
      %dma_wait3A_421 = arith.constant 0 : i32
      %dma_wait3A_422 = tpu.memref_slice %arg6[%add3A_420, %dma_wait3A_421] : memref<200x128xi32, #tpu.memory_space<vmem>> -> memref<1x128xi32, #tpu.memory_space<vmem>>
      %dma_wait3A_423 = tpu.memref_squeeze %dma_wait3A_422 : memref<1x128xi32, #tpu.memory_space<vmem>> -> memref<128xi32, #tpu.memory_space<vmem>>
      %dma_wait3A_424 = arith.constant 0 : i32
      %dma_wait3A_425 = arith.constant 0 : i32
      %dma_wait3A_426 = tpu.memref_slice %arg3[%dma_wait3A_424, %dma_wait3A_425] : memref<100000x64xf32, #tpu.memory_space<hbm>> -> memref<100000x64xf32, #tpu.memory_space<hbm>>
      tpu.wait_indirect_dma semaphore(%arg12 : memref<!tpu.dma_semaphore, #tpu.memory_space<semaphore_mem>>) src(%dma_wait3A_426 : memref<100000x64xf32, #tpu.memory_space<hbm>>) dst(%arg8 : memref<128x64xf32, #tpu.memory_space<vmem>>)
      %gt3A_427 = arith.constant 0 : i32
      %gt3A_428 = arith.cmpi sgt, %add3A_281, %gt3A_427 : i32
      %convert_element_type3A_429 = arith.extui %gt3A_428 : i1 to i32
      %cond3A_430 = arith.constant 0 : i32
      %cond3A_431 = arith.cmpi ne, %convert_element_type3A_429, %cond3A_430 : i32
      scf.if %cond3A_431 {
        %sub3A = arith.constant 1 : i32
        %sub3A_562 = arith.subi %mul3A_283, %sub3A : i32
        %dma_wait3A_563 = arith.constant 0 : i32
        %dma_wait3A_564 = arith.constant 0 : i32
        %dma_wait3A_565 = arith.constant 0 : i32
        %dma_wait3A_566 = tpu.memref_slice %arg10[%dma_wait3A_564, %dma_wait3A_565] : memref<64x128xf32, #tpu.memory_space<vmem>> -> memref<8x128xf32, #tpu.memory_space<vmem>>
        %dma_wait3A_567 = arith.constant 0 : i32
        %dma_wait3A_568 = arith.constant 0 : i32
        %dma_wait3A_569 = tpu.memref_slice %arg4[%sub3A_562, %dma_wait3A_563, %add3A, %dma_wait3A_567, %dma_wait3A_568] : memref<200x8x32x8x128xf32, #tpu.memory_space<hbm>> -> memref<1x1x1x8x128xf32, #tpu.memory_space<hbm>>
        %dma_wait3A_570 = tpu.memref_squeeze %dma_wait3A_569 : memref<1x1x1x8x128xf32, #tpu.memory_space<hbm>> -> memref<8x128xf32, #tpu.memory_space<hbm>>
        %dma_wait3A_571 = arith.constant 0 : i32
        %dma_wait3A_572 = arith.constant 0 : i32
        %dma_wait3A_573 = tpu.memref_slice %arg4[%sub3A_562, %dma_wait3A_563, %add3A, %dma_wait3A_571, %dma_wait3A_572] : memref<200x8x32x8x128xf32, #tpu.memory_space<hbm>> -> memref<1x1x1x8x128xf32, #tpu.memory_space<hbm>>
        %dma_wait3A_574 = tpu.memref_squeeze %dma_wait3A_573 : memref<1x1x1x8x128xf32, #tpu.memory_space<hbm>> -> memref<8x128xf32, #tpu.memory_space<hbm>>
        %dma_wait3A_575 = arith.constant 0 : i32
        %dma_wait3A_576 = arith.constant 0 : i32
        %dma_wait3A_577 = tpu.memref_slice %arg10[%dma_wait3A_575, %dma_wait3A_576] : memref<64x128xf32, #tpu.memory_space<vmem>> -> memref<8x128xf32, #tpu.memory_space<vmem>>
        tpu.wait_dma2 semaphore(%arg14 : memref<!tpu.dma_semaphore, #tpu.memory_space<semaphore_mem>>) src(%dma_wait3A_577 : memref<8x128xf32, #tpu.memory_space<vmem>>) dst(%dma_wait3A_574 : memref<8x128xf32, #tpu.memory_space<hbm>>)
        %dma_wait3A_578 = arith.constant 1 : i32
        %dma_wait3A_579 = arith.constant 8 : i32
        %dma_wait3A_580 = arith.constant 0 : i32
        %dma_wait3A_581 = tpu.memref_slice %arg10[%dma_wait3A_579, %dma_wait3A_580] : memref<64x128xf32, #tpu.memory_space<vmem>> -> memref<8x128xf32, #tpu.memory_space<vmem>>
        %dma_wait3A_582 = arith.constant 0 : i32
        %dma_wait3A_583 = arith.constant 0 : i32
        %dma_wait3A_584 = tpu.memref_slice %arg4[%sub3A_562, %dma_wait3A_578, %add3A, %dma_wait3A_582, %dma_wait3A_583] : memref<200x8x32x8x128xf32, #tpu.memory_space<hbm>> -> memref<1x1x1x8x128xf32, #tpu.memory_space<hbm>>
        %dma_wait3A_585 = tpu.memref_squeeze %dma_wait3A_584 : memref<1x1x1x8x128xf32, #tpu.memory_space<hbm>> -> memref<8x128xf32, #tpu.memory_space<hbm>>
        %dma_wait3A_586 = arith.constant 0 : i32
        %dma_wait3A_587 = arith.constant 0 : i32
        %dma_wait3A_588 = tpu.memref_slice %arg4[%sub3A_562, %dma_wait3A_578, %add3A, %dma_wait3A_586, %dma_wait3A_587] : memref<200x8x32x8x128xf32, #tpu.memory_space<hbm>> -> memref<1x1x1x8x128xf32, #tpu.memory_space<hbm>>
        %dma_wait3A_589 = tpu.memref_squeeze %dma_wait3A_588 : memref<1x1x1x8x128xf32, #tpu.memory_space<hbm>> -> memref<8x128xf32, #tpu.memory_space<hbm>>
        %dma_wait3A_590 = arith.constant 8 : i32
        %dma_wait3A_591 = arith.constant 0 : i32
        %dma_wait3A_592 = tpu.memref_slice %arg10[%dma_wait3A_590, %dma_wait3A_591] : memref<64x128xf32, #tpu.memory_space<vmem>> -> memref<8x128xf32, #tpu.memory_space<vmem>>
        tpu.wait_dma2 semaphore(%arg14 : memref<!tpu.dma_semaphore, #tpu.memory_space<semaphore_mem>>) src(%dma_wait3A_592 : memref<8x128xf32, #tpu.memory_space<vmem>>) dst(%dma_wait3A_589 : memref<8x128xf32, #tpu.memory_space<hbm>>)
        %dma_wait3A_593 = arith.constant 2 : i32
        %dma_wait3A_594 = arith.constant 16 : i32
        %dma_wait3A_595 = arith.constant 0 : i32
        %dma_wait3A_596 = tpu.memref_slice %arg10[%dma_wait3A_594, %dma_wait3A_595] : memref<64x128xf32, #tpu.memory_space<vmem>> -> memref<8x128xf32, #tpu.memory_space<vmem>>
        %dma_wait3A_597 = arith.constant 0 : i32
        %dma_wait3A_598 = arith.constant 0 : i32
        %dma_wait3A_599 = tpu.memref_slice %arg4[%sub3A_562, %dma_wait3A_593, %add3A, %dma_wait3A_597, %dma_wait3A_598] : memref<200x8x32x8x128xf32, #tpu.memory_space<hbm>> -> memref<1x1x1x8x128xf32, #tpu.memory_space<hbm>>
        %dma_wait3A_600 = tpu.memref_squeeze %dma_wait3A_599 : memref<1x1x1x8x128xf32, #tpu.memory_space<hbm>> -> memref<8x128xf32, #tpu.memory_space<hbm>>
        %dma_wait3A_601 = arith.constant 0 : i32
        %dma_wait3A_602 = arith.constant 0 : i32
        %dma_wait3A_603 = tpu.memref_slice %arg4[%sub3A_562, %dma_wait3A_593, %add3A, %dma_wait3A_601, %dma_wait3A_602] : memref<200x8x32x8x128xf32, #tpu.memory_space<hbm>> -> memref<1x1x1x8x128xf32, #tpu.memory_space<hbm>>
        %dma_wait3A_604 = tpu.memref_squeeze %dma_wait3A_603 : memref<1x1x1x8x128xf32, #tpu.memory_space<hbm>> -> memref<8x128xf32, #tpu.memory_space<hbm>>
        %dma_wait3A_605 = arith.constant 16 : i32
        %dma_wait3A_606 = arith.constant 0 : i32
        %dma_wait3A_607 = tpu.memref_slice %arg10[%dma_wait3A_605, %dma_wait3A_606] : memref<64x128xf32, #tpu.memory_space<vmem>> -> memref<8x128xf32, #tpu.memory_space<vmem>>
        tpu.wait_dma2 semaphore(%arg14 : memref<!tpu.dma_semaphore, #tpu.memory_space<semaphore_mem>>) src(%dma_wait3A_607 : memref<8x128xf32, #tpu.memory_space<vmem>>) dst(%dma_wait3A_604 : memref<8x128xf32, #tpu.memory_space<hbm>>)
        %dma_wait3A_608 = arith.constant 3 : i32
        %dma_wait3A_609 = arith.constant 24 : i32
        %dma_wait3A_610 = arith.constant 0 : i32
        %dma_wait3A_611 = tpu.memref_slice %arg10[%dma_wait3A_609, %dma_wait3A_610] : memref<64x128xf32, #tpu.memory_space<vmem>> -> memref<8x128xf32, #tpu.memory_space<vmem>>
        %dma_wait3A_612 = arith.constant 0 : i32
        %dma_wait3A_613 = arith.constant 0 : i32
        %dma_wait3A_614 = tpu.memref_slice %arg4[%sub3A_562, %dma_wait3A_608, %add3A, %dma_wait3A_612, %dma_wait3A_613] : memref<200x8x32x8x128xf32, #tpu.memory_space<hbm>> -> memref<1x1x1x8x128xf32, #tpu.memory_space<hbm>>
        %dma_wait3A_615 = tpu.memref_squeeze %dma_wait3A_614 : memref<1x1x1x8x128xf32, #tpu.memory_space<hbm>> -> memref<8x128xf32, #tpu.memory_space<hbm>>
        %dma_wait3A_616 = arith.constant 0 : i32
        %dma_wait3A_617 = arith.constant 0 : i32
        %dma_wait3A_618 = tpu.memref_slice %arg4[%sub3A_562, %dma_wait3A_608, %add3A, %dma_wait3A_616, %dma_wait3A_617] : memref<200x8x32x8x128xf32, #tpu.memory_space<hbm>> -> memref<1x1x1x8x128xf32, #tpu.memory_space<hbm>>
        %dma_wait3A_619 = tpu.memref_squeeze %dma_wait3A_618 : memref<1x1x1x8x128xf32, #tpu.memory_space<hbm>> -> memref<8x128xf32, #tpu.memory_space<hbm>>
        %dma_wait3A_620 = arith.constant 24 : i32
        %dma_wait3A_621 = arith.constant 0 : i32
        %dma_wait3A_622 = tpu.memref_slice %arg10[%dma_wait3A_620, %dma_wait3A_621] : memref<64x128xf32, #tpu.memory_space<vmem>> -> memref<8x128xf32, #tpu.memory_space<vmem>>
        tpu.wait_dma2 semaphore(%arg14 : memref<!tpu.dma_semaphore, #tpu.memory_space<semaphore_mem>>) src(%dma_wait3A_622 : memref<8x128xf32, #tpu.memory_space<vmem>>) dst(%dma_wait3A_619 : memref<8x128xf32, #tpu.memory_space<hbm>>)
        %dma_wait3A_623 = arith.constant 4 : i32
        %dma_wait3A_624 = arith.constant 32 : i32
        %dma_wait3A_625 = arith.constant 0 : i32
        %dma_wait3A_626 = tpu.memref_slice %arg10[%dma_wait3A_624, %dma_wait3A_625] : memref<64x128xf32, #tpu.memory_space<vmem>> -> memref<8x128xf32, #tpu.memory_space<vmem>>
        %dma_wait3A_627 = arith.constant 0 : i32
        %dma_wait3A_628 = arith.constant 0 : i32
        %dma_wait3A_629 = tpu.memref_slice %arg4[%sub3A_562, %dma_wait3A_623, %add3A, %dma_wait3A_627, %dma_wait3A_628] : memref<200x8x32x8x128xf32, #tpu.memory_space<hbm>> -> memref<1x1x1x8x128xf32, #tpu.memory_space<hbm>>
        %dma_wait3A_630 = tpu.memref_squeeze %dma_wait3A_629 : memref<1x1x1x8x128xf32, #tpu.memory_space<hbm>> -> memref<8x128xf32, #tpu.memory_space<hbm>>
        %dma_wait3A_631 = arith.constant 0 : i32
        %dma_wait3A_632 = arith.constant 0 : i32
        %dma_wait3A_633 = tpu.memref_slice %arg4[%sub3A_562, %dma_wait3A_623, %add3A, %dma_wait3A_631, %dma_wait3A_632] : memref<200x8x32x8x128xf32, #tpu.memory_space<hbm>> -> memref<1x1x1x8x128xf32, #tpu.memory_space<hbm>>
        %dma_wait3A_634 = tpu.memref_squeeze %dma_wait3A_633 : memref<1x1x1x8x128xf32, #tpu.memory_space<hbm>> -> memref<8x128xf32, #tpu.memory_space<hbm>>
        %dma_wait3A_635 = arith.constant 32 : i32
        %dma_wait3A_636 = arith.constant 0 : i32
        %dma_wait3A_637 = tpu.memref_slice %arg10[%dma_wait3A_635, %dma_wait3A_636] : memref<64x128xf32, #tpu.memory_space<vmem>> -> memref<8x128xf32, #tpu.memory_space<vmem>>
        tpu.wait_dma2 semaphore(%arg14 : memref<!tpu.dma_semaphore, #tpu.memory_space<semaphore_mem>>) src(%dma_wait3A_637 : memref<8x128xf32, #tpu.memory_space<vmem>>) dst(%dma_wait3A_634 : memref<8x128xf32, #tpu.memory_space<hbm>>)
        %dma_wait3A_638 = arith.constant 5 : i32
        %dma_wait3A_639 = arith.constant 40 : i32
        %dma_wait3A_640 = arith.constant 0 : i32
        %dma_wait3A_641 = tpu.memref_slice %arg10[%dma_wait3A_639, %dma_wait3A_640] : memref<64x128xf32, #tpu.memory_space<vmem>> -> memref<8x128xf32, #tpu.memory_space<vmem>>
        %dma_wait3A_642 = arith.constant 0 : i32
        %dma_wait3A_643 = arith.constant 0 : i32
        %dma_wait3A_644 = tpu.memref_slice %arg4[%sub3A_562, %dma_wait3A_638, %add3A, %dma_wait3A_642, %dma_wait3A_643] : memref<200x8x32x8x128xf32, #tpu.memory_space<hbm>> -> memref<1x1x1x8x128xf32, #tpu.memory_space<hbm>>
        %dma_wait3A_645 = tpu.memref_squeeze %dma_wait3A_644 : memref<1x1x1x8x128xf32, #tpu.memory_space<hbm>> -> memref<8x128xf32, #tpu.memory_space<hbm>>
        %dma_wait3A_646 = arith.constant 0 : i32
        %dma_wait3A_647 = arith.constant 0 : i32
        %dma_wait3A_648 = tpu.memref_slice %arg4[%sub3A_562, %dma_wait3A_638, %add3A, %dma_wait3A_646, %dma_wait3A_647] : memref<200x8x32x8x128xf32, #tpu.memory_space<hbm>> -> memref<1x1x1x8x128xf32, #tpu.memory_space<hbm>>
        %dma_wait3A_649 = tpu.memref_squeeze %dma_wait3A_648 : memref<1x1x1x8x128xf32, #tpu.memory_space<hbm>> -> memref<8x128xf32, #tpu.memory_space<hbm>>
        %dma_wait3A_650 = arith.constant 40 : i32
        %dma_wait3A_651 = arith.constant 0 : i32
        %dma_wait3A_652 = tpu.memref_slice %arg10[%dma_wait3A_650, %dma_wait3A_651] : memref<64x128xf32, #tpu.memory_space<vmem>> -> memref<8x128xf32, #tpu.memory_space<vmem>>
        tpu.wait_dma2 semaphore(%arg14 : memref<!tpu.dma_semaphore, #tpu.memory_space<semaphore_mem>>) src(%dma_wait3A_652 : memref<8x128xf32, #tpu.memory_space<vmem>>) dst(%dma_wait3A_649 : memref<8x128xf32, #tpu.memory_space<hbm>>)
        %dma_wait3A_653 = arith.constant 6 : i32
        %dma_wait3A_654 = arith.constant 48 : i32
        %dma_wait3A_655 = arith.constant 0 : i32
        %dma_wait3A_656 = tpu.memref_slice %arg10[%dma_wait3A_654, %dma_wait3A_655] : memref<64x128xf32, #tpu.memory_space<vmem>> -> memref<8x128xf32, #tpu.memory_space<vmem>>
        %dma_wait3A_657 = arith.constant 0 : i32
        %dma_wait3A_658 = arith.constant 0 : i32
        %dma_wait3A_659 = tpu.memref_slice %arg4[%sub3A_562, %dma_wait3A_653, %add3A, %dma_wait3A_657, %dma_wait3A_658] : memref<200x8x32x8x128xf32, #tpu.memory_space<hbm>> -> memref<1x1x1x8x128xf32, #tpu.memory_space<hbm>>
        %dma_wait3A_660 = tpu.memref_squeeze %dma_wait3A_659 : memref<1x1x1x8x128xf32, #tpu.memory_space<hbm>> -> memref<8x128xf32, #tpu.memory_space<hbm>>
        %dma_wait3A_661 = arith.constant 0 : i32
        %dma_wait3A_662 = arith.constant 0 : i32
        %dma_wait3A_663 = tpu.memref_slice %arg4[%sub3A_562, %dma_wait3A_653, %add3A, %dma_wait3A_661, %dma_wait3A_662] : memref<200x8x32x8x128xf32, #tpu.memory_space<hbm>> -> memref<1x1x1x8x128xf32, #tpu.memory_space<hbm>>
        %dma_wait3A_664 = tpu.memref_squeeze %dma_wait3A_663 : memref<1x1x1x8x128xf32, #tpu.memory_space<hbm>> -> memref<8x128xf32, #tpu.memory_space<hbm>>
        %dma_wait3A_665 = arith.constant 48 : i32
        %dma_wait3A_666 = arith.constant 0 : i32
        %dma_wait3A_667 = tpu.memref_slice %arg10[%dma_wait3A_665, %dma_wait3A_666] : memref<64x128xf32, #tpu.memory_space<vmem>> -> memref<8x128xf32, #tpu.memory_space<vmem>>
        tpu.wait_dma2 semaphore(%arg14 : memref<!tpu.dma_semaphore, #tpu.memory_space<semaphore_mem>>) src(%dma_wait3A_667 : memref<8x128xf32, #tpu.memory_space<vmem>>) dst(%dma_wait3A_664 : memref<8x128xf32, #tpu.memory_space<hbm>>)
        %dma_wait3A_668 = arith.constant 7 : i32
        %dma_wait3A_669 = arith.constant 56 : i32
        %dma_wait3A_670 = arith.constant 0 : i32
        %dma_wait3A_671 = tpu.memref_slice %arg10[%dma_wait3A_669, %dma_wait3A_670] : memref<64x128xf32, #tpu.memory_space<vmem>> -> memref<8x128xf32, #tpu.memory_space<vmem>>
        %dma_wait3A_672 = arith.constant 0 : i32
        %dma_wait3A_673 = arith.constant 0 : i32
        %dma_wait3A_674 = tpu.memref_slice %arg4[%sub3A_562, %dma_wait3A_668, %add3A, %dma_wait3A_672, %dma_wait3A_673] : memref<200x8x32x8x128xf32, #tpu.memory_space<hbm>> -> memref<1x1x1x8x128xf32, #tpu.memory_space<hbm>>
        %dma_wait3A_675 = tpu.memref_squeeze %dma_wait3A_674 : memref<1x1x1x8x128xf32, #tpu.memory_space<hbm>> -> memref<8x128xf32, #tpu.memory_space<hbm>>
        %dma_wait3A_676 = arith.constant 0 : i32
        %dma_wait3A_677 = arith.constant 0 : i32
        %dma_wait3A_678 = tpu.memref_slice %arg4[%sub3A_562, %dma_wait3A_668, %add3A, %dma_wait3A_676, %dma_wait3A_677] : memref<200x8x32x8x128xf32, #tpu.memory_space<hbm>> -> memref<1x1x1x8x128xf32, #tpu.memory_space<hbm>>
        %dma_wait3A_679 = tpu.memref_squeeze %dma_wait3A_678 : memref<1x1x1x8x128xf32, #tpu.memory_space<hbm>> -> memref<8x128xf32, #tpu.memory_space<hbm>>
        %dma_wait3A_680 = arith.constant 56 : i32
        %dma_wait3A_681 = arith.constant 0 : i32
        %dma_wait3A_682 = tpu.memref_slice %arg10[%dma_wait3A_680, %dma_wait3A_681] : memref<64x128xf32, #tpu.memory_space<vmem>> -> memref<8x128xf32, #tpu.memory_space<vmem>>
        tpu.wait_dma2 semaphore(%arg14 : memref<!tpu.dma_semaphore, #tpu.memory_space<semaphore_mem>>) src(%dma_wait3A_682 : memref<8x128xf32, #tpu.memory_space<vmem>>) dst(%dma_wait3A_679 : memref<8x128xf32, #tpu.memory_space<hbm>>)
      } else {
      }
      %parallel_loop3A_432 = arith.constant 0 : i32
      %parallel_loop3A_433 = arith.constant 8 : i32
      %parallel_loop3A_434 = arith.constant 1 : i32
      scf.for %parallel_loop3A_562 = %parallel_loop3A_432 to %parallel_loop3A_433 step %parallel_loop3A_434  : i32 {
        %parallel_loop3A_563 = arith.constant 4 : i32
        %parallel_loop3A_564 = arith.shli %parallel_loop3A_562, %parallel_loop3A_563 : i32
        %parallel_loop3A_565 = vector.broadcast %parallel_loop3A_564 : i32 to vector<16xi32>
        %parallel_loop3A_566 = arith.addi %iota3A, %parallel_loop3A_565 : vector<16xi32>
        %parallel_loop3A_567 = arith.constant 0 : i32
        %parallel_loop3A_568 = vector.broadcast %parallel_loop3A_567 : i32 to vector<16xi32>
        %parallel_loop3A_569 = arith.addi %iota3A, %parallel_loop3A_568 : vector<16xi32>
        %parallel_loop3A_570 = arith.constant 63 : i32
        %parallel_loop3A_571 = vector.broadcast %parallel_loop3A_570 : i32 to vector<16xi32>
        %parallel_loop3A_572 = arith.andi %parallel_loop3A_569, %parallel_loop3A_571 : vector<16xi32>
        %parallel_loop3A_573 = tpu.vector_load_idx %arg8[%parallel_loop3A_566, %parallel_loop3A_572] : memref<128x64xf32, #tpu.memory_space<vmem>>[vector<16xi32>, vector<16xi32>], vector<16xf32>,
        tpu.vector_store_idx %arg10[%parallel_loop3A_572, %parallel_loop3A_566], %parallel_loop3A_573 : memref<64x128xf32, #tpu.memory_space<vmem>>[vector<16xi32>, vector<16xi32>], vector<16xf32>,
        %parallel_loop3A_574 = arith.constant 1 : i32
        %parallel_loop3A_575 = vector.broadcast %parallel_loop3A_574 : i32 to vector<16xi32>
        %parallel_loop3A_576 = arith.addi %iota3A, %parallel_loop3A_575 : vector<16xi32>
        %parallel_loop3A_577 = arith.constant 63 : i32
        %parallel_loop3A_578 = vector.broadcast %parallel_loop3A_577 : i32 to vector<16xi32>
        %parallel_loop3A_579 = arith.andi %parallel_loop3A_576, %parallel_loop3A_578 : vector<16xi32>
        %parallel_loop3A_580 = tpu.vector_load_idx %arg8[%parallel_loop3A_566, %parallel_loop3A_579] : memref<128x64xf32, #tpu.memory_space<vmem>>[vector<16xi32>, vector<16xi32>], vector<16xf32>,
        tpu.vector_store_idx %arg10[%parallel_loop3A_579, %parallel_loop3A_566], %parallel_loop3A_580 : memref<64x128xf32, #tpu.memory_space<vmem>>[vector<16xi32>, vector<16xi32>], vector<16xf32>,
        %parallel_loop3A_581 = arith.constant 2 : i32
        %parallel_loop3A_582 = vector.broadcast %parallel_loop3A_581 : i32 to vector<16xi32>
        %parallel_loop3A_583 = arith.addi %iota3A, %parallel_loop3A_582 : vector<16xi32>
        %parallel_loop3A_584 = arith.constant 63 : i32
        %parallel_loop3A_585 = vector.broadcast %parallel_loop3A_584 : i32 to vector<16xi32>
        %parallel_loop3A_586 = arith.andi %parallel_loop3A_583, %parallel_loop3A_585 : vector<16xi32>
        %parallel_loop3A_587 = tpu.vector_load_idx %arg8[%parallel_loop3A_566, %parallel_loop3A_586] : memref<128x64xf32, #tpu.memory_space<vmem>>[vector<16xi32>, vector<16xi32>], vector<16xf32>,
        tpu.vector_store_idx %arg10[%parallel_loop3A_586, %parallel_loop3A_566], %parallel_loop3A_587 : memref<64x128xf32, #tpu.memory_space<vmem>>[vector<16xi32>, vector<16xi32>], vector<16xf32>,
        %parallel_loop3A_588 = arith.constant 3 : i32
        %parallel_loop3A_589 = vector.broadcast %parallel_loop3A_588 : i32 to vector<16xi32>
        %parallel_loop3A_590 = arith.addi %iota3A, %parallel_loop3A_589 : vector<16xi32>
        %parallel_loop3A_591 = arith.constant 63 : i32
        %parallel_loop3A_592 = vector.broadcast %parallel_loop3A_591 : i32 to vector<16xi32>
        %parallel_loop3A_593 = arith.andi %parallel_loop3A_590, %parallel_loop3A_592 : vector<16xi32>
        %parallel_loop3A_594 = tpu.vector_load_idx %arg8[%parallel_loop3A_566, %parallel_loop3A_593] : memref<128x64xf32, #tpu.memory_space<vmem>>[vector<16xi32>, vector<16xi32>], vector<16xf32>,
        tpu.vector_store_idx %arg10[%parallel_loop3A_593, %parallel_loop3A_566], %parallel_loop3A_594 : memref<64x128xf32, #tpu.memory_space<vmem>>[vector<16xi32>, vector<16xi32>], vector<16xf32>,
        %parallel_loop3A_595 = arith.constant 4 : i32
        %parallel_loop3A_596 = vector.broadcast %parallel_loop3A_595 : i32 to vector<16xi32>
        %parallel_loop3A_597 = arith.addi %iota3A, %parallel_loop3A_596 : vector<16xi32>
        %parallel_loop3A_598 = arith.constant 63 : i32
        %parallel_loop3A_599 = vector.broadcast %parallel_loop3A_598 : i32 to vector<16xi32>
        %parallel_loop3A_600 = arith.andi %parallel_loop3A_597, %parallel_loop3A_599 : vector<16xi32>
        %parallel_loop3A_601 = tpu.vector_load_idx %arg8[%parallel_loop3A_566, %parallel_loop3A_600] : memref<128x64xf32, #tpu.memory_space<vmem>>[vector<16xi32>, vector<16xi32>], vector<16xf32>,
        tpu.vector_store_idx %arg10[%parallel_loop3A_600, %parallel_loop3A_566], %parallel_loop3A_601 : memref<64x128xf32, #tpu.memory_space<vmem>>[vector<16xi32>, vector<16xi32>], vector<16xf32>,
        %parallel_loop3A_602 = arith.constant 5 : i32
        %parallel_loop3A_603 = vector.broadcast %parallel_loop3A_602 : i32 to vector<16xi32>
        %parallel_loop3A_604 = arith.addi %iota3A, %parallel_loop3A_603 : vector<16xi32>
        %parallel_loop3A_605 = arith.constant 63 : i32
        %parallel_loop3A_606 = vector.broadcast %parallel_loop3A_605 : i32 to vector<16xi32>
        %parallel_loop3A_607 = arith.andi %parallel_loop3A_604, %parallel_loop3A_606 : vector<16xi32>
        %parallel_loop3A_608 = tpu.vector_load_idx %arg8[%parallel_loop3A_566, %parallel_loop3A_607] : memref<128x64xf32, #tpu.memory_space<vmem>>[vector<16xi32>, vector<16xi32>], vector<16xf32>,
        tpu.vector_store_idx %arg10[%parallel_loop3A_607, %parallel_loop3A_566], %parallel_loop3A_608 : memref<64x128xf32, #tpu.memory_space<vmem>>[vector<16xi32>, vector<16xi32>], vector<16xf32>,
        %parallel_loop3A_609 = arith.constant 6 : i32
        %parallel_loop3A_610 = vector.broadcast %parallel_loop3A_609 : i32 to vector<16xi32>
        %parallel_loop3A_611 = arith.addi %iota3A, %parallel_loop3A_610 : vector<16xi32>
        %parallel_loop3A_612 = arith.constant 63 : i32
        %parallel_loop3A_613 = vector.broadcast %parallel_loop3A_612 : i32 to vector<16xi32>
        %parallel_loop3A_614 = arith.andi %parallel_loop3A_611, %parallel_loop3A_613 : vector<16xi32>
        %parallel_loop3A_615 = tpu.vector_load_idx %arg8[%parallel_loop3A_566, %parallel_loop3A_614] : memref<128x64xf32, #tpu.memory_space<vmem>>[vector<16xi32>, vector<16xi32>], vector<16xf32>,
        tpu.vector_store_idx %arg10[%parallel_loop3A_614, %parallel_loop3A_566], %parallel_loop3A_615 : memref<64x128xf32, #tpu.memory_space<vmem>>[vector<16xi32>, vector<16xi32>], vector<16xf32>,
        %parallel_loop3A_616 = arith.constant 7 : i32
        %parallel_loop3A_617 = vector.broadcast %parallel_loop3A_616 : i32 to vector<16xi32>
        %parallel_loop3A_618 = arith.addi %iota3A, %parallel_loop3A_617 : vector<16xi32>
        %parallel_loop3A_619 = arith.constant 63 : i32
        %parallel_loop3A_620 = vector.broadcast %parallel_loop3A_619 : i32 to vector<16xi32>
        %parallel_loop3A_621 = arith.andi %parallel_loop3A_618, %parallel_loop3A_620 : vector<16xi32>
        %parallel_loop3A_622 = tpu.vector_load_idx %arg8[%parallel_loop3A_566, %parallel_loop3A_621] : memref<128x64xf32, #tpu.memory_space<vmem>>[vector<16xi32>, vector<16xi32>], vector<16xf32>,
        tpu.vector_store_idx %arg10[%parallel_loop3A_621, %parallel_loop3A_566], %parallel_loop3A_622 : memref<64x128xf32, #tpu.memory_space<vmem>>[vector<16xi32>, vector<16xi32>], vector<16xf32>,
        %parallel_loop3A_623 = arith.constant 8 : i32
        %parallel_loop3A_624 = vector.broadcast %parallel_loop3A_623 : i32 to vector<16xi32>
        %parallel_loop3A_625 = arith.addi %iota3A, %parallel_loop3A_624 : vector<16xi32>
        %parallel_loop3A_626 = arith.constant 63 : i32
        %parallel_loop3A_627 = vector.broadcast %parallel_loop3A_626 : i32 to vector<16xi32>
        %parallel_loop3A_628 = arith.andi %parallel_loop3A_625, %parallel_loop3A_627 : vector<16xi32>
        %parallel_loop3A_629 = tpu.vector_load_idx %arg8[%parallel_loop3A_566, %parallel_loop3A_628] : memref<128x64xf32, #tpu.memory_space<vmem>>[vector<16xi32>, vector<16xi32>], vector<16xf32>,
        tpu.vector_store_idx %arg10[%parallel_loop3A_628, %parallel_loop3A_566], %parallel_loop3A_629 : memref<64x128xf32, #tpu.memory_space<vmem>>[vector<16xi32>, vector<16xi32>], vector<16xf32>,
        %parallel_loop3A_630 = arith.constant 9 : i32
        %parallel_loop3A_631 = vector.broadcast %parallel_loop3A_630 : i32 to vector<16xi32>
        %parallel_loop3A_632 = arith.addi %iota3A, %parallel_loop3A_631 : vector<16xi32>
        %parallel_loop3A_633 = arith.constant 63 : i32
        %parallel_loop3A_634 = vector.broadcast %parallel_loop3A_633 : i32 to vector<16xi32>
        %parallel_loop3A_635 = arith.andi %parallel_loop3A_632, %parallel_loop3A_634 : vector<16xi32>
        %parallel_loop3A_636 = tpu.vector_load_idx %arg8[%parallel_loop3A_566, %parallel_loop3A_635] : memref<128x64xf32, #tpu.memory_space<vmem>>[vector<16xi32>, vector<16xi32>], vector<16xf32>,
        tpu.vector_store_idx %arg10[%parallel_loop3A_635, %parallel_loop3A_566], %parallel_loop3A_636 : memref<64x128xf32, #tpu.memory_space<vmem>>[vector<16xi32>, vector<16xi32>], vector<16xf32>,
        %parallel_loop3A_637 = arith.constant 10 : i32
        %parallel_loop3A_638 = vector.broadcast %parallel_loop3A_637 : i32 to vector<16xi32>
        %parallel_loop3A_639 = arith.addi %iota3A, %parallel_loop3A_638 : vector<16xi32>
        %parallel_loop3A_640 = arith.constant 63 : i32
        %parallel_loop3A_641 = vector.broadcast %parallel_loop3A_640 : i32 to vector<16xi32>
        %parallel_loop3A_642 = arith.andi %parallel_loop3A_639, %parallel_loop3A_641 : vector<16xi32>
        %parallel_loop3A_643 = tpu.vector_load_idx %arg8[%parallel_loop3A_566, %parallel_loop3A_642] : memref<128x64xf32, #tpu.memory_space<vmem>>[vector<16xi32>, vector<16xi32>], vector<16xf32>,
        tpu.vector_store_idx %arg10[%parallel_loop3A_642, %parallel_loop3A_566], %parallel_loop3A_643 : memref<64x128xf32, #tpu.memory_space<vmem>>[vector<16xi32>, vector<16xi32>], vector<16xf32>,
        %parallel_loop3A_644 = arith.constant 11 : i32
        %parallel_loop3A_645 = vector.broadcast %parallel_loop3A_644 : i32 to vector<16xi32>
        %parallel_loop3A_646 = arith.addi %iota3A, %parallel_loop3A_645 : vector<16xi32>
        %parallel_loop3A_647 = arith.constant 63 : i32
        %parallel_loop3A_648 = vector.broadcast %parallel_loop3A_647 : i32 to vector<16xi32>
        %parallel_loop3A_649 = arith.andi %parallel_loop3A_646, %parallel_loop3A_648 : vector<16xi32>
        %parallel_loop3A_650 = tpu.vector_load_idx %arg8[%parallel_loop3A_566, %parallel_loop3A_649] : memref<128x64xf32, #tpu.memory_space<vmem>>[vector<16xi32>, vector<16xi32>], vector<16xf32>,
        tpu.vector_store_idx %arg10[%parallel_loop3A_649, %parallel_loop3A_566], %parallel_loop3A_650 : memref<64x128xf32, #tpu.memory_space<vmem>>[vector<16xi32>, vector<16xi32>], vector<16xf32>,
        %parallel_loop3A_651 = arith.constant 12 : i32
        %parallel_loop3A_652 = vector.broadcast %parallel_loop3A_651 : i32 to vector<16xi32>
        %parallel_loop3A_653 = arith.addi %iota3A, %parallel_loop3A_652 : vector<16xi32>
        %parallel_loop3A_654 = arith.constant 63 : i32
        %parallel_loop3A_655 = vector.broadcast %parallel_loop3A_654 : i32 to vector<16xi32>
        %parallel_loop3A_656 = arith.andi %parallel_loop3A_653, %parallel_loop3A_655 : vector<16xi32>
        %parallel_loop3A_657 = tpu.vector_load_idx %arg8[%parallel_loop3A_566, %parallel_loop3A_656] : memref<128x64xf32, #tpu.memory_space<vmem>>[vector<16xi32>, vector<16xi32>], vector<16xf32>,
        tpu.vector_store_idx %arg10[%parallel_loop3A_656, %parallel_loop3A_566], %parallel_loop3A_657 : memref<64x128xf32, #tpu.memory_space<vmem>>[vector<16xi32>, vector<16xi32>], vector<16xf32>,
        %parallel_loop3A_658 = arith.constant 13 : i32
        %parallel_loop3A_659 = vector.broadcast %parallel_loop3A_658 : i32 to vector<16xi32>
        %parallel_loop3A_660 = arith.addi %iota3A, %parallel_loop3A_659 : vector<16xi32>
        %parallel_loop3A_661 = arith.constant 63 : i32
        %parallel_loop3A_662 = vector.broadcast %parallel_loop3A_661 : i32 to vector<16xi32>
        %parallel_loop3A_663 = arith.andi %parallel_loop3A_660, %parallel_loop3A_662 : vector<16xi32>
        %parallel_loop3A_664 = tpu.vector_load_idx %arg8[%parallel_loop3A_566, %parallel_loop3A_663] : memref<128x64xf32, #tpu.memory_space<vmem>>[vector<16xi32>, vector<16xi32>], vector<16xf32>,
        tpu.vector_store_idx %arg10[%parallel_loop3A_663, %parallel_loop3A_566], %parallel_loop3A_664 : memref<64x128xf32, #tpu.memory_space<vmem>>[vector<16xi32>, vector<16xi32>], vector<16xf32>,
        %parallel_loop3A_665 = arith.constant 14 : i32
        %parallel_loop3A_666 = vector.broadcast %parallel_loop3A_665 : i32 to vector<16xi32>
        %parallel_loop3A_667 = arith.addi %iota3A, %parallel_loop3A_666 : vector<16xi32>
        %parallel_loop3A_668 = arith.constant 63 : i32
        %parallel_loop3A_669 = vector.broadcast %parallel_loop3A_668 : i32 to vector<16xi32>
        %parallel_loop3A_670 = arith.andi %parallel_loop3A_667, %parallel_loop3A_669 : vector<16xi32>
        %parallel_loop3A_671 = tpu.vector_load_idx %arg8[%parallel_loop3A_566, %parallel_loop3A_670] : memref<128x64xf32, #tpu.memory_space<vmem>>[vector<16xi32>, vector<16xi32>], vector<16xf32>,
        tpu.vector_store_idx %arg10[%parallel_loop3A_670, %parallel_loop3A_566], %parallel_loop3A_671 : memref<64x128xf32, #tpu.memory_space<vmem>>[vector<16xi32>, vector<16xi32>], vector<16xf32>,
        %parallel_loop3A_672 = arith.constant 15 : i32
        %parallel_loop3A_673 = vector.broadcast %parallel_loop3A_672 : i32 to vector<16xi32>
        %parallel_loop3A_674 = arith.addi %iota3A, %parallel_loop3A_673 : vector<16xi32>
        %parallel_loop3A_675 = arith.constant 63 : i32
        %parallel_loop3A_676 = vector.broadcast %parallel_loop3A_675 : i32 to vector<16xi32>
        %parallel_loop3A_677 = arith.andi %parallel_loop3A_674, %parallel_loop3A_676 : vector<16xi32>
        %parallel_loop3A_678 = tpu.vector_load_idx %arg8[%parallel_loop3A_566, %parallel_loop3A_677] : memref<128x64xf32, #tpu.memory_space<vmem>>[vector<16xi32>, vector<16xi32>], vector<16xf32>,
        tpu.vector_store_idx %arg10[%parallel_loop3A_677, %parallel_loop3A_566], %parallel_loop3A_678 : memref<64x128xf32, #tpu.memory_space<vmem>>[vector<16xi32>, vector<16xi32>], vector<16xf32>,
        %parallel_loop3A_679 = arith.constant 16 : i32
        %parallel_loop3A_680 = vector.broadcast %parallel_loop3A_679 : i32 to vector<16xi32>
        %parallel_loop3A_681 = arith.addi %iota3A, %parallel_loop3A_680 : vector<16xi32>
        %parallel_loop3A_682 = arith.constant 63 : i32
        %parallel_loop3A_683 = vector.broadcast %parallel_loop3A_682 : i32 to vector<16xi32>
        %parallel_loop3A_684 = arith.andi %parallel_loop3A_681, %parallel_loop3A_683 : vector<16xi32>
        %parallel_loop3A_685 = tpu.vector_load_idx %arg8[%parallel_loop3A_566, %parallel_loop3A_684] : memref<128x64xf32, #tpu.memory_space<vmem>>[vector<16xi32>, vector<16xi32>], vector<16xf32>,
        tpu.vector_store_idx %arg10[%parallel_loop3A_684, %parallel_loop3A_566], %parallel_loop3A_685 : memref<64x128xf32, #tpu.memory_space<vmem>>[vector<16xi32>, vector<16xi32>], vector<16xf32>,
        %parallel_loop3A_686 = arith.constant 17 : i32
        %parallel_loop3A_687 = vector.broadcast %parallel_loop3A_686 : i32 to vector<16xi32>
        %parallel_loop3A_688 = arith.addi %iota3A, %parallel_loop3A_687 : vector<16xi32>
        %parallel_loop3A_689 = arith.constant 63 : i32
        %parallel_loop3A_690 = vector.broadcast %parallel_loop3A_689 : i32 to vector<16xi32>
        %parallel_loop3A_691 = arith.andi %parallel_loop3A_688, %parallel_loop3A_690 : vector<16xi32>
        %parallel_loop3A_692 = tpu.vector_load_idx %arg8[%parallel_loop3A_566, %parallel_loop3A_691] : memref<128x64xf32, #tpu.memory_space<vmem>>[vector<16xi32>, vector<16xi32>], vector<16xf32>,
        tpu.vector_store_idx %arg10[%parallel_loop3A_691, %parallel_loop3A_566], %parallel_loop3A_692 : memref<64x128xf32, #tpu.memory_space<vmem>>[vector<16xi32>, vector<16xi32>], vector<16xf32>,
        %parallel_loop3A_693 = arith.constant 18 : i32
        %parallel_loop3A_694 = vector.broadcast %parallel_loop3A_693 : i32 to vector<16xi32>
        %parallel_loop3A_695 = arith.addi %iota3A, %parallel_loop3A_694 : vector<16xi32>
        %parallel_loop3A_696 = arith.constant 63 : i32
        %parallel_loop3A_697 = vector.broadcast %parallel_loop3A_696 : i32 to vector<16xi32>
        %parallel_loop3A_698 = arith.andi %parallel_loop3A_695, %parallel_loop3A_697 : vector<16xi32>
        %parallel_loop3A_699 = tpu.vector_load_idx %arg8[%parallel_loop3A_566, %parallel_loop3A_698] : memref<128x64xf32, #tpu.memory_space<vmem>>[vector<16xi32>, vector<16xi32>], vector<16xf32>,
        tpu.vector_store_idx %arg10[%parallel_loop3A_698, %parallel_loop3A_566], %parallel_loop3A_699 : memref<64x128xf32, #tpu.memory_space<vmem>>[vector<16xi32>, vector<16xi32>], vector<16xf32>,
        %parallel_loop3A_700 = arith.constant 19 : i32
        %parallel_loop3A_701 = vector.broadcast %parallel_loop3A_700 : i32 to vector<16xi32>
        %parallel_loop3A_702 = arith.addi %iota3A, %parallel_loop3A_701 : vector<16xi32>
        %parallel_loop3A_703 = arith.constant 63 : i32
        %parallel_loop3A_704 = vector.broadcast %parallel_loop3A_703 : i32 to vector<16xi32>
        %parallel_loop3A_705 = arith.andi %parallel_loop3A_702, %parallel_loop3A_704 : vector<16xi32>
        %parallel_loop3A_706 = tpu.vector_load_idx %arg8[%parallel_loop3A_566, %parallel_loop3A_705] : memref<128x64xf32, #tpu.memory_space<vmem>>[vector<16xi32>, vector<16xi32>], vector<16xf32>,
        tpu.vector_store_idx %arg10[%parallel_loop3A_705, %parallel_loop3A_566], %parallel_loop3A_706 : memref<64x128xf32, #tpu.memory_space<vmem>>[vector<16xi32>, vector<16xi32>], vector<16xf32>,
        %parallel_loop3A_707 = arith.constant 20 : i32
        %parallel_loop3A_708 = vector.broadcast %parallel_loop3A_707 : i32 to vector<16xi32>
        %parallel_loop3A_709 = arith.addi %iota3A, %parallel_loop3A_708 : vector<16xi32>
        %parallel_loop3A_710 = arith.constant 63 : i32
        %parallel_loop3A_711 = vector.broadcast %parallel_loop3A_710 : i32 to vector<16xi32>
        %parallel_loop3A_712 = arith.andi %parallel_loop3A_709, %parallel_loop3A_711 : vector<16xi32>
        %parallel_loop3A_713 = tpu.vector_load_idx %arg8[%parallel_loop3A_566, %parallel_loop3A_712] : memref<128x64xf32, #tpu.memory_space<vmem>>[vector<16xi32>, vector<16xi32>], vector<16xf32>,
        tpu.vector_store_idx %arg10[%parallel_loop3A_712, %parallel_loop3A_566], %parallel_loop3A_713 : memref<64x128xf32, #tpu.memory_space<vmem>>[vector<16xi32>, vector<16xi32>], vector<16xf32>,
        %parallel_loop3A_714 = arith.constant 21 : i32
        %parallel_loop3A_715 = vector.broadcast %parallel_loop3A_714 : i32 to vector<16xi32>
        %parallel_loop3A_716 = arith.addi %iota3A, %parallel_loop3A_715 : vector<16xi32>
        %parallel_loop3A_717 = arith.constant 63 : i32
        %parallel_loop3A_718 = vector.broadcast %parallel_loop3A_717 : i32 to vector<16xi32>
        %parallel_loop3A_719 = arith.andi %parallel_loop3A_716, %parallel_loop3A_718 : vector<16xi32>
        %parallel_loop3A_720 = tpu.vector_load_idx %arg8[%parallel_loop3A_566, %parallel_loop3A_719] : memref<128x64xf32, #tpu.memory_space<vmem>>[vector<16xi32>, vector<16xi32>], vector<16xf32>,
        tpu.vector_store_idx %arg10[%parallel_loop3A_719, %parallel_loop3A_566], %parallel_loop3A_720 : memref<64x128xf32, #tpu.memory_space<vmem>>[vector<16xi32>, vector<16xi32>], vector<16xf32>,
        %parallel_loop3A_721 = arith.constant 22 : i32
        %parallel_loop3A_722 = vector.broadcast %parallel_loop3A_721 : i32 to vector<16xi32>
        %parallel_loop3A_723 = arith.addi %iota3A, %parallel_loop3A_722 : vector<16xi32>
        %parallel_loop3A_724 = arith.constant 63 : i32
        %parallel_loop3A_725 = vector.broadcast %parallel_loop3A_724 : i32 to vector<16xi32>
        %parallel_loop3A_726 = arith.andi %parallel_loop3A_723, %parallel_loop3A_725 : vector<16xi32>
        %parallel_loop3A_727 = tpu.vector_load_idx %arg8[%parallel_loop3A_566, %parallel_loop3A_726] : memref<128x64xf32, #tpu.memory_space<vmem>>[vector<16xi32>, vector<16xi32>], vector<16xf32>,
        tpu.vector_store_idx %arg10[%parallel_loop3A_726, %parallel_loop3A_566], %parallel_loop3A_727 : memref<64x128xf32, #tpu.memory_space<vmem>>[vector<16xi32>, vector<16xi32>], vector<16xf32>,
        %parallel_loop3A_728 = arith.constant 23 : i32
        %parallel_loop3A_729 = vector.broadcast %parallel_loop3A_728 : i32 to vector<16xi32>
        %parallel_loop3A_730 = arith.addi %iota3A, %parallel_loop3A_729 : vector<16xi32>
        %parallel_loop3A_731 = arith.constant 63 : i32
        %parallel_loop3A_732 = vector.broadcast %parallel_loop3A_731 : i32 to vector<16xi32>
        %parallel_loop3A_733 = arith.andi %parallel_loop3A_730, %parallel_loop3A_732 : vector<16xi32>
        %parallel_loop3A_734 = tpu.vector_load_idx %arg8[%parallel_loop3A_566, %parallel_loop3A_733] : memref<128x64xf32, #tpu.memory_space<vmem>>[vector<16xi32>, vector<16xi32>], vector<16xf32>,
        tpu.vector_store_idx %arg10[%parallel_loop3A_733, %parallel_loop3A_566], %parallel_loop3A_734 : memref<64x128xf32, #tpu.memory_space<vmem>>[vector<16xi32>, vector<16xi32>], vector<16xf32>,
        %parallel_loop3A_735 = arith.constant 24 : i32
        %parallel_loop3A_736 = vector.broadcast %parallel_loop3A_735 : i32 to vector<16xi32>
        %parallel_loop3A_737 = arith.addi %iota3A, %parallel_loop3A_736 : vector<16xi32>
        %parallel_loop3A_738 = arith.constant 63 : i32
        %parallel_loop3A_739 = vector.broadcast %parallel_loop3A_738 : i32 to vector<16xi32>
        %parallel_loop3A_740 = arith.andi %parallel_loop3A_737, %parallel_loop3A_739 : vector<16xi32>
        %parallel_loop3A_741 = tpu.vector_load_idx %arg8[%parallel_loop3A_566, %parallel_loop3A_740] : memref<128x64xf32, #tpu.memory_space<vmem>>[vector<16xi32>, vector<16xi32>], vector<16xf32>,
        tpu.vector_store_idx %arg10[%parallel_loop3A_740, %parallel_loop3A_566], %parallel_loop3A_741 : memref<64x128xf32, #tpu.memory_space<vmem>>[vector<16xi32>, vector<16xi32>], vector<16xf32>,
        %parallel_loop3A_742 = arith.constant 25 : i32
        %parallel_loop3A_743 = vector.broadcast %parallel_loop3A_742 : i32 to vector<16xi32>
        %parallel_loop3A_744 = arith.addi %iota3A, %parallel_loop3A_743 : vector<16xi32>
        %parallel_loop3A_745 = arith.constant 63 : i32
        %parallel_loop3A_746 = vector.broadcast %parallel_loop3A_745 : i32 to vector<16xi32>
        %parallel_loop3A_747 = arith.andi %parallel_loop3A_744, %parallel_loop3A_746 : vector<16xi32>
        %parallel_loop3A_748 = tpu.vector_load_idx %arg8[%parallel_loop3A_566, %parallel_loop3A_747] : memref<128x64xf32, #tpu.memory_space<vmem>>[vector<16xi32>, vector<16xi32>], vector<16xf32>,
        tpu.vector_store_idx %arg10[%parallel_loop3A_747, %parallel_loop3A_566], %parallel_loop3A_748 : memref<64x128xf32, #tpu.memory_space<vmem>>[vector<16xi32>, vector<16xi32>], vector<16xf32>,
        %parallel_loop3A_749 = arith.constant 26 : i32
        %parallel_loop3A_750 = vector.broadcast %parallel_loop3A_749 : i32 to vector<16xi32>
        %parallel_loop3A_751 = arith.addi %iota3A, %parallel_loop3A_750 : vector<16xi32>
        %parallel_loop3A_752 = arith.constant 63 : i32
        %parallel_loop3A_753 = vector.broadcast %parallel_loop3A_752 : i32 to vector<16xi32>
        %parallel_loop3A_754 = arith.andi %parallel_loop3A_751, %parallel_loop3A_753 : vector<16xi32>
        %parallel_loop3A_755 = tpu.vector_load_idx %arg8[%parallel_loop3A_566, %parallel_loop3A_754] : memref<128x64xf32, #tpu.memory_space<vmem>>[vector<16xi32>, vector<16xi32>], vector<16xf32>,
        tpu.vector_store_idx %arg10[%parallel_loop3A_754, %parallel_loop3A_566], %parallel_loop3A_755 : memref<64x128xf32, #tpu.memory_space<vmem>>[vector<16xi32>, vector<16xi32>], vector<16xf32>,
        %parallel_loop3A_756 = arith.constant 27 : i32
        %parallel_loop3A_757 = vector.broadcast %parallel_loop3A_756 : i32 to vector<16xi32>
        %parallel_loop3A_758 = arith.addi %iota3A, %parallel_loop3A_757 : vector<16xi32>
        %parallel_loop3A_759 = arith.constant 63 : i32
        %parallel_loop3A_760 = vector.broadcast %parallel_loop3A_759 : i32 to vector<16xi32>
        %parallel_loop3A_761 = arith.andi %parallel_loop3A_758, %parallel_loop3A_760 : vector<16xi32>
        %parallel_loop3A_762 = tpu.vector_load_idx %arg8[%parallel_loop3A_566, %parallel_loop3A_761] : memref<128x64xf32, #tpu.memory_space<vmem>>[vector<16xi32>, vector<16xi32>], vector<16xf32>,
        tpu.vector_store_idx %arg10[%parallel_loop3A_761, %parallel_loop3A_566], %parallel_loop3A_762 : memref<64x128xf32, #tpu.memory_space<vmem>>[vector<16xi32>, vector<16xi32>], vector<16xf32>,
        %parallel_loop3A_763 = arith.constant 28 : i32
        %parallel_loop3A_764 = vector.broadcast %parallel_loop3A_763 : i32 to vector<16xi32>
        %parallel_loop3A_765 = arith.addi %iota3A, %parallel_loop3A_764 : vector<16xi32>
        %parallel_loop3A_766 = arith.constant 63 : i32
        %parallel_loop3A_767 = vector.broadcast %parallel_loop3A_766 : i32 to vector<16xi32>
        %parallel_loop3A_768 = arith.andi %parallel_loop3A_765, %parallel_loop3A_767 : vector<16xi32>
        %parallel_loop3A_769 = tpu.vector_load_idx %arg8[%parallel_loop3A_566, %parallel_loop3A_768] : memref<128x64xf32, #tpu.memory_space<vmem>>[vector<16xi32>, vector<16xi32>], vector<16xf32>,
        tpu.vector_store_idx %arg10[%parallel_loop3A_768, %parallel_loop3A_566], %parallel_loop3A_769 : memref<64x128xf32, #tpu.memory_space<vmem>>[vector<16xi32>, vector<16xi32>], vector<16xf32>,
        %parallel_loop3A_770 = arith.constant 29 : i32
        %parallel_loop3A_771 = vector.broadcast %parallel_loop3A_770 : i32 to vector<16xi32>
        %parallel_loop3A_772 = arith.addi %iota3A, %parallel_loop3A_771 : vector<16xi32>
        %parallel_loop3A_773 = arith.constant 63 : i32
        %parallel_loop3A_774 = vector.broadcast %parallel_loop3A_773 : i32 to vector<16xi32>
        %parallel_loop3A_775 = arith.andi %parallel_loop3A_772, %parallel_loop3A_774 : vector<16xi32>
        %parallel_loop3A_776 = tpu.vector_load_idx %arg8[%parallel_loop3A_566, %parallel_loop3A_775] : memref<128x64xf32, #tpu.memory_space<vmem>>[vector<16xi32>, vector<16xi32>], vector<16xf32>,
        tpu.vector_store_idx %arg10[%parallel_loop3A_775, %parallel_loop3A_566], %parallel_loop3A_776 : memref<64x128xf32, #tpu.memory_space<vmem>>[vector<16xi32>, vector<16xi32>], vector<16xf32>,
        %parallel_loop3A_777 = arith.constant 30 : i32
        %parallel_loop3A_778 = vector.broadcast %parallel_loop3A_777 : i32 to vector<16xi32>
        %parallel_loop3A_779 = arith.addi %iota3A, %parallel_loop3A_778 : vector<16xi32>
        %parallel_loop3A_780 = arith.constant 63 : i32
        %parallel_loop3A_781 = vector.broadcast %parallel_loop3A_780 : i32 to vector<16xi32>
        %parallel_loop3A_782 = arith.andi %parallel_loop3A_779, %parallel_loop3A_781 : vector<16xi32>
        %parallel_loop3A_783 = tpu.vector_load_idx %arg8[%parallel_loop3A_566, %parallel_loop3A_782] : memref<128x64xf32, #tpu.memory_space<vmem>>[vector<16xi32>, vector<16xi32>], vector<16xf32>,
        tpu.vector_store_idx %arg10[%parallel_loop3A_782, %parallel_loop3A_566], %parallel_loop3A_783 : memref<64x128xf32, #tpu.memory_space<vmem>>[vector<16xi32>, vector<16xi32>], vector<16xf32>,
        %parallel_loop3A_784 = arith.constant 31 : i32
        %parallel_loop3A_785 = vector.broadcast %parallel_loop3A_784 : i32 to vector<16xi32>
        %parallel_loop3A_786 = arith.addi %iota3A, %parallel_loop3A_785 : vector<16xi32>
        %parallel_loop3A_787 = arith.constant 63 : i32
        %parallel_loop3A_788 = vector.broadcast %parallel_loop3A_787 : i32 to vector<16xi32>
        %parallel_loop3A_789 = arith.andi %parallel_loop3A_786, %parallel_loop3A_788 : vector<16xi32>
        %parallel_loop3A_790 = tpu.vector_load_idx %arg8[%parallel_loop3A_566, %parallel_loop3A_789] : memref<128x64xf32, #tpu.memory_space<vmem>>[vector<16xi32>, vector<16xi32>], vector<16xf32>,
        tpu.vector_store_idx %arg10[%parallel_loop3A_789, %parallel_loop3A_566], %parallel_loop3A_790 : memref<64x128xf32, #tpu.memory_space<vmem>>[vector<16xi32>, vector<16xi32>], vector<16xf32>,
        %parallel_loop3A_791 = arith.constant 32 : i32
        %parallel_loop3A_792 = vector.broadcast %parallel_loop3A_791 : i32 to vector<16xi32>
        %parallel_loop3A_793 = arith.addi %iota3A, %parallel_loop3A_792 : vector<16xi32>
        %parallel_loop3A_794 = arith.constant 63 : i32
        %parallel_loop3A_795 = vector.broadcast %parallel_loop3A_794 : i32 to vector<16xi32>
        %parallel_loop3A_796 = arith.andi %parallel_loop3A_793, %parallel_loop3A_795 : vector<16xi32>
        %parallel_loop3A_797 = tpu.vector_load_idx %arg8[%parallel_loop3A_566, %parallel_loop3A_796] : memref<128x64xf32, #tpu.memory_space<vmem>>[vector<16xi32>, vector<16xi32>], vector<16xf32>,
        tpu.vector_store_idx %arg10[%parallel_loop3A_796, %parallel_loop3A_566], %parallel_loop3A_797 : memref<64x128xf32, #tpu.memory_space<vmem>>[vector<16xi32>, vector<16xi32>], vector<16xf32>,
        %parallel_loop3A_798 = arith.constant 33 : i32
        %parallel_loop3A_799 = vector.broadcast %parallel_loop3A_798 : i32 to vector<16xi32>
        %parallel_loop3A_800 = arith.addi %iota3A, %parallel_loop3A_799 : vector<16xi32>
        %parallel_loop3A_801 = arith.constant 63 : i32
        %parallel_loop3A_802 = vector.broadcast %parallel_loop3A_801 : i32 to vector<16xi32>
        %parallel_loop3A_803 = arith.andi %parallel_loop3A_800, %parallel_loop3A_802 : vector<16xi32>
        %parallel_loop3A_804 = tpu.vector_load_idx %arg8[%parallel_loop3A_566, %parallel_loop3A_803] : memref<128x64xf32, #tpu.memory_space<vmem>>[vector<16xi32>, vector<16xi32>], vector<16xf32>,
        tpu.vector_store_idx %arg10[%parallel_loop3A_803, %parallel_loop3A_566], %parallel_loop3A_804 : memref<64x128xf32, #tpu.memory_space<vmem>>[vector<16xi32>, vector<16xi32>], vector<16xf32>,
        %parallel_loop3A_805 = arith.constant 34 : i32
        %parallel_loop3A_806 = vector.broadcast %parallel_loop3A_805 : i32 to vector<16xi32>
        %parallel_loop3A_807 = arith.addi %iota3A, %parallel_loop3A_806 : vector<16xi32>
        %parallel_loop3A_808 = arith.constant 63 : i32
        %parallel_loop3A_809 = vector.broadcast %parallel_loop3A_808 : i32 to vector<16xi32>
        %parallel_loop3A_810 = arith.andi %parallel_loop3A_807, %parallel_loop3A_809 : vector<16xi32>
        %parallel_loop3A_811 = tpu.vector_load_idx %arg8[%parallel_loop3A_566, %parallel_loop3A_810] : memref<128x64xf32, #tpu.memory_space<vmem>>[vector<16xi32>, vector<16xi32>], vector<16xf32>,
        tpu.vector_store_idx %arg10[%parallel_loop3A_810, %parallel_loop3A_566], %parallel_loop3A_811 : memref<64x128xf32, #tpu.memory_space<vmem>>[vector<16xi32>, vector<16xi32>], vector<16xf32>,
        %parallel_loop3A_812 = arith.constant 35 : i32
        %parallel_loop3A_813 = vector.broadcast %parallel_loop3A_812 : i32 to vector<16xi32>
        %parallel_loop3A_814 = arith.addi %iota3A, %parallel_loop3A_813 : vector<16xi32>
        %parallel_loop3A_815 = arith.constant 63 : i32
        %parallel_loop3A_816 = vector.broadcast %parallel_loop3A_815 : i32 to vector<16xi32>
        %parallel_loop3A_817 = arith.andi %parallel_loop3A_814, %parallel_loop3A_816 : vector<16xi32>
        %parallel_loop3A_818 = tpu.vector_load_idx %arg8[%parallel_loop3A_566, %parallel_loop3A_817] : memref<128x64xf32, #tpu.memory_space<vmem>>[vector<16xi32>, vector<16xi32>], vector<16xf32>,
        tpu.vector_store_idx %arg10[%parallel_loop3A_817, %parallel_loop3A_566], %parallel_loop3A_818 : memref<64x128xf32, #tpu.memory_space<vmem>>[vector<16xi32>, vector<16xi32>], vector<16xf32>,
        %parallel_loop3A_819 = arith.constant 36 : i32
        %parallel_loop3A_820 = vector.broadcast %parallel_loop3A_819 : i32 to vector<16xi32>
        %parallel_loop3A_821 = arith.addi %iota3A, %parallel_loop3A_820 : vector<16xi32>
        %parallel_loop3A_822 = arith.constant 63 : i32
        %parallel_loop3A_823 = vector.broadcast %parallel_loop3A_822 : i32 to vector<16xi32>
        %parallel_loop3A_824 = arith.andi %parallel_loop3A_821, %parallel_loop3A_823 : vector<16xi32>
        %parallel_loop3A_825 = tpu.vector_load_idx %arg8[%parallel_loop3A_566, %parallel_loop3A_824] : memref<128x64xf32, #tpu.memory_space<vmem>>[vector<16xi32>, vector<16xi32>], vector<16xf32>,
        tpu.vector_store_idx %arg10[%parallel_loop3A_824, %parallel_loop3A_566], %parallel_loop3A_825 : memref<64x128xf32, #tpu.memory_space<vmem>>[vector<16xi32>, vector<16xi32>], vector<16xf32>,
        %parallel_loop3A_826 = arith.constant 37 : i32
        %parallel_loop3A_827 = vector.broadcast %parallel_loop3A_826 : i32 to vector<16xi32>
        %parallel_loop3A_828 = arith.addi %iota3A, %parallel_loop3A_827 : vector<16xi32>
        %parallel_loop3A_829 = arith.constant 63 : i32
        %parallel_loop3A_830 = vector.broadcast %parallel_loop3A_829 : i32 to vector<16xi32>
        %parallel_loop3A_831 = arith.andi %parallel_loop3A_828, %parallel_loop3A_830 : vector<16xi32>
        %parallel_loop3A_832 = tpu.vector_load_idx %arg8[%parallel_loop3A_566, %parallel_loop3A_831] : memref<128x64xf32, #tpu.memory_space<vmem>>[vector<16xi32>, vector<16xi32>], vector<16xf32>,
        tpu.vector_store_idx %arg10[%parallel_loop3A_831, %parallel_loop3A_566], %parallel_loop3A_832 : memref<64x128xf32, #tpu.memory_space<vmem>>[vector<16xi32>, vector<16xi32>], vector<16xf32>,
        %parallel_loop3A_833 = arith.constant 38 : i32
        %parallel_loop3A_834 = vector.broadcast %parallel_loop3A_833 : i32 to vector<16xi32>
        %parallel_loop3A_835 = arith.addi %iota3A, %parallel_loop3A_834 : vector<16xi32>
        %parallel_loop3A_836 = arith.constant 63 : i32
        %parallel_loop3A_837 = vector.broadcast %parallel_loop3A_836 : i32 to vector<16xi32>
        %parallel_loop3A_838 = arith.andi %parallel_loop3A_835, %parallel_loop3A_837 : vector<16xi32>
        %parallel_loop3A_839 = tpu.vector_load_idx %arg8[%parallel_loop3A_566, %parallel_loop3A_838] : memref<128x64xf32, #tpu.memory_space<vmem>>[vector<16xi32>, vector<16xi32>], vector<16xf32>,
        tpu.vector_store_idx %arg10[%parallel_loop3A_838, %parallel_loop3A_566], %parallel_loop3A_839 : memref<64x128xf32, #tpu.memory_space<vmem>>[vector<16xi32>, vector<16xi32>], vector<16xf32>,
        %parallel_loop3A_840 = arith.constant 39 : i32
        %parallel_loop3A_841 = vector.broadcast %parallel_loop3A_840 : i32 to vector<16xi32>
        %parallel_loop3A_842 = arith.addi %iota3A, %parallel_loop3A_841 : vector<16xi32>
        %parallel_loop3A_843 = arith.constant 63 : i32
        %parallel_loop3A_844 = vector.broadcast %parallel_loop3A_843 : i32 to vector<16xi32>
        %parallel_loop3A_845 = arith.andi %parallel_loop3A_842, %parallel_loop3A_844 : vector<16xi32>
        %parallel_loop3A_846 = tpu.vector_load_idx %arg8[%parallel_loop3A_566, %parallel_loop3A_845] : memref<128x64xf32, #tpu.memory_space<vmem>>[vector<16xi32>, vector<16xi32>], vector<16xf32>,
        tpu.vector_store_idx %arg10[%parallel_loop3A_845, %parallel_loop3A_566], %parallel_loop3A_846 : memref<64x128xf32, #tpu.memory_space<vmem>>[vector<16xi32>, vector<16xi32>], vector<16xf32>,
        %parallel_loop3A_847 = arith.constant 40 : i32
        %parallel_loop3A_848 = vector.broadcast %parallel_loop3A_847 : i32 to vector<16xi32>
        %parallel_loop3A_849 = arith.addi %iota3A, %parallel_loop3A_848 : vector<16xi32>
        %parallel_loop3A_850 = arith.constant 63 : i32
        %parallel_loop3A_851 = vector.broadcast %parallel_loop3A_850 : i32 to vector<16xi32>
        %parallel_loop3A_852 = arith.andi %parallel_loop3A_849, %parallel_loop3A_851 : vector<16xi32>
        %parallel_loop3A_853 = tpu.vector_load_idx %arg8[%parallel_loop3A_566, %parallel_loop3A_852] : memref<128x64xf32, #tpu.memory_space<vmem>>[vector<16xi32>, vector<16xi32>], vector<16xf32>,
        tpu.vector_store_idx %arg10[%parallel_loop3A_852, %parallel_loop3A_566], %parallel_loop3A_853 : memref<64x128xf32, #tpu.memory_space<vmem>>[vector<16xi32>, vector<16xi32>], vector<16xf32>,
        %parallel_loop3A_854 = arith.constant 41 : i32
        %parallel_loop3A_855 = vector.broadcast %parallel_loop3A_854 : i32 to vector<16xi32>
        %parallel_loop3A_856 = arith.addi %iota3A, %parallel_loop3A_855 : vector<16xi32>
        %parallel_loop3A_857 = arith.constant 63 : i32
        %parallel_loop3A_858 = vector.broadcast %parallel_loop3A_857 : i32 to vector<16xi32>
        %parallel_loop3A_859 = arith.andi %parallel_loop3A_856, %parallel_loop3A_858 : vector<16xi32>
        %parallel_loop3A_860 = tpu.vector_load_idx %arg8[%parallel_loop3A_566, %parallel_loop3A_859] : memref<128x64xf32, #tpu.memory_space<vmem>>[vector<16xi32>, vector<16xi32>], vector<16xf32>,
        tpu.vector_store_idx %arg10[%parallel_loop3A_859, %parallel_loop3A_566], %parallel_loop3A_860 : memref<64x128xf32, #tpu.memory_space<vmem>>[vector<16xi32>, vector<16xi32>], vector<16xf32>,
        %parallel_loop3A_861 = arith.constant 42 : i32
        %parallel_loop3A_862 = vector.broadcast %parallel_loop3A_861 : i32 to vector<16xi32>
        %parallel_loop3A_863 = arith.addi %iota3A, %parallel_loop3A_862 : vector<16xi32>
        %parallel_loop3A_864 = arith.constant 63 : i32
        %parallel_loop3A_865 = vector.broadcast %parallel_loop3A_864 : i32 to vector<16xi32>
        %parallel_loop3A_866 = arith.andi %parallel_loop3A_863, %parallel_loop3A_865 : vector<16xi32>
        %parallel_loop3A_867 = tpu.vector_load_idx %arg8[%parallel_loop3A_566, %parallel_loop3A_866] : memref<128x64xf32, #tpu.memory_space<vmem>>[vector<16xi32>, vector<16xi32>], vector<16xf32>,
        tpu.vector_store_idx %arg10[%parallel_loop3A_866, %parallel_loop3A_566], %parallel_loop3A_867 : memref<64x128xf32, #tpu.memory_space<vmem>>[vector<16xi32>, vector<16xi32>], vector<16xf32>,
        %parallel_loop3A_868 = arith.constant 43 : i32
        %parallel_loop3A_869 = vector.broadcast %parallel_loop3A_868 : i32 to vector<16xi32>
        %parallel_loop3A_870 = arith.addi %iota3A, %parallel_loop3A_869 : vector<16xi32>
        %parallel_loop3A_871 = arith.constant 63 : i32
        %parallel_loop3A_872 = vector.broadcast %parallel_loop3A_871 : i32 to vector<16xi32>
        %parallel_loop3A_873 = arith.andi %parallel_loop3A_870, %parallel_loop3A_872 : vector<16xi32>
        %parallel_loop3A_874 = tpu.vector_load_idx %arg8[%parallel_loop3A_566, %parallel_loop3A_873] : memref<128x64xf32, #tpu.memory_space<vmem>>[vector<16xi32>, vector<16xi32>], vector<16xf32>,
        tpu.vector_store_idx %arg10[%parallel_loop3A_873, %parallel_loop3A_566], %parallel_loop3A_874 : memref<64x128xf32, #tpu.memory_space<vmem>>[vector<16xi32>, vector<16xi32>], vector<16xf32>,
        %parallel_loop3A_875 = arith.constant 44 : i32
        %parallel_loop3A_876 = vector.broadcast %parallel_loop3A_875 : i32 to vector<16xi32>
        %parallel_loop3A_877 = arith.addi %iota3A, %parallel_loop3A_876 : vector<16xi32>
        %parallel_loop3A_878 = arith.constant 63 : i32
        %parallel_loop3A_879 = vector.broadcast %parallel_loop3A_878 : i32 to vector<16xi32>
        %parallel_loop3A_880 = arith.andi %parallel_loop3A_877, %parallel_loop3A_879 : vector<16xi32>
        %parallel_loop3A_881 = tpu.vector_load_idx %arg8[%parallel_loop3A_566, %parallel_loop3A_880] : memref<128x64xf32, #tpu.memory_space<vmem>>[vector<16xi32>, vector<16xi32>], vector<16xf32>,
        tpu.vector_store_idx %arg10[%parallel_loop3A_880, %parallel_loop3A_566], %parallel_loop3A_881 : memref<64x128xf32, #tpu.memory_space<vmem>>[vector<16xi32>, vector<16xi32>], vector<16xf32>,
        %parallel_loop3A_882 = arith.constant 45 : i32
        %parallel_loop3A_883 = vector.broadcast %parallel_loop3A_882 : i32 to vector<16xi32>
        %parallel_loop3A_884 = arith.addi %iota3A, %parallel_loop3A_883 : vector<16xi32>
        %parallel_loop3A_885 = arith.constant 63 : i32
        %parallel_loop3A_886 = vector.broadcast %parallel_loop3A_885 : i32 to vector<16xi32>
        %parallel_loop3A_887 = arith.andi %parallel_loop3A_884, %parallel_loop3A_886 : vector<16xi32>
        %parallel_loop3A_888 = tpu.vector_load_idx %arg8[%parallel_loop3A_566, %parallel_loop3A_887] : memref<128x64xf32, #tpu.memory_space<vmem>>[vector<16xi32>, vector<16xi32>], vector<16xf32>,
        tpu.vector_store_idx %arg10[%parallel_loop3A_887, %parallel_loop3A_566], %parallel_loop3A_888 : memref<64x128xf32, #tpu.memory_space<vmem>>[vector<16xi32>, vector<16xi32>], vector<16xf32>,
        %parallel_loop3A_889 = arith.constant 46 : i32
        %parallel_loop3A_890 = vector.broadcast %parallel_loop3A_889 : i32 to vector<16xi32>
        %parallel_loop3A_891 = arith.addi %iota3A, %parallel_loop3A_890 : vector<16xi32>
        %parallel_loop3A_892 = arith.constant 63 : i32
        %parallel_loop3A_893 = vector.broadcast %parallel_loop3A_892 : i32 to vector<16xi32>
        %parallel_loop3A_894 = arith.andi %parallel_loop3A_891, %parallel_loop3A_893 : vector<16xi32>
        %parallel_loop3A_895 = tpu.vector_load_idx %arg8[%parallel_loop3A_566, %parallel_loop3A_894] : memref<128x64xf32, #tpu.memory_space<vmem>>[vector<16xi32>, vector<16xi32>], vector<16xf32>,
        tpu.vector_store_idx %arg10[%parallel_loop3A_894, %parallel_loop3A_566], %parallel_loop3A_895 : memref<64x128xf32, #tpu.memory_space<vmem>>[vector<16xi32>, vector<16xi32>], vector<16xf32>,
        %parallel_loop3A_896 = arith.constant 47 : i32
        %parallel_loop3A_897 = vector.broadcast %parallel_loop3A_896 : i32 to vector<16xi32>
        %parallel_loop3A_898 = arith.addi %iota3A, %parallel_loop3A_897 : vector<16xi32>
        %parallel_loop3A_899 = arith.constant 63 : i32
        %parallel_loop3A_900 = vector.broadcast %parallel_loop3A_899 : i32 to vector<16xi32>
        %parallel_loop3A_901 = arith.andi %parallel_loop3A_898, %parallel_loop3A_900 : vector<16xi32>
        %parallel_loop3A_902 = tpu.vector_load_idx %arg8[%parallel_loop3A_566, %parallel_loop3A_901] : memref<128x64xf32, #tpu.memory_space<vmem>>[vector<16xi32>, vector<16xi32>], vector<16xf32>,
        tpu.vector_store_idx %arg10[%parallel_loop3A_901, %parallel_loop3A_566], %parallel_loop3A_902 : memref<64x128xf32, #tpu.memory_space<vmem>>[vector<16xi32>, vector<16xi32>], vector<16xf32>,
        %parallel_loop3A_903 = arith.constant 48 : i32
        %parallel_loop3A_904 = vector.broadcast %parallel_loop3A_903 : i32 to vector<16xi32>
        %parallel_loop3A_905 = arith.addi %iota3A, %parallel_loop3A_904 : vector<16xi32>
        %parallel_loop3A_906 = arith.constant 63 : i32
        %parallel_loop3A_907 = vector.broadcast %parallel_loop3A_906 : i32 to vector<16xi32>
        %parallel_loop3A_908 = arith.andi %parallel_loop3A_905, %parallel_loop3A_907 : vector<16xi32>
        %parallel_loop3A_909 = tpu.vector_load_idx %arg8[%parallel_loop3A_566, %parallel_loop3A_908] : memref<128x64xf32, #tpu.memory_space<vmem>>[vector<16xi32>, vector<16xi32>], vector<16xf32>,
        tpu.vector_store_idx %arg10[%parallel_loop3A_908, %parallel_loop3A_566], %parallel_loop3A_909 : memref<64x128xf32, #tpu.memory_space<vmem>>[vector<16xi32>, vector<16xi32>], vector<16xf32>,
        %parallel_loop3A_910 = arith.constant 49 : i32
        %parallel_loop3A_911 = vector.broadcast %parallel_loop3A_910 : i32 to vector<16xi32>
        %parallel_loop3A_912 = arith.addi %iota3A, %parallel_loop3A_911 : vector<16xi32>
        %parallel_loop3A_913 = arith.constant 63 : i32
        %parallel_loop3A_914 = vector.broadcast %parallel_loop3A_913 : i32 to vector<16xi32>
        %parallel_loop3A_915 = arith.andi %parallel_loop3A_912, %parallel_loop3A_914 : vector<16xi32>
        %parallel_loop3A_916 = tpu.vector_load_idx %arg8[%parallel_loop3A_566, %parallel_loop3A_915] : memref<128x64xf32, #tpu.memory_space<vmem>>[vector<16xi32>, vector<16xi32>], vector<16xf32>,
        tpu.vector_store_idx %arg10[%parallel_loop3A_915, %parallel_loop3A_566], %parallel_loop3A_916 : memref<64x128xf32, #tpu.memory_space<vmem>>[vector<16xi32>, vector<16xi32>], vector<16xf32>,
        %parallel_loop3A_917 = arith.constant 50 : i32
        %parallel_loop3A_918 = vector.broadcast %parallel_loop3A_917 : i32 to vector<16xi32>
        %parallel_loop3A_919 = arith.addi %iota3A, %parallel_loop3A_918 : vector<16xi32>
        %parallel_loop3A_920 = arith.constant 63 : i32
        %parallel_loop3A_921 = vector.broadcast %parallel_loop3A_920 : i32 to vector<16xi32>
        %parallel_loop3A_922 = arith.andi %parallel_loop3A_919, %parallel_loop3A_921 : vector<16xi32>
        %parallel_loop3A_923 = tpu.vector_load_idx %arg8[%parallel_loop3A_566, %parallel_loop3A_922] : memref<128x64xf32, #tpu.memory_space<vmem>>[vector<16xi32>, vector<16xi32>], vector<16xf32>,
        tpu.vector_store_idx %arg10[%parallel_loop3A_922, %parallel_loop3A_566], %parallel_loop3A_923 : memref<64x128xf32, #tpu.memory_space<vmem>>[vector<16xi32>, vector<16xi32>], vector<16xf32>,
        %parallel_loop3A_924 = arith.constant 51 : i32
        %parallel_loop3A_925 = vector.broadcast %parallel_loop3A_924 : i32 to vector<16xi32>
        %parallel_loop3A_926 = arith.addi %iota3A, %parallel_loop3A_925 : vector<16xi32>
        %parallel_loop3A_927 = arith.constant 63 : i32
        %parallel_loop3A_928 = vector.broadcast %parallel_loop3A_927 : i32 to vector<16xi32>
        %parallel_loop3A_929 = arith.andi %parallel_loop3A_926, %parallel_loop3A_928 : vector<16xi32>
        %parallel_loop3A_930 = tpu.vector_load_idx %arg8[%parallel_loop3A_566, %parallel_loop3A_929] : memref<128x64xf32, #tpu.memory_space<vmem>>[vector<16xi32>, vector<16xi32>], vector<16xf32>,
        tpu.vector_store_idx %arg10[%parallel_loop3A_929, %parallel_loop3A_566], %parallel_loop3A_930 : memref<64x128xf32, #tpu.memory_space<vmem>>[vector<16xi32>, vector<16xi32>], vector<16xf32>,
        %parallel_loop3A_931 = arith.constant 52 : i32
        %parallel_loop3A_932 = vector.broadcast %parallel_loop3A_931 : i32 to vector<16xi32>
        %parallel_loop3A_933 = arith.addi %iota3A, %parallel_loop3A_932 : vector<16xi32>
        %parallel_loop3A_934 = arith.constant 63 : i32
        %parallel_loop3A_935 = vector.broadcast %parallel_loop3A_934 : i32 to vector<16xi32>
        %parallel_loop3A_936 = arith.andi %parallel_loop3A_933, %parallel_loop3A_935 : vector<16xi32>
        %parallel_loop3A_937 = tpu.vector_load_idx %arg8[%parallel_loop3A_566, %parallel_loop3A_936] : memref<128x64xf32, #tpu.memory_space<vmem>>[vector<16xi32>, vector<16xi32>], vector<16xf32>,
        tpu.vector_store_idx %arg10[%parallel_loop3A_936, %parallel_loop3A_566], %parallel_loop3A_937 : memref<64x128xf32, #tpu.memory_space<vmem>>[vector<16xi32>, vector<16xi32>], vector<16xf32>,
        %parallel_loop3A_938 = arith.constant 53 : i32
        %parallel_loop3A_939 = vector.broadcast %parallel_loop3A_938 : i32 to vector<16xi32>
        %parallel_loop3A_940 = arith.addi %iota3A, %parallel_loop3A_939 : vector<16xi32>
        %parallel_loop3A_941 = arith.constant 63 : i32
        %parallel_loop3A_942 = vector.broadcast %parallel_loop3A_941 : i32 to vector<16xi32>
        %parallel_loop3A_943 = arith.andi %parallel_loop3A_940, %parallel_loop3A_942 : vector<16xi32>
        %parallel_loop3A_944 = tpu.vector_load_idx %arg8[%parallel_loop3A_566, %parallel_loop3A_943] : memref<128x64xf32, #tpu.memory_space<vmem>>[vector<16xi32>, vector<16xi32>], vector<16xf32>,
        tpu.vector_store_idx %arg10[%parallel_loop3A_943, %parallel_loop3A_566], %parallel_loop3A_944 : memref<64x128xf32, #tpu.memory_space<vmem>>[vector<16xi32>, vector<16xi32>], vector<16xf32>,
        %parallel_loop3A_945 = arith.constant 54 : i32
        %parallel_loop3A_946 = vector.broadcast %parallel_loop3A_945 : i32 to vector<16xi32>
        %parallel_loop3A_947 = arith.addi %iota3A, %parallel_loop3A_946 : vector<16xi32>
        %parallel_loop3A_948 = arith.constant 63 : i32
        %parallel_loop3A_949 = vector.broadcast %parallel_loop3A_948 : i32 to vector<16xi32>
        %parallel_loop3A_950 = arith.andi %parallel_loop3A_947, %parallel_loop3A_949 : vector<16xi32>
        %parallel_loop3A_951 = tpu.vector_load_idx %arg8[%parallel_loop3A_566, %parallel_loop3A_950] : memref<128x64xf32, #tpu.memory_space<vmem>>[vector<16xi32>, vector<16xi32>], vector<16xf32>,
        tpu.vector_store_idx %arg10[%parallel_loop3A_950, %parallel_loop3A_566], %parallel_loop3A_951 : memref<64x128xf32, #tpu.memory_space<vmem>>[vector<16xi32>, vector<16xi32>], vector<16xf32>,
        %parallel_loop3A_952 = arith.constant 55 : i32
        %parallel_loop3A_953 = vector.broadcast %parallel_loop3A_952 : i32 to vector<16xi32>
        %parallel_loop3A_954 = arith.addi %iota3A, %parallel_loop3A_953 : vector<16xi32>
        %parallel_loop3A_955 = arith.constant 63 : i32
        %parallel_loop3A_956 = vector.broadcast %parallel_loop3A_955 : i32 to vector<16xi32>
        %parallel_loop3A_957 = arith.andi %parallel_loop3A_954, %parallel_loop3A_956 : vector<16xi32>
        %parallel_loop3A_958 = tpu.vector_load_idx %arg8[%parallel_loop3A_566, %parallel_loop3A_957] : memref<128x64xf32, #tpu.memory_space<vmem>>[vector<16xi32>, vector<16xi32>], vector<16xf32>,
        tpu.vector_store_idx %arg10[%parallel_loop3A_957, %parallel_loop3A_566], %parallel_loop3A_958 : memref<64x128xf32, #tpu.memory_space<vmem>>[vector<16xi32>, vector<16xi32>], vector<16xf32>,
        %parallel_loop3A_959 = arith.constant 56 : i32
        %parallel_loop3A_960 = vector.broadcast %parallel_loop3A_959 : i32 to vector<16xi32>
        %parallel_loop3A_961 = arith.addi %iota3A, %parallel_loop3A_960 : vector<16xi32>
        %parallel_loop3A_962 = arith.constant 63 : i32
        %parallel_loop3A_963 = vector.broadcast %parallel_loop3A_962 : i32 to vector<16xi32>
        %parallel_loop3A_964 = arith.andi %parallel_loop3A_961, %parallel_loop3A_963 : vector<16xi32>
        %parallel_loop3A_965 = tpu.vector_load_idx %arg8[%parallel_loop3A_566, %parallel_loop3A_964] : memref<128x64xf32, #tpu.memory_space<vmem>>[vector<16xi32>, vector<16xi32>], vector<16xf32>,
        tpu.vector_store_idx %arg10[%parallel_loop3A_964, %parallel_loop3A_566], %parallel_loop3A_965 : memref<64x128xf32, #tpu.memory_space<vmem>>[vector<16xi32>, vector<16xi32>], vector<16xf32>,
        %parallel_loop3A_966 = arith.constant 57 : i32
        %parallel_loop3A_967 = vector.broadcast %parallel_loop3A_966 : i32 to vector<16xi32>
        %parallel_loop3A_968 = arith.addi %iota3A, %parallel_loop3A_967 : vector<16xi32>
        %parallel_loop3A_969 = arith.constant 63 : i32
        %parallel_loop3A_970 = vector.broadcast %parallel_loop3A_969 : i32 to vector<16xi32>
        %parallel_loop3A_971 = arith.andi %parallel_loop3A_968, %parallel_loop3A_970 : vector<16xi32>
        %parallel_loop3A_972 = tpu.vector_load_idx %arg8[%parallel_loop3A_566, %parallel_loop3A_971] : memref<128x64xf32, #tpu.memory_space<vmem>>[vector<16xi32>, vector<16xi32>], vector<16xf32>,
        tpu.vector_store_idx %arg10[%parallel_loop3A_971, %parallel_loop3A_566], %parallel_loop3A_972 : memref<64x128xf32, #tpu.memory_space<vmem>>[vector<16xi32>, vector<16xi32>], vector<16xf32>,
        %parallel_loop3A_973 = arith.constant 58 : i32
        %parallel_loop3A_974 = vector.broadcast %parallel_loop3A_973 : i32 to vector<16xi32>
        %parallel_loop3A_975 = arith.addi %iota3A, %parallel_loop3A_974 : vector<16xi32>
        %parallel_loop3A_976 = arith.constant 63 : i32
        %parallel_loop3A_977 = vector.broadcast %parallel_loop3A_976 : i32 to vector<16xi32>
        %parallel_loop3A_978 = arith.andi %parallel_loop3A_975, %parallel_loop3A_977 : vector<16xi32>
        %parallel_loop3A_979 = tpu.vector_load_idx %arg8[%parallel_loop3A_566, %parallel_loop3A_978] : memref<128x64xf32, #tpu.memory_space<vmem>>[vector<16xi32>, vector<16xi32>], vector<16xf32>,
        tpu.vector_store_idx %arg10[%parallel_loop3A_978, %parallel_loop3A_566], %parallel_loop3A_979 : memref<64x128xf32, #tpu.memory_space<vmem>>[vector<16xi32>, vector<16xi32>], vector<16xf32>,
        %parallel_loop3A_980 = arith.constant 59 : i32
        %parallel_loop3A_981 = vector.broadcast %parallel_loop3A_980 : i32 to vector<16xi32>
        %parallel_loop3A_982 = arith.addi %iota3A, %parallel_loop3A_981 : vector<16xi32>
        %parallel_loop3A_983 = arith.constant 63 : i32
        %parallel_loop3A_984 = vector.broadcast %parallel_loop3A_983 : i32 to vector<16xi32>
        %parallel_loop3A_985 = arith.andi %parallel_loop3A_982, %parallel_loop3A_984 : vector<16xi32>
        %parallel_loop3A_986 = tpu.vector_load_idx %arg8[%parallel_loop3A_566, %parallel_loop3A_985] : memref<128x64xf32, #tpu.memory_space<vmem>>[vector<16xi32>, vector<16xi32>], vector<16xf32>,
        tpu.vector_store_idx %arg10[%parallel_loop3A_985, %parallel_loop3A_566], %parallel_loop3A_986 : memref<64x128xf32, #tpu.memory_space<vmem>>[vector<16xi32>, vector<16xi32>], vector<16xf32>,
        %parallel_loop3A_987 = arith.constant 60 : i32
        %parallel_loop3A_988 = vector.broadcast %parallel_loop3A_987 : i32 to vector<16xi32>
        %parallel_loop3A_989 = arith.addi %iota3A, %parallel_loop3A_988 : vector<16xi32>
        %parallel_loop3A_990 = arith.constant 63 : i32
        %parallel_loop3A_991 = vector.broadcast %parallel_loop3A_990 : i32 to vector<16xi32>
        %parallel_loop3A_992 = arith.andi %parallel_loop3A_989, %parallel_loop3A_991 : vector<16xi32>
        %parallel_loop3A_993 = tpu.vector_load_idx %arg8[%parallel_loop3A_566, %parallel_loop3A_992] : memref<128x64xf32, #tpu.memory_space<vmem>>[vector<16xi32>, vector<16xi32>], vector<16xf32>,
        tpu.vector_store_idx %arg10[%parallel_loop3A_992, %parallel_loop3A_566], %parallel_loop3A_993 : memref<64x128xf32, #tpu.memory_space<vmem>>[vector<16xi32>, vector<16xi32>], vector<16xf32>,
        %parallel_loop3A_994 = arith.constant 61 : i32
        %parallel_loop3A_995 = vector.broadcast %parallel_loop3A_994 : i32 to vector<16xi32>
        %parallel_loop3A_996 = arith.addi %iota3A, %parallel_loop3A_995 : vector<16xi32>
        %parallel_loop3A_997 = arith.constant 63 : i32
        %parallel_loop3A_998 = vector.broadcast %parallel_loop3A_997 : i32 to vector<16xi32>
        %parallel_loop3A_999 = arith.andi %parallel_loop3A_996, %parallel_loop3A_998 : vector<16xi32>
        %parallel_loop3A_1000 = tpu.vector_load_idx %arg8[%parallel_loop3A_566, %parallel_loop3A_999] : memref<128x64xf32, #tpu.memory_space<vmem>>[vector<16xi32>, vector<16xi32>], vector<16xf32>,
        tpu.vector_store_idx %arg10[%parallel_loop3A_999, %parallel_loop3A_566], %parallel_loop3A_1000 : memref<64x128xf32, #tpu.memory_space<vmem>>[vector<16xi32>, vector<16xi32>], vector<16xf32>,
        %parallel_loop3A_1001 = arith.constant 62 : i32
        %parallel_loop3A_1002 = vector.broadcast %parallel_loop3A_1001 : i32 to vector<16xi32>
        %parallel_loop3A_1003 = arith.addi %iota3A, %parallel_loop3A_1002 : vector<16xi32>
        %parallel_loop3A_1004 = arith.constant 63 : i32
        %parallel_loop3A_1005 = vector.broadcast %parallel_loop3A_1004 : i32 to vector<16xi32>
        %parallel_loop3A_1006 = arith.andi %parallel_loop3A_1003, %parallel_loop3A_1005 : vector<16xi32>
        %parallel_loop3A_1007 = tpu.vector_load_idx %arg8[%parallel_loop3A_566, %parallel_loop3A_1006] : memref<128x64xf32, #tpu.memory_space<vmem>>[vector<16xi32>, vector<16xi32>], vector<16xf32>,
        tpu.vector_store_idx %arg10[%parallel_loop3A_1006, %parallel_loop3A_566], %parallel_loop3A_1007 : memref<64x128xf32, #tpu.memory_space<vmem>>[vector<16xi32>, vector<16xi32>], vector<16xf32>,
        %parallel_loop3A_1008 = arith.constant 63 : i32
        %parallel_loop3A_1009 = vector.broadcast %parallel_loop3A_1008 : i32 to vector<16xi32>
        %parallel_loop3A_1010 = arith.addi %iota3A, %parallel_loop3A_1009 : vector<16xi32>
        %parallel_loop3A_1011 = arith.constant 63 : i32
        %parallel_loop3A_1012 = vector.broadcast %parallel_loop3A_1011 : i32 to vector<16xi32>
        %parallel_loop3A_1013 = arith.andi %parallel_loop3A_1010, %parallel_loop3A_1012 : vector<16xi32>
        %parallel_loop3A_1014 = tpu.vector_load_idx %arg8[%parallel_loop3A_566, %parallel_loop3A_1013] : memref<128x64xf32, #tpu.memory_space<vmem>>[vector<16xi32>, vector<16xi32>], vector<16xf32>,
        tpu.vector_store_idx %arg10[%parallel_loop3A_1013, %parallel_loop3A_566], %parallel_loop3A_1014 : memref<64x128xf32, #tpu.memory_space<vmem>>[vector<16xi32>, vector<16xi32>], vector<16xf32>,
      } {sc.loop_unroll_factor = 4 : i64, sc.parallel_access}
      %add3A_435 = arith.constant 1 : i32
      %add3A_436 = arith.addi %mul3A_283, %add3A_435 : i32
      %dma_start3A_437 = arith.constant 0 : i32
      %dma_start3A_438 = arith.constant 0 : i32
      %dma_start3A_439 = arith.constant 0 : i32
      %dma_start3A_440 = tpu.memref_slice %arg10[%dma_start3A_438, %dma_start3A_439] : memref<64x128xf32, #tpu.memory_space<vmem>> -> memref<8x128xf32, #tpu.memory_space<vmem>>
      %dma_start3A_441 = arith.constant 0 : i32
      %dma_start3A_442 = arith.constant 0 : i32
      %dma_start3A_443 = tpu.memref_slice %arg4[%add3A_436, %dma_start3A_437, %add3A, %dma_start3A_441, %dma_start3A_442] : memref<200x8x32x8x128xf32, #tpu.memory_space<hbm>> -> memref<1x1x1x8x128xf32, #tpu.memory_space<hbm>>
      %dma_start3A_444 = tpu.memref_squeeze %dma_start3A_443 : memref<1x1x1x8x128xf32, #tpu.memory_space<hbm>> -> memref<8x128xf32, #tpu.memory_space<hbm>>
      %dma_start3A_445 = arith.constant 0 : i32
      %dma_start3A_446 = arith.constant 0 : i32
      %dma_start3A_447 = tpu.memref_slice %arg4[%add3A_436, %dma_start3A_437, %add3A, %dma_start3A_445, %dma_start3A_446] : memref<200x8x32x8x128xf32, #tpu.memory_space<hbm>> -> memref<1x1x1x8x128xf32, #tpu.memory_space<hbm>>
      %dma_start3A_448 = tpu.memref_squeeze %dma_start3A_447 : memref<1x1x1x8x128xf32, #tpu.memory_space<hbm>> -> memref<8x128xf32, #tpu.memory_space<hbm>>
      %dma_start3A_449 = arith.constant 0 : i32
      %dma_start3A_450 = arith.constant 0 : i32
      %dma_start3A_451 = tpu.memref_slice %arg10[%dma_start3A_449, %dma_start3A_450] : memref<64x128xf32, #tpu.memory_space<vmem>> -> memref<8x128xf32, #tpu.memory_space<vmem>>
      tpu.enqueue_dma source(%dma_start3A_451 : memref<8x128xf32, #tpu.memory_space<vmem>>) target(%dma_start3A_448 : memref<8x128xf32, #tpu.memory_space<hbm>>) target_semaphore(%arg14 : memref<!tpu.dma_semaphore, #tpu.memory_space<semaphore_mem>>)
      %dma_start3A_452 = arith.constant 1 : i32
      %dma_start3A_453 = arith.constant 8 : i32
      %dma_start3A_454 = arith.constant 0 : i32
      %dma_start3A_455 = tpu.memref_slice %arg10[%dma_start3A_453, %dma_start3A_454] : memref<64x128xf32, #tpu.memory_space<vmem>> -> memref<8x128xf32, #tpu.memory_space<vmem>>
      %dma_start3A_456 = arith.constant 0 : i32
      %dma_start3A_457 = arith.constant 0 : i32
      %dma_start3A_458 = tpu.memref_slice %arg4[%add3A_436, %dma_start3A_452, %add3A, %dma_start3A_456, %dma_start3A_457] : memref<200x8x32x8x128xf32, #tpu.memory_space<hbm>> -> memref<1x1x1x8x128xf32, #tpu.memory_space<hbm>>
      %dma_start3A_459 = tpu.memref_squeeze %dma_start3A_458 : memref<1x1x1x8x128xf32, #tpu.memory_space<hbm>> -> memref<8x128xf32, #tpu.memory_space<hbm>>
      %dma_start3A_460 = arith.constant 0 : i32
      %dma_start3A_461 = arith.constant 0 : i32
      %dma_start3A_462 = tpu.memref_slice %arg4[%add3A_436, %dma_start3A_452, %add3A, %dma_start3A_460, %dma_start3A_461] : memref<200x8x32x8x128xf32, #tpu.memory_space<hbm>> -> memref<1x1x1x8x128xf32, #tpu.memory_space<hbm>>
      %dma_start3A_463 = tpu.memref_squeeze %dma_start3A_462 : memref<1x1x1x8x128xf32, #tpu.memory_space<hbm>> -> memref<8x128xf32, #tpu.memory_space<hbm>>
      %dma_start3A_464 = arith.constant 8 : i32
      %dma_start3A_465 = arith.constant 0 : i32
      %dma_start3A_466 = tpu.memref_slice %arg10[%dma_start3A_464, %dma_start3A_465] : memref<64x128xf32, #tpu.memory_space<vmem>> -> memref<8x128xf32, #tpu.memory_space<vmem>>
      tpu.enqueue_dma source(%dma_start3A_466 : memref<8x128xf32, #tpu.memory_space<vmem>>) target(%dma_start3A_463 : memref<8x128xf32, #tpu.memory_space<hbm>>) target_semaphore(%arg14 : memref<!tpu.dma_semaphore, #tpu.memory_space<semaphore_mem>>)
      %dma_start3A_467 = arith.constant 2 : i32
      %dma_start3A_468 = arith.constant 16 : i32
      %dma_start3A_469 = arith.constant 0 : i32
      %dma_start3A_470 = tpu.memref_slice %arg10[%dma_start3A_468, %dma_start3A_469] : memref<64x128xf32, #tpu.memory_space<vmem>> -> memref<8x128xf32, #tpu.memory_space<vmem>>
      %dma_start3A_471 = arith.constant 0 : i32
      %dma_start3A_472 = arith.constant 0 : i32
      %dma_start3A_473 = tpu.memref_slice %arg4[%add3A_436, %dma_start3A_467, %add3A, %dma_start3A_471, %dma_start3A_472] : memref<200x8x32x8x128xf32, #tpu.memory_space<hbm>> -> memref<1x1x1x8x128xf32, #tpu.memory_space<hbm>>
      %dma_start3A_474 = tpu.memref_squeeze %dma_start3A_473 : memref<1x1x1x8x128xf32, #tpu.memory_space<hbm>> -> memref<8x128xf32, #tpu.memory_space<hbm>>
      %dma_start3A_475 = arith.constant 0 : i32
      %dma_start3A_476 = arith.constant 0 : i32
      %dma_start3A_477 = tpu.memref_slice %arg4[%add3A_436, %dma_start3A_467, %add3A, %dma_start3A_475, %dma_start3A_476] : memref<200x8x32x8x128xf32, #tpu.memory_space<hbm>> -> memref<1x1x1x8x128xf32, #tpu.memory_space<hbm>>
      %dma_start3A_478 = tpu.memref_squeeze %dma_start3A_477 : memref<1x1x1x8x128xf32, #tpu.memory_space<hbm>> -> memref<8x128xf32, #tpu.memory_space<hbm>>
      %dma_start3A_479 = arith.constant 16 : i32
      %dma_start3A_480 = arith.constant 0 : i32
      %dma_start3A_481 = tpu.memref_slice %arg10[%dma_start3A_479, %dma_start3A_480] : memref<64x128xf32, #tpu.memory_space<vmem>> -> memref<8x128xf32, #tpu.memory_space<vmem>>
      tpu.enqueue_dma source(%dma_start3A_481 : memref<8x128xf32, #tpu.memory_space<vmem>>) target(%dma_start3A_478 : memref<8x128xf32, #tpu.memory_space<hbm>>) target_semaphore(%arg14 : memref<!tpu.dma_semaphore, #tpu.memory_space<semaphore_mem>>)
      %dma_start3A_482 = arith.constant 3 : i32
      %dma_start3A_483 = arith.constant 24 : i32
      %dma_start3A_484 = arith.constant 0 : i32
      %dma_start3A_485 = tpu.memref_slice %arg10[%dma_start3A_483, %dma_start3A_484] : memref<64x128xf32, #tpu.memory_space<vmem>> -> memref<8x128xf32, #tpu.memory_space<vmem>>
      %dma_start3A_486 = arith.constant 0 : i32
      %dma_start3A_487 = arith.constant 0 : i32
      %dma_start3A_488 = tpu.memref_slice %arg4[%add3A_436, %dma_start3A_482, %add3A, %dma_start3A_486, %dma_start3A_487] : memref<200x8x32x8x128xf32, #tpu.memory_space<hbm>> -> memref<1x1x1x8x128xf32, #tpu.memory_space<hbm>>
      %dma_start3A_489 = tpu.memref_squeeze %dma_start3A_488 : memref<1x1x1x8x128xf32, #tpu.memory_space<hbm>> -> memref<8x128xf32, #tpu.memory_space<hbm>>
      %dma_start3A_490 = arith.constant 0 : i32
      %dma_start3A_491 = arith.constant 0 : i32
      %dma_start3A_492 = tpu.memref_slice %arg4[%add3A_436, %dma_start3A_482, %add3A, %dma_start3A_490, %dma_start3A_491] : memref<200x8x32x8x128xf32, #tpu.memory_space<hbm>> -> memref<1x1x1x8x128xf32, #tpu.memory_space<hbm>>
      %dma_start3A_493 = tpu.memref_squeeze %dma_start3A_492 : memref<1x1x1x8x128xf32, #tpu.memory_space<hbm>> -> memref<8x128xf32, #tpu.memory_space<hbm>>
      %dma_start3A_494 = arith.constant 24 : i32
      %dma_start3A_495 = arith.constant 0 : i32
      %dma_start3A_496 = tpu.memref_slice %arg10[%dma_start3A_494, %dma_start3A_495] : memref<64x128xf32, #tpu.memory_space<vmem>> -> memref<8x128xf32, #tpu.memory_space<vmem>>
      tpu.enqueue_dma source(%dma_start3A_496 : memref<8x128xf32, #tpu.memory_space<vmem>>) target(%dma_start3A_493 : memref<8x128xf32, #tpu.memory_space<hbm>>) target_semaphore(%arg14 : memref<!tpu.dma_semaphore, #tpu.memory_space<semaphore_mem>>)
      %dma_start3A_497 = arith.constant 4 : i32
      %dma_start3A_498 = arith.constant 32 : i32
      %dma_start3A_499 = arith.constant 0 : i32
      %dma_start3A_500 = tpu.memref_slice %arg10[%dma_start3A_498, %dma_start3A_499] : memref<64x128xf32, #tpu.memory_space<vmem>> -> memref<8x128xf32, #tpu.memory_space<vmem>>
      %dma_start3A_501 = arith.constant 0 : i32
      %dma_start3A_502 = arith.constant 0 : i32
      %dma_start3A_503 = tpu.memref_slice %arg4[%add3A_436, %dma_start3A_497, %add3A, %dma_start3A_501, %dma_start3A_502] : memref<200x8x32x8x128xf32, #tpu.memory_space<hbm>> -> memref<1x1x1x8x128xf32, #tpu.memory_space<hbm>>
      %dma_start3A_504 = tpu.memref_squeeze %dma_start3A_503 : memref<1x1x1x8x128xf32, #tpu.memory_space<hbm>> -> memref<8x128xf32, #tpu.memory_space<hbm>>
      %dma_start3A_505 = arith.constant 0 : i32
      %dma_start3A_506 = arith.constant 0 : i32
      %dma_start3A_507 = tpu.memref_slice %arg4[%add3A_436, %dma_start3A_497, %add3A, %dma_start3A_505, %dma_start3A_506] : memref<200x8x32x8x128xf32, #tpu.memory_space<hbm>> -> memref<1x1x1x8x128xf32, #tpu.memory_space<hbm>>
      %dma_start3A_508 = tpu.memref_squeeze %dma_start3A_507 : memref<1x1x1x8x128xf32, #tpu.memory_space<hbm>> -> memref<8x128xf32, #tpu.memory_space<hbm>>
      %dma_start3A_509 = arith.constant 32 : i32
      %dma_start3A_510 = arith.constant 0 : i32
      %dma_start3A_511 = tpu.memref_slice %arg10[%dma_start3A_509, %dma_start3A_510] : memref<64x128xf32, #tpu.memory_space<vmem>> -> memref<8x128xf32, #tpu.memory_space<vmem>>
      tpu.enqueue_dma source(%dma_start3A_511 : memref<8x128xf32, #tpu.memory_space<vmem>>) target(%dma_start3A_508 : memref<8x128xf32, #tpu.memory_space<hbm>>) target_semaphore(%arg14 : memref<!tpu.dma_semaphore, #tpu.memory_space<semaphore_mem>>)
      %dma_start3A_512 = arith.constant 5 : i32
      %dma_start3A_513 = arith.constant 40 : i32
      %dma_start3A_514 = arith.constant 0 : i32
      %dma_start3A_515 = tpu.memref_slice %arg10[%dma_start3A_513, %dma_start3A_514] : memref<64x128xf32, #tpu.memory_space<vmem>> -> memref<8x128xf32, #tpu.memory_space<vmem>>
      %dma_start3A_516 = arith.constant 0 : i32
      %dma_start3A_517 = arith.constant 0 : i32
      %dma_start3A_518 = tpu.memref_slice %arg4[%add3A_436, %dma_start3A_512, %add3A, %dma_start3A_516, %dma_start3A_517] : memref<200x8x32x8x128xf32, #tpu.memory_space<hbm>> -> memref<1x1x1x8x128xf32, #tpu.memory_space<hbm>>
      %dma_start3A_519 = tpu.memref_squeeze %dma_start3A_518 : memref<1x1x1x8x128xf32, #tpu.memory_space<hbm>> -> memref<8x128xf32, #tpu.memory_space<hbm>>
      %dma_start3A_520 = arith.constant 0 : i32
      %dma_start3A_521 = arith.constant 0 : i32
      %dma_start3A_522 = tpu.memref_slice %arg4[%add3A_436, %dma_start3A_512, %add3A, %dma_start3A_520, %dma_start3A_521] : memref<200x8x32x8x128xf32, #tpu.memory_space<hbm>> -> memref<1x1x1x8x128xf32, #tpu.memory_space<hbm>>
      %dma_start3A_523 = tpu.memref_squeeze %dma_start3A_522 : memref<1x1x1x8x128xf32, #tpu.memory_space<hbm>> -> memref<8x128xf32, #tpu.memory_space<hbm>>
      %dma_start3A_524 = arith.constant 40 : i32
      %dma_start3A_525 = arith.constant 0 : i32
      %dma_start3A_526 = tpu.memref_slice %arg10[%dma_start3A_524, %dma_start3A_525] : memref<64x128xf32, #tpu.memory_space<vmem>> -> memref<8x128xf32, #tpu.memory_space<vmem>>
      tpu.enqueue_dma source(%dma_start3A_526 : memref<8x128xf32, #tpu.memory_space<vmem>>) target(%dma_start3A_523 : memref<8x128xf32, #tpu.memory_space<hbm>>) target_semaphore(%arg14 : memref<!tpu.dma_semaphore, #tpu.memory_space<semaphore_mem>>)
      %dma_start3A_527 = arith.constant 6 : i32
      %dma_start3A_528 = arith.constant 48 : i32
      %dma_start3A_529 = arith.constant 0 : i32
      %dma_start3A_530 = tpu.memref_slice %arg10[%dma_start3A_528, %dma_start3A_529] : memref<64x128xf32, #tpu.memory_space<vmem>> -> memref<8x128xf32, #tpu.memory_space<vmem>>
      %dma_start3A_531 = arith.constant 0 : i32
      %dma_start3A_532 = arith.constant 0 : i32
      %dma_start3A_533 = tpu.memref_slice %arg4[%add3A_436, %dma_start3A_527, %add3A, %dma_start3A_531, %dma_start3A_532] : memref<200x8x32x8x128xf32, #tpu.memory_space<hbm>> -> memref<1x1x1x8x128xf32, #tpu.memory_space<hbm>>
      %dma_start3A_534 = tpu.memref_squeeze %dma_start3A_533 : memref<1x1x1x8x128xf32, #tpu.memory_space<hbm>> -> memref<8x128xf32, #tpu.memory_space<hbm>>
      %dma_start3A_535 = arith.constant 0 : i32
      %dma_start3A_536 = arith.constant 0 : i32
      %dma_start3A_537 = tpu.memref_slice %arg4[%add3A_436, %dma_start3A_527, %add3A, %dma_start3A_535, %dma_start3A_536] : memref<200x8x32x8x128xf32, #tpu.memory_space<hbm>> -> memref<1x1x1x8x128xf32, #tpu.memory_space<hbm>>
      %dma_start3A_538 = tpu.memref_squeeze %dma_start3A_537 : memref<1x1x1x8x128xf32, #tpu.memory_space<hbm>> -> memref<8x128xf32, #tpu.memory_space<hbm>>
      %dma_start3A_539 = arith.constant 48 : i32
      %dma_start3A_540 = arith.constant 0 : i32
      %dma_start3A_541 = tpu.memref_slice %arg10[%dma_start3A_539, %dma_start3A_540] : memref<64x128xf32, #tpu.memory_space<vmem>> -> memref<8x128xf32, #tpu.memory_space<vmem>>
      tpu.enqueue_dma source(%dma_start3A_541 : memref<8x128xf32, #tpu.memory_space<vmem>>) target(%dma_start3A_538 : memref<8x128xf32, #tpu.memory_space<hbm>>) target_semaphore(%arg14 : memref<!tpu.dma_semaphore, #tpu.memory_space<semaphore_mem>>)
      %dma_start3A_542 = arith.constant 7 : i32
      %dma_start3A_543 = arith.constant 56 : i32
      %dma_start3A_544 = arith.constant 0 : i32
      %dma_start3A_545 = tpu.memref_slice %arg10[%dma_start3A_543, %dma_start3A_544] : memref<64x128xf32, #tpu.memory_space<vmem>> -> memref<8x128xf32, #tpu.memory_space<vmem>>
      %dma_start3A_546 = arith.constant 0 : i32
      %dma_start3A_547 = arith.constant 0 : i32
      %dma_start3A_548 = tpu.memref_slice %arg4[%add3A_436, %dma_start3A_542, %add3A, %dma_start3A_546, %dma_start3A_547] : memref<200x8x32x8x128xf32, #tpu.memory_space<hbm>> -> memref<1x1x1x8x128xf32, #tpu.memory_space<hbm>>
      %dma_start3A_549 = tpu.memref_squeeze %dma_start3A_548 : memref<1x1x1x8x128xf32, #tpu.memory_space<hbm>> -> memref<8x128xf32, #tpu.memory_space<hbm>>
      %dma_start3A_550 = arith.constant 0 : i32
      %dma_start3A_551 = arith.constant 0 : i32
      %dma_start3A_552 = tpu.memref_slice %arg4[%add3A_436, %dma_start3A_542, %add3A, %dma_start3A_550, %dma_start3A_551] : memref<200x8x32x8x128xf32, #tpu.memory_space<hbm>> -> memref<1x1x1x8x128xf32, #tpu.memory_space<hbm>>
      %dma_start3A_553 = tpu.memref_squeeze %dma_start3A_552 : memref<1x1x1x8x128xf32, #tpu.memory_space<hbm>> -> memref<8x128xf32, #tpu.memory_space<hbm>>
      %dma_start3A_554 = arith.constant 56 : i32
      %dma_start3A_555 = arith.constant 0 : i32
      %dma_start3A_556 = tpu.memref_slice %arg10[%dma_start3A_554, %dma_start3A_555] : memref<64x128xf32, #tpu.memory_space<vmem>> -> memref<8x128xf32, #tpu.memory_space<vmem>>
      tpu.enqueue_dma source(%dma_start3A_556 : memref<8x128xf32, #tpu.memory_space<vmem>>) target(%dma_start3A_553 : memref<8x128xf32, #tpu.memory_space<hbm>>) target_semaphore(%arg14 : memref<!tpu.dma_semaphore, #tpu.memory_space<semaphore_mem>>)
      %lt3A_557 = arith.constant 99 : i32
      %lt3A_558 = arith.cmpi slt, %add3A_281, %lt3A_557 : i32
      %convert_element_type3A_559 = arith.extui %lt3A_558 : i1 to i32
      %cond3A_560 = arith.constant 0 : i32
      %cond3A_561 = arith.cmpi ne, %convert_element_type3A_559, %cond3A_560 : i32
      scf.if %cond3A_561 {
        %add3A_562 = arith.constant 3 : i32
        %add3A_563 = arith.addi %mul3A_283, %add3A_562 : i32
        %dma_start3A_564 = arith.constant 0 : i32
        %dma_start3A_565 = tpu.memref_slice %arg6[%add3A_563, %dma_start3A_564] : memref<200x128xi32, #tpu.memory_space<vmem>> -> memref<1x128xi32, #tpu.memory_space<vmem>>
        %dma_start3A_566 = tpu.memref_squeeze %dma_start3A_565 : memref<1x128xi32, #tpu.memory_space<vmem>> -> memref<128xi32, #tpu.memory_space<vmem>>
        %dma_start3A_567 = arith.constant 0 : i32
        %dma_start3A_568 = arith.constant 0 : i32
        %dma_start3A_569 = tpu.memref_slice %arg3[%dma_start3A_567, %dma_start3A_568] : memref<100000x64xf32, #tpu.memory_space<hbm>> -> memref<100000x64xf32, #tpu.memory_space<hbm>>
        tpu.enqueue_indirect_dma source(%dma_start3A_569 : memref<100000x64xf32, #tpu.memory_space<hbm>>) target(%arg8 : memref<128x64xf32, #tpu.memory_space<vmem>>) offsets(%dma_start3A_566 : memref<128xi32, #tpu.memory_space<vmem>>) semaphore(%arg12 : memref<!tpu.dma_semaphore, #tpu.memory_space<semaphore_mem>>)
      } else {
      }
    }
    %scan3A_21 = arith.constant 100 : i32
    %dma_wait3A = arith.constant 198 : i32
    %dma_wait3A_22 = arith.constant 0 : i32
    %dma_wait3A_23 = arith.constant 0 : i32
    %dma_wait3A_24 = arith.constant 0 : i32
    %dma_wait3A_25 = tpu.memref_slice %arg9[%dma_wait3A_23, %dma_wait3A_24] : memref<64x128xf32, #tpu.memory_space<vmem>> -> memref<8x128xf32, #tpu.memory_space<vmem>>
    %dma_wait3A_26 = arith.constant 0 : i32
    %dma_wait3A_27 = arith.constant 0 : i32
    %dma_wait3A_28 = tpu.memref_slice %arg4[%dma_wait3A, %dma_wait3A_22, %add3A, %dma_wait3A_26, %dma_wait3A_27] : memref<200x8x32x8x128xf32, #tpu.memory_space<hbm>> -> memref<1x1x1x8x128xf32, #tpu.memory_space<hbm>>
    %dma_wait3A_29 = tpu.memref_squeeze %dma_wait3A_28 : memref<1x1x1x8x128xf32, #tpu.memory_space<hbm>> -> memref<8x128xf32, #tpu.memory_space<hbm>>
    %dma_wait3A_30 = arith.constant 0 : i32
    %dma_wait3A_31 = arith.constant 0 : i32
    %dma_wait3A_32 = tpu.memref_slice %arg4[%dma_wait3A, %dma_wait3A_22, %add3A, %dma_wait3A_30, %dma_wait3A_31] : memref<200x8x32x8x128xf32, #tpu.memory_space<hbm>> -> memref<1x1x1x8x128xf32, #tpu.memory_space<hbm>>
    %dma_wait3A_33 = tpu.memref_squeeze %dma_wait3A_32 : memref<1x1x1x8x128xf32, #tpu.memory_space<hbm>> -> memref<8x128xf32, #tpu.memory_space<hbm>>
    %dma_wait3A_34 = arith.constant 0 : i32
    %dma_wait3A_35 = arith.constant 0 : i32
    %dma_wait3A_36 = tpu.memref_slice %arg9[%dma_wait3A_34, %dma_wait3A_35] : memref<64x128xf32, #tpu.memory_space<vmem>> -> memref<8x128xf32, #tpu.memory_space<vmem>>
    tpu.wait_dma2 semaphore(%arg13 : memref<!tpu.dma_semaphore, #tpu.memory_space<semaphore_mem>>) src(%dma_wait3A_36 : memref<8x128xf32, #tpu.memory_space<vmem>>) dst(%dma_wait3A_33 : memref<8x128xf32, #tpu.memory_space<hbm>>)
    %dma_wait3A_37 = arith.constant 198 : i32
    %dma_wait3A_38 = arith.constant 1 : i32
    %dma_wait3A_39 = arith.constant 8 : i32
    %dma_wait3A_40 = arith.constant 0 : i32
    %dma_wait3A_41 = tpu.memref_slice %arg9[%dma_wait3A_39, %dma_wait3A_40] : memref<64x128xf32, #tpu.memory_space<vmem>> -> memref<8x128xf32, #tpu.memory_space<vmem>>
    %dma_wait3A_42 = arith.constant 0 : i32
    %dma_wait3A_43 = arith.constant 0 : i32
    %dma_wait3A_44 = tpu.memref_slice %arg4[%dma_wait3A_37, %dma_wait3A_38, %add3A, %dma_wait3A_42, %dma_wait3A_43] : memref<200x8x32x8x128xf32, #tpu.memory_space<hbm>> -> memref<1x1x1x8x128xf32, #tpu.memory_space<hbm>>
    %dma_wait3A_45 = tpu.memref_squeeze %dma_wait3A_44 : memref<1x1x1x8x128xf32, #tpu.memory_space<hbm>> -> memref<8x128xf32, #tpu.memory_space<hbm>>
    %dma_wait3A_46 = arith.constant 0 : i32
    %dma_wait3A_47 = arith.constant 0 : i32
    %dma_wait3A_48 = tpu.memref_slice %arg4[%dma_wait3A_37, %dma_wait3A_38, %add3A, %dma_wait3A_46, %dma_wait3A_47] : memref<200x8x32x8x128xf32, #tpu.memory_space<hbm>> -> memref<1x1x1x8x128xf32, #tpu.memory_space<hbm>>
    %dma_wait3A_49 = tpu.memref_squeeze %dma_wait3A_48 : memref<1x1x1x8x128xf32, #tpu.memory_space<hbm>> -> memref<8x128xf32, #tpu.memory_space<hbm>>
    %dma_wait3A_50 = arith.constant 8 : i32
    %dma_wait3A_51 = arith.constant 0 : i32
    %dma_wait3A_52 = tpu.memref_slice %arg9[%dma_wait3A_50, %dma_wait3A_51] : memref<64x128xf32, #tpu.memory_space<vmem>> -> memref<8x128xf32, #tpu.memory_space<vmem>>
    tpu.wait_dma2 semaphore(%arg13 : memref<!tpu.dma_semaphore, #tpu.memory_space<semaphore_mem>>) src(%dma_wait3A_52 : memref<8x128xf32, #tpu.memory_space<vmem>>) dst(%dma_wait3A_49 : memref<8x128xf32, #tpu.memory_space<hbm>>)
    %dma_wait3A_53 = arith.constant 198 : i32
    %dma_wait3A_54 = arith.constant 2 : i32
    %dma_wait3A_55 = arith.constant 16 : i32
    %dma_wait3A_56 = arith.constant 0 : i32
    %dma_wait3A_57 = tpu.memref_slice %arg9[%dma_wait3A_55, %dma_wait3A_56] : memref<64x128xf32, #tpu.memory_space<vmem>> -> memref<8x128xf32, #tpu.memory_space<vmem>>
    %dma_wait3A_58 = arith.constant 0 : i32
    %dma_wait3A_59 = arith.constant 0 : i32
    %dma_wait3A_60 = tpu.memref_slice %arg4[%dma_wait3A_53, %dma_wait3A_54, %add3A, %dma_wait3A_58, %dma_wait3A_59] : memref<200x8x32x8x128xf32, #tpu.memory_space<hbm>> -> memref<1x1x1x8x128xf32, #tpu.memory_space<hbm>>
    %dma_wait3A_61 = tpu.memref_squeeze %dma_wait3A_60 : memref<1x1x1x8x128xf32, #tpu.memory_space<hbm>> -> memref<8x128xf32, #tpu.memory_space<hbm>>
    %dma_wait3A_62 = arith.constant 0 : i32
    %dma_wait3A_63 = arith.constant 0 : i32
    %dma_wait3A_64 = tpu.memref_slice %arg4[%dma_wait3A_53, %dma_wait3A_54, %add3A, %dma_wait3A_62, %dma_wait3A_63] : memref<200x8x32x8x128xf32, #tpu.memory_space<hbm>> -> memref<1x1x1x8x128xf32, #tpu.memory_space<hbm>>
    %dma_wait3A_65 = tpu.memref_squeeze %dma_wait3A_64 : memref<1x1x1x8x128xf32, #tpu.memory_space<hbm>> -> memref<8x128xf32, #tpu.memory_space<hbm>>
    %dma_wait3A_66 = arith.constant 16 : i32
    %dma_wait3A_67 = arith.constant 0 : i32
    %dma_wait3A_68 = tpu.memref_slice %arg9[%dma_wait3A_66, %dma_wait3A_67] : memref<64x128xf32, #tpu.memory_space<vmem>> -> memref<8x128xf32, #tpu.memory_space<vmem>>
    tpu.wait_dma2 semaphore(%arg13 : memref<!tpu.dma_semaphore, #tpu.memory_space<semaphore_mem>>) src(%dma_wait3A_68 : memref<8x128xf32, #tpu.memory_space<vmem>>) dst(%dma_wait3A_65 : memref<8x128xf32, #tpu.memory_space<hbm>>)
    %dma_wait3A_69 = arith.constant 198 : i32
    %dma_wait3A_70 = arith.constant 3 : i32
    %dma_wait3A_71 = arith.constant 24 : i32
    %dma_wait3A_72 = arith.constant 0 : i32
    %dma_wait3A_73 = tpu.memref_slice %arg9[%dma_wait3A_71, %dma_wait3A_72] : memref<64x128xf32, #tpu.memory_space<vmem>> -> memref<8x128xf32, #tpu.memory_space<vmem>>
    %dma_wait3A_74 = arith.constant 0 : i32
    %dma_wait3A_75 = arith.constant 0 : i32
    %dma_wait3A_76 = tpu.memref_slice %arg4[%dma_wait3A_69, %dma_wait3A_70, %add3A, %dma_wait3A_74, %dma_wait3A_75] : memref<200x8x32x8x128xf32, #tpu.memory_space<hbm>> -> memref<1x1x1x8x128xf32, #tpu.memory_space<hbm>>
    %dma_wait3A_77 = tpu.memref_squeeze %dma_wait3A_76 : memref<1x1x1x8x128xf32, #tpu.memory_space<hbm>> -> memref<8x128xf32, #tpu.memory_space<hbm>>
    %dma_wait3A_78 = arith.constant 0 : i32
    %dma_wait3A_79 = arith.constant 0 : i32
    %dma_wait3A_80 = tpu.memref_slice %arg4[%dma_wait3A_69, %dma_wait3A_70, %add3A, %dma_wait3A_78, %dma_wait3A_79] : memref<200x8x32x8x128xf32, #tpu.memory_space<hbm>> -> memref<1x1x1x8x128xf32, #tpu.memory_space<hbm>>
    %dma_wait3A_81 = tpu.memref_squeeze %dma_wait3A_80 : memref<1x1x1x8x128xf32, #tpu.memory_space<hbm>> -> memref<8x128xf32, #tpu.memory_space<hbm>>
    %dma_wait3A_82 = arith.constant 24 : i32
    %dma_wait3A_83 = arith.constant 0 : i32
    %dma_wait3A_84 = tpu.memref_slice %arg9[%dma_wait3A_82, %dma_wait3A_83] : memref<64x128xf32, #tpu.memory_space<vmem>> -> memref<8x128xf32, #tpu.memory_space<vmem>>
    tpu.wait_dma2 semaphore(%arg13 : memref<!tpu.dma_semaphore, #tpu.memory_space<semaphore_mem>>) src(%dma_wait3A_84 : memref<8x128xf32, #tpu.memory_space<vmem>>) dst(%dma_wait3A_81 : memref<8x128xf32, #tpu.memory_space<hbm>>)
    %dma_wait3A_85 = arith.constant 198 : i32
    %dma_wait3A_86 = arith.constant 4 : i32
    %dma_wait3A_87 = arith.constant 32 : i32
    %dma_wait3A_88 = arith.constant 0 : i32
    %dma_wait3A_89 = tpu.memref_slice %arg9[%dma_wait3A_87, %dma_wait3A_88] : memref<64x128xf32, #tpu.memory_space<vmem>> -> memref<8x128xf32, #tpu.memory_space<vmem>>
    %dma_wait3A_90 = arith.constant 0 : i32
    %dma_wait3A_91 = arith.constant 0 : i32
    %dma_wait3A_92 = tpu.memref_slice %arg4[%dma_wait3A_85, %dma_wait3A_86, %add3A, %dma_wait3A_90, %dma_wait3A_91] : memref<200x8x32x8x128xf32, #tpu.memory_space<hbm>> -> memref<1x1x1x8x128xf32, #tpu.memory_space<hbm>>
    %dma_wait3A_93 = tpu.memref_squeeze %dma_wait3A_92 : memref<1x1x1x8x128xf32, #tpu.memory_space<hbm>> -> memref<8x128xf32, #tpu.memory_space<hbm>>
    %dma_wait3A_94 = arith.constant 0 : i32
    %dma_wait3A_95 = arith.constant 0 : i32
    %dma_wait3A_96 = tpu.memref_slice %arg4[%dma_wait3A_85, %dma_wait3A_86, %add3A, %dma_wait3A_94, %dma_wait3A_95] : memref<200x8x32x8x128xf32, #tpu.memory_space<hbm>> -> memref<1x1x1x8x128xf32, #tpu.memory_space<hbm>>
    %dma_wait3A_97 = tpu.memref_squeeze %dma_wait3A_96 : memref<1x1x1x8x128xf32, #tpu.memory_space<hbm>> -> memref<8x128xf32, #tpu.memory_space<hbm>>
    %dma_wait3A_98 = arith.constant 32 : i32
    %dma_wait3A_99 = arith.constant 0 : i32
    %dma_wait3A_100 = tpu.memref_slice %arg9[%dma_wait3A_98, %dma_wait3A_99] : memref<64x128xf32, #tpu.memory_space<vmem>> -> memref<8x128xf32, #tpu.memory_space<vmem>>
    tpu.wait_dma2 semaphore(%arg13 : memref<!tpu.dma_semaphore, #tpu.memory_space<semaphore_mem>>) src(%dma_wait3A_100 : memref<8x128xf32, #tpu.memory_space<vmem>>) dst(%dma_wait3A_97 : memref<8x128xf32, #tpu.memory_space<hbm>>)
    %dma_wait3A_101 = arith.constant 198 : i32
    %dma_wait3A_102 = arith.constant 5 : i32
    %dma_wait3A_103 = arith.constant 40 : i32
    %dma_wait3A_104 = arith.constant 0 : i32
    %dma_wait3A_105 = tpu.memref_slice %arg9[%dma_wait3A_103, %dma_wait3A_104] : memref<64x128xf32, #tpu.memory_space<vmem>> -> memref<8x128xf32, #tpu.memory_space<vmem>>
    %dma_wait3A_106 = arith.constant 0 : i32
    %dma_wait3A_107 = arith.constant 0 : i32
    %dma_wait3A_108 = tpu.memref_slice %arg4[%dma_wait3A_101, %dma_wait3A_102, %add3A, %dma_wait3A_106, %dma_wait3A_107] : memref<200x8x32x8x128xf32, #tpu.memory_space<hbm>> -> memref<1x1x1x8x128xf32, #tpu.memory_space<hbm>>
    %dma_wait3A_109 = tpu.memref_squeeze %dma_wait3A_108 : memref<1x1x1x8x128xf32, #tpu.memory_space<hbm>> -> memref<8x128xf32, #tpu.memory_space<hbm>>
    %dma_wait3A_110 = arith.constant 0 : i32
    %dma_wait3A_111 = arith.constant 0 : i32
    %dma_wait3A_112 = tpu.memref_slice %arg4[%dma_wait3A_101, %dma_wait3A_102, %add3A, %dma_wait3A_110, %dma_wait3A_111] : memref<200x8x32x8x128xf32, #tpu.memory_space<hbm>> -> memref<1x1x1x8x128xf32, #tpu.memory_space<hbm>>
    %dma_wait3A_113 = tpu.memref_squeeze %dma_wait3A_112 : memref<1x1x1x8x128xf32, #tpu.memory_space<hbm>> -> memref<8x128xf32, #tpu.memory_space<hbm>>
    %dma_wait3A_114 = arith.constant 40 : i32
    %dma_wait3A_115 = arith.constant 0 : i32
    %dma_wait3A_116 = tpu.memref_slice %arg9[%dma_wait3A_114, %dma_wait3A_115] : memref<64x128xf32, #tpu.memory_space<vmem>> -> memref<8x128xf32, #tpu.memory_space<vmem>>
    tpu.wait_dma2 semaphore(%arg13 : memref<!tpu.dma_semaphore, #tpu.memory_space<semaphore_mem>>) src(%dma_wait3A_116 : memref<8x128xf32, #tpu.memory_space<vmem>>) dst(%dma_wait3A_113 : memref<8x128xf32, #tpu.memory_space<hbm>>)
    %dma_wait3A_117 = arith.constant 198 : i32
    %dma_wait3A_118 = arith.constant 6 : i32
    %dma_wait3A_119 = arith.constant 48 : i32
    %dma_wait3A_120 = arith.constant 0 : i32
    %dma_wait3A_121 = tpu.memref_slice %arg9[%dma_wait3A_119, %dma_wait3A_120] : memref<64x128xf32, #tpu.memory_space<vmem>> -> memref<8x128xf32, #tpu.memory_space<vmem>>
    %dma_wait3A_122 = arith.constant 0 : i32
    %dma_wait3A_123 = arith.constant 0 : i32
    %dma_wait3A_124 = tpu.memref_slice %arg4[%dma_wait3A_117, %dma_wait3A_118, %add3A, %dma_wait3A_122, %dma_wait3A_123] : memref<200x8x32x8x128xf32, #tpu.memory_space<hbm>> -> memref<1x1x1x8x128xf32, #tpu.memory_space<hbm>>
    %dma_wait3A_125 = tpu.memref_squeeze %dma_wait3A_124 : memref<1x1x1x8x128xf32, #tpu.memory_space<hbm>> -> memref<8x128xf32, #tpu.memory_space<hbm>>
    %dma_wait3A_126 = arith.constant 0 : i32
    %dma_wait3A_127 = arith.constant 0 : i32
    %dma_wait3A_128 = tpu.memref_slice %arg4[%dma_wait3A_117, %dma_wait3A_118, %add3A, %dma_wait3A_126, %dma_wait3A_127] : memref<200x8x32x8x128xf32, #tpu.memory_space<hbm>> -> memref<1x1x1x8x128xf32, #tpu.memory_space<hbm>>
    %dma_wait3A_129 = tpu.memref_squeeze %dma_wait3A_128 : memref<1x1x1x8x128xf32, #tpu.memory_space<hbm>> -> memref<8x128xf32, #tpu.memory_space<hbm>>
    %dma_wait3A_130 = arith.constant 48 : i32
    %dma_wait3A_131 = arith.constant 0 : i32
    %dma_wait3A_132 = tpu.memref_slice %arg9[%dma_wait3A_130, %dma_wait3A_131] : memref<64x128xf32, #tpu.memory_space<vmem>> -> memref<8x128xf32, #tpu.memory_space<vmem>>
    tpu.wait_dma2 semaphore(%arg13 : memref<!tpu.dma_semaphore, #tpu.memory_space<semaphore_mem>>) src(%dma_wait3A_132 : memref<8x128xf32, #tpu.memory_space<vmem>>) dst(%dma_wait3A_129 : memref<8x128xf32, #tpu.memory_space<hbm>>)
    %dma_wait3A_133 = arith.constant 198 : i32
    %dma_wait3A_134 = arith.constant 7 : i32
    %dma_wait3A_135 = arith.constant 56 : i32
    %dma_wait3A_136 = arith.constant 0 : i32
    %dma_wait3A_137 = tpu.memref_slice %arg9[%dma_wait3A_135, %dma_wait3A_136] : memref<64x128xf32, #tpu.memory_space<vmem>> -> memref<8x128xf32, #tpu.memory_space<vmem>>
    %dma_wait3A_138 = arith.constant 0 : i32
    %dma_wait3A_139 = arith.constant 0 : i32
    %dma_wait3A_140 = tpu.memref_slice %arg4[%dma_wait3A_133, %dma_wait3A_134, %add3A, %dma_wait3A_138, %dma_wait3A_139] : memref<200x8x32x8x128xf32, #tpu.memory_space<hbm>> -> memref<1x1x1x8x128xf32, #tpu.memory_space<hbm>>
    %dma_wait3A_141 = tpu.memref_squeeze %dma_wait3A_140 : memref<1x1x1x8x128xf32, #tpu.memory_space<hbm>> -> memref<8x128xf32, #tpu.memory_space<hbm>>
    %dma_wait3A_142 = arith.constant 0 : i32
    %dma_wait3A_143 = arith.constant 0 : i32
    %dma_wait3A_144 = tpu.memref_slice %arg4[%dma_wait3A_133, %dma_wait3A_134, %add3A, %dma_wait3A_142, %dma_wait3A_143] : memref<200x8x32x8x128xf32, #tpu.memory_space<hbm>> -> memref<1x1x1x8x128xf32, #tpu.memory_space<hbm>>
    %dma_wait3A_145 = tpu.memref_squeeze %dma_wait3A_144 : memref<1x1x1x8x128xf32, #tpu.memory_space<hbm>> -> memref<8x128xf32, #tpu.memory_space<hbm>>
    %dma_wait3A_146 = arith.constant 56 : i32
    %dma_wait3A_147 = arith.constant 0 : i32
    %dma_wait3A_148 = tpu.memref_slice %arg9[%dma_wait3A_146, %dma_wait3A_147] : memref<64x128xf32, #tpu.memory_space<vmem>> -> memref<8x128xf32, #tpu.memory_space<vmem>>
    tpu.wait_dma2 semaphore(%arg13 : memref<!tpu.dma_semaphore, #tpu.memory_space<semaphore_mem>>) src(%dma_wait3A_148 : memref<8x128xf32, #tpu.memory_space<vmem>>) dst(%dma_wait3A_145 : memref<8x128xf32, #tpu.memory_space<hbm>>)
    %dma_wait3A_149 = arith.constant 199 : i32
    %dma_wait3A_150 = arith.constant 0 : i32
    %dma_wait3A_151 = arith.constant 0 : i32
    %dma_wait3A_152 = arith.constant 0 : i32
    %dma_wait3A_153 = tpu.memref_slice %arg10[%dma_wait3A_151, %dma_wait3A_152] : memref<64x128xf32, #tpu.memory_space<vmem>> -> memref<8x128xf32, #tpu.memory_space<vmem>>
    %dma_wait3A_154 = arith.constant 0 : i32
    %dma_wait3A_155 = arith.constant 0 : i32
    %dma_wait3A_156 = tpu.memref_slice %arg4[%dma_wait3A_149, %dma_wait3A_150, %add3A, %dma_wait3A_154, %dma_wait3A_155] : memref<200x8x32x8x128xf32, #tpu.memory_space<hbm>> -> memref<1x1x1x8x128xf32, #tpu.memory_space<hbm>>
    %dma_wait3A_157 = tpu.memref_squeeze %dma_wait3A_156 : memref<1x1x1x8x128xf32, #tpu.memory_space<hbm>> -> memref<8x128xf32, #tpu.memory_space<hbm>>
    %dma_wait3A_158 = arith.constant 0 : i32
    %dma_wait3A_159 = arith.constant 0 : i32
    %dma_wait3A_160 = tpu.memref_slice %arg4[%dma_wait3A_149, %dma_wait3A_150, %add3A, %dma_wait3A_158, %dma_wait3A_159] : memref<200x8x32x8x128xf32, #tpu.memory_space<hbm>> -> memref<1x1x1x8x128xf32, #tpu.memory_space<hbm>>
    %dma_wait3A_161 = tpu.memref_squeeze %dma_wait3A_160 : memref<1x1x1x8x128xf32, #tpu.memory_space<hbm>> -> memref<8x128xf32, #tpu.memory_space<hbm>>
    %dma_wait3A_162 = arith.constant 0 : i32
    %dma_wait3A_163 = arith.constant 0 : i32
    %dma_wait3A_164 = tpu.memref_slice %arg10[%dma_wait3A_162, %dma_wait3A_163] : memref<64x128xf32, #tpu.memory_space<vmem>> -> memref<8x128xf32, #tpu.memory_space<vmem>>
    tpu.wait_dma2 semaphore(%arg14 : memref<!tpu.dma_semaphore, #tpu.memory_space<semaphore_mem>>) src(%dma_wait3A_164 : memref<8x128xf32, #tpu.memory_space<vmem>>) dst(%dma_wait3A_161 : memref<8x128xf32, #tpu.memory_space<hbm>>)
    %dma_wait3A_165 = arith.constant 199 : i32
    %dma_wait3A_166 = arith.constant 1 : i32
    %dma_wait3A_167 = arith.constant 8 : i32
    %dma_wait3A_168 = arith.constant 0 : i32
    %dma_wait3A_169 = tpu.memref_slice %arg10[%dma_wait3A_167, %dma_wait3A_168] : memref<64x128xf32, #tpu.memory_space<vmem>> -> memref<8x128xf32, #tpu.memory_space<vmem>>
    %dma_wait3A_170 = arith.constant 0 : i32
    %dma_wait3A_171 = arith.constant 0 : i32
    %dma_wait3A_172 = tpu.memref_slice %arg4[%dma_wait3A_165, %dma_wait3A_166, %add3A, %dma_wait3A_170, %dma_wait3A_171] : memref<200x8x32x8x128xf32, #tpu.memory_space<hbm>> -> memref<1x1x1x8x128xf32, #tpu.memory_space<hbm>>
    %dma_wait3A_173 = tpu.memref_squeeze %dma_wait3A_172 : memref<1x1x1x8x128xf32, #tpu.memory_space<hbm>> -> memref<8x128xf32, #tpu.memory_space<hbm>>
    %dma_wait3A_174 = arith.constant 0 : i32
    %dma_wait3A_175 = arith.constant 0 : i32
    %dma_wait3A_176 = tpu.memref_slice %arg4[%dma_wait3A_165, %dma_wait3A_166, %add3A, %dma_wait3A_174, %dma_wait3A_175] : memref<200x8x32x8x128xf32, #tpu.memory_space<hbm>> -> memref<1x1x1x8x128xf32, #tpu.memory_space<hbm>>
    %dma_wait3A_177 = tpu.memref_squeeze %dma_wait3A_176 : memref<1x1x1x8x128xf32, #tpu.memory_space<hbm>> -> memref<8x128xf32, #tpu.memory_space<hbm>>
    %dma_wait3A_178 = arith.constant 8 : i32
    %dma_wait3A_179 = arith.constant 0 : i32
    %dma_wait3A_180 = tpu.memref_slice %arg10[%dma_wait3A_178, %dma_wait3A_179] : memref<64x128xf32, #tpu.memory_space<vmem>> -> memref<8x128xf32, #tpu.memory_space<vmem>>
    tpu.wait_dma2 semaphore(%arg14 : memref<!tpu.dma_semaphore, #tpu.memory_space<semaphore_mem>>) src(%dma_wait3A_180 : memref<8x128xf32, #tpu.memory_space<vmem>>) dst(%dma_wait3A_177 : memref<8x128xf32, #tpu.memory_space<hbm>>)
    %dma_wait3A_181 = arith.constant 199 : i32
    %dma_wait3A_182 = arith.constant 2 : i32
    %dma_wait3A_183 = arith.constant 16 : i32
    %dma_wait3A_184 = arith.constant 0 : i32
    %dma_wait3A_185 = tpu.memref_slice %arg10[%dma_wait3A_183, %dma_wait3A_184] : memref<64x128xf32, #tpu.memory_space<vmem>> -> memref<8x128xf32, #tpu.memory_space<vmem>>
    %dma_wait3A_186 = arith.constant 0 : i32
    %dma_wait3A_187 = arith.constant 0 : i32
    %dma_wait3A_188 = tpu.memref_slice %arg4[%dma_wait3A_181, %dma_wait3A_182, %add3A, %dma_wait3A_186, %dma_wait3A_187] : memref<200x8x32x8x128xf32, #tpu.memory_space<hbm>> -> memref<1x1x1x8x128xf32, #tpu.memory_space<hbm>>
    %dma_wait3A_189 = tpu.memref_squeeze %dma_wait3A_188 : memref<1x1x1x8x128xf32, #tpu.memory_space<hbm>> -> memref<8x128xf32, #tpu.memory_space<hbm>>
    %dma_wait3A_190 = arith.constant 0 : i32
    %dma_wait3A_191 = arith.constant 0 : i32
    %dma_wait3A_192 = tpu.memref_slice %arg4[%dma_wait3A_181, %dma_wait3A_182, %add3A, %dma_wait3A_190, %dma_wait3A_191] : memref<200x8x32x8x128xf32, #tpu.memory_space<hbm>> -> memref<1x1x1x8x128xf32, #tpu.memory_space<hbm>>
    %dma_wait3A_193 = tpu.memref_squeeze %dma_wait3A_192 : memref<1x1x1x8x128xf32, #tpu.memory_space<hbm>> -> memref<8x128xf32, #tpu.memory_space<hbm>>
    %dma_wait3A_194 = arith.constant 16 : i32
    %dma_wait3A_195 = arith.constant 0 : i32
    %dma_wait3A_196 = tpu.memref_slice %arg10[%dma_wait3A_194, %dma_wait3A_195] : memref<64x128xf32, #tpu.memory_space<vmem>> -> memref<8x128xf32, #tpu.memory_space<vmem>>
    tpu.wait_dma2 semaphore(%arg14 : memref<!tpu.dma_semaphore, #tpu.memory_space<semaphore_mem>>) src(%dma_wait3A_196 : memref<8x128xf32, #tpu.memory_space<vmem>>) dst(%dma_wait3A_193 : memref<8x128xf32, #tpu.memory_space<hbm>>)
    %dma_wait3A_197 = arith.constant 199 : i32
    %dma_wait3A_198 = arith.constant 3 : i32
    %dma_wait3A_199 = arith.constant 24 : i32
    %dma_wait3A_200 = arith.constant 0 : i32
    %dma_wait3A_201 = tpu.memref_slice %arg10[%dma_wait3A_199, %dma_wait3A_200] : memref<64x128xf32, #tpu.memory_space<vmem>> -> memref<8x128xf32, #tpu.memory_space<vmem>>
    %dma_wait3A_202 = arith.constant 0 : i32
    %dma_wait3A_203 = arith.constant 0 : i32
    %dma_wait3A_204 = tpu.memref_slice %arg4[%dma_wait3A_197, %dma_wait3A_198, %add3A, %dma_wait3A_202, %dma_wait3A_203] : memref<200x8x32x8x128xf32, #tpu.memory_space<hbm>> -> memref<1x1x1x8x128xf32, #tpu.memory_space<hbm>>
    %dma_wait3A_205 = tpu.memref_squeeze %dma_wait3A_204 : memref<1x1x1x8x128xf32, #tpu.memory_space<hbm>> -> memref<8x128xf32, #tpu.memory_space<hbm>>
    %dma_wait3A_206 = arith.constant 0 : i32
    %dma_wait3A_207 = arith.constant 0 : i32
    %dma_wait3A_208 = tpu.memref_slice %arg4[%dma_wait3A_197, %dma_wait3A_198, %add3A, %dma_wait3A_206, %dma_wait3A_207] : memref<200x8x32x8x128xf32, #tpu.memory_space<hbm>> -> memref<1x1x1x8x128xf32, #tpu.memory_space<hbm>>
    %dma_wait3A_209 = tpu.memref_squeeze %dma_wait3A_208 : memref<1x1x1x8x128xf32, #tpu.memory_space<hbm>> -> memref<8x128xf32, #tpu.memory_space<hbm>>
    %dma_wait3A_210 = arith.constant 24 : i32
    %dma_wait3A_211 = arith.constant 0 : i32
    %dma_wait3A_212 = tpu.memref_slice %arg10[%dma_wait3A_210, %dma_wait3A_211] : memref<64x128xf32, #tpu.memory_space<vmem>> -> memref<8x128xf32, #tpu.memory_space<vmem>>
    tpu.wait_dma2 semaphore(%arg14 : memref<!tpu.dma_semaphore, #tpu.memory_space<semaphore_mem>>) src(%dma_wait3A_212 : memref<8x128xf32, #tpu.memory_space<vmem>>) dst(%dma_wait3A_209 : memref<8x128xf32, #tpu.memory_space<hbm>>)
    %dma_wait3A_213 = arith.constant 199 : i32
    %dma_wait3A_214 = arith.constant 4 : i32
    %dma_wait3A_215 = arith.constant 32 : i32
    %dma_wait3A_216 = arith.constant 0 : i32
    %dma_wait3A_217 = tpu.memref_slice %arg10[%dma_wait3A_215, %dma_wait3A_216] : memref<64x128xf32, #tpu.memory_space<vmem>> -> memref<8x128xf32, #tpu.memory_space<vmem>>
    %dma_wait3A_218 = arith.constant 0 : i32
    %dma_wait3A_219 = arith.constant 0 : i32
    %dma_wait3A_220 = tpu.memref_slice %arg4[%dma_wait3A_213, %dma_wait3A_214, %add3A, %dma_wait3A_218, %dma_wait3A_219] : memref<200x8x32x8x128xf32, #tpu.memory_space<hbm>> -> memref<1x1x1x8x128xf32, #tpu.memory_space<hbm>>
    %dma_wait3A_221 = tpu.memref_squeeze %dma_wait3A_220 : memref<1x1x1x8x128xf32, #tpu.memory_space<hbm>> -> memref<8x128xf32, #tpu.memory_space<hbm>>
    %dma_wait3A_222 = arith.constant 0 : i32
    %dma_wait3A_223 = arith.constant 0 : i32
    %dma_wait3A_224 = tpu.memref_slice %arg4[%dma_wait3A_213, %dma_wait3A_214, %add3A, %dma_wait3A_222, %dma_wait3A_223] : memref<200x8x32x8x128xf32, #tpu.memory_space<hbm>> -> memref<1x1x1x8x128xf32, #tpu.memory_space<hbm>>
    %dma_wait3A_225 = tpu.memref_squeeze %dma_wait3A_224 : memref<1x1x1x8x128xf32, #tpu.memory_space<hbm>> -> memref<8x128xf32, #tpu.memory_space<hbm>>
    %dma_wait3A_226 = arith.constant 32 : i32
    %dma_wait3A_227 = arith.constant 0 : i32
    %dma_wait3A_228 = tpu.memref_slice %arg10[%dma_wait3A_226, %dma_wait3A_227] : memref<64x128xf32, #tpu.memory_space<vmem>> -> memref<8x128xf32, #tpu.memory_space<vmem>>
    tpu.wait_dma2 semaphore(%arg14 : memref<!tpu.dma_semaphore, #tpu.memory_space<semaphore_mem>>) src(%dma_wait3A_228 : memref<8x128xf32, #tpu.memory_space<vmem>>) dst(%dma_wait3A_225 : memref<8x128xf32, #tpu.memory_space<hbm>>)
    %dma_wait3A_229 = arith.constant 199 : i32
    %dma_wait3A_230 = arith.constant 5 : i32
    %dma_wait3A_231 = arith.constant 40 : i32
    %dma_wait3A_232 = arith.constant 0 : i32
    %dma_wait3A_233 = tpu.memref_slice %arg10[%dma_wait3A_231, %dma_wait3A_232] : memref<64x128xf32, #tpu.memory_space<vmem>> -> memref<8x128xf32, #tpu.memory_space<vmem>>
    %dma_wait3A_234 = arith.constant 0 : i32
    %dma_wait3A_235 = arith.constant 0 : i32
    %dma_wait3A_236 = tpu.memref_slice %arg4[%dma_wait3A_229, %dma_wait3A_230, %add3A, %dma_wait3A_234, %dma_wait3A_235] : memref<200x8x32x8x128xf32, #tpu.memory_space<hbm>> -> memref<1x1x1x8x128xf32, #tpu.memory_space<hbm>>
    %dma_wait3A_237 = tpu.memref_squeeze %dma_wait3A_236 : memref<1x1x1x8x128xf32, #tpu.memory_space<hbm>> -> memref<8x128xf32, #tpu.memory_space<hbm>>
    %dma_wait3A_238 = arith.constant 0 : i32
    %dma_wait3A_239 = arith.constant 0 : i32
    %dma_wait3A_240 = tpu.memref_slice %arg4[%dma_wait3A_229, %dma_wait3A_230, %add3A, %dma_wait3A_238, %dma_wait3A_239] : memref<200x8x32x8x128xf32, #tpu.memory_space<hbm>> -> memref<1x1x1x8x128xf32, #tpu.memory_space<hbm>>
    %dma_wait3A_241 = tpu.memref_squeeze %dma_wait3A_240 : memref<1x1x1x8x128xf32, #tpu.memory_space<hbm>> -> memref<8x128xf32, #tpu.memory_space<hbm>>
    %dma_wait3A_242 = arith.constant 40 : i32
    %dma_wait3A_243 = arith.constant 0 : i32
    %dma_wait3A_244 = tpu.memref_slice %arg10[%dma_wait3A_242, %dma_wait3A_243] : memref<64x128xf32, #tpu.memory_space<vmem>> -> memref<8x128xf32, #tpu.memory_space<vmem>>
    tpu.wait_dma2 semaphore(%arg14 : memref<!tpu.dma_semaphore, #tpu.memory_space<semaphore_mem>>) src(%dma_wait3A_244 : memref<8x128xf32, #tpu.memory_space<vmem>>) dst(%dma_wait3A_241 : memref<8x128xf32, #tpu.memory_space<hbm>>)
    %dma_wait3A_245 = arith.constant 199 : i32
    %dma_wait3A_246 = arith.constant 6 : i32
    %dma_wait3A_247 = arith.constant 48 : i32
    %dma_wait3A_248 = arith.constant 0 : i32
    %dma_wait3A_249 = tpu.memref_slice %arg10[%dma_wait3A_247, %dma_wait3A_248] : memref<64x128xf32, #tpu.memory_space<vmem>> -> memref<8x128xf32, #tpu.memory_space<vmem>>
    %dma_wait3A_250 = arith.constant 0 : i32
    %dma_wait3A_251 = arith.constant 0 : i32
    %dma_wait3A_252 = tpu.memref_slice %arg4[%dma_wait3A_245, %dma_wait3A_246, %add3A, %dma_wait3A_250, %dma_wait3A_251] : memref<200x8x32x8x128xf32, #tpu.memory_space<hbm>> -> memref<1x1x1x8x128xf32, #tpu.memory_space<hbm>>
    %dma_wait3A_253 = tpu.memref_squeeze %dma_wait3A_252 : memref<1x1x1x8x128xf32, #tpu.memory_space<hbm>> -> memref<8x128xf32, #tpu.memory_space<hbm>>
    %dma_wait3A_254 = arith.constant 0 : i32
    %dma_wait3A_255 = arith.constant 0 : i32
    %dma_wait3A_256 = tpu.memref_slice %arg4[%dma_wait3A_245, %dma_wait3A_246, %add3A, %dma_wait3A_254, %dma_wait3A_255] : memref<200x8x32x8x128xf32, #tpu.memory_space<hbm>> -> memref<1x1x1x8x128xf32, #tpu.memory_space<hbm>>
    %dma_wait3A_257 = tpu.memref_squeeze %dma_wait3A_256 : memref<1x1x1x8x128xf32, #tpu.memory_space<hbm>> -> memref<8x128xf32, #tpu.memory_space<hbm>>
    %dma_wait3A_258 = arith.constant 48 : i32
    %dma_wait3A_259 = arith.constant 0 : i32
    %dma_wait3A_260 = tpu.memref_slice %arg10[%dma_wait3A_258, %dma_wait3A_259] : memref<64x128xf32, #tpu.memory_space<vmem>> -> memref<8x128xf32, #tpu.memory_space<vmem>>
    tpu.wait_dma2 semaphore(%arg14 : memref<!tpu.dma_semaphore, #tpu.memory_space<semaphore_mem>>) src(%dma_wait3A_260 : memref<8x128xf32, #tpu.memory_space<vmem>>) dst(%dma_wait3A_257 : memref<8x128xf32, #tpu.memory_space<hbm>>)
    %dma_wait3A_261 = arith.constant 199 : i32
    %dma_wait3A_262 = arith.constant 7 : i32
    %dma_wait3A_263 = arith.constant 56 : i32
    %dma_wait3A_264 = arith.constant 0 : i32
    %dma_wait3A_265 = tpu.memref_slice %arg10[%dma_wait3A_263, %dma_wait3A_264] : memref<64x128xf32, #tpu.memory_space<vmem>> -> memref<8x128xf32, #tpu.memory_space<vmem>>
    %dma_wait3A_266 = arith.constant 0 : i32
    %dma_wait3A_267 = arith.constant 0 : i32
    %dma_wait3A_268 = tpu.memref_slice %arg4[%dma_wait3A_261, %dma_wait3A_262, %add3A, %dma_wait3A_266, %dma_wait3A_267] : memref<200x8x32x8x128xf32, #tpu.memory_space<hbm>> -> memref<1x1x1x8x128xf32, #tpu.memory_space<hbm>>
    %dma_wait3A_269 = tpu.memref_squeeze %dma_wait3A_268 : memref<1x1x1x8x128xf32, #tpu.memory_space<hbm>> -> memref<8x128xf32, #tpu.memory_space<hbm>>
    %dma_wait3A_270 = arith.constant 0 : i32
    %dma_wait3A_271 = arith.constant 0 : i32
    %dma_wait3A_272 = tpu.memref_slice %arg4[%dma_wait3A_261, %dma_wait3A_262, %add3A, %dma_wait3A_270, %dma_wait3A_271] : memref<200x8x32x8x128xf32, #tpu.memory_space<hbm>> -> memref<1x1x1x8x128xf32, #tpu.memory_space<hbm>>
    %dma_wait3A_273 = tpu.memref_squeeze %dma_wait3A_272 : memref<1x1x1x8x128xf32, #tpu.memory_space<hbm>> -> memref<8x128xf32, #tpu.memory_space<hbm>>
    %dma_wait3A_274 = arith.constant 56 : i32
    %dma_wait3A_275 = arith.constant 0 : i32
    %dma_wait3A_276 = tpu.memref_slice %arg10[%dma_wait3A_274, %dma_wait3A_275] : memref<64x128xf32, #tpu.memory_space<vmem>> -> memref<8x128xf32, #tpu.memory_space<vmem>>
    tpu.wait_dma2 semaphore(%arg14 : memref<!tpu.dma_semaphore, #tpu.memory_space<semaphore_mem>>) src(%dma_wait3A_276 : memref<8x128xf32, #tpu.memory_space<vmem>>) dst(%dma_wait3A_273 : memref<8x128xf32, #tpu.memory_space<hbm>>)
    return
  }
}

</mosaic_0001>

<sc_bundles>
// kernel: _lookup.3.cloned.1.call-start
scs
__scs_entry_jumppad:
0x0: {  	(pc) =	sbr.rel $0x88, $3  }
0x1: {  	(tag) =	ssettag $0x0;
	lr =	simm.s32 $0x1  }
0x2: {  	[smem:$0x3F9F] =	sst lr;
	_ =	strace $0xD0000000  }
0x3: {  	_ = 	snop  }
0x4: {  	_ = 	snop  }
0x5: {  	_ = 	snop  }
0x6: {  	_ = 	snop  }
0x7: {  	_ = 	snop  }
__scs_overlays_trampoline_lowered:
0x8: {  	[smem:$0x3FAE] =	sst s0  }
0x9: {  	[smem:$0x3FAF] =	sst s1  }
0xa: {  	[smem:$0x3FB0] =	sst s2  }
0xb: {  	[smem:$0x3FB1] =	sst s3  }
0xc: {  	[smem:$0x3FB2] =	sst s4  }
0xd: {  	[smem:$0x3FB3] =	sst s5  }
0xe: {  	[smem:$0x3FB4] =	sst s6  }
0xf: {  	[smem:$0x3FB5] =	sst s7  }
0x10: {  	[smem:$0x3FB6] =	sst s8  }
0x11: {  	[smem:$0x3FB7] =	sst s9;
	s0 =	simm.s32 @!p0 $0x0  }
0x12: {  	s1 =	sld [smem:$0x3F9D];
	s0 =	simm.s32 @p0 $0x1  }
0x13: {  	[smem:$0x3FB8] =	sst s0;
	s0 =	simm.s32 @!p1 $0x0  }
0x14: {  	s2 =	sld [smem:$0x3F9C];
	s0 =	simm.s32 @p1 $0x1  }
0x15: {  	[smem:$0x3FB9] =	sst s0;
	s0 =	simm.s32 @!p2 $0x0  }
0x16: {  	s3 =	sld [smem:$0x3FDB];
	s0 =	simm.s32 @p2 $0x1  }
0x17: {  	s4 =	simm.s32 $0x1BF5;
	[smem:$0x3FBB] =	sst s0  }
0x18: {  	s0 =	sld [smem:$0x3F9E];
	_ =	swait.ge [sflag:s4], $0x0  }
0x19: {  	s7 =	sld [smem:$0x3F9F]  }
0x1a: {  	s8 =	sadd.s32 $0xFFFFE003, lr  }
0x1b: {  	s9 =	sadd.s32 $0xFFFFFEF7, lr;
	s5 =	simm.s32 $0xFFFFFFFF;
	p2 =	slt.u32 s8, $0xFFFFF086  }
0x1c: {  	p1 =	slt.u32 s9, $0xF7A;
	s5 =	simm.s32 @!p2 $0x0  }
0x1d: {  	s5 =	simm.s32 @p1 $0x1;
	p0 =	seq.s32 s7, s2  }
0x1e: {  	s7 =	smul.u32 @!p0 $0xF7A, s2;
	p2 =	seq.s32 @!p0 s5, $0x0  }
0x1f: {  	s9 =	smul.u32 $0xF7A, s1;
	s8 =	simm.s32 @!p0 $0x1BF5;
	p2 =	por !p2, p0  }
0x20: {  	[sflag:s8] =	ssyncset.s32 @!p0 $0xFFFFF086;
	s6 =	sadd.s32 @!p0 s3, s7;
	s7 =	simm.s32 @!p0 $0x108  }
0x21: {  	s3 =	sadd.s32 s3, s9;
	s6 =	sadd.s32 @!p0 $0x88, s6;
	s7 =	simm.s32 @p2 $0x1082  }
0x22: {  	[simem:s7], [sflag:s8] =	dma.local @!p0 [hbm:s6], $0xF7A  }
0x23: {  	s9 =	sor.u32 $0xD0000000, s2;
	s6 =	simm.s32 $0x108;
	_ =	swait.ge @!p0 [sflag:s8], $0x0  }
0x24: {  	s3 =	sadd.s32 $0x88, s3;
	s6 =	simm.s32 @!p1 $0x1082;
	[sflag:s4] =	ssyncset.s32 $0xFFFFF086  }
0x25: {  	[simem:s6], [sflag:s4] =	dma.local [hbm:s3], $0xF7A  }
0x26: {  	[smem:$0x3F9F] =	sst s1;
	(tag) =	ssettag s2;
	_ =	strace s9  }
0x27: {  	s1 =	sld [smem:$0x3FAF]  }
0x28: {  	s2 =	sld [smem:$0x3FB0]  }
0x29: {  	s4 =	sld [smem:$0x3FB2]  }
0x2a: {  	p0 =	seq.s32 s5, $0x0;
	s5 =	sld [smem:$0x3FB3]  }
0x2b: {  	s6 =	sld [smem:$0x3FB4]  }
0x2c: {  	s7 =	sld [smem:$0x3FB5]  }
0x2d: {  	s3 =	simm.s32 $0x108;
	s8 =	sld [smem:$0x3FB6]  }
0x2e: {  	s3 =	simm.s32 @!p0 $0x1082;
	s9 =	sld [smem:$0x3FB7]  }
0x2f: {  	lr =	sadd.s32 s0, s3;
	s0 =	sld [smem:$0x3FAE]  }
0x30: {  	s3 =	sld [smem:$0x3FB1]  }
0x31: {  	[smem:$0x3FBA] =	sst s10  }
0x32: {  	s10 =	sld [smem:$0x3FB8];
	_ =	sdelay $0x3  }
0x33: {  	p0 =	seq.s32 s10, $0x1;
	s10 =	sld [smem:$0x3FBA];
	_ =	sdelay $0x3  }
0x34: {  	[smem:$0x3FBA] =	sst s10  }
0x35: {  	s10 =	sld [smem:$0x3FB9];
	_ =	sdelay $0x3  }
0x36: {  	p1 =	seq.s32 s10, $0x1;
	s10 =	sld [smem:$0x3FBA];
	_ =	sdelay $0x3  }
0x37: {  	[smem:$0x3FBA] =	sst s10  }
0x38: {  	s10 =	sld [smem:$0x3FBB]  }
0x39: {  	_ = 	snop;
	(pc) =	sbr.ind lr, $3  }
0x3a: {  	_ = 	snop  }
0x3b: {  	_ = 	snop  }
0x3c: {  	p2 =	seq.s32 s10, $0x1;
	s10 =	sld [smem:$0x3FBA]  }
0x3d: {  	_ =	shalt  }
0x3e: {  	_ =	shalt  }
0x3f: {  	_ =	shalt  }
0x40: {  	_ =	shalt  }
0x41: {  	_ =	shalt  }
0x42: {  	_ =	shalt  }
0x43: {  	_ =	shalt  }
0x44: {  	_ =	shalt  }
0x45: {  	_ =	shalt  }
0x46: {  	_ =	shalt  }
0x47: {  	_ =	shalt  }
0x48: {  	_ =	shalt  }
0x49: {  	_ =	shalt  }
0x4a: {  	_ =	shalt  }
0x4b: {  	_ =	shalt  }
0x4c: {  	_ =	shalt  }
0x4d: {  	_ =	shalt  }
0x4e: {  	_ =	shalt  }
0x4f: {  	_ =	shalt  }
0x50: {  	_ =	shalt  }
0x51: {  	_ =	shalt  }
0x52: {  	_ =	shalt  }
0x53: {  	_ =	shalt  }
0x54: {  	_ =	shalt  }
0x55: {  	_ =	shalt  }
0x56: {  	_ =	shalt  }
0x57: {  	_ =	shalt  }
0x58: {  	_ =	shalt  }
0x59: {  	_ =	shalt  }
0x5a: {  	_ =	shalt  }
0x5b: {  	_ =	shalt  }
0x5c: {  	_ =	shalt  }
0x5d: {  	_ =	shalt  }
0x5e: {  	_ =	shalt  }
0x5f: {  	_ =	shalt  }
0x60: {  	_ =	shalt  }
0x61: {  	_ =	shalt  }
0x62: {  	_ =	shalt  }
0x63: {  	_ =	shalt  }
0x64: {  	_ =	shalt  }
0x65: {  	_ =	shalt  }
0x66: {  	_ =	shalt  }
0x67: {  	_ =	shalt  }
0x68: {  	_ =	shalt  }
0x69: {  	_ =	shalt  }
0x6a: {  	_ =	shalt  }
0x6b: {  	_ =	shalt  }
0x6c: {  	_ =	shalt  }
0x6d: {  	_ =	shalt  }
0x6e: {  	_ =	shalt  }
0x6f: {  	_ =	shalt  }
0x70: {  	_ =	shalt  }
0x71: {  	_ =	shalt  }
0x72: {  	_ =	shalt  }
0x73: {  	_ =	shalt  }
0x74: {  	_ =	shalt  }
0x75: {  	_ =	shalt  }
0x76: {  	_ =	shalt  }
0x77: {  	_ =	shalt  }
0x78: {  	_ =	shalt  }
0x79: {  	_ =	shalt  }
0x7a: {  	_ =	shalt  }
0x7b: {  	_ =	shalt  }
0x7c: {  	_ =	shalt  }
0x7d: {  	_ =	shalt  }
0x7e: {  	_ =	shalt  }
0x7f: {  	_ =	shalt  }
0x80: {  	_ =	shalt  }
0x81: {  	_ =	shalt  }
0x82: {  	_ =	shalt  }
0x83: {  	_ =	shalt  }
0x84: {  	_ =	shalt  }
0x85: {  	_ =	shalt  }
0x86: {  	_ =	shalt  }
0x87: {  	_ =	shalt  }
.Lfunc_end0:
.L_simem_size_0:
called_computation_lowered:
.L_overlay_start_0:
0x88: {  	s2 =	sld [smem:$0x3FD9]  }
0x89: {  	s3 =	sld [smem:$0x3FFE];
	_ =	sdelay $0x1  }
0x8a: {  	s1 =	srdreg.scid  }
0x8b: {  	s0 =	sand.u32 $0x1, s1  }
0x8c: {  	s17 =	sshll.u32 s0, $0xA;
	s2 =	sadd.s32 s3, s2  }
0x8d: {  	s2 =	sadd.s32 s2, s17  }
0x8e: {  	[smem:$0x3FC6] =	sst s2  }
0x8f: {  	_ = 	snop  }
0x90: {  	s2 =	sld [smem:$0x3FD0];
	(tm) =	ssettm $0x1  }
0x91: {  	s18 =	sld [smem:$0x3FFB];
	_ =	sdelay $0x3  }
0x92: {  	_ =	strace s18  }
0x93: {  	s3 =	sld [smem:$0x3FFC];
	_ =	sdelay $0x3  }
0x94: {  	_ =	strace s3  }
0x95: {  	s3 =	sld [smem:$0x3FFD];
	_ =	sdelay $0x3  }
0x96: {  	_ =	strace s3  }
0x97: {  	_ =	strace $0x8FFFFFFF  }
0x98: {  	s19 =	sld [smem:$0x3FDB];
	_ =	sdelay $0x1  }
0x99: {  	s4 =	simm.s32 $_scs_section_size  }
0x9a: {  	s5 =	simm.s32 $_size__tile_overlayer_lowered;
	s6 =	simm.s32 $_tile_overlayer_lowered  }
0x9b: {  	s22 =	simm.s32 $0x1BFF;
	s21 =	sshll.u32 s6, $0x1;
	s3 =	sadd.s32 s4, s19  }
0x9c: {  	s7 =	simm.s32 $0x0;
	s20 =	sshll.u32 s5, $0x1;
	s5 =	sadd.s32 s21, s3  }
0x9d: {  	[timem:s7], [sflag:s22] =	dma.local [hbm:s5], s20  }
0x9e: {  	_ =	swait.ge [sflag:s22], s20  }
0x9f: {  	s4 =	ssub.s32 $0x0, s20;
	[sflag:s22] =	ssyncset.done $0x0  }
0xa0: {  	[sflag:s22] =	ssyncadd.s32 s4;
	_ =	sdelay $0x1  }
0xa1: {  	s23 =	simm.s32 $0x1B8B  }
0xa2: {  	_ =	swait.ge [sflag:s23], $0x1  }
0xa3: {  	[sflag:s23] =	ssyncset.done $0x0  }
0xa4: {  	s25 =	simm.s32 $0x1B8E;
	s24 =	sld [smem:$0x3FFE];
	[sflag:s23] =	ssyncadd.s32 $0xFFFFFFFF  }
0xa5: {  	s26 =	simm.s32 $execute0_lowered;
	[smem:$0x3FD2] =	sst s25  }
0xa6: {  	s5 =	sshll.u32 s26, $0x1;
	_ =	strace $0x80000046;
	[dreg:$0x1] =	wrdreg $0xFFFFFFFF  }
0xa7: {  	s28 =	simm.s32 $_size_execute0_lowered;
	s3 =	sadd.s32 s3, s5;
	[dreg:$0x0] =	wrdreg $0x0  }
0xa8: {  	s5 =	sshll.u32 s28, $0x1;
	[dreg:$0x2] =	wrdreg s3  }
0xa9: {  	[dreg:$0x3] =	wrdreg s5  }
0xaa: {  	[dreg:$0x4] =	wrdreg $0xC0  }
0xab: {  	_ =	task [dreg:s7], $0x5FFFF  }
0xac: {  	[dreg:$0x1] =	wrdreg $0xFFFFFFFF  }
0xad: {  	[dreg:$0x0] =	wrdreg $0x60  }
0xae: {  	[dreg:$0x2] =	wrdreg s24  }
0xaf: {  	[dreg:$0x3] =	wrdreg s2  }
0xb0: {  	[dreg:$0x4] =	wrdreg $0x9  }
0xb1: {  	_ =	task.clear_ibuf [dreg:s7], $0x5FFFF;
	_ =	strace $0x90000046  }
0xb2: {  	s29 =	simm.s32 $0x9;
	_ =	strace $0x80000048  }
0xb3: {  	_ =	swait.ge [sflag:s29], $0x1  }
0xb4: {  	[sflag:s29] =	ssyncadd.s32 $0xFFFFFFFF  }
0xb5: {  	_ =	strace $0x90000048  }
0xb6: {  	_ =	sfence  }
0xb7: {  	s30 =	sld [smem:$0x0];
	_ =	sdelay $0x2  }
0xb8: {  	s31 =	sshll.u32 s1, $0xD;
	s1 =	sshrl.u32 s1, $0x2  }
0xb9: {  	s3 =	sand.u32 $0x4000, s31;
	s1 =	sadd.s32 s1, s30  }
0xba: {  	s0 =	sor.u32 s3, s0;
	s1 =	sshll.u32 s1, $0x11  }
0xbb: {  	s0 =	sor.u32 s1, s0  }
0xbc: {  	s0 =	sadd.s32 $0x8F2B, s0  }
0xbd: {  	[sflag:s0] =	ssyncadd.remote.s32 $0x1  }
0xbe: {  	_ =	sfence.sel $0xFFFF  }
0xbf: {  	[dreg:$0x0] =	wrdreg $0xFFFFFFFF;
	(pc) =	sbr.abs _section_cstart, $3  }
0xc0: {  	[dreg:$0x1] =	wrdreg $0xFFFFFFFF  }
0xc1: {  	_ =	task.clear_ibuf [dreg:s7], $0x2FFFF;
	_ =	strace $0x9FFFFFFF  }
0xc2: {  	(tm) =	ssettm $0x7FFFFFFF  }
0xc3: {  	_ =	shalt  }
tec
execute0_lowered:
.L_overlay_start_1:
0x0: {  	(tag) =	ssettag $0x1  }
0x1: {  	vm3 =	vcmask $0x300;
	v0 =	vimm.s32 $0x787  }
0x2: {  	vm7 =	vcmask $0x704;
	vm5 =	vcmask $0xB08;
	vm6 =	vcmask $0xF0C  }
0x3: {  	vm4 =	vcmask $0x1310;
	vm2 =	vcmask $0x1714;
	vm1 =	vcmask $0x1B18  }
0x4: {  	v1 =	vimm.s32 $0x807;
	v2 =	vimm.s32 $0x887;
	v3 =	vimm.s32 $0x907  }
0x5: {  	v4 =	vimm.s32 $0x987;
	v5 =	vimm.s32 $0xA07;
	v6 =	vimm.s32 $0xA87  }
0x6: {  	v7 =	vimm.s32 $0xB07;
	v8 =	vimm.s32 $0xB87;
	v9 =	vimm.s32 $0xC07  }
0x7: {  	v10 =	vimm.s32 $0xC87;
	v11 =	vimm.s32 $0xD07;
	v12 =	vimm.s32 $0xD87  }
0x8: {  	v13 =	vimm.s32 $0xE07;
	v14 =	vimm.s32 $0xE87;
	v15 =	vimm.s32 $0xF07  }
0x9: {  	v16 =	vimm.s32 $0xF87;
	v17 =	vimm.s32 $0x1007;
	v18 =	vimm.s32 $0x1087  }
0xa: {  	v19 =	vimm.s32 $0x1107;
	v20 =	vimm.s32 $0x1187;
	v21 =	vimm.s32 $0x1207  }
0xb: {  	v22 =	vimm.s32 $0x1287;
	v23 =	vimm.s32 $0x1307;
	v24 =	vimm.s32 $0x1387  }
0xc: {  	v25 =	vimm.s32 $0x1407;
	v26 =	vimm.s32 $0x1487;
	v27 =	vimm.s32 $0x1507  }
0xd: {  	v28 =	vimm.s32 $0x1587;
	v29 =	vimm.s32 $0x1607;
	v30 =	vimm.s32 $0x1687  }
0xe: {  	v31 =	vimm.s32 $0x1707;
	v32 =	vimm.s32 $0x1787;
	v33 =	vimm.s32 $0x1807  }
0xf: {  	v34 =	vimm.s32 $0x1887;
	v35 =	vimm.s32 $0x1907;
	v36 =	vimm.s32 $0x1987  }
0x10: {  	v37 =	vimm.s32 $0x1A07;
	v38 =	vimm.s32 $0x1A87;
	v39 =	vimm.s32 $0x1B07  }
0x11: {  	v40 =	vimm.s32 $0x1B87;
	v41 =	vimm.s32 $0x1C07;
	v42 =	vimm.s32 $0x1C87  }
0x12: {  	v43 =	vimm.s32 $0x1D07;
	v44 =	vimm.s32 $0x1D87;
	v45 =	vimm.s32 $0x1E07  }
0x13: {  	v46 =	vimm.s32 $0x1E87;
	v47 =	vimm.s32 $0x1F07;
	v48 =	vimm.s32 $0x1F87  }
0x14: {  	v49 =	vimm.s32 $0x3F3E3D;
	v50 =	vimm.s32 $0x32107654;
	v51 =	vimm.s32 $0x1003F3E  }
0x15: {  	v52 =	vimm.s32 $0x201003F;
	v61 =	vimm.s32 $0x3F3E3D3C;
	v62 =	vimm.s32 $0x43218765  }
0x16: {  	v63 =	vimm.s32 $0x54329876;
	v53 =	vimm.s32 $0x6543A987;
	vm0 =	vcmask $0x2F10  }
0x17: {  	v60 =	vimm.s32 $0xB0A0908;
	vm14 =	vcmask $0x2320;
	vm15 =	vcmask $0x2724  }
0x18: {  	v0 =	vsel vm3, $0x0, v0;
	v1 =	vsel vm3, $0x80, v1;
	v2 =	vsel vm3, $0x100, v2  }
0x19: {  	v3 =	vsel vm3, $0x180, v3;
	v4 =	vsel vm3, $0x200, v4;
	v5 =	vsel vm3, $0x280, v5  }
0x1a: {  	v6 =	vsel vm3, $0x300, v6;
	v7 =	vsel vm3, $0x380, v7;
	v8 =	vsel vm3, $0x400, v8  }
0x1b: {  	v9 =	vsel vm3, $0x480, v9;
	v10 =	vsel vm3, $0x500, v10;
	v11 =	vsel vm3, $0x580, v11  }
0x1c: {  	v12 =	vsel vm3, $0x600, v12;
	v13 =	vsel vm3, $0x680, v13;
	v14 =	vsel vm3, $0x700, v14  }
0x1d: {  	v15 =	vsel vm3, $0x780, v15;
	v16 =	vsel vm3, $0x800, v16;
	v17 =	vsel vm3, $0x880, v17  }
0x1e: {  	v18 =	vsel vm3, $0x900, v18;
	v19 =	vsel vm3, $0x980, v19;
	v20 =	vsel vm3, $0xA00, v20  }
0x1f: {  	v21 =	vsel vm3, $0xA80, v21;
	v22 =	vsel vm3, $0xB00, v22;
	v23 =	vsel vm3, $0xB80, v23  }
0x20: {  	v24 =	vsel vm3, $0xC00, v24;
	v25 =	vsel vm3, $0xC80, v25;
	v26 =	vsel vm3, $0xD00, v26  }
0x21: {  	v27 =	vsel vm3, $0xD80, v27;
	v28 =	vsel vm3, $0xE00, v28;
	v29 =	vsel vm3, $0xE80, v29  }
0x22: {  	v30 =	vsel vm3, $0xF00, v30;
	v31 =	vsel vm3, $0xF80, v31;
	v32 =	vsel vm3, $0x1000, v32  }
0x23: {  	v33 =	vsel vm3, $0x1080, v33;
	v34 =	vsel vm3, $0x1100, v34;
	v35 =	vsel vm3, $0x1180, v35  }
0x24: {  	v36 =	vsel vm3, $0x1200, v36;
	v37 =	vsel vm3, $0x1280, v37;
	v38 =	vsel vm3, $0x1300, v38  }
0x25: {  	v39 =	vsel vm3, $0x1380, v39;
	v40 =	vsel vm3, $0x1400, v40;
	v41 =	vsel vm3, $0x1480, v41  }
0x26: {  	v42 =	vsel vm3, $0x1500, v42;
	v43 =	vsel vm3, $0x1580, v43;
	v44 =	vsel vm3, $0x1600, v44  }
0x27: {  	v45 =	vsel vm3, $0x1680, v45;
	v46 =	vsel vm3, $0x1700, v46;
	v50 =	vunpack.c.l.s4.s8 v50  }
0x28: {  	v54 =	vunpack.c.0.s8.s32 v49;
	v55 =	vunpack.c.0.s8.s32 v51;
	v56 =	vunpack.c.0.s8.s32 v52  }
0x29: {  	v51 =	vunpack.c.l.s4.s8 v62;
	v57 =	vunpack.c.0.s8.s32 v61;
	v58 =	vunpack.c.l.s4.s8 v63  }
0x2a: {  	v59 =	vunpack.c.l.s4.s8 v53;
	v53 =	vunpack.c.0.s8.s32 v60;
	v61 =	vimm.s32 $0xC0B0A09  }
0x2b: {  	v62 =	vimm.s32 $0xD0C0B0A;
	v63 =	vimm.s32 $0xE0D0C0B;
	v47 =	vsel vm3, $0x1780, v47  }
0x2c: {  	v48 =	vsel vm3, $0x1800, v48;
	v60 =	vimm.s32 $0x3020100;
	v0 =	vsel vm7, $0x81, v0  }
0x2d: {  	v1 =	vsel vm7, $0x101, v1;
	v2 =	vsel vm7, $0x181, v2;
	v3 =	vsel vm7, $0x201, v3  }
0x2e: {  	v4 =	vsel vm7, $0x281, v4;
	v5 =	vsel vm7, $0x301, v5;
	v6 =	vsel vm7, $0x381, v6  }
0x2f: {  	v7 =	vsel vm7, $0x401, v7;
	v8 =	vsel vm7, $0x481, v8;
	v9 =	vsel vm7, $0x501, v9  }
0x30: {  	v10 =	vsel vm7, $0x581, v10;
	v11 =	vsel vm7, $0x601, v11;
	v12 =	vsel vm7, $0x681, v12  }
0x31: {  	v13 =	vsel vm7, $0x701, v13;
	v14 =	vsel vm7, $0x781, v14;
	v15 =	vsel vm7, $0x801, v15  }
0x32: {  	v16 =	vsel vm7, $0x881, v16;
	v17 =	vsel vm7, $0x901, v17;
	v18 =	vsel vm7, $0x981, v18  }
0x33: {  	v19 =	vsel vm7, $0xA01, v19;
	v20 =	vsel vm7, $0xA81, v20;
	v21 =	vsel vm7, $0xB01, v21  }
0x34: {  	v22 =	vsel vm7, $0xB81, v22;
	v23 =	vsel vm7, $0xC01, v23;
	v24 =	vsel vm7, $0xC81, v24  }
0x35: {  	v25 =	vsel vm7, $0xD01, v25;
	v26 =	vsel vm7, $0xD81, v26;
	v27 =	vsel vm7, $0xE01, v27  }
0x36: {  	v28 =	vsel vm7, $0xE81, v28;
	v29 =	vsel vm7, $0xF01, v29;
	v30 =	vsel vm7, $0xF81, v30  }
0x37: {  	v31 =	vsel vm7, $0x1001, v31;
	v32 =	vsel vm7, $0x1081, v32;
	v33 =	vsel vm7, $0x1101, v33  }
0x38: {  	v34 =	vsel vm7, $0x1181, v34;
	v35 =	vsel vm7, $0x1201, v35;
	v36 =	vsel vm7, $0x1281, v36  }
0x39: {  	v37 =	vsel vm7, $0x1301, v37;
	v38 =	vsel vm7, $0x1381, v38;
	v39 =	vsel vm7, $0x1401, v39  }
0x3a: {  	v40 =	vsel vm7, $0x1481, v40;
	v41 =	vsel vm7, $0x1501, v41;
	v42 =	vsel vm7, $0x1581, v42  }
0x3b: {  	v43 =	vsel vm7, $0x1601, v43;
	v44 =	vsel vm7, $0x1681, v44;
	v45 =	vsel vm7, $0x1701, v45  }
0x3c: {  	v46 =	vsel vm7, $0x1781, v46;
	v47 =	vsel vm7, $0x1801, v47;
	v48 =	vsel vm7, $0x1881, v48  }
0x3d: {  	v0 =	vsel vm5, $0x102, v0;
	v50 =	vunpack.c.0.s8.s32 v50;
	v51 =	vunpack.c.0.s8.s32 v51  }
0x3e: {  	v49 =	vunpack.c.0.s8.s32 v58;
	v52 =	vunpack.c.0.s8.s32 v59;
	v58 =	vimm.s32 $0x7  }
0x3f: {  	v59 =	vimm.s32 $0x87;
	v1 =	vsel vm5, $0x182, v1;
	v2 =	vsel vm5, $0x202, v2  }
0x40: {  	v3 =	vsel vm5, $0x282, v3;
	v4 =	vsel vm5, $0x302, v4;
	v5 =	vsel vm5, $0x382, v5  }
0x41: {  	v6 =	vsel vm5, $0x402, v6;
	v7 =	vsel vm5, $0x482, v7;
	v8 =	vsel vm5, $0x502, v8  }
0x42: {  	v9 =	vsel vm5, $0x582, v9;
	v10 =	vsel vm5, $0x602, v10;
	v11 =	vsel vm5, $0x682, v11  }
0x43: {  	v12 =	vsel vm5, $0x702, v12;
	v13 =	vsel vm5, $0x782, v13;
	v14 =	vsel vm5, $0x802, v14  }
0x44: {  	v15 =	vsel vm5, $0x882, v15;
	v16 =	vsel vm5, $0x902, v16;
	v17 =	vsel vm5, $0x982, v17  }
0x45: {  	v18 =	vsel vm5, $0xA02, v18;
	v19 =	vsel vm5, $0xA82, v19;
	v20 =	vsel vm5, $0xB02, v20  }
0x46: {  	v21 =	vsel vm5, $0xB82, v21;
	v22 =	vsel vm5, $0xC02, v22;
	v23 =	vsel vm5, $0xC82, v23  }
0x47: {  	v24 =	vsel vm5, $0xD02, v24;
	v25 =	vsel vm5, $0xD82, v25;
	v26 =	vsel vm5, $0xE02, v26  }
0x48: {  	v27 =	vsel vm5, $0xE82, v27;
	v28 =	vsel vm5, $0xF02, v28;
	v29 =	vsel vm5, $0xF82, v29  }
0x49: {  	v30 =	vsel vm5, $0x1002, v30;
	v31 =	vsel vm5, $0x1082, v31;
	v32 =	vsel vm5, $0x1102, v32  }
0x4a: {  	v33 =	vsel vm5, $0x1182, v33;
	v34 =	vsel vm5, $0x1202, v34;
	v35 =	vsel vm5, $0x1282, v35  }
0x4b: {  	v36 =	vsel vm5, $0x1302, v36;
	v37 =	vsel vm5, $0x1382, v37;
	v38 =	vsel vm5, $0x1402, v38  }
0x4c: {  	v39 =	vsel vm5, $0x1482, v39;
	v40 =	vsel vm5, $0x1502, v40;
	v41 =	vsel vm5, $0x1582, v41  }
0x4d: {  	v42 =	vsel vm5, $0x1602, v42;
	v43 =	vsel vm5, $0x1682, v43;
	v44 =	vsel vm5, $0x1702, v44  }
0x4e: {  	v45 =	vsel vm5, $0x1782, v45;
	v46 =	vsel vm5, $0x1802, v46;
	v47 =	vsel vm5, $0x1882, v47  }
0x4f: {  	v48 =	vsel vm5, $0x1902, v48;
	v0 =	vsel vm6, $0x183, v0;
	v1 =	vsel vm6, $0x203, v1  }
0x50: {  	v2 =	vsel vm6, $0x283, v2;
	v3 =	vsel vm6, $0x303, v3;
	v4 =	vsel vm6, $0x383, v4  }
0x51: {  	v5 =	vsel vm6, $0x403, v5;
	v6 =	vsel vm6, $0x483, v6;
	v7 =	vsel vm6, $0x503, v7  }
0x52: {  	v8 =	vsel vm6, $0x583, v8;
	v9 =	vsel vm6, $0x603, v9;
	v10 =	vsel vm6, $0x683, v10  }
0x53: {  	v11 =	vsel vm6, $0x703, v11;
	v12 =	vsel vm6, $0x783, v12;
	v13 =	vsel vm6, $0x803, v13  }
0x54: {  	v14 =	vsel vm6, $0x883, v14;
	v15 =	vsel vm6, $0x903, v15;
	v16 =	vsel vm6, $0x983, v16  }
0x55: {  	v17 =	vsel vm6, $0xA03, v17;
	v18 =	vsel vm6, $0xA83, v18;
	v19 =	vsel vm6, $0xB03, v19  }
0x56: {  	v20 =	vsel vm6, $0xB83, v20;
	v21 =	vsel vm6, $0xC03, v21;
	v22 =	vsel vm6, $0xC83, v22  }
0x57: {  	v23 =	vsel vm6, $0xD03, v23;
	v24 =	vsel vm6, $0xD83, v24;
	v25 =	vsel vm6, $0xE03, v25  }
0x58: {  	v26 =	vsel vm6, $0xE83, v26;
	v27 =	vsel vm6, $0xF03, v27;
	v28 =	vsel vm6, $0xF83, v28  }
0x59: {  	v29 =	vsel vm6, $0x1003, v29;
	v30 =	vsel vm6, $0x1083, v30;
	v31 =	vsel vm6, $0x1103, v31  }
0x5a: {  	v32 =	vsel vm6, $0x1183, v32;
	v33 =	vsel vm6, $0x1203, v33;
	v34 =	vsel vm6, $0x1283, v34  }
0x5b: {  	v35 =	vsel vm6, $0x1303, v35;
	v36 =	vsel vm6, $0x1383, v36;
	v37 =	vsel vm6, $0x1403, v37  }
0x5c: {  	v38 =	vsel vm6, $0x1483, v38;
	v39 =	vsel vm6, $0x1503, v39;
	v40 =	vsel vm6, $0x1583, v40  }
0x5d: {  	v41 =	vsel vm6, $0x1603, v41;
	v42 =	vsel vm6, $0x1683, v42;
	v43 =	vsel vm6, $0x1703, v43  }
0x5e: {  	v44 =	vsel vm6, $0x1783, v44;
	v45 =	vsel vm6, $0x1803, v45;
	v46 =	vsel vm6, $0x1883, v46  }
0x5f: {  	v47 =	vsel vm6, $0x1903, v47;
	v48 =	vsel vm6, $0x1983, v48;
	v0 =	vsel vm4, $0x204, v0  }
0x60: {  	v50 =	vand.u32 $0xF, v50;
	v51 =	vand.u32 $0xF, v51;
	v49 =	vand.u32 $0xF, v49  }
0x61: {  	v52 =	vand.u32 $0xF, v52;
	v1 =	vsel vm4, $0x284, v1;
	v2 =	vsel vm4, $0x304, v2  }
0x62: {  	v3 =	vsel vm4, $0x384, v3;
	v4 =	vsel vm4, $0x404, v4;
	v5 =	vsel vm4, $0x484, v5  }
0x63: {  	v6 =	vsel vm4, $0x504, v6;
	v7 =	vsel vm4, $0x584, v7;
	v8 =	vsel vm4, $0x604, v8  }
0x64: {  	v9 =	vsel vm4, $0x684, v9;
	v10 =	vsel vm4, $0x704, v10;
	v11 =	vsel vm4, $0x784, v11  }
0x65: {  	v12 =	vsel vm4, $0x804, v12;
	v13 =	vsel vm4, $0x884, v13;
	v14 =	vsel vm4, $0x904, v14  }
0x66: {  	v15 =	vsel vm4, $0x984, v15;
	v16 =	vsel vm4, $0xA04, v16;
	v17 =	vsel vm4, $0xA84, v17  }
0x67: {  	v18 =	vsel vm4, $0xB04, v18;
	v19 =	vsel vm4, $0xB84, v19;
	v20 =	vsel vm4, $0xC04, v20  }
0x68: {  	v21 =	vsel vm4, $0xC84, v21;
	v22 =	vsel vm4, $0xD04, v22;
	v23 =	vsel vm4, $0xD84, v23  }
0x69: {  	v24 =	vsel vm4, $0xE04, v24;
	v25 =	vsel vm4, $0xE84, v25;
	v26 =	vsel vm4, $0xF04, v26  }
0x6a: {  	v27 =	vsel vm4, $0xF84, v27;
	v28 =	vsel vm4, $0x1004, v28;
	v29 =	vsel vm4, $0x1084, v29  }
0x6b: {  	v30 =	vsel vm4, $0x1104, v30;
	v31 =	vsel vm4, $0x1184, v31;
	v32 =	vsel vm4, $0x1204, v32  }
0x6c: {  	v33 =	vsel vm4, $0x1284, v33;
	v34 =	vsel vm4, $0x1304, v34;
	v35 =	vsel vm4, $0x1384, v35  }
0x6d: {  	v36 =	vsel vm4, $0x1404, v36;
	v37 =	vsel vm4, $0x1484, v37;
	v38 =	vsel vm4, $0x1504, v38  }
0x6e: {  	v39 =	vsel vm4, $0x1584, v39;
	v40 =	vsel vm4, $0x1604, v40;
	v41 =	vsel vm4, $0x1684, v41  }
0x6f: {  	v42 =	vsel vm4, $0x1704, v42;
	v43 =	vsel vm4, $0x1784, v43;
	v44 =	vsel vm4, $0x1804, v44  }
0x70: {  	v45 =	vsel vm4, $0x1884, v45;
	v46 =	vsel vm4, $0x1904, v46;
	v47 =	vsel vm4, $0x1984, v47  }
0x71: {  	v48 =	vsel vm4, $0x1A04, v48;
	v0 =	vsel vm2, $0x285, v0;
	v50 =	vsel vm0, v50, v57  }
0x72: {  	[tilespmem:$0x1F8F0] =	vst v54;
	v51 =	vsel vm0, v51, v54;
	v49 =	vsel vm0, v49, v55;
	v52 =	vsel vm0, v52, v56  }
0x73: {  	[tilespmem:$0x1F910] =	vst v55;
	vm0 =	vcmask $0x3F30;
	v54 =	vunpack.c.0.s8.s32 v61;
	v55 =	vunpack.c.0.s8.s32 v62  }
0x74: {  	[tilespmem:$0x1F930] =	vst v56;
	v56 =	vunpack.c.0.s8.s32 v63;
	v61 =	vimm.s32 $0x37363534;
	v62 =	vimm.s32 $0x3B3A3938  }
0x75: {  	v1 =	vsel vm2, $0x305, v1;
	v2 =	vsel vm2, $0x385, v2;
	v3 =	vsel vm2, $0x405, v3  }
0x76: {  	v4 =	vsel vm2, $0x485, v4;
	v5 =	vsel vm2, $0x505, v5;
	v6 =	vsel vm2, $0x585, v6  }
0x77: {  	v7 =	vsel vm2, $0x605, v7;
	v8 =	vsel vm2, $0x685, v8;
	v9 =	vsel vm2, $0x705, v9  }
0x78: {  	v10 =	vsel vm2, $0x785, v10;
	v11 =	vsel vm2, $0x805, v11;
	v12 =	vsel vm2, $0x885, v12  }
0x79: {  	v13 =	vsel vm2, $0x905, v13;
	v14 =	vsel vm2, $0x985, v14;
	v15 =	vsel vm2, $0xA05, v15  }
0x7a: {  	v16 =	vsel vm2, $0xA85, v16;
	v17 =	vsel vm2, $0xB05, v17;
	v18 =	vsel vm2, $0xB85, v18  }
0x7b: {  	v19 =	vsel vm2, $0xC05, v19;
	v20 =	vsel vm2, $0xC85, v20;
	v21 =	vsel vm2, $0xD05, v21  }
0x7c: {  	v22 =	vsel vm2, $0xD85, v22;
	v23 =	vsel vm2, $0xE05, v23;
	v24 =	vsel vm2, $0xE85, v24  }
0x7d: {  	v25 =	vsel vm2, $0xF05, v25;
	v26 =	vsel vm2, $0xF85, v26;
	v27 =	vsel vm2, $0x1005, v27  }
0x7e: {  	v28 =	vsel vm2, $0x1085, v28;
	v29 =	vsel vm2, $0x1105, v29;
	v30 =	vsel vm2, $0x1185, v30  }
0x7f: {  	v31 =	vsel vm2, $0x1205, v31;
	v32 =	vsel vm2, $0x1285, v32;
	v33 =	vsel vm2, $0x1305, v33  }
0x80: {  	v34 =	vsel vm2, $0x1385, v34;
	v35 =	vsel vm2, $0x1405, v35;
	v36 =	vsel vm2, $0x1485, v36  }
0x81: {  	v37 =	vsel vm2, $0x1505, v37;
	v38 =	vsel vm2, $0x1585, v38;
	v39 =	vsel vm2, $0x1605, v39  }
0x82: {  	v40 =	vsel vm2, $0x1685, v40;
	v41 =	vsel vm2, $0x1705, v41;
	v42 =	vsel vm2, $0x1785, v42  }
0x83: {  	v43 =	vsel vm2, $0x1805, v43;
	v44 =	vsel vm2, $0x1885, v44;
	v45 =	vsel vm2, $0x1905, v45  }
0x84: {  	v46 =	vsel vm2, $0x1985, v46;
	v47 =	vsel vm2, $0x1A05, v47;
	v48 =	vsel vm2, $0x1A85, v48  }
0x85: {  	v0 =	vsel vm1, $0x306, v0;
	v50 =	vsel vm0, v53, v50;
	v63 =	vunpack.c.0.s8.s32 v62  }
0x86: {  	v62 =	vimm.s32 $0x387;
	v1 =	vsel vm1, $0x386, v1;
	v2 =	vsel vm1, $0x406, v2  }
0x87: {  	v3 =	vsel vm1, $0x486, v3;
	v4 =	vsel vm1, $0x506, v4;
	v5 =	vsel vm1, $0x586, v5  }
0x88: {  	v6 =	vsel vm1, $0x606, v6;
	v7 =	vsel vm1, $0x686, v7;
	v8 =	vsel vm1, $0x706, v8  }
0x89: {  	v9 =	vsel vm1, $0x786, v9;
	v10 =	vsel vm1, $0x806, v10;
	v11 =	vsel vm1, $0x886, v11  }
0x8a: {  	v12 =	vsel vm1, $0x906, v12;
	v13 =	vsel vm1, $0x986, v13;
	v14 =	vsel vm1, $0xA06, v14  }
0x8b: {  	v15 =	vsel vm1, $0xA86, v15;
	v16 =	vsel vm1, $0xB06, v16;
	v17 =	vsel vm1, $0xB86, v17  }
0x8c: {  	v18 =	vsel vm1, $0xC06, v18;
	v19 =	vsel vm1, $0xC86, v19;
	v20 =	vsel vm1, $0xD06, v20  }
0x8d: {  	v21 =	vsel vm1, $0xD86, v21;
	v22 =	vsel vm1, $0xE06, v22;
	v23 =	vsel vm1, $0xE86, v23  }
0x8e: {  	v24 =	vsel vm1, $0xF06, v24;
	v25 =	vsel vm1, $0xF86, v25;
	v26 =	vsel vm1, $0x1006, v26  }
0x8f: {  	v27 =	vsel vm1, $0x1086, v27;
	v28 =	vsel vm1, $0x1106, v28;
	v29 =	vsel vm1, $0x1186, v29  }
0x90: {  	v30 =	vsel vm1, $0x1206, v30;
	v31 =	vsel vm1, $0x1286, v31;
	v32 =	vsel vm1, $0x1306, v32  }
0x91: {  	v33 =	vsel vm1, $0x1386, v33;
	v34 =	vsel vm1, $0x1406, v34;
	v35 =	vsel vm1, $0x1486, v35  }
0x92: {  	v36 =	vsel vm1, $0x1506, v36;
	v37 =	vsel vm1, $0x1586, v37;
	v38 =	vsel vm1, $0x1606, v38  }
0x93: {  	v39 =	vsel vm1, $0x1686, v39;
	v40 =	vsel vm1, $0x1706, v40;
	v41 =	vsel vm1, $0x1786, v41  }
0x94: {  	v42 =	vsel vm1, $0x1806, v42;
	v43 =	vsel vm1, $0x1886, v43;
	v44 =	vsel vm1, $0x1906, v44  }
0x95: {  	v45 =	vsel vm1, $0x1986, v45;
	v46 =	vsel vm1, $0x1A06, v46;
	v47 =	vsel vm1, $0x1A86, v47  }
0x96: {  	v48 =	vsel vm1, $0x1B06, v48;
	v54 =	vsel vm0, v54, v51;
	v49 =	vsel vm0, v55, v49  }
0x97: {  	[tilespmem:$0x1F820] =	vst v50;
	v56 =	vsel vm0, v56, v52;
	vm0 =	vcmask $0x1F10;
	v51 =	vunpack.c.0.s8.s32 v60  }
0x98: {  	v52 =	vunpack.c.0.s8.s32 v61;
	v50 =	vsel vm3, $0x1900, v59;
	v59 =	vimm.s32 $0x207;
	[tilespmem:$0x1F830] =	vst v54  }
0x99: {  	v60 =	vimm.s32 $0x287;
	v61 =	vimm.s32 $0x307;
	[tilespmem:$0x1F840] =	vst v49;
	v49 =	vsel vm3, $0x1880, v58  }
0x9a: {  	[tilespmem:$0x1F850] =	vst v56;
	v56 =	vimm.s32 $0x107;
	v58 =	vimm.s32 $0x187;
	v54 =	vsel vm3, $0x1B00, v60  }
0x9b: {  	v55 =	vsel vm3, $0x1B80, v61;
	v60 =	vimm.s32 $0x587;
	v61 =	vimm.s32 $0x607  }
0x9c: {  	v50 =	vsel vm7, $0x1981, v50;
	v53 =	vsel vm3, $0x1980, v56;
	v51 =	vsel vm0, v51, v57  }
0x9d: {  	[tilespmem:$0x1F870] =	vst v63;
	v52 =	vsel vm0, v63, v52;
	v56 =	vsel vm3, $0x1C00, v62;
	v63 =	vimm.s32 $0x407  }
0x9e: {  	v60 =	vsel vm3, $0x1E00, v60;
	v62 =	vimm.s32 $0x687;
	v61 =	vsel vm3, $0x1E80, v61  }
0x9f: {  	v49 =	vsel vm7, $0x1901, v49;
	v54 =	vsel vm7, $0x1B81, v54;
	v55 =	vsel vm7, $0x1C01, v55  }
0xa0: {  	v50 =	vsel vm5, $0x1A02, v50;
	v51 =	vcombine.low v52, v51;
	v52 =	vsel vm3, $0x1A80, v59  }
0xa1: {  	[tilespmem:$0x1F860] =	vst v57;
	v57 =	vsel vm3, $0x1C80, v63;
	v59 =	vimm.s32 $0x507;
	v62 =	vsel vm3, $0x1F00, v62  }
0xa2: {  	v63 =	vimm.s32 $0x707;
	v53 =	vsel vm7, $0x1A01, v53;
	v56 =	vsel vm7, $0x1C81, v56  }
0xa3: {  	v60 =	vsel vm7, $0x1E81, v60;
	v61 =	vsel vm7, $0x1F01, v61;
	v49 =	vsel vm5, $0x1982, v49  }
0xa4: {  	v54 =	vsel vm5, $0x1C02, v54;
	v55 =	vsel vm5, $0x1C82, v55;
	v50 =	vsel vm6, $0x1A83, v50  }
0xa5: {  	v59 =	vsel vm3, $0x1D80, v59;
	v63 =	vsel vm3, $0x1F80, v63;
	v52 =	vsel vm7, $0x1B01, v52  }
0xa6: {  	v57 =	vsel vm7, $0x1D01, v57;
	v62 =	vsel vm7, $0x1F81, v62;
	v53 =	vsel vm5, $0x1A82, v53  }
0xa7: {  	v56 =	vsel vm5, $0x1D02, v56;
	v60 =	vsel vm5, $0x1F02, v60;
	v61 =	vsel vm5, $0x1F82, v61  }
0xa8: {  	v49 =	vsel vm6, $0x1A03, v49;
	v54 =	vsel vm6, $0x1C83, v54;
	v55 =	vsel vm6, $0x1D03, v55  }
0xa9: {  	v50 =	vsel vm4, $0x1B04, v50;
	[tilespmem:$0x1F880] =	vst v51;
	v51 =	vsel vm3, $0x1A00, v58;
	v58 =	vimm.s32 $0x487  }
0xaa: {  	v59 =	vsel vm7, $0x1E01, v59;
	v63 =	vsel vm7, $0x1, v63;
	v52 =	vsel vm5, $0x1B82, v52  }
0xab: {  	v57 =	vsel vm5, $0x1D82, v57;
	v62 =	vsel vm5, $0x2, v62;
	v53 =	vsel vm6, $0x1B03, v53  }
0xac: {  	v56 =	vsel vm6, $0x1D83, v56;
	v60 =	vsel vm6, $0x1F83, v60;
	v61 =	vsel vm6, $0x3, v61  }
0xad: {  	v49 =	vsel vm4, $0x1A84, v49;
	v54 =	vsel vm4, $0x1D04, v54;
	v55 =	vsel vm4, $0x1D84, v55  }
0xae: {  	v50 =	vsel vm2, $0x1B85, v50;
	v58 =	vsel vm3, $0x1D00, v58;
	vm3 =	vcmask $0x1F1C  }
0xaf: {  	v51 =	vsel vm7, $0x1A81, v51;
	v59 =	vsel vm5, $0x1E82, v59;
	v63 =	vsel vm5, $0x82, v63  }
0xb0: {  	v52 =	vsel vm6, $0x1C03, v52;
	v57 =	vsel vm6, $0x1E03, v57;
	v62 =	vsel vm6, $0x83, v62  }
0xb1: {  	v53 =	vsel vm4, $0x1B84, v53;
	v56 =	vsel vm4, $0x1E04, v56;
	v60 =	vsel vm4, $0x4, v60  }
0xb2: {  	v61 =	vsel vm4, $0x84, v61;
	v49 =	vsel vm2, $0x1B05, v49;
	v54 =	vsel vm2, $0x1D85, v54  }
0xb3: {  	v55 =	vsel vm2, $0x1E05, v55;
	v50 =	vsel vm1, $0x1C06, v50;
	v58 =	vsel vm7, $0x1D81, v58  }
0xb4: {  	v0 =	vsel vm3, $0x387, v0;
	v51 =	vsel vm5, $0x1B02, v51;
	v59 =	vsel vm6, $0x1F03, v59  }
0xb5: {  	v63 =	vsel vm6, $0x103, v63;
	v52 =	vsel vm4, $0x1C84, v52;
	v57 =	vsel vm4, $0x1E84, v57  }
0xb6: {  	v62 =	vsel vm4, $0x104, v62;
	v53 =	vsel vm2, $0x1C05, v53;
	v56 =	vsel vm2, $0x1E85, v56  }
0xb7: {  	v60 =	vsel vm2, $0x85, v60;
	v61 =	vsel vm2, $0x105, v61;
	v49 =	vsel vm1, $0x1B86, v49  }
0xb8: {  	v54 =	vsel vm1, $0x1E06, v54;
	v55 =	vsel vm1, $0x1E86, v55;
	v1 =	vsel vm3, $0x407, v1  }
0xb9: {  	v2 =	vsel vm3, $0x487, v2;
	v3 =	vsel vm3, $0x507, v3;
	v4 =	vsel vm3, $0x587, v4  }
0xba: {  	v5 =	vsel vm3, $0x607, v5;
	v6 =	vsel vm3, $0x687, v6;
	v7 =	vsel vm3, $0x707, v7  }
0xbb: {  	v8 =	vsel vm3, $0x787, v8;
	v9 =	vsel vm3, $0x807, v9;
	v10 =	vsel vm3, $0x887, v10  }
0xbc: {  	v11 =	vsel vm3, $0x907, v11;
	v12 =	vsel vm3, $0x987, v12;
	v13 =	vsel vm3, $0xA07, v13  }
0xbd: {  	v14 =	vsel vm3, $0xA87, v14;
	v15 =	vsel vm3, $0xB07, v15;
	v16 =	vsel vm3, $0xB87, v16  }
0xbe: {  	v17 =	vsel vm3, $0xC07, v17;
	v18 =	vsel vm3, $0xC87, v18;
	v19 =	vsel vm3, $0xD07, v19  }
0xbf: {  	v20 =	vsel vm3, $0xD87, v20;
	v21 =	vsel vm3, $0xE07, v21;
	v22 =	vsel vm3, $0xE87, v22  }
0xc0: {  	v23 =	vsel vm3, $0xF07, v23;
	v24 =	vsel vm3, $0xF87, v24;
	v25 =	vsel vm3, $0x1007, v25  }
0xc1: {  	v26 =	vsel vm3, $0x1087, v26;
	v27 =	vsel vm3, $0x1107, v27;
	v28 =	vsel vm3, $0x1187, v28  }
0xc2: {  	v29 =	vsel vm3, $0x1207, v29;
	v30 =	vsel vm3, $0x1287, v30;
	v31 =	vsel vm3, $0x1307, v31  }
0xc3: {  	v32 =	vsel vm3, $0x1387, v32;
	v33 =	vsel vm3, $0x1407, v33;
	v34 =	vsel vm3, $0x1487, v34  }
0xc4: {  	v35 =	vsel vm3, $0x1507, v35;
	v36 =	vsel vm3, $0x1587, v36;
	v37 =	vsel vm3, $0x1607, v37  }
0xc5: {  	v38 =	vsel vm3, $0x1687, v38;
	v39 =	vsel vm3, $0x1707, v39;
	v40 =	vsel vm3, $0x1787, v40  }
0xc6: {  	v41 =	vsel vm3, $0x1807, v41;
	v42 =	vsel vm3, $0x1887, v42;
	v43 =	vsel vm3, $0x1907, v43  }
0xc7: {  	v44 =	vsel vm3, $0x1987, v44;
	v45 =	vsel vm3, $0x1A07, v45;
	v46 =	vsel vm3, $0x1A87, v46  }
0xc8: {  	v47 =	vsel vm3, $0x1B07, v47;
	v48 =	vsel vm3, $0x1B87, v48;
	v50 =	vsel vm3, $0x1C87, v50  }
0xc9: {  	v58 =	vsel vm5, $0x1E02, v58;
	v51 =	vsel vm6, $0x1B83, v51;
	v0 =	vsel vm14, $0x400, v0  }
0xca: {  	v59 =	vsel vm4, $0x1F84, v59;
	v63 =	vsel vm4, $0x184, v63;
	v52 =	vsel vm2, $0x1D05, v52  }
0xcb: {  	v57 =	vsel vm2, $0x1F05, v57;
	v62 =	vsel vm2, $0x185, v62;
	v53 =	vsel vm1, $0x1C86, v53  }
0xcc: {  	v56 =	vsel vm1, $0x1F06, v56;
	v60 =	vsel vm1, $0x106, v60;
	v61 =	vsel vm1, $0x186, v61  }
0xcd: {  	v49 =	vsel vm3, $0x1C07, v49;
	v54 =	vsel vm3, $0x1E87, v54;
	v55 =	vsel vm3, $0x1F07, v55  }
0xce: {  	v1 =	vsel vm14, $0x480, v1;
	v2 =	vsel vm14, $0x500, v2;
	v3 =	vsel vm14, $0x580, v3  }
0xcf: {  	v4 =	vsel vm14, $0x600, v4;
	v5 =	vsel vm14, $0x680, v5;
	v6 =	vsel vm14, $0x700, v6  }
0xd0: {  	v7 =	vsel vm14, $0x780, v7;
	v8 =	vsel vm14, $0x800, v8;
	v9 =	vsel vm14, $0x880, v9  }
0xd1: {  	v10 =	vsel vm14, $0x900, v10;
	v11 =	vsel vm14, $0x980, v11;
	v12 =	vsel vm14, $0xA00, v12  }
0xd2: {  	v13 =	vsel vm14, $0xA80, v13;
	v14 =	vsel vm14, $0xB00, v14;
	v15 =	vsel vm14, $0xB80, v15  }
0xd3: {  	v16 =	vsel vm14, $0xC00, v16;
	v17 =	vsel vm14, $0xC80, v17;
	v18 =	vsel vm14, $0xD00, v18  }
0xd4: {  	v19 =	vsel vm14, $0xD80, v19;
	v20 =	vsel vm14, $0xE00, v20;
	v21 =	vsel vm14, $0xE80, v21  }
0xd5: {  	v22 =	vsel vm14, $0xF00, v22;
	v23 =	vsel vm14, $0xF80, v23;
	v24 =	vsel vm14, $0x1000, v24  }
0xd6: {  	v25 =	vsel vm14, $0x1080, v25;
	v26 =	vsel vm14, $0x1100, v26;
	v27 =	vsel vm14, $0x1180, v27  }
0xd7: {  	v28 =	vsel vm14, $0x1200, v28;
	v29 =	vsel vm14, $0x1280, v29;
	v30 =	vsel vm14, $0x1300, v30  }
0xd8: {  	v31 =	vsel vm14, $0x1380, v31;
	v32 =	vsel vm14, $0x1400, v32;
	v33 =	vsel vm14, $0x1480, v33  }
0xd9: {  	v34 =	vsel vm14, $0x1500, v34;
	v35 =	vsel vm14, $0x1580, v35;
	v36 =	vsel vm14, $0x1600, v36  }
0xda: {  	v37 =	vsel vm14, $0x1680, v37;
	v38 =	vsel vm14, $0x1700, v38;
	v39 =	vsel vm14, $0x1780, v39  }
0xdb: {  	v40 =	vsel vm14, $0x1800, v40;
	v41 =	vsel vm14, $0x1880, v41;
	v42 =	vsel vm14, $0x1900, v42  }
0xdc: {  	v43 =	vsel vm14, $0x1980, v43;
	v44 =	vsel vm14, $0x1A00, v44;
	v45 =	vsel vm14, $0x1A80, v45  }
0xdd: {  	v46 =	vsel vm14, $0x1B00, v46;
	v47 =	vsel vm14, $0x1B80, v47;
	v48 =	vsel vm14, $0x1C00, v48  }
0xde: {  	v50 =	vsel vm14, $0x1D00, v50;
	v58 =	vsel vm6, $0x1E83, v58;
	v51 =	vsel vm4, $0x1C04, v51  }
0xdf: {  	v0 =	vsel vm15, $0x481, v0;
	v59 =	vsel vm2, $0x5, v59;
	v63 =	vsel vm2, $0x205, v63  }
0xe0: {  	v52 =	vsel vm1, $0x1D86, v52;
	v57 =	vsel vm1, $0x1F86, v57;
	v62 =	vsel vm1, $0x206, v62  }
0xe1: {  	v53 =	vsel vm3, $0x1D07, v53;
	v56 =	vsel vm3, $0x1F87, v56;
	v60 =	vsel vm3, $0x187, v60  }
0xe2: {  	v61 =	vsel vm3, $0x207, v61;
	v49 =	vsel vm14, $0x1C80, v49;
	v54 =	vsel vm14, $0x1F00, v54  }
0xe3: {  	v55 =	vsel vm14, $0x1F80, v55;
	v1 =	vsel vm15, $0x501, v1;
	v2 =	vsel vm15, $0x581, v2  }
0xe4: {  	v3 =	vsel vm15, $0x601, v3;
	v4 =	vsel vm15, $0x681, v4;
	v5 =	vsel vm15, $0x701, v5  }
0xe5: {  	v6 =	vsel vm15, $0x781, v6;
	v7 =	vsel vm15, $0x801, v7;
	v8 =	vsel vm15, $0x881, v8  }
0xe6: {  	v9 =	vsel vm15, $0x901, v9;
	v10 =	vsel vm15, $0x981, v10;
	v11 =	vsel vm15, $0xA01, v11  }
0xe7: {  	v12 =	vsel vm15, $0xA81, v12;
	v13 =	vsel vm15, $0xB01, v13;
	v14 =	vsel vm15, $0xB81, v14  }
0xe8: {  	v15 =	vsel vm15, $0xC01, v15;
	v16 =	vsel vm15, $0xC81, v16;
	v17 =	vsel vm15, $0xD01, v17  }
0xe9: {  	v18 =	vsel vm15, $0xD81, v18;
	v19 =	vsel vm15, $0xE01, v19;
	v20 =	vsel vm15, $0xE81, v20  }
0xea: {  	v21 =	vsel vm15, $0xF01, v21;
	v22 =	vsel vm15, $0xF81, v22;
	v23 =	vsel vm15, $0x1001, v23  }
0xeb: {  	v24 =	vsel vm15, $0x1081, v24;
	v25 =	vsel vm15, $0x1101, v25;
	v26 =	vsel vm15, $0x1181, v26  }
0xec: {  	v27 =	vsel vm15, $0x1201, v27;
	v28 =	vsel vm15, $0x1281, v28;
	v29 =	vsel vm15, $0x1301, v29  }
0xed: {  	v30 =	vsel vm15, $0x1381, v30;
	v31 =	vsel vm15, $0x1401, v31;
	v32 =	vsel vm15, $0x1481, v32  }
0xee: {  	v33 =	vsel vm15, $0x1501, v33;
	v34 =	vsel vm15, $0x1581, v34;
	v35 =	vsel vm15, $0x1601, v35  }
0xef: {  	v36 =	vsel vm15, $0x1681, v36;
	v37 =	vsel vm15, $0x1701, v37;
	v38 =	vsel vm15, $0x1781, v38  }
0xf0: {  	v39 =	vsel vm15, $0x1801, v39;
	v40 =	vsel vm15, $0x1881, v40;
	v41 =	vsel vm15, $0x1901, v41  }
0xf1: {  	v42 =	vsel vm15, $0x1981, v42;
	v43 =	vsel vm15, $0x1A01, v43;
	v44 =	vsel vm15, $0x1A81, v44  }
0xf2: {  	v45 =	vsel vm15, $0x1B01, v45;
	v46 =	vsel vm15, $0x1B81, v46;
	v47 =	vsel vm15, $0x1C01, v47  }
0xf3: {  	v48 =	vsel vm15, $0x1C81, v48;
	v50 =	vsel vm15, $0x1D81, v50;
	v58 =	vsel vm4, $0x1F04, v58  }
0xf4: {  	v51 =	vsel vm2, $0x1C85, v51;
	v59 =	vsel vm1, $0x86, v59;
	v63 =	vsel vm1, $0x286, v63  }
0xf5: {  	v52 =	vsel vm3, $0x1E07, v52;
	v57 =	vsel vm3, $0x7, v57;
	v62 =	vsel vm3, $0x287, v62  }
0xf6: {  	v53 =	vsel vm14, $0x1D80, v53;
	v56 =	vsel vm14, $0x0, v56;
	v60 =	vsel vm14, $0x200, v60  }
0xf7: {  	v61 =	vsel vm14, $0x280, v61;
	v49 =	vsel vm15, $0x1D01, v49;
	v54 =	vsel vm15, $0x1F81, v54  }
0xf8: {  	v55 =	vsel vm15, $0x1, v55;
	v58 =	vsel vm2, $0x1F85, v58;
	vm2 =	vcmask $0x2B28  }
0xf9: {  	v51 =	vsel vm1, $0x1D06, v51;
	v59 =	vsel vm3, $0x107, v59;
	v63 =	vsel vm3, $0x307, v63  }
0xfa: {  	v52 =	vsel vm14, $0x1E80, v52;
	v57 =	vsel vm14, $0x80, v57;
	v62 =	vsel vm14, $0x300, v62  }
0xfb: {  	v53 =	vsel vm15, $0x1E01, v53;
	v56 =	vsel vm15, $0x81, v56;
	v60 =	vsel vm15, $0x281, v60  }
0xfc: {  	v61 =	vsel vm15, $0x301, v61;
	v58 =	vsel vm1, $0x6, v58;
	v0 =	vsel vm2, $0x502, v0  }
0xfd: {  	v51 =	vsel vm3, $0x1D87, v51;
	vm1 =	vcmask $0x2F2C;
	v59 =	vsel vm14, $0x180, v59  }
0xfe: {  	v63 =	vsel vm14, $0x380, v63;
	v52 =	vsel vm15, $0x1F01, v52;
	v57 =	vsel vm15, $0x101, v57  }
0xff: {  	v62 =	vsel vm15, $0x381, v62;
	v1 =	vsel vm2, $0x582, v1;
	v2 =	vsel vm2, $0x602, v2  }
0x100: {  	v3 =	vsel vm2, $0x682, v3;
	v4 =	vsel vm2, $0x702, v4;
	v5 =	vsel vm2, $0x782, v5  }
0x101: {  	v6 =	vsel vm2, $0x802, v6;
	v7 =	vsel vm2, $0x882, v7;
	v8 =	vsel vm2, $0x902, v8  }
0x102: {  	v9 =	vsel vm2, $0x982, v9;
	v10 =	vsel vm2, $0xA02, v10;
	v11 =	vsel vm2, $0xA82, v11  }
0x103: {  	v12 =	vsel vm2, $0xB02, v12;
	v13 =	vsel vm2, $0xB82, v13;
	v14 =	vsel vm2, $0xC02, v14  }
0x104: {  	v15 =	vsel vm2, $0xC82, v15;
	v16 =	vsel vm2, $0xD02, v16;
	v17 =	vsel vm2, $0xD82, v17  }
0x105: {  	v18 =	vsel vm2, $0xE02, v18;
	v19 =	vsel vm2, $0xE82, v19;
	v20 =	vsel vm2, $0xF02, v20  }
0x106: {  	v21 =	vsel vm2, $0xF82, v21;
	v22 =	vsel vm2, $0x1002, v22;
	v23 =	vsel vm2, $0x1082, v23  }
0x107: {  	v24 =	vsel vm2, $0x1102, v24;
	v25 =	vsel vm2, $0x1182, v25;
	v26 =	vsel vm2, $0x1202, v26  }
0x108: {  	v27 =	vsel vm2, $0x1282, v27;
	v28 =	vsel vm2, $0x1302, v28;
	v29 =	vsel vm2, $0x1382, v29  }
0x109: {  	v30 =	vsel vm2, $0x1402, v30;
	v31 =	vsel vm2, $0x1482, v31;
	v32 =	vsel vm2, $0x1502, v32  }
0x10a: {  	v33 =	vsel vm2, $0x1582, v33;
	v34 =	vsel vm2, $0x1602, v34;
	v35 =	vsel vm2, $0x1682, v35  }
0x10b: {  	v36 =	vsel vm2, $0x1702, v36;
	v37 =	vsel vm2, $0x1782, v37;
	v38 =	vsel vm2, $0x1802, v38  }
0x10c: {  	v39 =	vsel vm2, $0x1882, v39;
	v40 =	vsel vm2, $0x1902, v40;
	v41 =	vsel vm2, $0x1982, v41  }
0x10d: {  	v42 =	vsel vm2, $0x1A02, v42;
	v43 =	vsel vm2, $0x1A82, v43;
	v44 =	vsel vm2, $0x1B02, v44  }
0x10e: {  	v45 =	vsel vm2, $0x1B82, v45;
	v46 =	vsel vm2, $0x1C02, v46;
	v47 =	vsel vm2, $0x1C82, v47  }
0x10f: {  	v48 =	vsel vm2, $0x1D02, v48;
	v49 =	vsel vm2, $0x1D82, v49;
	v50 =	vsel vm2, $0x1E02, v50  }
0x110: {  	v53 =	vsel vm2, $0x1E82, v53;
	v54 =	vsel vm2, $0x2, v54;
	v55 =	vsel vm2, $0x82, v55  }
0x111: {  	v56 =	vsel vm2, $0x102, v56;
	v60 =	vsel vm2, $0x302, v60;
	v61 =	vsel vm2, $0x382, v61  }
0x112: {  	v58 =	vsel vm3, $0x87, v58;
	v51 =	vsel vm14, $0x1E00, v51;
	v0 =	vsel vm1, $0x583, v0  }
0x113: {  	v59 =	vsel vm15, $0x201, v59;
	v63 =	vsel vm15, $0x401, v63;
	vm3 =	vcmask $0x3330  }
0x114: {  	v52 =	vsel vm2, $0x1F82, v52;
	v57 =	vsel vm2, $0x182, v57;
	v62 =	vsel vm2, $0x402, v62  }
0x115: {  	v1 =	vsel vm1, $0x603, v1;
	v2 =	vsel vm1, $0x683, v2;
	v3 =	vsel vm1, $0x703, v3  }
0x116: {  	v4 =	vsel vm1, $0x783, v4;
	v5 =	vsel vm1, $0x803, v5;
	v6 =	vsel vm1, $0x883, v6  }
0x117: {  	v7 =	vsel vm1, $0x903, v7;
	v8 =	vsel vm1, $0x983, v8;
	v9 =	vsel vm1, $0xA03, v9  }
0x118: {  	v10 =	vsel vm1, $0xA83, v10;
	v11 =	vsel vm1, $0xB03, v11;
	v12 =	vsel vm1, $0xB83, v12  }
0x119: {  	v13 =	vsel vm1, $0xC03, v13;
	v14 =	vsel vm1, $0xC83, v14;
	v15 =	vsel vm1, $0xD03, v15  }
0x11a: {  	v16 =	vsel vm1, $0xD83, v16;
	v17 =	vsel vm1, $0xE03, v17;
	v18 =	vsel vm1, $0xE83, v18  }
0x11b: {  	v19 =	vsel vm1, $0xF03, v19;
	v20 =	vsel vm1, $0xF83, v20;
	v21 =	vsel vm1, $0x1003, v21  }
0x11c: {  	v22 =	vsel vm1, $0x1083, v22;
	v23 =	vsel vm1, $0x1103, v23;
	v24 =	vsel vm1, $0x1183, v24  }
0x11d: {  	v25 =	vsel vm1, $0x1203, v25;
	v26 =	vsel vm1, $0x1283, v26;
	v27 =	vsel vm1, $0x1303, v27  }
0x11e: {  	v28 =	vsel vm1, $0x1383, v28;
	v29 =	vsel vm1, $0x1403, v29;
	v30 =	vsel vm1, $0x1483, v30  }
0x11f: {  	v31 =	vsel vm1, $0x1503, v31;
	v32 =	vsel vm1, $0x1583, v32;
	v33 =	vsel vm1, $0x1603, v33  }
0x120: {  	v34 =	vsel vm1, $0x1683, v34;
	v35 =	vsel vm1, $0x1703, v35;
	v36 =	vsel vm1, $0x1783, v36  }
0x121: {  	v37 =	vsel vm1, $0x1803, v37;
	v38 =	vsel vm1, $0x1883, v38;
	v39 =	vsel vm1, $0x1903, v39  }
0x122: {  	v40 =	vsel vm1, $0x1983, v40;
	v41 =	vsel vm1, $0x1A03, v41;
	v42 =	vsel vm1, $0x1A83, v42  }
0x123: {  	v43 =	vsel vm1, $0x1B03, v43;
	v44 =	vsel vm1, $0x1B83, v44;
	v45 =	vsel vm1, $0x1C03, v45  }
0x124: {  	v46 =	vsel vm1, $0x1C83, v46;
	v47 =	vsel vm1, $0x1D03, v47;
	v48 =	vsel vm1, $0x1D83, v48  }
0x125: {  	v49 =	vsel vm1, $0x1E03, v49;
	v50 =	vsel vm1, $0x1E83, v50;
	v53 =	vsel vm1, $0x1F03, v53  }
0x126: {  	v54 =	vsel vm1, $0x83, v54;
	v55 =	vsel vm1, $0x103, v55;
	v56 =	vsel vm1, $0x183, v56  }
0x127: {  	v60 =	vsel vm1, $0x383, v60;
	v61 =	vsel vm1, $0x403, v61;
	v58 =	vsel vm14, $0x100, v58  }
0x128: {  	v51 =	vsel vm15, $0x1E81, v51;
	v0 =	vsel vm3, $0x604, v0;
	v59 =	vsel vm2, $0x282, v59  }
0x129: {  	v63 =	vsel vm2, $0x482, v63;
	v52 =	vsel vm1, $0x3, v52;
	v57 =	vsel vm1, $0x203, v57  }
0x12a: {  	v62 =	vsel vm1, $0x483, v62;
	v1 =	vsel vm3, $0x684, v1;
	v2 =	vsel vm3, $0x704, v2  }
0x12b: {  	v3 =	vsel vm3, $0x784, v3;
	v4 =	vsel vm3, $0x804, v4;
	v58 =	vsel vm15, $0x181, v58  }
0x12c: {  	v51 =	vsel vm2, $0x1F02, v51;
	v59 =	vsel vm1, $0x303, v59;
	v63 =	vsel vm1, $0x503, v63  }
0x12d: {  	v58 =	vsel vm2, $0x202, v58;
	vm2 =	vcmask $0x3734;
	v51 =	vsel vm1, $0x1F83, v51  }
0x12e: {  	v58 =	vsel vm1, $0x283, v58;
	v0 =	vsel vm2, $0x685, v0;
	vm1 =	vcmask $0x3B38  }
0x12f: {  	v5 =	vsel vm3, $0x884, v5;
	v4 =	vsel vm2, $0x885, v4;
	v0 =	vsel vm1, $0x706, v0  }
0x130: {  	v6 =	vsel vm3, $0x904, v6;
	v5 =	vsel vm2, $0x905, v5;
	v4 =	vsel vm1, $0x906, v4;
	[tilespmem:$0x1F890] =	vst v0  }
0x131: {  	v7 =	vsel vm3, $0x984, v7;
	v6 =	vsel vm2, $0x985, v6;
	v5 =	vsel vm1, $0x986, v5;
	[tilespmem:$0x1F8D0] =	vst v4  }
0x132: {  	v28 =	vsel vm3, $0x1404, v28;
	v7 =	vsel vm2, $0xA05, v7;
	v6 =	vsel vm1, $0xA06, v6;
	[tilespmem:$0x1F8E0] =	vst v5  }
0x133: {  	v29 =	vsel vm3, $0x1484, v29;
	v28 =	vsel vm2, $0x1485, v28;
	v7 =	vsel vm1, $0xA86, v7;
	[tilespmem:$0x1F900] =	vst v6  }
0x134: {  	v10 =	vsel vm3, $0xB04, v10;
	v29 =	vsel vm2, $0x1505, v29;
	v28 =	vsel vm1, $0x1506, v28;
	[tilespmem:$0x1F920] =	vst v7  }
0x135: {  	v26 =	vsel vm3, $0x1304, v26;
	v1 =	vsel vm2, $0x705, v1;
	v29 =	vsel vm1, $0x1586, v29;
	[tilespmem:$0x1F970] =	vst v28  }
0x136: {  	v31 =	vsel vm3, $0x1584, v31;
	v10 =	vsel vm2, $0xB85, v10;
	v0 =	vsel vm1, $0x786, v1;
	[tilespmem:$0x1F980] =	vst v29  }
0x137: {  	v32 =	vsel vm3, $0x1604, v32;
	v31 =	vsel vm2, $0x1605, v31;
	v4 =	vsel vm1, $0xC06, v10;
	[tilespmem:$0x1F8A0] =	vst v0  }
0x138: {  	v34 =	vsel vm3, $0x1704, v34;
	v32 =	vsel vm2, $0x1685, v32;
	v28 =	vsel vm1, $0x1686, v31;
	[tilespmem:$0x1F940] =	vst v4  }
0x139: {  	v35 =	vsel vm3, $0x1784, v35;
	v34 =	vsel vm2, $0x1785, v34;
	v29 =	vsel vm1, $0x1706, v32;
	[tilespmem:$0x1F9A0] =	vst v28  }
0x13a: {  	v37 =	vsel vm3, $0x1884, v37;
	v35 =	vsel vm2, $0x1805, v35;
	v31 =	vsel vm1, $0x1806, v34;
	[tilespmem:$0x1F9B0] =	vst v29  }
0x13b: {  	v38 =	vsel vm3, $0x1904, v38;
	v37 =	vsel vm2, $0x1905, v37;
	v32 =	vsel vm1, $0x1886, v35;
	[tilespmem:$0x1F9D0] =	vst v31  }
0x13c: {  	v27 =	vsel vm3, $0x1384, v27;
	v38 =	vsel vm2, $0x1985, v38;
	v34 =	vsel vm1, $0x1986, v37;
	[tilespmem:$0x1F9E0] =	vst v32  }
0x13d: {  	v30 =	vsel vm3, $0x1504, v30;
	v2 =	vsel vm2, $0x785, v2;
	v35 =	vsel vm1, $0x1A06, v38;
	[tilespmem:$0x1FA00] =	vst v34  }
0x13e: {  	v49 =	vsel vm3, $0x1E84, v49;
	v26 =	vsel vm2, $0x1385, v26;
	v0 =	vsel vm1, $0x806, v2;
	[tilespmem:$0x1FA10] =	vst v35  }
0x13f: {  	v50 =	vsel vm3, $0x1F04, v50;
	v49 =	vsel vm2, $0x1F05, v49;
	v4 =	vsel vm1, $0x1406, v26;
	[tilespmem:$0x1F8B0] =	vst v0  }
0x140: {  	v33 =	vsel vm3, $0x1684, v33;
	v50 =	vsel vm2, $0x1F85, v50;
	v28 =	vsel vm1, $0x1F86, v49;
	[tilespmem:$0x1F950] =	vst v4  }
0x141: {  	v36 =	vsel vm3, $0x1804, v36;
	v3 =	vsel vm2, $0x805, v3;
	v31 =	vsel vm1, $0x6, v50;
	[tilespmem:$0x1FA20] =	vst v28  }
0x142: {  	v27 =	vsel vm2, $0x1405, v27;
	v37 =	vimm.s32 $0x38373635;
	v0 =	vsel vm1, $0x886, v3;
	[tilespmem:$0x1FA30] =	vst v31  }
0x143: {  	v30 =	vsel vm2, $0x1585, v30;
	v38 =	vunpack.c.0.s8.s32 v37;
	v4 =	vsel vm1, $0x1486, v27;
	[tilespmem:$0x1F8C0] =	vst v0  }
0x144: {  	v33 =	vsel vm2, $0x1705, v33;
	v36 =	vsel vm2, $0x1885, v36;
	[tilespmem:$0x1F960] =	vst v4;
	v4 =	vsel vm1, $0x1606, v30  }
0x145: {  	v30 =	vsel vm1, $0x1786, v33;
	v33 =	vsel vm1, $0x1906, v36;
	v36 =	vimm.s32 $0x34333231;
	[tilespmem:$0x1FA40] =	vst v38  }
0x146: {  	v29 =	vimm.s32 $0x35343332;
	[tilespmem:$0x1F990] =	vst v4;
	v0 =	vunpack.c.0.s8.s32 v36  }
0x147: {  	v32 =	vimm.s32 $0x3C3B3A39;
	v49 =	vimm.s32 $0x3E3D3C3B;
	[tilespmem:$0x1F9C0] =	vst v30  }
0x148: {  	v1 =	vunpack.c.0.s8.s32 v29;
	v29 =	vunpack.c.0.s8.s32 v49;
	[tilespmem:$0x1F9F0] =	vst v33;
	v0 =	vsel vm0, v38, v0  }
0x149: {  	v5 =	vld [tilespmem:$0x1F8F0];
	v30 =	vimm.s32 $0x39383736;
	v36 =	vimm.s32 $0x3A393837;
	[tilespmem:$0x1FA50] =	vst v0;
	v0 =	vunpack.c.0.s8.s32 v32  }
0x14a: {  	v34 =	vimm.s32 $0x3D3C3B3A;
	[tilespmem:$0x1FAB0] =	vst v29;
	v2 =	vunpack.c.0.s8.s32 v30;
	v37 =	vunpack.c.0.s8.s32 v36  }
0x14b: {  	v6 =	vld [tilespmem:$0x1F910];
	v38 =	vimm.s32 $0x4030201;
	[tilespmem:$0x1FA60] =	vst v0;
	v0 =	vunpack.c.0.s8.s32 v34  }
0x14c: {  	v7 =	vld [tilespmem:$0x1F930];
	v35 =	vimm.s32 $0x36353433;
	v33 =	vsel vm0, v2, v1;
	v1 =	vunpack.c.0.s8.s32 v38;
	[tilespmem:$0x1FA90] =	vst v37  }
0x14d: {  	v28 =	vimm.s32 $0x5040302;
	[tilespmem:$0x1FA80] =	vst v0;
	v0 =	vunpack.c.0.s8.s32 v35  }
0x14e: {  	v30 =	vunpack.c.0.s8.s32 v28;
	[tilespmem:$0x1FA70] =	vst v33;
	v1 =	vsel vm0, v1, v5;
	v35 =	vimm.s32 $0x6050403  }
0x14f: {  	s0 =	rddreg [dreg:$0x0];
	s3 =	simm.s32 $0x0;
	v10 =	vlaneseq.u32;
	v50 =	vmovc v2;
	[tilespmem:$0x1FAC0] =	vst v1;
	v2 =	vunpack.c.0.s8.s32 v35;
	v0 =	vsel vm0, v37, v0  }
0x150: {  	[smem:$0x7FF] =	sst s3;
	v26 =	vmul.u32 $0xD0, v10;
	[tilespmem:$0x1FAA0] =	vst v0;
	v0 =	vsel vm0, v30, v6  }
0x151: {  	s21 =	rddreg [dreg:$0x1];
	v2 =	vsel vm0, v2, v7;
	_ =	strace $0x80000047;
	[tilespmem:$0x1FAD0] =	vst v0  }
0x152: {  	v49 =	vadd.s32 $0xD00, v26;
	[tilespmem:$0x1FAE0] =	vst v2  }
0x153: {  	v28 =	vadd.s32 $0x1A00, v26;
	[tilespmem:$0x1FAF0] =	vst v49  }
0x154: {  	v29 =	vadd.s32 $0x2700, v26;
	[tilespmem:$0x1FB00] =	vst v28  }
0x155: {  	v31 =	vimm.s32 $0x87654321;
	v30 =	vadd.s32 $0x3400, v26;
	[tilespmem:$0x1FB10] =	vst v29  }
0x156: {  	v32 =	vimm.s32 $0x98765432;
	v33 =	vunpack.c.l.s4.s8 v31;
	v31 =	vadd.s32 $0x4100, v26;
	[tilespmem:$0x1FB20] =	vst v30  }
0x157: {  	v34 =	vunpack.c.l.s4.s8 v32;
	v32 =	vadd.s32 $0x4E00, v26;
	[tilespmem:$0x1FB30] =	vst v31  }
0x158: {  	[tilespmem:$0x1FB40] =	vst v32  }
0x159: {  	v27 =	vadd.s32 $0x4, v10;
	[tilespmem:$0x1FB50] =	vst v26  }
0x15a: {  	v1 =	vunpack.c.0.s8.s32 v34;
	v34 =	vadd.s32 $0x6, v10;
	[tilespmem:$0x1FB80] =	vst v27  }
0x15b: {  	v36 =	vimm.s32 $0x76543210;
	v35 =	vadd.s32 $0x8, v10;
	[tilespmem:$0x1FB90] =	vst v34  }
0x15c: {  	v3 =	vunpack.c.l.s4.s8 v36;
	v36 =	vadd.s32 $0xA, v10;
	v37 =	vimm.s32 $0xA9876543;
	[tilespmem:$0x1FBA0] =	vst v35  }
0x15d: {  	v4 =	vunpack.c.l.s4.s8 v37;
	v37 =	vadd.s32 $0xC, v10;
	[tilespmem:$0x1FBB0] =	vst v36  }
0x15e: {  	v5 =	vadd.s32 $0x12, v10;
	[tilespmem:$0x1FBC0] =	vst v37  }
0x15f: {  	v8 =	vsel vm3, $0xA04, v8;
	v6 =	vadd.s32 $0x14, v10;
	[tilespmem:$0x1FBF0] =	vst v5  }
0x160: {  	v9 =	vsel vm3, $0xA84, v9;
	v8 =	vsel vm2, $0xA85, v8;
	v7 =	vadd.s32 $0x16, v10;
	[tilespmem:$0x1FC00] =	vst v6  }
0x161: {  	v11 =	vsel vm3, $0xB84, v11;
	v9 =	vsel vm2, $0xB05, v9;
	v8 =	vsel vm1, $0xB06, v8;
	[tilespmem:$0x1FC10] =	vst v7  }
0x162: {  	v12 =	vsel vm3, $0xC04, v12;
	v11 =	vsel vm2, $0xC05, v11;
	v9 =	vsel vm1, $0xB86, v9;
	[tilespmem:$0x1FC50] =	vst v8  }
0x163: {  	v13 =	vsel vm3, $0xC84, v13;
	v12 =	vsel vm2, $0xC85, v12;
	v11 =	vsel vm1, $0xC86, v11;
	[tilespmem:$0x1FC60] =	vst v9  }
0x164: {  	v14 =	vsel vm3, $0xD04, v14;
	v13 =	vsel vm2, $0xD05, v13;
	v12 =	vsel vm1, $0xD06, v12;
	[tilespmem:$0x1FC70] =	vst v11  }
0x165: {  	v15 =	vsel vm3, $0xD84, v15;
	v14 =	vsel vm2, $0xD85, v14;
	v13 =	vsel vm1, $0xD86, v13;
	[tilespmem:$0x1FC80] =	vst v12  }
0x166: {  	v16 =	vsel vm3, $0xE04, v16;
	v15 =	vsel vm2, $0xE05, v15;
	v14 =	vsel vm1, $0xE06, v14;
	[tilespmem:$0x1FC90] =	vst v13  }
0x167: {  	v17 =	vsel vm3, $0xE84, v17;
	v16 =	vsel vm2, $0xE85, v16;
	v15 =	vsel vm1, $0xE86, v15;
	[tilespmem:$0x1FCA0] =	vst v14  }
0x168: {  	v18 =	vsel vm3, $0xF04, v18;
	v17 =	vsel vm2, $0xF05, v17;
	v16 =	vsel vm1, $0xF06, v16;
	[tilespmem:$0x1FCB0] =	vst v15  }
0x169: {  	v19 =	vsel vm3, $0xF84, v19;
	v18 =	vsel vm2, $0xF85, v18;
	v17 =	vsel vm1, $0xF86, v17;
	[tilespmem:$0x1FCC0] =	vst v16  }
0x16a: {  	v20 =	vsel vm3, $0x1004, v20;
	v19 =	vsel vm2, $0x1005, v19;
	v18 =	vsel vm1, $0x1006, v18;
	[tilespmem:$0x1FCD0] =	vst v17  }
0x16b: {  	v21 =	vsel vm3, $0x1084, v21;
	v20 =	vsel vm2, $0x1085, v20;
	v19 =	vsel vm1, $0x1086, v19;
	[tilespmem:$0x1FCE0] =	vst v18  }
0x16c: {  	v22 =	vsel vm3, $0x1104, v22;
	v21 =	vsel vm2, $0x1105, v21;
	v20 =	vsel vm1, $0x1106, v20;
	[tilespmem:$0x1FCF0] =	vst v19  }
0x16d: {  	v23 =	vsel vm3, $0x1184, v23;
	v22 =	vsel vm2, $0x1185, v22;
	v21 =	vsel vm1, $0x1186, v21;
	[tilespmem:$0x1FD00] =	vst v20  }
0x16e: {  	v24 =	vsel vm3, $0x1204, v24;
	v23 =	vsel vm2, $0x1205, v23;
	v22 =	vsel vm1, $0x1206, v22;
	[tilespmem:$0x1FD10] =	vst v21  }
0x16f: {  	v25 =	vsel vm3, $0x1284, v25;
	v24 =	vsel vm2, $0x1285, v24;
	v23 =	vsel vm1, $0x1286, v23;
	[tilespmem:$0x1FD20] =	vst v22  }
0x170: {  	v39 =	vsel vm3, $0x1984, v39;
	v25 =	vsel vm2, $0x1305, v25;
	v24 =	vsel vm1, $0x1306, v24;
	[tilespmem:$0x1FD30] =	vst v23  }
0x171: {  	v40 =	vsel vm3, $0x1A04, v40;
	v39 =	vsel vm2, $0x1A05, v39;
	v25 =	vsel vm1, $0x1386, v25;
	[tilespmem:$0x1FD40] =	vst v24  }
0x172: {  	v41 =	vsel vm3, $0x1A84, v41;
	v40 =	vsel vm2, $0x1A85, v40;
	v39 =	vsel vm1, $0x1A86, v39;
	[tilespmem:$0x1FD50] =	vst v25  }
0x173: {  	v42 =	vsel vm3, $0x1B04, v42;
	v41 =	vsel vm2, $0x1B05, v41;
	v40 =	vsel vm1, $0x1B06, v40;
	[tilespmem:$0x1FD60] =	vst v39  }
0x174: {  	v43 =	vsel vm3, $0x1B84, v43;
	v42 =	vsel vm2, $0x1B85, v42;
	v41 =	vsel vm1, $0x1B86, v41;
	[tilespmem:$0x1FD70] =	vst v40  }
0x175: {  	v44 =	vsel vm3, $0x1C04, v44;
	v43 =	vsel vm2, $0x1C05, v43;
	v42 =	vsel vm1, $0x1C06, v42;
	[tilespmem:$0x1FD80] =	vst v41  }
0x176: {  	v45 =	vsel vm3, $0x1C84, v45;
	v44 =	vsel vm2, $0x1C85, v44;
	v43 =	vsel vm1, $0x1C86, v43;
	[tilespmem:$0x1FD90] =	vst v42  }
0x177: {  	v46 =	vsel vm3, $0x1D04, v46;
	v45 =	vsel vm2, $0x1D05, v45;
	v44 =	vsel vm1, $0x1D06, v44;
	[tilespmem:$0x1FDA0] =	vst v43  }
0x178: {  	v47 =	vsel vm3, $0x1D84, v47;
	v46 =	vsel vm2, $0x1D85, v46;
	v45 =	vsel vm1, $0x1D86, v45;
	[tilespmem:$0x1FDB0] =	vst v44  }
0x179: {  	v48 =	vsel vm3, $0x1E04, v48;
	v47 =	vsel vm2, $0x1E05, v47;
	v46 =	vsel vm1, $0x1E06, v46;
	[tilespmem:$0x1FDC0] =	vst v45  }
0x17a: {  	v48 =	vsel vm2, $0x1E85, v48;
	v47 =	vsel vm1, $0x1E86, v47;
	[tilespmem:$0x1FDD0] =	vst v46  }
0x17b: {  	v53 =	vsel vm3, $0x1F84, v53;
	v48 =	vsel vm1, $0x1F06, v48;
	[tilespmem:$0x1FDE0] =	vst v47  }
0x17c: {  	v51 =	vsel vm3, $0x4, v51;
	v53 =	vsel vm2, $0x5, v53;
	[tilespmem:$0x1FDF0] =	vst v48  }
0x17d: {  	v52 =	vsel vm3, $0x84, v52;
	v51 =	vsel vm2, $0x85, v51;
	v53 =	vsel vm1, $0x86, v53;
	[tilespmem:$0x1FE00] =	vst v50  }
0x17e: {  	v54 =	vsel vm3, $0x104, v54;
	v52 =	vsel vm2, $0x105, v52;
	v51 =	vsel vm1, $0x106, v51;
	[tilespmem:$0x1FE10] =	vst v53  }
0x17f: {  	v55 =	vsel vm3, $0x184, v55;
	v54 =	vsel vm2, $0x185, v54;
	v52 =	vsel vm1, $0x186, v52;
	[tilespmem:$0x1FE20] =	vst v51  }
0x180: {  	v56 =	vsel vm3, $0x204, v56;
	v55 =	vsel vm2, $0x205, v55;
	v54 =	vsel vm1, $0x206, v54;
	[tilespmem:$0x1FE30] =	vst v52  }
0x181: {  	v57 =	vsel vm3, $0x284, v57;
	v56 =	vsel vm2, $0x285, v56;
	v55 =	vsel vm1, $0x286, v55;
	[tilespmem:$0x1FE40] =	vst v54  }
0x182: {  	v57 =	vsel vm2, $0x305, v57;
	v58 =	vsel vm3, $0x304, v58;
	v56 =	vsel vm1, $0x306, v56;
	[tilespmem:$0x1FE50] =	vst v55  }
0x183: {  	v59 =	vsel vm3, $0x384, v59;
	v57 =	vsel vm1, $0x386, v57;
	v58 =	vsel vm2, $0x385, v58;
	[tilespmem:$0x1FE60] =	vst v56  }
0x184: {  	v60 =	vsel vm3, $0x404, v60;
	v59 =	vsel vm2, $0x405, v59;
	v58 =	vsel vm1, $0x406, v58;
	[tilespmem:$0x1FE70] =	vst v57  }
0x185: {  	v61 =	vsel vm3, $0x484, v61;
	v60 =	vsel vm2, $0x485, v60;
	v59 =	vsel vm1, $0x486, v59;
	[tilespmem:$0x1FE80] =	vst v58  }
0x186: {  	v62 =	vsel vm3, $0x504, v62;
	v61 =	vsel vm2, $0x505, v61;
	v60 =	vsel vm1, $0x506, v60;
	[tilespmem:$0x1FE90] =	vst v59  }
0x187: {  	v63 =	vsel vm3, $0x584, v63;
	v62 =	vsel vm2, $0x585, v62;
	v61 =	vsel vm1, $0x586, v61;
	[tilespmem:$0x1FEA0] =	vst v60  }
0x188: {  	v63 =	vsel vm2, $0x605, v63;
	v62 =	vsel vm1, $0x606, v62;
	[tilespmem:$0x1FEB0] =	vst v61  }
0x189: {  	v63 =	vsel vm1, $0x686, v63;
	v3 =	vunpack.c.0.s8.s32 v3;
	[tilespmem:$0x1FEC0] =	vst v62  }
0x18a: {  	[tilespmem:$0x1FED0] =	vst v63  }
0x18b: {  	v1 =	vand.u32 $0xF, v1;
	[tilespmem:$0x1FEE0] =	vst v3  }
0x18c: {  	v0 =	vunpack.c.0.s8.s32 v33;
	v33 =	vadd.s32 $0x5B00, v26;
	[tilespmem:$0x1FF00] =	vst v1  }
0x18d: {  	v26 =	vadd.s32 $0x2, v10;
	[tilespmem:$0x1FB60] =	vst v33  }
0x18e: {  	v49 =	vor.u32 $0x10, v10;
	[tilespmem:$0x1FB70] =	vst v26  }
0x18f: {  	v5 =	vadd.s32 $0x1A, v10;
	[tilespmem:$0x1FBE0] =	vst v49  }
0x190: {  	v7 =	vadd.s32 $0x1C, v10;
	[tilespmem:$0x1FC30] =	vst v5  }
0x191: {  	v27 =	vadd.s32 $0x5, v10;
	[tilespmem:$0x1FC40] =	vst v7  }
0x192: {  	v28 =	vadd.s32 $0x7, v10;
	[tilespmem:$0x1FF40] =	vst v27  }
0x193: {  	v29 =	vadd.s32 $0x9, v10;
	[tilespmem:$0x1FF50] =	vst v28  }
0x194: {  	v30 =	vadd.s32 $0xB, v10;
	[tilespmem:$0x1FF60] =	vst v29  }
0x195: {  	v31 =	vadd.s32 $0xD, v10;
	[tilespmem:$0x1FF70] =	vst v30  }
0x196: {  	v32 =	vadd.s32 $0xF, v10;
	[tilespmem:$0x1FF80] =	vst v31  }
0x197: {  	s1 =	srdreg.scid;
	s2 =	stileid.u32;
	s26 =	simm.s32 $0xCC00;
	v34 =	vadd.s32 $0x13, v10;
	[tilespmem:$0x1FF90] =	vst v32  }
0x198: {  	s29 =	simm.s32 $0xEC00;
	s30 =	simm.s32 $0x1;
	s31 =	simm.s32 $0x10C00;
	v35 =	vadd.s32 $0x15, v10;
	[tilespmem:$0x1FFB0] =	vst v34  }
0x199: {  	s25 =	simm.s32 $0x12C00;
	s22 =	simm.s32 $0x0;
	s1 =	sand.u32 $0x1, s1;
	v36 =	vadd.s32 $0x17, v10;
	[tilespmem:$0x1FFC0] =	vst v35  }
0x19a: {  	s2 =	sshll.u32 s2, $0x1;
	s7 =	sadd.s32 $0x1000, s21;
	s8 =	sadd.s32 $0x2000, s21;
	v37 =	vadd.s32 $0x19, v10;
	[tilespmem:$0x1FFD0] =	vst v36  }
0x19b: {  	s9 =	sadd.s32 $0x3000, s21;
	s10 =	sadd.s32 $0x4000, s21;
	s11 =	sadd.s32 $0x5000, s21;
	v6 =	vadd.s32 $0x1B, v10;
	[tilespmem:$0x1FFE0] =	vst v37  }
0x19c: {  	s12 =	sadd.s32 $0x6000, s21;
	s13 =	sadd.s32 $0x7000, s21;
	s14 =	sadd.s32 $0x8000, s21;
	v49 =	vadd.s32 $0x18, v10;
	[tilespmem:$0x1FFF0] =	vst v6  }
0x19d: {  	s15 =	sadd.s32 $0x9000, s21;
	s16 =	sadd.s32 $0xA000, s21;
	s2 =	sor.u32 s1, s2;
	v38 =	vunpack.c.0.s8.s32 v4;
	v4 =	vadd.s32 $0x1, v10;
	[tilespmem:$0x1FC20] =	vst v49  }
0x19e: {  	s17 =	sadd.s32 $0xB000, s21;
	s18 =	sadd.s32 $0xC000, s21;
	s4 =	smul.u32 $0xC80, s2;
	v26 =	vadd.s32 $0x3, v10;
	[tilespmem:$0x1FF20] =	vst v4  }
.Ltmp0:
0x19f: {  	s19 =	sadd.s32 $0xD000, s21;
	s1 =	ssub.s32 $0x2, s1;
	v33 =	vadd.s32 $0x11, v10;
	[tilespmem:$0x1FF30] =	vst v26;
	(pc) =	sbr.rel .LBB2_1-.Ltmp0, $4  }
0x1a0: {  	s20 =	sadd.s32 $0xE000, s21;
	s21 =	sadd.s32 $0xF000, s21;
	s5 =	sshrl.u32 s1, $0x1;
	v0 =	vand.u32 $0xF, v0;
	[tilespmem:$0x1FFA0] =	vst v33  }
0x1a1: {  	s28 =	ssub.s32 s1, s5;
	s6 =	sadd.s32 s4, s0;
	s4 =	sadd.s32 $0x19400, s0;
	v2 =	vand.u32 $0xF, v38;
	v38 =	vadd.s32 $0xE, v10;
	[tilespmem:$0x1FEF0] =	vst v0  }
0x1a2: {  	s0 =	smax.u32 s28, $0x1;
	s5 =	sadd.s32 $0x400, s6;
	s6 =	sshll.u32 s2, $0x7;
	[tilespmem:$0x1FBD0] =	vst v38  }
0x1a3: {  	s2 =	simm.s32 $0x4;
	[dreg:$0x3] =	wrdreg s0;
	s0 =	simm.s32 $0x2;
	[tilespmem:$0x1FF10] =	vst v2  }
.LBB2_16:
0x1a4: {  	s1 =	simm.s32 $0x3  }
0x1a5: {  	_ =	swait.ge [sflag:s1], $0x400  }
0x1a6: {  	[sflag:s1] =	ssyncset.done $0x0  }
0x1a7: {  	[sflag:s1] =	ssyncadd.s32 $0xFFFFFC00  }
0x1a8: {  	_ =	swait.ge [sflag:s1], $0x400  }
0x1a9: {  	[sflag:s1] =	ssyncset.done $0x0  }
0x1aa: {  	[sflag:s1] =	ssyncadd.s32 $0xFFFFFC00  }
0x1ab: {  	_ =	swait.ge [sflag:s1], $0x400  }
0x1ac: {  	[sflag:s1] =	ssyncset.done $0x0  }
0x1ad: {  	[sflag:s1] =	ssyncadd.s32 $0xFFFFFC00  }
0x1ae: {  	_ =	swait.ge [sflag:s1], $0x400  }
0x1af: {  	[sflag:s1] =	ssyncset.done $0x0  }
0x1b0: {  	[sflag:s1] =	ssyncadd.s32 $0xFFFFFC00  }
0x1b1: {  	_ =	swait.ge [sflag:s1], $0x400  }
0x1b2: {  	[sflag:s1] =	ssyncset.done $0x0  }
0x1b3: {  	[sflag:s1] =	ssyncadd.s32 $0xFFFFFC00  }
0x1b4: {  	_ =	swait.ge [sflag:s1], $0x400  }
0x1b5: {  	[sflag:s1] =	ssyncset.done $0x0  }
0x1b6: {  	[sflag:s1] =	ssyncadd.s32 $0xFFFFFC00  }
0x1b7: {  	_ =	swait.ge [sflag:s1], $0x400  }
0x1b8: {  	[sflag:s1] =	ssyncset.done $0x0  }
0x1b9: {  	[sflag:s1] =	ssyncadd.s32 $0xFFFFFC00  }
0x1ba: {  	_ =	swait.ge [sflag:s1], $0x400  }
0x1bb: {  	[sflag:s1] =	ssyncset.done $0x0  }
0x1bc: {  	[sflag:s1] =	ssyncadd.s32 $0xFFFFFC00  }
0x1bd: {  	_ =	swait.ge [sflag:s2], $0x400  }
0x1be: {  	[sflag:s2] =	ssyncset.done $0x0  }
0x1bf: {  	[sflag:s2] =	ssyncadd.s32 $0xFFFFFC00  }
0x1c0: {  	_ =	swait.ge [sflag:s2], $0x400  }
0x1c1: {  	[sflag:s2] =	ssyncset.done $0x0  }
0x1c2: {  	[sflag:s2] =	ssyncadd.s32 $0xFFFFFC00  }
0x1c3: {  	_ =	swait.ge [sflag:s2], $0x400  }
0x1c4: {  	[sflag:s2] =	ssyncset.done $0x0  }
0x1c5: {  	[sflag:s2] =	ssyncadd.s32 $0xFFFFFC00  }
0x1c6: {  	_ =	swait.ge [sflag:s2], $0x400  }
0x1c7: {  	[sflag:s2] =	ssyncset.done $0x0  }
0x1c8: {  	[sflag:s2] =	ssyncadd.s32 $0xFFFFFC00  }
0x1c9: {  	_ =	swait.ge [sflag:s2], $0x400  }
0x1ca: {  	[sflag:s2] =	ssyncset.done $0x0  }
0x1cb: {  	[sflag:s2] =	ssyncadd.s32 $0xFFFFFC00  }
0x1cc: {  	_ =	swait.ge [sflag:s2], $0x400  }
0x1cd: {  	[sflag:s2] =	ssyncset.done $0x0  }
0x1ce: {  	[sflag:s2] =	ssyncadd.s32 $0xFFFFFC00  }
0x1cf: {  	_ =	swait.ge [sflag:s2], $0x400  }
0x1d0: {  	[sflag:s2] =	ssyncset.done $0x0  }
0x1d1: {  	[sflag:s2] =	ssyncadd.s32 $0xFFFFFC00  }
0x1d2: {  	_ =	swait.ge [sflag:s2], $0x400  }
0x1d3: {  	v14 =	vld [tilespmem:$0x1FCA0]  }
0x1d4: {  	v15 =	vld [tilespmem:$0x1FCB0]  }
0x1d5: {  	v16 =	vld [tilespmem:$0x1FCC0]  }
0x1d6: {  	v17 =	vld [tilespmem:$0x1FCD0]  }
0x1d7: {  	s22 =	rddreg [dreg:$0x4];
	v18 =	vld [tilespmem:$0x1FCE0]  }
0x1d8: {  	s28 =	rddreg [dreg:$0x3];
	v19 =	vld [tilespmem:$0x1FCF0];
	s22 =	sadd.s32 $0x1, s22  }
0x1d9: {  	v20 =	vld [tilespmem:$0x1FD00];
	p0 =	sne.s32 s22, s28  }
.Ltmp1:
0x1da: {  	v21 =	vld [tilespmem:$0x1FD10];
	(pc) =	sbr.rel @!p0 .LBB2_17-.Ltmp1, $4  }
0x1db: {  	v22 =	vld [tilespmem:$0x1FD20]  }
0x1dc: {  	v23 =	vld [tilespmem:$0x1FD30]  }
0x1dd: {  	[sflag:s2] =	ssyncset.done $0x0;
	v24 =	vld [tilespmem:$0x1FD40]  }
0x1de: {  	v25 =	vld [tilespmem:$0x1FD50];
	[sflag:s2] =	ssyncadd.s32 $0xFFFFFC00  }
.LBB2_1:
0x1df: {  	[dreg:$0x4] =	wrdreg s22;
	s22 =	simm.s32 $0x19  }
0x1e0: {  	s24 =	sadd.s32 $0x0, s5;
	s23 =	simm.s32 $0xD0;
	s1 =	simm.s32 $0x0  }
.LBB2_2:
0x1e1: {  	[tilespmem:s1], [sflag:$0x5] =	stream.linear.gather [hbm4b:s24+s3], $0xC8, $0x38;
	[tilespmem:$0x14C00] =	vst v63  }
0x1e2: {  	s24 =	smov.u32 s22;
	s1 =	smov.u32 s23;
	p0 =	sne.s32 s22, $0xC67  }
.Ltmp2:
0x1e3: {  	s22 =	sadd.s32 $0x19, s22;
	(pc) =	sbr.rel @p0 .LBB2_2-.Ltmp2, $2  }
0x1e4: {  	_ =	sdelay $0x2  }
0x1e5: {  	s23 =	sadd.s32 $0xD0, s23;
	s24 =	sadd.s32 s24, s5  }
0x1e6: {  	[tilespmem:s1], [sflag:$0x5] =	stream.linear.gather [hbm4b:s24+s3], $0xC8, $0x38;
	[tilespmem:$0x14C00] =	vst v63  }
0x1e7: {  	v47 =	vld [tilespmem:$0x1FB50];
	s23 =	simm.s32 $0x5  }
0x1e8: {  	v56 =	vld [tilespmem:$0x1FB60];
	_ =	swait.ge [sflag:s23], $0x6400  }
0x1e9: {  	s22 =	simm.s32 $0x0;
	v54 =	vld [tilespmem:$0x1FB30]  }
0x1ea: {  	v0 =	vmov s22;
	v48 =	vld [tilespmem:$0x1FAF0]  }
0x1eb: {  	v0 =	vand.u32 $0xFF, v0;
	v55 =	vld [tilespmem:$0x1FB40]  }
0x1ec: {  	v51 =	vld [tilespmem:$0x1FB00];
	v1 =	vadd.s32 v47, v0  }
0x1ed: {  	v52 =	vld [tilespmem:$0x1FB10];
	v2 =	vadd.s32 v56, v0  }
0x1ee: {  	v53 =	vld [tilespmem:$0x1FB20];
	v3 =	vadd.s32 v54, v0  }
0x1ef: {  	[sflag:s23] =	ssyncset.done $0x0;
	v4 =	vadd.s32 v48, v0  }
0x1f0: {  	[sflag:s23] =	ssyncadd.s32 $0xFFFF9C00;
	v5 =	vadd.s32 v55, v0  }
0x1f1: {  	s24 =	simm.s32 $0x1;
	v6 =	vadd.s32 v51, v0;
	v1 =	vld.idx.msk [tilespmem:v1+s3+$0x0], $0xffff  }
0x1f2: {  	v8 =	vmov s24;
	v7 =	vadd.s32 v52, v0;
	v9 =	vld.idx.msk [tilespmem:v2+s3+$0x0], $0xffff  }
0x1f3: {  	v11 =	vand.u32 $0xFF, v8;
	v0 =	vadd.s32 v53, v0;
	v3 =	vld.idx.msk [tilespmem:v3+s3+$0x0], $0xffff  }
0x1f4: {  	v12 =	vadd.s32 v47, v11;
	v13 =	vld.idx.msk [tilespmem:v4+s3+$0x0], $0xffff  }
0x1f5: {  	v44 =	vadd.s32 v48, v11;
	v40 =	vld.idx.msk [tilespmem:v5+s3+$0x0], $0xffff  }
0x1f6: {  	v39 =	vadd.s32 v56, v11;
	v43 =	vld.idx.msk [tilespmem:v6+s3+$0x0], $0xffff  }
0x1f7: {  	v42 =	vadd.s32 v54, v11;
	v2 =	vld.idx.msk [tilespmem:v7+s3+$0x0], $0xffff  }
0x1f8: {  	s1 =	simm.s32 $0x6840;
	v8 =	vld.idx.msk [tilespmem:v0+s3+$0x0], $0xffff  }
0x1f9: {  	v0 =	vld.idx.msk [tilespmem:v12+s3+$0x0], $0xffff;
	[tilespmem:s1+$0x30] =	vst v9  }
0x1fa: {  	s22 =	simm.s32 $0x2;
	v7 =	vadd.s32 v55, v11;
	v12 =	vld.idx.msk [tilespmem:v44+s3+$0x0], $0xffff;
	[tilespmem:s1+$0xFFFFFFC0] =	vst v1  }
0x1fb: {  	v4 =	vadd.s32 v51, v11;
	v9 =	vld.idx.msk [tilespmem:v39+s3+$0x0], $0xffff;
	[tilespmem:s1+$0x10] =	vst v3;
	v3 =	vmov s22  }
0x1fc: {  	v5 =	vadd.s32 v53, v11;
	v1 =	vadd.s32 v52, v11;
	[tilespmem:s1+$0xFFFFFFD0] =	vst v13;
	v13 =	vld.idx.msk [tilespmem:v42+s3+$0x0], $0xffff;
	v41 =	vand.u32 $0xFF, v3  }
0x1fd: {  	[tilespmem:s1+$0x20] =	vst v40;
	v6 =	vadd.s32 v47, v41;
	v3 =	vadd.s32 v48, v41;
	v11 =	vadd.s32 v56, v41  }
0x1fe: {  	s28 =	simm.s32 $0x68C0;
	s24 =	simm.s32 $0x10;
	s23 =	simm.s32 $0x68C0;
	[tilespmem:s1+$0xFFFFFFE0] =	vst v43;
	v40 =	vadd.s32 v51, v41;
	v39 =	vadd.s32 v52, v41;
	v42 =	vadd.s32 v55, v41  }
.LBB2_4:
0x1ff: {  	s24 =	sadd.s32 $0x8, s24;
	v43 =	vadd.s32 v53, v41;
	v44 =	vadd.s32 v54, v41;
	v45 =	vld.idx.msk [tilespmem:v7+s3+$0x0], $0xffff;
	s28 =	sadd.s32 $0x80, s28;
	[tilespmem:s1+$0x0] =	vst v8;
	v7 =	vmov v42  }
0x200: {  	p0 =	slt.u32 s24, $0x638;
	v46 =	vld.idx.msk [tilespmem:v4+s3+$0x0], $0xffff;
	[tilespmem:s1+$0xFFFFFFF0] =	vst v2;
	v4 =	vmov v40;
	s1 =	smov.u32 s23;
	s23 =	smov.u32 s28  }
0x201: {  	v2 =	vld.idx.msk [tilespmem:v1+s3+$0x0], $0xffff;
	[tilespmem:s1+$0x30] =	vst v9;
	v1 =	vmov v39  }
0x202: {  	v8 =	vld.idx.msk [tilespmem:v5+s3+$0x0], $0xffff;
	[tilespmem:s1+$0x10] =	vst v13;
	v5 =	vmov v43  }
.Ltmp3:
0x203: {  	s22 =	sadd.s32 $0x1, s22;
	[tilespmem:s1+$0xFFFFFFC0] =	vst v0;
	v0 =	vld.idx.msk [tilespmem:v6+s3+$0x0], $0xffff;
	(pc) =	sbr.rel @p0 .LBB2_4-.Ltmp3, $4  }
0x204: {  	v6 =	vmov s22;
	v9 =	vld.idx.msk [tilespmem:v11+s3+$0x0], $0xffff;
	[tilespmem:s1+$0xFFFFFFD0] =	vst v12  }
0x205: {  	v41 =	vand.u32 $0xFF, v6;
	v13 =	vld.idx.msk [tilespmem:v44+s3+$0x0], $0xffff;
	[tilespmem:s1+$0x20] =	vst v45  }
0x206: {  	v6 =	vadd.s32 v47, v41;
	v11 =	vadd.s32 v56, v41;
	v12 =	vld.idx.msk [tilespmem:v3+s3+$0x0], $0xffff;
	v3 =	vadd.s32 v48, v41  }
0x207: {  	v40 =	vadd.s32 v51, v41;
	v39 =	vadd.s32 v52, v41;
	v42 =	vadd.s32 v55, v41;
	[tilespmem:s1+$0xFFFFFFE0] =	vst v46  }
0x208: {  	_ =	sdelay $0x2  }
0x209: {  	[tilespmem:s1+$0x0] =	vst v8  }
0x20a: {  	v7 =	vld.idx.msk [tilespmem:v7+s3+$0x0], $0xffff;
	[tilespmem:s1+$0xFFFFFFF0] =	vst v2  }
0x20b: {  	v55 =	vld.idx.msk [tilespmem:v4+s3+$0x0], $0xffff;
	[tilespmem:s23+$0xFFFFFFC0] =	vst v0  }
0x20c: {  	v56 =	vld.idx.msk [tilespmem:v5+s3+$0x0], $0xffff;
	[tilespmem:s23+$0x30] =	vst v9  }
0x20d: {  	v1 =	vld.idx.msk [tilespmem:v1+s3+$0x0], $0xffff;
	[tilespmem:s23+$0x10] =	vst v13  }
0x20e: {  	v57 =	vld.idx.msk [tilespmem:v11+s3+$0x0], $0xffff;
	[tilespmem:s23+$0xFFFFFFD0] =	vst v12  }
0x20f: {  	v8 =	vadd.s32 v54, v41;
	v6 =	vld.idx.msk [tilespmem:v6+s3+$0x0], $0xffff;
	[tilespmem:s23+$0x20] =	vst v7  }
0x210: {  	v58 =	vadd.s32 v53, v41;
	v59 =	vld.idx.msk [tilespmem:v3+s3+$0x0], $0xffff;
	[tilespmem:s23+$0xFFFFFFE0] =	vst v55  }
0x211: {  	v60 =	vld.idx.msk [tilespmem:v42+s3+$0x0], $0xffff;
	[tilespmem:s23+$0x0] =	vst v56  }
0x212: {  	s22 =	sadd.s32 $0x80, s28;
	v61 =	vld.idx.msk [tilespmem:v40+s3+$0x0], $0xffff;
	[tilespmem:s23+$0xFFFFFFF0] =	vst v1  }
0x213: {  	v63 =	vld.idx.msk [tilespmem:v39+s3+$0x0], $0xffff;
	[tilespmem:s22+$0x30] =	vst v57  }
0x214: {  	v8 =	vld.idx.msk [tilespmem:v8+s3+$0x0], $0xffff;
	[tilespmem:s22+$0xFFFFFFC0] =	vst v6  }
0x215: {  	v62 =	vld.idx.msk [tilespmem:v58+s3+$0x0], $0xffff;
	[tilespmem:s22+$0xFFFFFFD0] =	vst v59  }
0x216: {  	[tilespmem:s22+$0x20] =	vst v60  }
0x217: {  	[tilespmem:s22+$0xFFFFFFE0] =	vst v61  }
0x218: {  	[tilespmem:s22+$0xFFFFFFF0] =	vst v63  }
0x219: {  	[tilespmem:s22+$0x10] =	vst v8  }
0x21a: {  	s24 =	simm.s32 $0x80;
	[tilespmem:s22+$0x0] =	vst v62;
	s22 =	simm.s32 $0x6800  }
0x21b: {  	[tilespmem:s26], [sflag:$0x1] =	stream.indirect.gather [hbm4b:s4+s24], $0x40, s22, s24, $0xb8;
	[tilespmem:$0x14C00] =	vst v63  }
0x21c: {  	s28 =	simm.s32 $0x6880  }
0x21d: {  	[tilespmem:s29], [sflag:$0x2] =	stream.indirect.gather [hbm4b:s4+s24], $0x40, s28, s24, $0xb8;
	[tilespmem:$0x14C00] =	vst v63  }
0x21e: {  	s1 =	simm.s32 $0x0;
	s24 =	rddreg [dreg:$0x1]  }
.LBB2_6:
0x21f: {  	_ =	swait.ge [sflag:s30], $0x2000  }
0x220: {  	p0 =	seq.s32 s1, $0x0;
	[sflag:s30] =	ssyncset.done $0x0  }
0x221: {  	s22 =	simm.s32 @!p0 $0x3;
	[sflag:s30] =	ssyncadd.s32 $0xFFFFE000  }
0x222: {  	_ =	swait.ge @!p0 [sflag:s22], $0x400  }
0x223: {  	[sflag:s22] =	ssyncset.done @!p0 $0x0  }
0x224: {  	[sflag:s22] =	ssyncadd.s32 @!p0 $0xFFFFFC00  }
0x225: {  	_ =	swait.ge @!p0 [sflag:s22], $0x400  }
0x226: {  	[sflag:s22] =	ssyncset.done @!p0 $0x0  }
0x227: {  	[sflag:s22] =	ssyncadd.s32 @!p0 $0xFFFFFC00  }
0x228: {  	_ =	swait.ge @!p0 [sflag:s22], $0x400  }
0x229: {  	[sflag:s22] =	ssyncset.done @!p0 $0x0  }
0x22a: {  	[sflag:s22] =	ssyncadd.s32 @!p0 $0xFFFFFC00  }
0x22b: {  	_ =	swait.ge @!p0 [sflag:s22], $0x400  }
0x22c: {  	[sflag:s22] =	ssyncset.done @!p0 $0x0  }
0x22d: {  	[sflag:s22] =	ssyncadd.s32 @!p0 $0xFFFFFC00  }
0x22e: {  	_ =	swait.ge @!p0 [sflag:s22], $0x400  }
0x22f: {  	[sflag:s22] =	ssyncset.done @!p0 $0x0  }
0x230: {  	[sflag:s22] =	ssyncadd.s32 @!p0 $0xFFFFFC00  }
0x231: {  	_ =	swait.ge @!p0 [sflag:s22], $0x400  }
0x232: {  	[sflag:s22] =	ssyncset.done @!p0 $0x0  }
0x233: {  	[sflag:s22] =	ssyncadd.s32 @!p0 $0xFFFFFC00  }
0x234: {  	_ =	swait.ge @!p0 [sflag:s22], $0x400  }
0x235: {  	[sflag:s22] =	ssyncset.done @!p0 $0x0  }
0x236: {  	[sflag:s22] =	ssyncadd.s32 @!p0 $0xFFFFFC00  }
0x237: {  	_ =	swait.ge @!p0 [sflag:s22], $0x400  }
0x238: {  	v35 =	vld [tilespmem:$0x1FBF0]  }
0x239: {  	v36 =	vld [tilespmem:$0x1FFB0]  }
0x23a: {  	v37 =	vld [tilespmem:$0x1FC00]  }
0x23b: {  	v38 =	vld [tilespmem:$0x1FFC0]  }
0x23c: {  	v26 =	vld [tilespmem:$0x1FC10]  }
0x23d: {  	v27 =	vld [tilespmem:$0x1FFD0]  }
0x23e: {  	v28 =	vld [tilespmem:$0x1FC20]  }
0x23f: {  	v29 =	vld [tilespmem:$0x1FFE0]  }
0x240: {  	v30 =	vld [tilespmem:$0x1FC30]  }
0x241: {  	[sflag:s22] =	ssyncset.done @!p0 $0x0;
	v31 =	vld [tilespmem:$0x1FFF0]  }
0x242: {  	p1 =	por $0x1, $0x1;
	v32 =	vld [tilespmem:$0x1FC40];
	[sflag:s22] =	ssyncadd.s32 @!p0 $0xFFFFFC00;
	s22 =	simm.s32 $0x0  }
.LBB2_7:
0x243: {  	v0 =	vor.u32 s22, v10  }
0x244: {  	v5 =	vshll.u32 v0, $0x6  }
0x245: {  	v33 =	vld [tilespmem:$0x1F890];
	v1 =	vor.u32 v10, v5  }
0x246: {  	v34 =	vld [tilespmem:$0x1FF20];
	_ =	sdelay $0x2  }
0x247: {  	v4 =	vand.u32 $0x48, v0  }
0x248: {  	v0 =	vld.idx.msk [tilespmem:v1+s26+$0x0], $0xffff;
	v1 =	vor.u32 v33, v4  }
0x249: {  	v44 =	vld [tilespmem:$0x1F8A0];
	v2 =	vor.u32 v34, v5  }
0x24a: {  	v49 =	vld [tilespmem:$0x1FB70];
	_ =	sdelay $0x2  }
0x24b: {  	[tilespmem:v1+s31+$0x0] =	vst.idx.msk $0xffff, v0  }
0x24c: {  	v1 =	vor.u32 v44, v4;
	v0 =	vld.idx.msk [tilespmem:v2+s26+$0x0], $0xffff  }
0x24d: {  	v45 =	vld [tilespmem:$0x1F8B0];
	v2 =	vor.u32 v49, v5  }
0x24e: {  	v50 =	vld [tilespmem:$0x1FF30];
	_ =	sdelay $0x2  }
0x24f: {  	[tilespmem:v1+s31+$0x0] =	vst.idx.msk $0xffff, v0  }
0x250: {  	v1 =	vor.u32 v45, v4;
	v0 =	vld.idx.msk [tilespmem:v2+s26+$0x0], $0xffff  }
0x251: {  	v46 =	vld [tilespmem:$0x1F8C0];
	v2 =	vor.u32 v50, v5  }
0x252: {  	v51 =	vld [tilespmem:$0x1FB80];
	_ =	sdelay $0x2  }
0x253: {  	[tilespmem:v1+s31+$0x0] =	vst.idx.msk $0xffff, v0  }
0x254: {  	v1 =	vor.u32 v46, v4;
	v0 =	vld.idx.msk [tilespmem:v2+s26+$0x0], $0xffff  }
0x255: {  	v47 =	vld [tilespmem:$0x1F8D0];
	v2 =	vor.u32 v51, v5  }
0x256: {  	v52 =	vld [tilespmem:$0x1FF40];
	_ =	sdelay $0x2  }
0x257: {  	[tilespmem:v1+s31+$0x0] =	vst.idx.msk $0xffff, v0  }
0x258: {  	v1 =	vor.u32 v47, v4;
	v0 =	vld.idx.msk [tilespmem:v2+s26+$0x0], $0xffff  }
0x259: {  	v2 =	vor.u32 v52, v5;
	_ =	sdelay $0x1  }
0x25a: {  	v48 =	vld [tilespmem:$0x1F8E0]  }
0x25b: {  	v53 =	vld [tilespmem:$0x1FB90]  }
0x25c: {  	s23 =	sor.u32 $0x10, s22;
	[tilespmem:v1+s31+$0x0] =	vst.idx.msk $0xffff, v0  }
0x25d: {  	v0 =	vld.idx.msk [tilespmem:v2+s26+$0x0], $0xffff;
	v2 =	vor.u32 s23, v10  }
0x25e: {  	s28 =	sor.u32 $0x20, s22;
	v11 =	vshll.u32 v2, $0x6  }
0x25f: {  	v7 =	vor.u32 s28, v10;
	s28 =	sor.u32 $0x30, s22;
	v1 =	vor.u32 v48, v4;
	v8 =	vor.u32 v10, v11  }
0x260: {  	v12 =	vshll.u32 v7, $0x6;
	v9 =	vor.u32 s28, v10;
	v3 =	vor.u32 v53, v5  }
0x261: {  	v39 =	vor.u32 v10, v12;
	v13 =	vshll.u32 v9, $0x6  }
0x262: {  	v40 =	vor.u32 v10, v13  }
0x263: {  	v6 =	vand.u32 $0x58, v2  }
0x264: {  	v2 =	vor.u32 v33, v6;
	[tilespmem:v1+s31+$0x0] =	vst.idx.msk $0xffff, v0;
	v1 =	vld.idx.msk [tilespmem:v8+s26+$0x0], $0xffff  }
0x265: {  	v7 =	vand.u32 $0x68, v7;
	v0 =	vld.idx.msk [tilespmem:v3+s26+$0x0], $0xffff;
	v3 =	vor.u32 v34, v11  }
0x266: {  	v9 =	vand.u32 $0x78, v9;
	v54 =	vor.u32 v33, v7;
	v8 =	vld.idx.msk [tilespmem:v39+s26+$0x0], $0xffff  }
0x267: {  	v41 =	vor.u32 v34, v12;
	v42 =	vor.u32 v33, v9;
	v40 =	vld.idx.msk [tilespmem:v40+s26+$0x0], $0xffff  }
0x268: {  	v43 =	vor.u32 v34, v13  }
0x269: {  	[tilespmem:v2+s31+$0x0] =	vst.idx.msk $0xffff, v1  }
0x26a: {  	v2 =	vor.u32 v44, v6;
	v1 =	vld.idx.msk [tilespmem:v3+s26+$0x0], $0xffff  }
0x26b: {  	[tilespmem:v54+s31+$0x0] =	vst.idx.msk $0xffff, v8;
	v3 =	vor.u32 v49, v11  }
0x26c: {  	v55 =	vor.u32 v44, v7;
	[tilespmem:v42+s31+$0x0] =	vst.idx.msk $0xffff, v40;
	v8 =	vld.idx.msk [tilespmem:v41+s26+$0x0], $0xffff  }
0x26d: {  	v56 =	vor.u32 v49, v12;
	v58 =	vor.u32 v44, v9;
	v57 =	vld.idx.msk [tilespmem:v43+s26+$0x0], $0xffff  }
0x26e: {  	v59 =	vor.u32 v49, v13  }
0x26f: {  	[tilespmem:v2+s31+$0x0] =	vst.idx.msk $0xffff, v1  }
0x270: {  	v2 =	vor.u32 v45, v6;
	v1 =	vld.idx.msk [tilespmem:v3+s26+$0x0], $0xffff  }
0x271: {  	[tilespmem:v55+s31+$0x0] =	vst.idx.msk $0xffff, v8;
	v3 =	vor.u32 v50, v11  }
0x272: {  	v60 =	vor.u32 v45, v7;
	[tilespmem:v58+s31+$0x0] =	vst.idx.msk $0xffff, v57;
	v8 =	vld.idx.msk [tilespmem:v56+s26+$0x0], $0xffff  }
0x273: {  	v61 =	vor.u32 v50, v12;
	v62 =	vor.u32 v45, v9;
	v41 =	vld.idx.msk [tilespmem:v59+s26+$0x0], $0xffff  }
0x274: {  	v63 =	vor.u32 v50, v13  }
0x275: {  	[tilespmem:v2+s31+$0x0] =	vst.idx.msk $0xffff, v1  }
0x276: {  	v2 =	vor.u32 v46, v6;
	v1 =	vld.idx.msk [tilespmem:v3+s26+$0x0], $0xffff  }
0x277: {  	[tilespmem:v60+s31+$0x0] =	vst.idx.msk $0xffff, v8;
	v3 =	vor.u32 v51, v11  }
0x278: {  	v33 =	vor.u32 v46, v7;
	[tilespmem:v62+s31+$0x0] =	vst.idx.msk $0xffff, v41;
	v8 =	vld.idx.msk [tilespmem:v61+s26+$0x0], $0xffff  }
0x279: {  	v34 =	vor.u32 v51, v12;
	v45 =	vor.u32 v46, v9;
	v41 =	vld.idx.msk [tilespmem:v63+s26+$0x0], $0xffff  }
0x27a: {  	v46 =	vor.u32 v51, v13  }
0x27b: {  	[tilespmem:v2+s31+$0x0] =	vst.idx.msk $0xffff, v1  }
0x27c: {  	v2 =	vor.u32 v47, v6;
	v1 =	vld.idx.msk [tilespmem:v3+s26+$0x0], $0xffff  }
0x27d: {  	[tilespmem:v33+s31+$0x0] =	vst.idx.msk $0xffff, v8;
	v3 =	vor.u32 v52, v11  }
0x27e: {  	v49 =	vor.u32 v47, v7;
	[tilespmem:v45+s31+$0x0] =	vst.idx.msk $0xffff, v41;
	v8 =	vld.idx.msk [tilespmem:v34+s26+$0x0], $0xffff  }
0x27f: {  	v50 =	vor.u32 v52, v12;
	v51 =	vor.u32 v47, v9;
	v41 =	vld.idx.msk [tilespmem:v46+s26+$0x0], $0xffff  }
0x280: {  	v54 =	vor.u32 v52, v13  }
0x281: {  	v59 =	vld [tilespmem:$0x1F900];
	[tilespmem:v2+s31+$0x0] =	vst.idx.msk $0xffff, v1  }
0x282: {  	v2 =	vor.u32 v48, v6;
	v1 =	vld.idx.msk [tilespmem:v3+s26+$0x0], $0xffff  }
0x283: {  	v61 =	vld [tilespmem:$0x1FF50];
	[tilespmem:v49+s31+$0x0] =	vst.idx.msk $0xffff, v8;
	v3 =	vor.u32 v53, v11  }
0x284: {  	v55 =	vor.u32 v48, v7;
	[tilespmem:v51+s31+$0x0] =	vst.idx.msk $0xffff, v41;
	v8 =	vld.idx.msk [tilespmem:v50+s26+$0x0], $0xffff  }
0x285: {  	v57 =	vor.u32 v48, v9;
	v41 =	vld.idx.msk [tilespmem:v54+s26+$0x0], $0xffff  }
0x286: {  	v58 =	vor.u32 v53, v13  }
0x287: {  	v56 =	vor.u32 v53, v12;
	v60 =	vor.u32 v59, v4;
	v50 =	vld [tilespmem:$0x1F920];
	[tilespmem:v2+s31+$0x0] =	vst.idx.msk $0xffff, v1  }
0x288: {  	v1 =	vor.u32 v61, v5;
	v2 =	vld.idx.msk [tilespmem:v3+s26+$0x0], $0xffff;
	v3 =	vor.u32 v59, v6  }
0x289: {  	v51 =	vld [tilespmem:$0x1FBA0];
	[tilespmem:v55+s31+$0x0] =	vst.idx.msk $0xffff, v8;
	v8 =	vor.u32 v61, v11  }
0x28a: {  	[tilespmem:v57+s31+$0x0] =	vst.idx.msk $0xffff, v41;
	v57 =	vld [tilespmem:$0x1FC50]  }
0x28b: {  	v48 =	vor.u32 v59, v9;
	v42 =	vld.idx.msk [tilespmem:v58+s26+$0x0], $0xffff  }
0x28c: {  	v62 =	vor.u32 v59, v7;
	[tilespmem:v60+s31+$0x0] =	vst.idx.msk $0xffff, v0;
	v49 =	vor.u32 v61, v13;
	v39 =	vld.idx.msk [tilespmem:v56+s26+$0x0], $0xffff  }
0x28d: {  	v63 =	vor.u32 v61, v12;
	v0 =	vld.idx.msk [tilespmem:v1+s26+$0x0], $0xffff;
	v1 =	vor.u32 v50, v4;
	[tilespmem:v3+s31+$0x0] =	vst.idx.msk $0xffff, v2  }
0x28e: {  	v2 =	vor.u32 v51, v5;
	v3 =	vld.idx.msk [tilespmem:v8+s26+$0x0], $0xffff;
	v8 =	vor.u32 v50, v6  }
0x28f: {  	v52 =	vor.u32 v51, v11;
	v58 =	vld [tilespmem:$0x1FF60]  }
0x290: {  	[tilespmem:v48+s31+$0x0] =	vst.idx.msk $0xffff, v42;
	v48 =	vld [tilespmem:$0x1FC60]  }
0x291: {  	v55 =	vor.u32 v50, v9;
	v43 =	vld.idx.msk [tilespmem:v49+s26+$0x0], $0xffff;
	[tilespmem:v62+s31+$0x0] =	vst.idx.msk $0xffff, v39  }
0x292: {  	v53 =	vor.u32 v50, v7;
	v56 =	vor.u32 v51, v13;
	v40 =	vld.idx.msk [tilespmem:v63+s26+$0x0], $0xffff;
	[tilespmem:v1+s31+$0x0] =	vst.idx.msk $0xffff, v0  }
0x293: {  	v54 =	vor.u32 v51, v12;
	v1 =	vor.u32 v57, v4;
	v0 =	vld.idx.msk [tilespmem:v2+s26+$0x0], $0xffff;
	[tilespmem:v8+s31+$0x0] =	vst.idx.msk $0xffff, v3  }
0x294: {  	v2 =	vor.u32 v58, v5;
	v8 =	vor.u32 v57, v6;
	v3 =	vld.idx.msk [tilespmem:v52+s26+$0x0], $0xffff  }
0x295: {  	v59 =	vor.u32 v58, v11;
	v49 =	vld [tilespmem:$0x1FBB0]  }
0x296: {  	[tilespmem:v55+s31+$0x0] =	vst.idx.msk $0xffff, v43;
	v55 =	vld [tilespmem:$0x1F940]  }
0x297: {  	v62 =	vor.u32 v57, v9;
	v43 =	vld.idx.msk [tilespmem:v56+s26+$0x0], $0xffff;
	[tilespmem:v53+s31+$0x0] =	vst.idx.msk $0xffff, v40  }
0x298: {  	v60 =	vor.u32 v57, v7;
	v63 =	vor.u32 v58, v13;
	v40 =	vld.idx.msk [tilespmem:v54+s26+$0x0], $0xffff;
	[tilespmem:v1+s31+$0x0] =	vst.idx.msk $0xffff, v0  }
0x299: {  	v61 =	vor.u32 v58, v12;
	v1 =	vor.u32 v48, v4;
	v0 =	vld.idx.msk [tilespmem:v2+s26+$0x0], $0xffff;
	[tilespmem:v8+s31+$0x0] =	vst.idx.msk $0xffff, v3  }
0x29a: {  	v2 =	vor.u32 v49, v5;
	v8 =	vor.u32 v48, v6;
	v3 =	vld.idx.msk [tilespmem:v59+s26+$0x0], $0xffff  }
0x29b: {  	v50 =	vor.u32 v49, v11;
	v56 =	vld [tilespmem:$0x1FF70]  }
0x29c: {  	[tilespmem:v62+s31+$0x0] =	vst.idx.msk $0xffff, v43;
	v62 =	vld [tilespmem:$0x1FC70]  }
0x29d: {  	v53 =	vor.u32 v48, v9;
	v43 =	vld.idx.msk [tilespmem:v63+s26+$0x0], $0xffff;
	[tilespmem:v60+s31+$0x0] =	vst.idx.msk $0xffff, v40  }
0x29e: {  	v51 =	vor.u32 v48, v7;
	v54 =	vor.u32 v49, v13;
	v40 =	vld.idx.msk [tilespmem:v61+s26+$0x0], $0xffff;
	[tilespmem:v1+s31+$0x0] =	vst.idx.msk $0xffff, v0  }
0x29f: {  	v52 =	vor.u32 v49, v12;
	v1 =	vor.u32 v55, v4;
	v0 =	vld.idx.msk [tilespmem:v2+s26+$0x0], $0xffff;
	[tilespmem:v8+s31+$0x0] =	vst.idx.msk $0xffff, v3  }
0x2a0: {  	v2 =	vor.u32 v56, v5;
	v8 =	vor.u32 v55, v6;
	v3 =	vld.idx.msk [tilespmem:v50+s26+$0x0], $0xffff  }
0x2a1: {  	v57 =	vor.u32 v56, v11;
	v63 =	vld [tilespmem:$0x1FBC0]  }
0x2a2: {  	[tilespmem:v53+s31+$0x0] =	vst.idx.msk $0xffff, v43  }
0x2a3: {  	v60 =	vor.u32 v55, v9;
	v43 =	vld.idx.msk [tilespmem:v54+s26+$0x0], $0xffff;
	[tilespmem:v51+s31+$0x0] =	vst.idx.msk $0xffff, v40  }
0x2a4: {  	v58 =	vor.u32 v55, v7;
	v61 =	vor.u32 v56, v13;
	v40 =	vld.idx.msk [tilespmem:v52+s26+$0x0], $0xffff;
	[tilespmem:v1+s31+$0x0] =	vst.idx.msk $0xffff, v0  }
0x2a5: {  	v59 =	vor.u32 v56, v12;
	v1 =	vor.u32 v62, v4;
	v0 =	vld.idx.msk [tilespmem:v2+s26+$0x0], $0xffff;
	[tilespmem:v8+s31+$0x0] =	vst.idx.msk $0xffff, v3  }
0x2a6: {  	v2 =	vor.u32 v63, v5;
	v8 =	vor.u32 v62, v6;
	v3 =	vld.idx.msk [tilespmem:v57+s26+$0x0], $0xffff;
	_ =	sdelay $0x1  }
0x2a7: {  	v53 =	vld [tilespmem:$0x1FC80];
	[tilespmem:v60+s31+$0x0] =	vst.idx.msk $0xffff, v43  }
0x2a8: {  	v43 =	vld.idx.msk [tilespmem:v61+s26+$0x0], $0xffff;
	[tilespmem:v58+s31+$0x0] =	vst.idx.msk $0xffff, v40  }
0x2a9: {  	v40 =	vld.idx.msk [tilespmem:v59+s26+$0x0], $0xffff;
	[tilespmem:v1+s31+$0x0] =	vst.idx.msk $0xffff, v0  }
0x2aa: {  	v48 =	vor.u32 v63, v11;
	v0 =	vld.idx.msk [tilespmem:v2+s26+$0x0], $0xffff;
	[tilespmem:v8+s31+$0x0] =	vst.idx.msk $0xffff, v3  }
0x2ab: {  	v54 =	vld [tilespmem:$0x1FF80];
	_ =	sdelay $0x1  }
0x2ac: {  	v49 =	vor.u32 v62, v7  }
0x2ad: {  	v51 =	vor.u32 v62, v9;
	v50 =	vor.u32 v63, v12  }
0x2ae: {  	v52 =	vor.u32 v63, v13;
	v1 =	vor.u32 v53, v4;
	v3 =	vld.idx.msk [tilespmem:v48+s26+$0x0], $0xffff  }
0x2af: {  	v8 =	vor.u32 v53, v6;
	v60 =	vld [tilespmem:$0x1FC90];
	v2 =	vor.u32 v54, v5  }
0x2b0: {  	v61 =	vld [tilespmem:$0x1FBD0];
	v55 =	vor.u32 v54, v11  }
0x2b1: {  	[tilespmem:v49+s31+$0x0] =	vst.idx.msk $0xffff, v40  }
0x2b2: {  	v56 =	vor.u32 v53, v7;
	[tilespmem:v51+s31+$0x0] =	vst.idx.msk $0xffff, v43;
	v40 =	vld.idx.msk [tilespmem:v50+s26+$0x0], $0xffff  }
0x2b3: {  	v58 =	vor.u32 v53, v9;
	v43 =	vld.idx.msk [tilespmem:v52+s26+$0x0], $0xffff;
	[tilespmem:v1+s31+$0x0] =	vst.idx.msk $0xffff, v0;
	v57 =	vor.u32 v54, v12  }
0x2b4: {  	v59 =	vor.u32 v54, v13;
	v1 =	vor.u32 v60, v4;
	[tilespmem:v8+s31+$0x0] =	vst.idx.msk $0xffff, v3;
	v0 =	vld.idx.msk [tilespmem:v2+s26+$0x0], $0xffff  }
0x2b5: {  	v8 =	vor.u32 v60, v6;
	v2 =	vor.u32 v61, v5;
	v3 =	vld.idx.msk [tilespmem:v55+s26+$0x0], $0xffff  }
0x2b6: {  	v51 =	vld [tilespmem:$0x1FF90];
	v62 =	vor.u32 v61, v11  }
0x2b7: {  	[tilespmem:v56+s31+$0x0] =	vst.idx.msk $0xffff, v40  }
0x2b8: {  	v63 =	vor.u32 v60, v7;
	[tilespmem:v58+s31+$0x0] =	vst.idx.msk $0xffff, v43;
	v40 =	vld.idx.msk [tilespmem:v57+s26+$0x0], $0xffff  }
0x2b9: {  	v48 =	vor.u32 v61, v12;
	v49 =	vor.u32 v60, v9;
	v43 =	vld.idx.msk [tilespmem:v59+s26+$0x0], $0xffff;
	[tilespmem:v1+s31+$0x0] =	vst.idx.msk $0xffff, v0  }
0x2ba: {  	v50 =	vor.u32 v61, v13;
	v1 =	vor.u32 v14, v4;
	[tilespmem:v8+s31+$0x0] =	vst.idx.msk $0xffff, v3;
	v0 =	vld.idx.msk [tilespmem:v2+s26+$0x0], $0xffff  }
0x2bb: {  	v8 =	vor.u32 v14, v6;
	v2 =	vor.u32 v51, v5;
	v3 =	vld.idx.msk [tilespmem:v62+s26+$0x0], $0xffff  }
0x2bc: {  	v53 =	vor.u32 v14, v7;
	v52 =	vor.u32 v51, v11;
	v55 =	vor.u32 v14, v9;
	v14 =	vld [tilespmem:$0x1FBE0]  }
0x2bd: {  	[tilespmem:v63+s31+$0x0] =	vst.idx.msk $0xffff, v40  }
0x2be: {  	[tilespmem:v49+s31+$0x0] =	vst.idx.msk $0xffff, v43;
	v40 =	vld.idx.msk [tilespmem:v48+s26+$0x0], $0xffff  }
0x2bf: {  	v54 =	vor.u32 v51, v12;
	v43 =	vld.idx.msk [tilespmem:v50+s26+$0x0], $0xffff;
	[tilespmem:v1+s31+$0x0] =	vst.idx.msk $0xffff, v0  }
0x2c0: {  	v56 =	vor.u32 v51, v13;
	v1 =	vor.u32 v15, v4;
	[tilespmem:v8+s31+$0x0] =	vst.idx.msk $0xffff, v3;
	v0 =	vld.idx.msk [tilespmem:v2+s26+$0x0], $0xffff  }
0x2c1: {  	v8 =	vor.u32 v15, v6;
	v2 =	vor.u32 v14, v5;
	v3 =	vld.idx.msk [tilespmem:v52+s26+$0x0], $0xffff  }
0x2c2: {  	v57 =	vor.u32 v14, v11;
	v59 =	vor.u32 v14, v12;
	v61 =	vor.u32 v14, v13;
	v14 =	vld [tilespmem:$0x1FFA0]  }
0x2c3: {  	[tilespmem:v53+s31+$0x0] =	vst.idx.msk $0xffff, v40  }
0x2c4: {  	v58 =	vor.u32 v15, v7;
	[tilespmem:v55+s31+$0x0] =	vst.idx.msk $0xffff, v43;
	v40 =	vld.idx.msk [tilespmem:v54+s26+$0x0], $0xffff  }
0x2c5: {  	v60 =	vor.u32 v15, v9;
	v43 =	vld.idx.msk [tilespmem:v56+s26+$0x0], $0xffff;
	[tilespmem:v1+s31+$0x0] =	vst.idx.msk $0xffff, v0  }
0x2c6: {  	v1 =	vor.u32 v16, v4;
	[tilespmem:v8+s31+$0x0] =	vst.idx.msk $0xffff, v3;
	v0 =	vld.idx.msk [tilespmem:v2+s26+$0x0], $0xffff  }
0x2c7: {  	v8 =	vor.u32 v16, v6;
	v2 =	vor.u32 v14, v5;
	v3 =	vld.idx.msk [tilespmem:v57+s26+$0x0], $0xffff  }
0x2c8: {  	v62 =	vor.u32 v14, v11  }
0x2c9: {  	[tilespmem:v58+s31+$0x0] =	vst.idx.msk $0xffff, v40  }
0x2ca: {  	v63 =	vor.u32 v16, v7;
	[tilespmem:v60+s31+$0x0] =	vst.idx.msk $0xffff, v43;
	v40 =	vld.idx.msk [tilespmem:v59+s26+$0x0], $0xffff  }
0x2cb: {  	v34 =	vor.u32 v16, v9;
	v33 =	vor.u32 v14, v12;
	v43 =	vld.idx.msk [tilespmem:v61+s26+$0x0], $0xffff;
	[tilespmem:v1+s31+$0x0] =	vst.idx.msk $0xffff, v0  }
0x2cc: {  	v48 =	vor.u32 v14, v13;
	v1 =	vor.u32 v17, v4;
	[tilespmem:v8+s31+$0x0] =	vst.idx.msk $0xffff, v3;
	v0 =	vld.idx.msk [tilespmem:v2+s26+$0x0], $0xffff  }
0x2cd: {  	v8 =	vor.u32 v17, v6;
	v2 =	vor.u32 v35, v5;
	v3 =	vld.idx.msk [tilespmem:v62+s26+$0x0], $0xffff  }
0x2ce: {  	v49 =	vor.u32 v35, v11  }
0x2cf: {  	[tilespmem:v63+s31+$0x0] =	vst.idx.msk $0xffff, v40  }
0x2d0: {  	v50 =	vor.u32 v17, v7;
	[tilespmem:v34+s31+$0x0] =	vst.idx.msk $0xffff, v43;
	v40 =	vld.idx.msk [tilespmem:v33+s26+$0x0], $0xffff  }
0x2d1: {  	v51 =	vor.u32 v35, v12;
	v52 =	vor.u32 v17, v9;
	v43 =	vld.idx.msk [tilespmem:v48+s26+$0x0], $0xffff;
	[tilespmem:v1+s31+$0x0] =	vst.idx.msk $0xffff, v0  }
0x2d2: {  	v53 =	vor.u32 v35, v13;
	v1 =	vor.u32 v18, v4;
	[tilespmem:v8+s31+$0x0] =	vst.idx.msk $0xffff, v3;
	v0 =	vld.idx.msk [tilespmem:v2+s26+$0x0], $0xffff  }
0x2d3: {  	v8 =	vor.u32 v18, v6;
	v2 =	vor.u32 v36, v5;
	v3 =	vld.idx.msk [tilespmem:v49+s26+$0x0], $0xffff  }
0x2d4: {  	v54 =	vor.u32 v36, v11  }
0x2d5: {  	[tilespmem:v50+s31+$0x0] =	vst.idx.msk $0xffff, v40  }
0x2d6: {  	v55 =	vor.u32 v18, v7;
	[tilespmem:v52+s31+$0x0] =	vst.idx.msk $0xffff, v43;
	v40 =	vld.idx.msk [tilespmem:v51+s26+$0x0], $0xffff  }
0x2d7: {  	v56 =	vor.u32 v36, v12;
	v57 =	vor.u32 v18, v9;
	v43 =	vld.idx.msk [tilespmem:v53+s26+$0x0], $0xffff;
	[tilespmem:v1+s31+$0x0] =	vst.idx.msk $0xffff, v0  }
0x2d8: {  	v58 =	vor.u32 v36, v13;
	v1 =	vor.u32 v19, v4;
	[tilespmem:v8+s31+$0x0] =	vst.idx.msk $0xffff, v3;
	v0 =	vld.idx.msk [tilespmem:v2+s26+$0x0], $0xffff  }
0x2d9: {  	v8 =	vor.u32 v19, v6;
	v2 =	vor.u32 v37, v5;
	v3 =	vld.idx.msk [tilespmem:v54+s26+$0x0], $0xffff  }
0x2da: {  	v59 =	vor.u32 v37, v11  }
0x2db: {  	[tilespmem:v55+s31+$0x0] =	vst.idx.msk $0xffff, v40  }
0x2dc: {  	v60 =	vor.u32 v19, v7;
	[tilespmem:v57+s31+$0x0] =	vst.idx.msk $0xffff, v43;
	v40 =	vld.idx.msk [tilespmem:v56+s26+$0x0], $0xffff  }
0x2dd: {  	v61 =	vor.u32 v37, v12;
	v62 =	vor.u32 v19, v9;
	v43 =	vld.idx.msk [tilespmem:v58+s26+$0x0], $0xffff;
	[tilespmem:v1+s31+$0x0] =	vst.idx.msk $0xffff, v0  }
0x2de: {  	v63 =	vor.u32 v37, v13;
	v1 =	vor.u32 v20, v4;
	[tilespmem:v8+s31+$0x0] =	vst.idx.msk $0xffff, v3;
	v0 =	vld.idx.msk [tilespmem:v2+s26+$0x0], $0xffff  }
0x2df: {  	v8 =	vor.u32 v20, v6;
	v2 =	vor.u32 v38, v5;
	v3 =	vld.idx.msk [tilespmem:v59+s26+$0x0], $0xffff  }
0x2e0: {  	v33 =	vor.u32 v38, v11  }
0x2e1: {  	[tilespmem:v60+s31+$0x0] =	vst.idx.msk $0xffff, v40  }
0x2e2: {  	v34 =	vor.u32 v20, v7;
	[tilespmem:v62+s31+$0x0] =	vst.idx.msk $0xffff, v43;
	v40 =	vld.idx.msk [tilespmem:v61+s26+$0x0], $0xffff  }
0x2e3: {  	v48 =	vor.u32 v38, v12;
	v49 =	vor.u32 v20, v9;
	v43 =	vld.idx.msk [tilespmem:v63+s26+$0x0], $0xffff;
	[tilespmem:v1+s31+$0x0] =	vst.idx.msk $0xffff, v0  }
0x2e4: {  	v50 =	vor.u32 v38, v13;
	v1 =	vor.u32 v21, v4;
	[tilespmem:v8+s31+$0x0] =	vst.idx.msk $0xffff, v3;
	v0 =	vld.idx.msk [tilespmem:v2+s26+$0x0], $0xffff  }
0x2e5: {  	v8 =	vor.u32 v21, v6;
	v2 =	vor.u32 v26, v5;
	v3 =	vld.idx.msk [tilespmem:v33+s26+$0x0], $0xffff  }
0x2e6: {  	v51 =	vor.u32 v26, v11  }
0x2e7: {  	[tilespmem:v34+s31+$0x0] =	vst.idx.msk $0xffff, v40  }
0x2e8: {  	v52 =	vor.u32 v21, v7;
	[tilespmem:v49+s31+$0x0] =	vst.idx.msk $0xffff, v43;
	v40 =	vld.idx.msk [tilespmem:v48+s26+$0x0], $0xffff  }
0x2e9: {  	v53 =	vor.u32 v26, v12;
	v54 =	vor.u32 v21, v9;
	v43 =	vld.idx.msk [tilespmem:v50+s26+$0x0], $0xffff;
	[tilespmem:v1+s31+$0x0] =	vst.idx.msk $0xffff, v0  }
0x2ea: {  	v55 =	vor.u32 v26, v13;
	v1 =	vor.u32 v22, v4;
	[tilespmem:v8+s31+$0x0] =	vst.idx.msk $0xffff, v3;
	v0 =	vld.idx.msk [tilespmem:v2+s26+$0x0], $0xffff  }
0x2eb: {  	v8 =	vor.u32 v22, v6;
	v2 =	vor.u32 v27, v5;
	v3 =	vld.idx.msk [tilespmem:v51+s26+$0x0], $0xffff  }
0x2ec: {  	v56 =	vor.u32 v27, v11  }
0x2ed: {  	[tilespmem:v52+s31+$0x0] =	vst.idx.msk $0xffff, v40  }
0x2ee: {  	v57 =	vor.u32 v22, v7;
	[tilespmem:v54+s31+$0x0] =	vst.idx.msk $0xffff, v43;
	v40 =	vld.idx.msk [tilespmem:v53+s26+$0x0], $0xffff  }
0x2ef: {  	v58 =	vor.u32 v27, v12;
	v59 =	vor.u32 v22, v9;
	v43 =	vld.idx.msk [tilespmem:v55+s26+$0x0], $0xffff;
	[tilespmem:v1+s31+$0x0] =	vst.idx.msk $0xffff, v0  }
0x2f0: {  	v60 =	vor.u32 v27, v13;
	v1 =	vor.u32 v23, v4;
	[tilespmem:v8+s31+$0x0] =	vst.idx.msk $0xffff, v3;
	v0 =	vld.idx.msk [tilespmem:v2+s26+$0x0], $0xffff  }
0x2f1: {  	v8 =	vor.u32 v23, v6;
	v2 =	vor.u32 v28, v5;
	v3 =	vld.idx.msk [tilespmem:v56+s26+$0x0], $0xffff  }
0x2f2: {  	v61 =	vor.u32 v28, v11  }
0x2f3: {  	[tilespmem:v57+s31+$0x0] =	vst.idx.msk $0xffff, v40  }
0x2f4: {  	v62 =	vor.u32 v23, v7;
	[tilespmem:v59+s31+$0x0] =	vst.idx.msk $0xffff, v43;
	v40 =	vld.idx.msk [tilespmem:v58+s26+$0x0], $0xffff  }
0x2f5: {  	v63 =	vor.u32 v28, v12;
	v33 =	vor.u32 v23, v9;
	v43 =	vld.idx.msk [tilespmem:v60+s26+$0x0], $0xffff;
	[tilespmem:v1+s31+$0x0] =	vst.idx.msk $0xffff, v0  }
0x2f6: {  	v34 =	vor.u32 v28, v13;
	v1 =	vor.u32 v24, v4;
	[tilespmem:v8+s31+$0x0] =	vst.idx.msk $0xffff, v3;
	v0 =	vld.idx.msk [tilespmem:v2+s26+$0x0], $0xffff  }
0x2f7: {  	v8 =	vor.u32 v24, v6;
	v2 =	vor.u32 v29, v5;
	v3 =	vld.idx.msk [tilespmem:v61+s26+$0x0], $0xffff  }
0x2f8: {  	v48 =	vor.u32 v29, v11  }
0x2f9: {  	v14 =	vld [tilespmem:$0x1F950];
	[tilespmem:v62+s31+$0x0] =	vst.idx.msk $0xffff, v40  }
0x2fa: {  	v49 =	vor.u32 v24, v7;
	[tilespmem:v33+s31+$0x0] =	vst.idx.msk $0xffff, v43;
	v40 =	vld.idx.msk [tilespmem:v63+s26+$0x0], $0xffff  }
0x2fb: {  	v50 =	vor.u32 v29, v12;
	v51 =	vor.u32 v24, v9;
	v43 =	vld.idx.msk [tilespmem:v34+s26+$0x0], $0xffff;
	[tilespmem:v1+s31+$0x0] =	vst.idx.msk $0xffff, v0  }
0x2fc: {  	v52 =	vor.u32 v29, v13;
	v1 =	vor.u32 v25, v4;
	[tilespmem:v8+s31+$0x0] =	vst.idx.msk $0xffff, v3;
	v0 =	vld.idx.msk [tilespmem:v2+s26+$0x0], $0xffff  }
0x2fd: {  	v8 =	vor.u32 v25, v6;
	v3 =	vld.idx.msk [tilespmem:v48+s26+$0x0], $0xffff  }
0x2fe: {  	v2 =	vor.u32 v30, v5  }
0x2ff: {  	v54 =	vor.u32 v25, v7;
	v53 =	vor.u32 v30, v11;
	[tilespmem:v49+s31+$0x0] =	vst.idx.msk $0xffff, v40  }
0x300: {  	v55 =	vor.u32 v30, v12;
	v59 =	vor.u32 v14, v7;
	[tilespmem:v51+s31+$0x0] =	vst.idx.msk $0xffff, v43;
	v40 =	vld.idx.msk [tilespmem:v50+s26+$0x0], $0xffff  }
0x301: {  	v56 =	vor.u32 v25, v9;
	v61 =	vor.u32 v14, v9;
	v43 =	vld.idx.msk [tilespmem:v52+s26+$0x0], $0xffff;
	[tilespmem:v1+s31+$0x0] =	vst.idx.msk $0xffff, v0  }
0x302: {  	v1 =	vor.u32 v14, v4;
	[tilespmem:v8+s31+$0x0] =	vst.idx.msk $0xffff, v3;
	v8 =	vor.u32 v14, v6;
	v14 =	vld [tilespmem:$0x1F960]  }
0x303: {  	v57 =	vor.u32 v30, v13;
	v0 =	vld.idx.msk [tilespmem:v2+s26+$0x0], $0xffff  }
0x304: {  	v3 =	vld.idx.msk [tilespmem:v53+s26+$0x0], $0xffff  }
0x305: {  	v2 =	vor.u32 v31, v5  }
0x306: {  	v58 =	vor.u32 v31, v11;
	[tilespmem:v54+s31+$0x0] =	vst.idx.msk $0xffff, v40  }
0x307: {  	v60 =	vor.u32 v31, v12;
	[tilespmem:v56+s31+$0x0] =	vst.idx.msk $0xffff, v43;
	v40 =	vld.idx.msk [tilespmem:v55+s26+$0x0], $0xffff  }
0x308: {  	v43 =	vld.idx.msk [tilespmem:v57+s26+$0x0], $0xffff;
	v33 =	vor.u32 v14, v7;
	v48 =	vor.u32 v14, v9;
	[tilespmem:v1+s31+$0x0] =	vst.idx.msk $0xffff, v0  }
0x309: {  	v1 =	vor.u32 v14, v4;
	[tilespmem:v8+s31+$0x0] =	vst.idx.msk $0xffff, v3;
	v8 =	vor.u32 v14, v6;
	v14 =	vld [tilespmem:$0x1F970]  }
0x30a: {  	v62 =	vor.u32 v31, v13;
	v0 =	vld.idx.msk [tilespmem:v2+s26+$0x0], $0xffff  }
0x30b: {  	v3 =	vld.idx.msk [tilespmem:v58+s26+$0x0], $0xffff  }
0x30c: {  	v2 =	vor.u32 v32, v5  }
0x30d: {  	v63 =	vor.u32 v32, v11;
	[tilespmem:v59+s31+$0x0] =	vst.idx.msk $0xffff, v40  }
0x30e: {  	v34 =	vor.u32 v32, v12;
	[tilespmem:v61+s31+$0x0] =	vst.idx.msk $0xffff, v43;
	v41 =	vld.idx.msk [tilespmem:v60+s26+$0x0], $0xffff  }
0x30f: {  	v44 =	vld.idx.msk [tilespmem:v62+s26+$0x0], $0xffff;
	v51 =	vor.u32 v14, v7;
	v53 =	vor.u32 v14, v9;
	[tilespmem:v1+s31+$0x0] =	vst.idx.msk $0xffff, v0  }
0x310: {  	v1 =	vor.u32 v14, v4;
	[tilespmem:v8+s31+$0x0] =	vst.idx.msk $0xffff, v3;
	v8 =	vor.u32 v14, v6;
	v14 =	vld [tilespmem:$0x1F980]  }
0x311: {  	v49 =	vor.u32 v32, v13;
	v0 =	vld.idx.msk [tilespmem:v2+s26+$0x0], $0xffff  }
0x312: {  	v39 =	vadd.s32 $0x1D, v10;
	v3 =	vld.idx.msk [tilespmem:v63+s26+$0x0], $0xffff  }
0x313: {  	v2 =	vor.u32 v39, v5  }
0x314: {  	v50 =	vor.u32 v39, v11;
	[tilespmem:v33+s31+$0x0] =	vst.idx.msk $0xffff, v41  }
0x315: {  	v52 =	vor.u32 v39, v12;
	[tilespmem:v48+s31+$0x0] =	vst.idx.msk $0xffff, v44;
	v42 =	vld.idx.msk [tilespmem:v34+s26+$0x0], $0xffff  }
0x316: {  	v45 =	vld.idx.msk [tilespmem:v49+s26+$0x0], $0xffff;
	v56 =	vor.u32 v14, v7;
	v58 =	vor.u32 v14, v9;
	[tilespmem:v1+s31+$0x0] =	vst.idx.msk $0xffff, v0  }
0x317: {  	v1 =	vor.u32 v14, v4;
	[tilespmem:v8+s31+$0x0] =	vst.idx.msk $0xffff, v3;
	v8 =	vor.u32 v14, v6;
	v14 =	vld [tilespmem:$0x1F990]  }
0x318: {  	v54 =	vor.u32 v39, v13;
	v0 =	vld.idx.msk [tilespmem:v2+s26+$0x0], $0xffff  }
0x319: {  	v40 =	vadd.s32 $0x1E, v10;
	v3 =	vld.idx.msk [tilespmem:v50+s26+$0x0], $0xffff  }
0x31a: {  	v2 =	vor.u32 v40, v5  }
0x31b: {  	v55 =	vor.u32 v40, v11;
	[tilespmem:v51+s31+$0x0] =	vst.idx.msk $0xffff, v42  }
0x31c: {  	v57 =	vor.u32 v40, v12;
	[tilespmem:v53+s31+$0x0] =	vst.idx.msk $0xffff, v45;
	v43 =	vld.idx.msk [tilespmem:v52+s26+$0x0], $0xffff  }
0x31d: {  	v46 =	vld.idx.msk [tilespmem:v54+s26+$0x0], $0xffff;
	v61 =	vor.u32 v14, v7;
	v63 =	vor.u32 v14, v9;
	[tilespmem:v1+s31+$0x0] =	vst.idx.msk $0xffff, v0  }
0x31e: {  	v1 =	vor.u32 v14, v4;
	[tilespmem:v8+s31+$0x0] =	vst.idx.msk $0xffff, v3;
	v8 =	vor.u32 v14, v6;
	v14 =	vld [tilespmem:$0x1F9A0]  }
0x31f: {  	v59 =	vor.u32 v40, v13;
	v0 =	vld.idx.msk [tilespmem:v2+s26+$0x0], $0xffff  }
0x320: {  	v41 =	vadd.s32 $0x1F, v10;
	v3 =	vld.idx.msk [tilespmem:v55+s26+$0x0], $0xffff  }
0x321: {  	v2 =	vor.u32 v41, v5  }
0x322: {  	v60 =	vor.u32 v41, v11;
	[tilespmem:v56+s31+$0x0] =	vst.idx.msk $0xffff, v43  }
0x323: {  	v62 =	vor.u32 v41, v12;
	[tilespmem:v58+s31+$0x0] =	vst.idx.msk $0xffff, v46;
	v44 =	vld.idx.msk [tilespmem:v57+s26+$0x0], $0xffff  }
0x324: {  	v47 =	vld.idx.msk [tilespmem:v59+s26+$0x0], $0xffff;
	v52 =	vor.u32 v14, v7;
	v54 =	vor.u32 v14, v9;
	[tilespmem:v1+s31+$0x0] =	vst.idx.msk $0xffff, v0  }
0x325: {  	v1 =	vor.u32 v14, v4;
	[tilespmem:v8+s31+$0x0] =	vst.idx.msk $0xffff, v3;
	v8 =	vor.u32 v14, v6;
	v14 =	vld [tilespmem:$0x1F9B0]  }
0x326: {  	v33 =	vor.u32 v41, v13;
	v0 =	vld.idx.msk [tilespmem:v2+s26+$0x0], $0xffff  }
0x327: {  	v42 =	vor.u32 $0x20, v10;
	v3 =	vld.idx.msk [tilespmem:v60+s26+$0x0], $0xffff  }
0x328: {  	v2 =	vor.u32 v42, v5  }
0x329: {  	v34 =	vor.u32 v42, v11;
	[tilespmem:v61+s31+$0x0] =	vst.idx.msk $0xffff, v44  }
0x32a: {  	v53 =	vor.u32 v42, v12;
	[tilespmem:v63+s31+$0x0] =	vst.idx.msk $0xffff, v47;
	v45 =	vld.idx.msk [tilespmem:v62+s26+$0x0], $0xffff  }
0x32b: {  	v48 =	vld.idx.msk [tilespmem:v33+s26+$0x0], $0xffff;
	v57 =	vor.u32 v14, v7;
	v59 =	vor.u32 v14, v9;
	[tilespmem:v1+s31+$0x0] =	vst.idx.msk $0xffff, v0  }
0x32c: {  	v1 =	vor.u32 v14, v4;
	[tilespmem:v8+s31+$0x0] =	vst.idx.msk $0xffff, v3;
	v8 =	vor.u32 v14, v6;
	v14 =	vld [tilespmem:$0x1F9C0]  }
0x32d: {  	v55 =	vor.u32 v42, v13;
	v0 =	vld.idx.msk [tilespmem:v2+s26+$0x0], $0xffff  }
0x32e: {  	v43 =	vadd.s32 $0x21, v10;
	v3 =	vld.idx.msk [tilespmem:v34+s26+$0x0], $0xffff  }
0x32f: {  	v2 =	vor.u32 v43, v5  }
0x330: {  	v56 =	vor.u32 v43, v11;
	[tilespmem:v52+s31+$0x0] =	vst.idx.msk $0xffff, v45  }
0x331: {  	v58 =	vor.u32 v43, v12;
	[tilespmem:v54+s31+$0x0] =	vst.idx.msk $0xffff, v48;
	v46 =	vld.idx.msk [tilespmem:v53+s26+$0x0], $0xffff  }
0x332: {  	v49 =	vld.idx.msk [tilespmem:v55+s26+$0x0], $0xffff;
	v62 =	vor.u32 v14, v7;
	v33 =	vor.u32 v14, v9;
	[tilespmem:v1+s31+$0x0] =	vst.idx.msk $0xffff, v0  }
0x333: {  	v1 =	vor.u32 v14, v4;
	[tilespmem:v8+s31+$0x0] =	vst.idx.msk $0xffff, v3;
	v8 =	vor.u32 v14, v6;
	v14 =	vld [tilespmem:$0x1F9D0]  }
0x334: {  	v60 =	vor.u32 v43, v13;
	v0 =	vld.idx.msk [tilespmem:v2+s26+$0x0], $0xffff  }
0x335: {  	v44 =	vadd.s32 $0x22, v10;
	v3 =	vld.idx.msk [tilespmem:v56+s26+$0x0], $0xffff  }
0x336: {  	v2 =	vor.u32 v44, v5  }
0x337: {  	v61 =	vor.u32 v44, v11;
	[tilespmem:v57+s31+$0x0] =	vst.idx.msk $0xffff, v46  }
0x338: {  	v63 =	vor.u32 v44, v12;
	[tilespmem:v59+s31+$0x0] =	vst.idx.msk $0xffff, v49;
	v47 =	vld.idx.msk [tilespmem:v58+s26+$0x0], $0xffff  }
0x339: {  	v50 =	vld.idx.msk [tilespmem:v60+s26+$0x0], $0xffff;
	v57 =	vor.u32 v14, v7;
	v59 =	vor.u32 v14, v9;
	[tilespmem:v1+s31+$0x0] =	vst.idx.msk $0xffff, v0  }
0x33a: {  	v1 =	vor.u32 v14, v4;
	[tilespmem:v8+s31+$0x0] =	vst.idx.msk $0xffff, v3;
	v8 =	vor.u32 v14, v6;
	v14 =	vld [tilespmem:$0x1F9E0]  }
0x33b: {  	v34 =	vor.u32 v44, v13;
	v0 =	vld.idx.msk [tilespmem:v2+s26+$0x0], $0xffff  }
0x33c: {  	v45 =	vadd.s32 $0x23, v10;
	v3 =	vld.idx.msk [tilespmem:v61+s26+$0x0], $0xffff  }
0x33d: {  	v2 =	vor.u32 v45, v5  }
0x33e: {  	v56 =	vor.u32 v45, v11;
	[tilespmem:v62+s31+$0x0] =	vst.idx.msk $0xffff, v47  }
0x33f: {  	v58 =	vor.u32 v45, v12;
	[tilespmem:v33+s31+$0x0] =	vst.idx.msk $0xffff, v50;
	v48 =	vld.idx.msk [tilespmem:v63+s26+$0x0], $0xffff  }
0x340: {  	v51 =	vld.idx.msk [tilespmem:v34+s26+$0x0], $0xffff;
	v62 =	vor.u32 v14, v7;
	v33 =	vor.u32 v14, v9;
	[tilespmem:v1+s31+$0x0] =	vst.idx.msk $0xffff, v0  }
0x341: {  	v1 =	vor.u32 v14, v4;
	[tilespmem:v8+s31+$0x0] =	vst.idx.msk $0xffff, v3;
	v8 =	vor.u32 v14, v6;
	v14 =	vld [tilespmem:$0x1F9F0]  }
0x342: {  	v60 =	vor.u32 v45, v13;
	v0 =	vld.idx.msk [tilespmem:v2+s26+$0x0], $0xffff  }
0x343: {  	v46 =	vadd.s32 $0x24, v10;
	v3 =	vld.idx.msk [tilespmem:v56+s26+$0x0], $0xffff  }
0x344: {  	v2 =	vor.u32 v46, v5  }
0x345: {  	v61 =	vor.u32 v46, v11;
	[tilespmem:v57+s31+$0x0] =	vst.idx.msk $0xffff, v48  }
0x346: {  	v63 =	vor.u32 v46, v12;
	[tilespmem:v59+s31+$0x0] =	vst.idx.msk $0xffff, v51;
	v49 =	vld.idx.msk [tilespmem:v58+s26+$0x0], $0xffff  }
0x347: {  	v52 =	vld.idx.msk [tilespmem:v60+s26+$0x0], $0xffff;
	v57 =	vor.u32 v14, v7;
	v59 =	vor.u32 v14, v9;
	[tilespmem:v1+s31+$0x0] =	vst.idx.msk $0xffff, v0  }
0x348: {  	v1 =	vor.u32 v14, v4;
	[tilespmem:v8+s31+$0x0] =	vst.idx.msk $0xffff, v3;
	v8 =	vor.u32 v14, v6;
	v14 =	vld [tilespmem:$0x1FA00]  }
0x349: {  	v54 =	vor.u32 v46, v13;
	v0 =	vld.idx.msk [tilespmem:v2+s26+$0x0], $0xffff  }
0x34a: {  	v47 =	vadd.s32 $0x25, v10;
	v3 =	vld.idx.msk [tilespmem:v61+s26+$0x0], $0xffff  }
0x34b: {  	[tilespmem:v62+s31+$0x0] =	vst.idx.msk $0xffff, v49;
	v2 =	vor.u32 v47, v5  }
0x34c: {  	v34 =	vor.u32 v47, v11;
	v50 =	vld.idx.msk [tilespmem:v63+s26+$0x0], $0xffff  }
0x34d: {  	v58 =	vor.u32 v47, v12;
	[tilespmem:v33+s31+$0x0] =	vst.idx.msk $0xffff, v52  }
0x34e: {  	v53 =	vld.idx.msk [tilespmem:v54+s26+$0x0], $0xffff;
	v61 =	vor.u32 v14, v7;
	v63 =	vor.u32 v14, v9;
	[tilespmem:v1+s31+$0x0] =	vst.idx.msk $0xffff, v0  }
0x34f: {  	v1 =	vor.u32 v14, v4;
	[tilespmem:v8+s31+$0x0] =	vst.idx.msk $0xffff, v3;
	v8 =	vor.u32 v14, v6;
	v14 =	vld [tilespmem:$0x1FA10]  }
0x350: {  	v0 =	vld.idx.msk [tilespmem:v2+s26+$0x0], $0xffff  }
0x351: {  	v55 =	vor.u32 v47, v13;
	[tilespmem:v57+s31+$0x0] =	vst.idx.msk $0xffff, v50;
	v3 =	vld.idx.msk [tilespmem:v34+s26+$0x0], $0xffff  }
0x352: {  	v48 =	vadd.s32 $0x26, v10;
	v51 =	vld.idx.msk [tilespmem:v58+s26+$0x0], $0xffff  }
0x353: {  	v2 =	vor.u32 v48, v5  }
0x354: {  	v60 =	vor.u32 v48, v11;
	[tilespmem:v59+s31+$0x0] =	vst.idx.msk $0xffff, v53  }
0x355: {  	v62 =	vor.u32 v48, v12;
	[tilespmem:v1+s31+$0x0] =	vst.idx.msk $0xffff, v0  }
0x356: {  	v54 =	vld.idx.msk [tilespmem:v55+s26+$0x0], $0xffff;
	v34 =	vor.u32 v14, v7;
	v1 =	vor.u32 v14, v4;
	[tilespmem:v8+s31+$0x0] =	vst.idx.msk $0xffff, v3  }
0x357: {  	v8 =	vor.u32 v14, v6;
	[tilespmem:v61+s31+$0x0] =	vst.idx.msk $0xffff, v51;
	v61 =	vor.u32 v14, v9;
	v14 =	vld [tilespmem:$0x1FD60]  }
0x358: {  	v0 =	vld.idx.msk [tilespmem:v2+s26+$0x0], $0xffff  }
0x359: {  	v56 =	vor.u32 v48, v13;
	v3 =	vld.idx.msk [tilespmem:v60+s26+$0x0], $0xffff  }
0x35a: {  	v49 =	vadd.s32 $0x27, v10;
	v52 =	vld.idx.msk [tilespmem:v62+s26+$0x0], $0xffff  }
0x35b: {  	v2 =	vor.u32 v49, v5  }
0x35c: {  	v33 =	vor.u32 v49, v11;
	[tilespmem:v63+s31+$0x0] =	vst.idx.msk $0xffff, v54  }
0x35d: {  	v60 =	vor.u32 v49, v12;
	[tilespmem:v1+s31+$0x0] =	vst.idx.msk $0xffff, v0  }
0x35e: {  	v55 =	vld.idx.msk [tilespmem:v56+s26+$0x0], $0xffff;
	v63 =	vor.u32 v14, v7;
	v1 =	vor.u32 v14, v4;
	[tilespmem:v8+s31+$0x0] =	vst.idx.msk $0xffff, v3  }
0x35f: {  	v8 =	vor.u32 v14, v6;
	[tilespmem:v34+s31+$0x0] =	vst.idx.msk $0xffff, v52;
	v34 =	vor.u32 v14, v9;
	v14 =	vld [tilespmem:$0x1FD70]  }
0x360: {  	v57 =	vor.u32 v49, v13;
	v0 =	vld.idx.msk [tilespmem:v2+s26+$0x0], $0xffff  }
0x361: {  	v3 =	vld.idx.msk [tilespmem:v33+s26+$0x0], $0xffff  }
0x362: {  	v50 =	vadd.s32 $0x28, v10;
	v53 =	vld.idx.msk [tilespmem:v60+s26+$0x0], $0xffff  }
0x363: {  	v2 =	vor.u32 v50, v5  }
0x364: {  	v62 =	vor.u32 v50, v11;
	[tilespmem:v61+s31+$0x0] =	vst.idx.msk $0xffff, v55  }
0x365: {  	v58 =	vor.u32 v50, v13;
	v56 =	vld.idx.msk [tilespmem:v57+s26+$0x0], $0xffff;
	[tilespmem:v1+s31+$0x0] =	vst.idx.msk $0xffff, v0  }
0x366: {  	v61 =	vor.u32 v14, v7;
	v1 =	vor.u32 v14, v4;
	[tilespmem:v8+s31+$0x0] =	vst.idx.msk $0xffff, v3  }
0x367: {  	v8 =	vor.u32 v14, v6;
	[tilespmem:v63+s31+$0x0] =	vst.idx.msk $0xffff, v53;
	v63 =	vor.u32 v14, v9;
	v14 =	vld [tilespmem:$0x1FD80]  }
0x368: {  	v33 =	vor.u32 v50, v12;
	v0 =	vld.idx.msk [tilespmem:v2+s26+$0x0], $0xffff  }
0x369: {  	v51 =	vadd.s32 $0x29, v10;
	v3 =	vld.idx.msk [tilespmem:v62+s26+$0x0], $0xffff  }
0x36a: {  	[tilespmem:v34+s31+$0x0] =	vst.idx.msk $0xffff, v56;
	v2 =	vor.u32 v51, v5  }
0x36b: {  	v60 =	vor.u32 v51, v11;
	v57 =	vld.idx.msk [tilespmem:v58+s26+$0x0], $0xffff  }
0x36c: {  	v59 =	vor.u32 v51, v13  }
0x36d: {  	v54 =	vld.idx.msk [tilespmem:v33+s26+$0x0], $0xffff;
	v56 =	vor.u32 v14, v7;
	v34 =	vor.u32 v14, v9;
	[tilespmem:v1+s31+$0x0] =	vst.idx.msk $0xffff, v0  }
0x36e: {  	v1 =	vor.u32 v14, v4;
	[tilespmem:v8+s31+$0x0] =	vst.idx.msk $0xffff, v3;
	v8 =	vor.u32 v14, v6;
	v14 =	vld [tilespmem:$0x1FD90]  }
0x36f: {  	v0 =	vld.idx.msk [tilespmem:v2+s26+$0x0], $0xffff  }
0x370: {  	v62 =	vor.u32 v51, v12;
	[tilespmem:v63+s31+$0x0] =	vst.idx.msk $0xffff, v57;
	v3 =	vld.idx.msk [tilespmem:v60+s26+$0x0], $0xffff  }
0x371: {  	v52 =	vadd.s32 $0x2A, v10;
	v58 =	vld.idx.msk [tilespmem:v59+s26+$0x0], $0xffff  }
0x372: {  	v2 =	vor.u32 v52, v5  }
0x373: {  	[tilespmem:v61+s31+$0x0] =	vst.idx.msk $0xffff, v54;
	v54 =	vor.u32 v52, v11  }
0x374: {  	v60 =	vor.u32 v52, v13;
	[tilespmem:v1+s31+$0x0] =	vst.idx.msk $0xffff, v0  }
0x375: {  	v55 =	vld.idx.msk [tilespmem:v62+s26+$0x0], $0xffff;
	v57 =	vor.u32 v14, v7;
	v1 =	vor.u32 v14, v4;
	[tilespmem:v8+s31+$0x0] =	vst.idx.msk $0xffff, v3  }
0x376: {  	v8 =	vor.u32 v14, v6;
	[tilespmem:v34+s31+$0x0] =	vst.idx.msk $0xffff, v58;
	v34 =	vor.u32 v14, v9;
	v14 =	vld [tilespmem:$0x1FDA0]  }
0x377: {  	v33 =	vor.u32 v52, v12;
	v0 =	vld.idx.msk [tilespmem:v2+s26+$0x0], $0xffff  }
0x378: {  	v3 =	vld.idx.msk [tilespmem:v54+s26+$0x0], $0xffff  }
0x379: {  	v53 =	vadd.s32 $0x2B, v10;
	v59 =	vld.idx.msk [tilespmem:v60+s26+$0x0], $0xffff  }
0x37a: {  	v2 =	vor.u32 v53, v5  }
0x37b: {  	[tilespmem:v56+s31+$0x0] =	vst.idx.msk $0xffff, v55;
	v55 =	vor.u32 v53, v11  }
0x37c: {  	v61 =	vor.u32 v53, v13;
	v56 =	vld.idx.msk [tilespmem:v33+s26+$0x0], $0xffff;
	v33 =	vor.u32 v53, v12;
	[tilespmem:v1+s31+$0x0] =	vst.idx.msk $0xffff, v0  }
0x37d: {  	v58 =	vor.u32 v14, v7;
	v1 =	vor.u32 v14, v4;
	[tilespmem:v8+s31+$0x0] =	vst.idx.msk $0xffff, v3  }
0x37e: {  	v8 =	vor.u32 v14, v6;
	[tilespmem:v34+s31+$0x0] =	vst.idx.msk $0xffff, v59;
	v34 =	vor.u32 v14, v9;
	v14 =	vld [tilespmem:$0x1FDB0]  }
0x37f: {  	v54 =	vadd.s32 $0x2C, v10;
	v0 =	vld.idx.msk [tilespmem:v2+s26+$0x0], $0xffff  }
0x380: {  	v2 =	vor.u32 v54, v5;
	v3 =	vld.idx.msk [tilespmem:v55+s26+$0x0], $0xffff  }
0x381: {  	v60 =	vld.idx.msk [tilespmem:v61+s26+$0x0], $0xffff  }
0x382: {  	[tilespmem:v57+s31+$0x0] =	vst.idx.msk $0xffff, v56  }
0x383: {  	v56 =	vor.u32 v54, v11;
	v57 =	vld.idx.msk [tilespmem:v33+s26+$0x0], $0xffff  }
0x384: {  	v33 =	vor.u32 v54, v12;
	v55 =	vadd.s32 $0x2D, v10;
	v59 =	vor.u32 v14, v7;
	[tilespmem:v1+s31+$0x0] =	vst.idx.msk $0xffff, v0  }
0x385: {  	v1 =	vor.u32 v14, v4;
	[tilespmem:v8+s31+$0x0] =	vst.idx.msk $0xffff, v3;
	v8 =	vor.u32 v14, v6;
	v0 =	vld.idx.msk [tilespmem:v2+s26+$0x0], $0xffff  }
0x386: {  	[tilespmem:v34+s31+$0x0] =	vst.idx.msk $0xffff, v60;
	v34 =	vor.u32 v14, v9;
	v14 =	vld [tilespmem:$0x1FDC0];
	v2 =	vor.u32 v55, v5;
	_ =	sdelay $0x2  }
0x387: {  	v62 =	vor.u32 v54, v13;
	[tilespmem:v58+s31+$0x0] =	vst.idx.msk $0xffff, v57;
	v3 =	vld.idx.msk [tilespmem:v56+s26+$0x0], $0xffff  }
0x388: {  	v58 =	vld.idx.msk [tilespmem:v33+s26+$0x0], $0xffff;
	[tilespmem:v1+s31+$0x0] =	vst.idx.msk $0xffff, v0  }
0x389: {  	v57 =	vor.u32 v55, v11;
	v56 =	vadd.s32 $0x2E, v10;
	v1 =	vor.u32 v14, v4;
	v0 =	vld.idx.msk [tilespmem:v2+s26+$0x0], $0xffff  }
0x38a: {  	v15 =	vld [tilespmem:$0x1FDD0];
	v2 =	vor.u32 v56, v5;
	_ =	sdelay $0x1  }
0x38b: {  	v33 =	vor.u32 v55, v12;
	v61 =	vld.idx.msk [tilespmem:v62+s26+$0x0], $0xffff;
	[tilespmem:v8+s31+$0x0] =	vst.idx.msk $0xffff, v3  }
0x38c: {  	v63 =	vor.u32 v55, v13;
	[tilespmem:v59+s31+$0x0] =	vst.idx.msk $0xffff, v58  }
0x38d: {  	v8 =	vor.u32 v14, v6;
	v3 =	vld.idx.msk [tilespmem:v57+s26+$0x0], $0xffff;
	[tilespmem:v1+s31+$0x0] =	vst.idx.msk $0xffff, v0  }
0x38e: {  	v58 =	vor.u32 v56, v11;
	v57 =	vadd.s32 $0x2F, v10;
	v1 =	vor.u32 v15, v4;
	v0 =	vld.idx.msk [tilespmem:v2+s26+$0x0], $0xffff  }
0x38f: {  	v17 =	vld [tilespmem:$0x1FDE0];
	v2 =	vor.u32 v57, v5  }
0x390: {  	v60 =	vor.u32 v14, v7;
	[tilespmem:v34+s31+$0x0] =	vst.idx.msk $0xffff, v61;
	v59 =	vld.idx.msk [tilespmem:v33+s26+$0x0], $0xffff  }
0x391: {  	v34 =	vor.u32 v14, v9;
	v33 =	vor.u32 v56, v12;
	v62 =	vld.idx.msk [tilespmem:v63+s26+$0x0], $0xffff  }
0x392: {  	v19 =	vld [tilespmem:$0x1FDF0];
	v14 =	vor.u32 v56, v13;
	[tilespmem:v8+s31+$0x0] =	vst.idx.msk $0xffff, v3  }
0x393: {  	v8 =	vor.u32 v15, v6;
	v3 =	vld.idx.msk [tilespmem:v58+s26+$0x0], $0xffff;
	[tilespmem:v1+s31+$0x0] =	vst.idx.msk $0xffff, v0  }
0x394: {  	v1 =	vor.u32 v17, v4;
	v0 =	vld.idx.msk [tilespmem:v2+s26+$0x0], $0xffff  }
0x395: {  	v24 =	vld [tilespmem:$0x1FA60];
	[tilespmem:v60+s31+$0x0] =	vst.idx.msk $0xffff, v59  }
0x396: {  	v59 =	vor.u32 v57, v11;
	[tilespmem:v34+s31+$0x0] =	vst.idx.msk $0xffff, v62;
	v60 =	vld.idx.msk [tilespmem:v33+s26+$0x0], $0xffff;
	v33 =	vor.u32 v15, v7  }
0x397: {  	v34 =	vor.u32 v15, v9;
	v14 =	vld.idx.msk [tilespmem:v14+s26+$0x0], $0xffff  }
0x398: {  	v15 =	vor.u32 v57, v13;
	v58 =	vor.u32 $0x30, v10;
	[tilespmem:v8+s31+$0x0] =	vst.idx.msk $0xffff, v3;
	v8 =	vld [tilespmem:$0x1F8F0]  }
0x399: {  	v2 =	vor.u32 v58, v5;
	[tilespmem:v1+s31+$0x0] =	vst.idx.msk $0xffff, v0;
	v0 =	vld [tilespmem:$0x1FA50];
	_ =	sdelay $0x1  }
0x39a: {  	v62 =	vor.u32 v57, v12;
	[tilespmem:v33+s31+$0x0] =	vst.idx.msk $0xffff, v60;
	v3 =	vld.idx.msk [tilespmem:v59+s26+$0x0], $0xffff;
	v59 =	vor.u32 v17, v6  }
0x39b: {  	v20 =	vld [tilespmem:$0x1FA20];
	v33 =	vor.u32 v58, v11;
	[tilespmem:v34+s31+$0x0] =	vst.idx.msk $0xffff, v14  }
0x39c: {  	v34 =	vor.u32 v17, v9;
	v15 =	vld.idx.msk [tilespmem:v15+s26+$0x0], $0xffff;
	v8 =	vsel vm0, v8, v24  }
0x39d: {  	v1 =	vor.u32 v19, v4;
	v60 =	vcombine.low v0, v8;
	v0 =	vld.idx.msk [tilespmem:v2+s26+$0x0], $0xffff  }
0x39e: {  	v25 =	vld [tilespmem:$0x1FA80]  }
0x39f: {  	v62 =	vld.idx.msk [tilespmem:v62+s26+$0x0], $0xffff;
	[tilespmem:v59+s31+$0x0] =	vst.idx.msk $0xffff, v3  }
0x3a0: {  	v18 =	vor.u32 v19, v7;
	v3 =	vld.idx.msk [tilespmem:v33+s26+$0x0], $0xffff  }
0x3a1: {  	[tilespmem:v34+s31+$0x0] =	vst.idx.msk $0xffff, v15;
	v34 =	vor.u32 v19, v9;
	v33 =	vor.u32 v19, v6;
	v19 =	vld [tilespmem:$0x1F910]  }
0x3a2: {  	v16 =	vor.u32 v17, v7;
	v2 =	vor.u32 v60, v5;
	[tilespmem:v1+s31+$0x0] =	vst.idx.msk $0xffff, v0;
	v0 =	vld [tilespmem:$0x1FA70]  }
0x3a3: {  	v14 =	vor.u32 v58, v12  }
0x3a4: {  	v17 =	vor.u32 v58, v13;
	_ =	sdelay $0x1  }
0x3a5: {  	v59 =	vsel vm0, v19, v25  }
0x3a6: {  	[tilespmem:v16+s31+$0x0] =	vst.idx.msk $0xffff, v62;
	v1 =	vor.u32 v20, v4;
	v62 =	vcombine.low v0, v59;
	v0 =	vld.idx.msk [tilespmem:v2+s26+$0x0], $0xffff  }
0x3a7: {  	v14 =	vld.idx.msk [tilespmem:v14+s26+$0x0], $0xffff  }
0x3a8: {  	v17 =	vld.idx.msk [tilespmem:v17+s26+$0x0], $0xffff;
	v16 =	vor.u32 v60, v11  }
0x3a9: {  	v21 =	vld [tilespmem:$0x1F930];
	v19 =	vor.u32 v60, v13  }
0x3aa: {  	[tilespmem:v33+s31+$0x0] =	vst.idx.msk $0xffff, v3;
	v33 =	vld [tilespmem:$0x1FAB0]  }
0x3ab: {  	[tilespmem:v1+s31+$0x0] =	vst.idx.msk $0xffff, v0;
	v0 =	vld [tilespmem:$0x1FAA0]  }
0x3ac: {  	v22 =	vld [tilespmem:$0x1FA30];
	[tilespmem:v18+s31+$0x0] =	vst.idx.msk $0xffff, v14;
	v2 =	vor.u32 v62, v5  }
0x3ad: {  	[tilespmem:v34+s31+$0x0] =	vst.idx.msk $0xffff, v17;
	v15 =	vor.u32 v60, v12;
	v3 =	vld.idx.msk [tilespmem:v16+s26+$0x0], $0xffff  }
0x3ae: {  	v18 =	vor.u32 v20, v7;
	v16 =	vor.u32 v20, v6;
	v19 =	vld.idx.msk [tilespmem:v19+s26+$0x0], $0xffff;
	v20 =	vor.u32 v20, v9  }
0x3af: {  	v61 =	vsel vm0, v21, v33;
	v21 =	vor.u32 v62, v13  }
0x3b0: {  	v23 =	vld [tilespmem:$0x1FE10];
	v63 =	vcombine.low v0, v61  }
0x3b1: {  	v14 =	vor.u32 v62, v11;
	v1 =	vor.u32 v22, v4;
	v0 =	vld.idx.msk [tilespmem:v2+s26+$0x0], $0xffff  }
0x3b2: {  	v15 =	vld.idx.msk [tilespmem:v15+s26+$0x0], $0xffff;
	v2 =	vor.u32 v63, v5  }
0x3b3: {  	v17 =	vor.u32 v62, v12;
	[tilespmem:v20+s31+$0x0] =	vst.idx.msk $0xffff, v19  }
0x3b4: {  	v20 =	vor.u32 v22, v9;
	v19 =	vld.idx.msk [tilespmem:v21+s26+$0x0], $0xffff  }
0x3b5: {  	[tilespmem:v16+s31+$0x0] =	vst.idx.msk $0xffff, v3;
	v21 =	vor.u32 v63, v13  }
0x3b6: {  	v3 =	vld.idx.msk [tilespmem:v14+s26+$0x0], $0xffff;
	[tilespmem:v1+s31+$0x0] =	vst.idx.msk $0xffff, v0  }
0x3b7: {  	[tilespmem:v18+s31+$0x0] =	vst.idx.msk $0xffff, v15;
	v1 =	vor.u32 v23, v4;
	v0 =	vld.idx.msk [tilespmem:v2+s26+$0x0], $0xffff  }
0x3b8: {  	v16 =	vld.idx.msk [tilespmem:v17+s26+$0x0], $0xffff  }
0x3b9: {  	v14 =	vor.u32 v22, v6;
	v17 =	vor.u32 v22, v7;
	v22 =	vld [tilespmem:$0x1F880];
	[tilespmem:v20+s31+$0x0] =	vst.idx.msk $0xffff, v19  }
0x3ba: {  	v19 =	vld.idx.msk [tilespmem:v21+s26+$0x0], $0xffff  }
0x3bb: {  	v21 =	vld [tilespmem:$0x1FA40]  }
0x3bc: {  	[tilespmem:v1+s31+$0x0] =	vst.idx.msk $0xffff, v0;
	v0 =	vld [tilespmem:$0x1FAC0];
	_ =	sdelay $0x1  }
0x3bd: {  	v15 =	vor.u32 v63, v11  }
0x3be: {  	v18 =	vor.u32 v63, v12  }
0x3bf: {  	v21 =	vsel vm0, v24, v21  }
0x3c0: {  	v2 =	vor.u32 v22, v5;
	v0 =	vcombine.low v21, v0;
	v21 =	vld [tilespmem:$0x1FE20]  }
0x3c1: {  	[tilespmem:v14+s31+$0x0] =	vst.idx.msk $0xffff, v3  }
0x3c2: {  	[tilespmem:v17+s31+$0x0] =	vst.idx.msk $0xffff, v16;
	v20 =	vor.u32 v23, v9;
	v3 =	vld.idx.msk [tilespmem:v15+s26+$0x0], $0xffff  }
0x3c3: {  	v15 =	vor.u32 v22, v11;
	v16 =	vld.idx.msk [tilespmem:v18+s26+$0x0], $0xffff;
	v18 =	vor.u32 v22, v12;
	v22 =	vor.u32 v22, v13;
	_ =	sdelay $0x1  }
0x3c4: {  	v1 =	vld.idx.msk [tilespmem:v2+s26+$0x0], $0xffff;
	v2 =	vor.u32 v21, v4;
	_ =	sdelay $0x1  }
0x3c5: {  	[tilespmem:v20+s31+$0x0] =	vst.idx.msk $0xffff, v19  }
0x3c6: {  	v20 =	vld.idx.msk [tilespmem:v22+s26+$0x0], $0xffff  }
0x3c7: {  	v22 =	vld [tilespmem:$0x1FE00]  }
0x3c8: {  	v14 =	vor.u32 v23, v6;
	[tilespmem:v2+s31+$0x0] =	vst.idx.msk $0xffff, v1;
	v1 =	vld [tilespmem:$0x1FAD0]  }
0x3c9: {  	v17 =	vor.u32 v23, v7;
	_ =	sdelay $0x2  }
0x3ca: {  	v22 =	vsel vm0, v25, v22  }
0x3cb: {  	[tilespmem:v14+s31+$0x0] =	vst.idx.msk $0xffff, v3;
	v3 =	vor.u32 v0, v5;
	v1 =	vcombine.low v22, v1;
	v22 =	vld [tilespmem:$0x1FE30]  }
0x3cc: {  	[tilespmem:v17+s31+$0x0] =	vst.idx.msk $0xffff, v16;
	v14 =	vld.idx.msk [tilespmem:v15+s26+$0x0], $0xffff  }
0x3cd: {  	v17 =	vld.idx.msk [tilespmem:v18+s26+$0x0], $0xffff;
	v15 =	vor.u32 v21, v6;
	v18 =	vor.u32 v21, v7;
	v21 =	vor.u32 v21, v9  }
0x3ce: {  	v23 =	vor.u32 v0, v13;
	_ =	sdelay $0x1  }
0x3cf: {  	v2 =	vld.idx.msk [tilespmem:v3+s26+$0x0], $0xffff;
	v3 =	vor.u32 v22, v4;
	_ =	sdelay $0x1  }
0x3d0: {  	[tilespmem:v21+s31+$0x0] =	vst.idx.msk $0xffff, v20  }
0x3d1: {  	v21 =	vld.idx.msk [tilespmem:v23+s26+$0x0], $0xffff  }
0x3d2: {  	v23 =	vld [tilespmem:$0x1FA90]  }
0x3d3: {  	[tilespmem:v3+s31+$0x0] =	vst.idx.msk $0xffff, v2;
	v2 =	vld [tilespmem:$0x1FAE0]  }
0x3d4: {  	v16 =	vor.u32 v0, v11  }
0x3d5: {  	v19 =	vor.u32 v0, v12;
	_ =	sdelay $0x1  }
0x3d6: {  	v23 =	vsel vm0, v33, v23  }
0x3d7: {  	[tilespmem:v15+s31+$0x0] =	vst.idx.msk $0xffff, v14;
	v14 =	vor.u32 v1, v5;
	v2 =	vcombine.low v23, v2;
	v23 =	vld [tilespmem:$0x1FE40]  }
0x3d8: {  	[tilespmem:v18+s31+$0x0] =	vst.idx.msk $0xffff, v17;
	v15 =	vld.idx.msk [tilespmem:v16+s26+$0x0], $0xffff  }
0x3d9: {  	v18 =	vld.idx.msk [tilespmem:v19+s26+$0x0], $0xffff;
	v16 =	vor.u32 v22, v6;
	v19 =	vor.u32 v22, v7;
	v22 =	vor.u32 v22, v9  }
0x3da: {  	v24 =	vor.u32 v1, v13;
	_ =	sdelay $0x1  }
0x3db: {  	v3 =	vld.idx.msk [tilespmem:v14+s26+$0x0], $0xffff;
	v14 =	vor.u32 v23, v4;
	_ =	sdelay $0x1  }
0x3dc: {  	v25 =	vld [tilespmem:$0x1F870];
	[tilespmem:v22+s31+$0x0] =	vst.idx.msk $0xffff, v21  }
0x3dd: {  	v22 =	vld.idx.msk [tilespmem:v24+s26+$0x0], $0xffff  }
0x3de: {  	v24 =	vld [tilespmem:$0x1F860]  }
0x3df: {  	[tilespmem:v14+s31+$0x0] =	vst.idx.msk $0xffff, v3;
	v3 =	vld [tilespmem:$0x1FEE0];
	_ =	sdelay $0x2  }
0x3e0: {  	v17 =	vor.u32 v1, v11  }
0x3e1: {  	v20 =	vor.u32 v1, v12;
	v24 =	vsel vm0, v24, v25  }
0x3e2: {  	[tilespmem:v16+s31+$0x0] =	vst.idx.msk $0xffff, v15;
	v15 =	vor.u32 v2, v5;
	v3 =	vcombine.low v24, v3;
	v24 =	vld [tilespmem:$0x1FE50];
	_ =	sdelay $0x2  }
0x3e3: {  	[tilespmem:v19+s31+$0x0] =	vst.idx.msk $0xffff, v18;
	v16 =	vld.idx.msk [tilespmem:v17+s26+$0x0], $0xffff;
	v17 =	vor.u32 v23, v6  }
0x3e4: {  	v19 =	vld.idx.msk [tilespmem:v20+s26+$0x0], $0xffff;
	v18 =	vor.u32 v2, v11;
	v20 =	vor.u32 v23, v7  }
0x3e5: {  	v14 =	vld.idx.msk [tilespmem:v15+s26+$0x0], $0xffff;
	v15 =	vor.u32 v24, v4  }
0x3e6: {  	v21 =	vor.u32 v2, v12;
	v23 =	vor.u32 v23, v9  }
0x3e7: {  	v25 =	vor.u32 v2, v13  }
0x3e8: {  	v33 =	vld [tilespmem:$0x1FE60];
	[tilespmem:v17+s31+$0x0] =	vst.idx.msk $0xffff, v16  }
0x3e9: {  	[tilespmem:v20+s31+$0x0] =	vst.idx.msk $0xffff, v19;
	v17 =	vld.idx.msk [tilespmem:v18+s26+$0x0], $0xffff  }
0x3ea: {  	v16 =	vor.u32 v3, v5;
	v18 =	vor.u32 v24, v6;
	[tilespmem:v15+s31+$0x0] =	vst.idx.msk $0xffff, v14;
	v14 =	vld [tilespmem:$0x1FEF0]  }
0x3eb: {  	[tilespmem:v23+s31+$0x0] =	vst.idx.msk $0xffff, v22;
	v20 =	vld.idx.msk [tilespmem:v21+s26+$0x0], $0xffff;
	v21 =	vor.u32 v24, v7  }
0x3ec: {  	v23 =	vld.idx.msk [tilespmem:v25+s26+$0x0], $0xffff;
	v24 =	vor.u32 v24, v9  }
0x3ed: {  	v19 =	vor.u32 v3, v11  }
0x3ee: {  	v22 =	vor.u32 v3, v12  }
0x3ef: {  	v15 =	vor.u32 v33, v4;
	[tilespmem:v18+s31+$0x0] =	vst.idx.msk $0xffff, v17;
	v8 =	vcombine.low v8, v14;
	v14 =	vld.idx.msk [tilespmem:v16+s26+$0x0], $0xffff  }
0x3f0: {  	v25 =	vor.u32 v3, v13;
	v18 =	vor.u32 v33, v6;
	[tilespmem:v21+s31+$0x0] =	vst.idx.msk $0xffff, v20  }
0x3f1: {  	v21 =	vor.u32 v33, v7;
	[tilespmem:v24+s31+$0x0] =	vst.idx.msk $0xffff, v23;
	v24 =	vor.u32 v33, v9;
	v33 =	vld [tilespmem:$0x1FE70]  }
0x3f2: {  	v17 =	vld.idx.msk [tilespmem:v19+s26+$0x0], $0xffff  }
0x3f3: {  	v20 =	vld.idx.msk [tilespmem:v22+s26+$0x0], $0xffff  }
0x3f4: {  	v16 =	vor.u32 v8, v5;
	[tilespmem:v15+s31+$0x0] =	vst.idx.msk $0xffff, v14;
	v14 =	vld [tilespmem:$0x1FF00]  }
0x3f5: {  	v23 =	vld.idx.msk [tilespmem:v25+s26+$0x0], $0xffff  }
0x3f6: {  	v19 =	vor.u32 v8, v11  }
0x3f7: {  	v22 =	vor.u32 v8, v12  }
0x3f8: {  	[tilespmem:v18+s31+$0x0] =	vst.idx.msk $0xffff, v17;
	v18 =	vor.u32 v33, v6;
	v25 =	vor.u32 v8, v13  }
0x3f9: {  	[tilespmem:v21+s31+$0x0] =	vst.idx.msk $0xffff, v20;
	v15 =	vor.u32 v33, v4;
	v59 =	vcombine.low v59, v14;
	v14 =	vld.idx.msk [tilespmem:v16+s26+$0x0], $0xffff  }
0x3fa: {  	v21 =	vor.u32 v33, v7;
	[tilespmem:v24+s31+$0x0] =	vst.idx.msk $0xffff, v23;
	v24 =	vor.u32 v33, v9;
	v33 =	vld [tilespmem:$0x1FE80]  }
0x3fb: {  	v17 =	vld.idx.msk [tilespmem:v19+s26+$0x0], $0xffff  }
0x3fc: {  	v20 =	vld.idx.msk [tilespmem:v22+s26+$0x0], $0xffff;
	v19 =	vor.u32 v59, v11  }
0x3fd: {  	v23 =	vld.idx.msk [tilespmem:v25+s26+$0x0], $0xffff;
	v22 =	vor.u32 v59, v12  }
0x3fe: {  	v25 =	vor.u32 v59, v13;
	[tilespmem:v15+s31+$0x0] =	vst.idx.msk $0xffff, v14;
	v14 =	vld [tilespmem:$0x1FF10]  }
0x3ff: {  	v16 =	vor.u32 v59, v5  }
0x400: {  	v34 =	vld [tilespmem:$0x1FE90];
	[tilespmem:v18+s31+$0x0] =	vst.idx.msk $0xffff, v17  }
0x401: {  	v18 =	vor.u32 v33, v6;
	[tilespmem:v21+s31+$0x0] =	vst.idx.msk $0xffff, v20;
	v17 =	vld.idx.msk [tilespmem:v19+s26+$0x0], $0xffff  }
0x402: {  	v21 =	vor.u32 v33, v7;
	[tilespmem:v24+s31+$0x0] =	vst.idx.msk $0xffff, v23;
	v20 =	vld.idx.msk [tilespmem:v22+s26+$0x0], $0xffff  }
0x403: {  	v24 =	vor.u32 v33, v9;
	v23 =	vld.idx.msk [tilespmem:v25+s26+$0x0], $0xffff;
	v61 =	vcombine.low v61, v14  }
0x404: {  	v15 =	vor.u32 v33, v4;
	v14 =	vld.idx.msk [tilespmem:v16+s26+$0x0], $0xffff  }
0x405: {  	v16 =	vor.u32 v61, v5  }
0x406: {  	v19 =	vor.u32 v61, v11;
	[tilespmem:v18+s31+$0x0] =	vst.idx.msk $0xffff, v17  }
0x407: {  	v22 =	vor.u32 v61, v12;
	v25 =	vor.u32 v61, v13;
	[tilespmem:v21+s31+$0x0] =	vst.idx.msk $0xffff, v20  }
0x408: {  	v33 =	vld [tilespmem:$0x1F820];
	v18 =	vor.u32 v34, v6;
	v21 =	vor.u32 v34, v7;
	[tilespmem:v24+s31+$0x0] =	vst.idx.msk $0xffff, v23  }
0x409: {  	v24 =	vor.u32 v34, v9;
	[tilespmem:v15+s31+$0x0] =	vst.idx.msk $0xffff, v14;
	v15 =	vor.u32 v34, v4;
	v34 =	vld [tilespmem:$0x1FEA0]  }
0x40a: {  	v14 =	vld.idx.msk [tilespmem:v16+s26+$0x0], $0xffff  }
0x40b: {  	v17 =	vld.idx.msk [tilespmem:v19+s26+$0x0], $0xffff  }
0x40c: {  	v20 =	vld.idx.msk [tilespmem:v22+s26+$0x0], $0xffff  }
0x40d: {  	v23 =	vld.idx.msk [tilespmem:v25+s26+$0x0], $0xffff  }
0x40e: {  	v16 =	vor.u32 v33, v5;
	v19 =	vor.u32 v33, v11  }
0x40f: {  	v22 =	vor.u32 v33, v12;
	v25 =	vor.u32 v33, v13;
	v33 =	vld [tilespmem:$0x1F830];
	[tilespmem:v15+s31+$0x0] =	vst.idx.msk $0xffff, v14  }
0x410: {  	[tilespmem:v18+s31+$0x0] =	vst.idx.msk $0xffff, v17  }
0x411: {  	v15 =	vor.u32 v34, v4;
	v18 =	vor.u32 v34, v6;
	[tilespmem:v21+s31+$0x0] =	vst.idx.msk $0xffff, v20  }
0x412: {  	v21 =	vor.u32 v34, v7;
	[tilespmem:v24+s31+$0x0] =	vst.idx.msk $0xffff, v23;
	v24 =	vor.u32 v34, v9;
	v34 =	vld [tilespmem:$0x1FEB0]  }
0x413: {  	v14 =	vld.idx.msk [tilespmem:v16+s26+$0x0], $0xffff  }
0x414: {  	v16 =	vor.u32 v33, v5;
	v17 =	vld.idx.msk [tilespmem:v19+s26+$0x0], $0xffff  }
0x415: {  	v19 =	vor.u32 v33, v11;
	v20 =	vld.idx.msk [tilespmem:v22+s26+$0x0], $0xffff  }
0x416: {  	v22 =	vor.u32 v33, v12;
	v23 =	vld.idx.msk [tilespmem:v25+s26+$0x0], $0xffff  }
0x417: {  	v25 =	vor.u32 v33, v13;
	v33 =	vld [tilespmem:$0x1F840]  }
0x418: {  	[tilespmem:v15+s31+$0x0] =	vst.idx.msk $0xffff, v14  }
0x419: {  	[tilespmem:v18+s31+$0x0] =	vst.idx.msk $0xffff, v17;
	v14 =	vld.idx.msk [tilespmem:v16+s26+$0x0], $0xffff  }
0x41a: {  	[tilespmem:v21+s31+$0x0] =	vst.idx.msk $0xffff, v20;
	v17 =	vld.idx.msk [tilespmem:v19+s26+$0x0], $0xffff  }
0x41b: {  	[tilespmem:v24+s31+$0x0] =	vst.idx.msk $0xffff, v23;
	v20 =	vld.idx.msk [tilespmem:v22+s26+$0x0], $0xffff  }
0x41c: {  	v15 =	vor.u32 v34, v4;
	v24 =	vor.u32 v34, v9;
	v16 =	vor.u32 v33, v5;
	v23 =	vld.idx.msk [tilespmem:v25+s26+$0x0], $0xffff  }
0x41d: {  	v19 =	vor.u32 v33, v11;
	v22 =	vor.u32 v33, v12;
	v25 =	vor.u32 v33, v13;
	v33 =	vld [tilespmem:$0x1F850];
	_ =	sdelay $0x1  }
0x41e: {  	v18 =	vor.u32 v34, v6  }
0x41f: {  	v21 =	vor.u32 v34, v7;
	v34 =	vld [tilespmem:$0x1FEC0]  }
0x420: {  	[tilespmem:v24+s31+$0x0] =	vst.idx.msk $0xffff, v23;
	v24 =	vld [tilespmem:$0x1FD40]  }
0x421: {  	[tilespmem:v15+s31+$0x0] =	vst.idx.msk $0xffff, v14;
	v5 =	vor.u32 v33, v5;
	v23 =	vld [tilespmem:$0x1FD30]  }
0x422: {  	v11 =	vor.u32 v33, v11;
	v12 =	vor.u32 v33, v12;
	v13 =	vor.u32 v33, v13;
	v33 =	vld [tilespmem:$0x1FED0]  }
0x423: {  	[tilespmem:v18+s31+$0x0] =	vst.idx.msk $0xffff, v17;
	v14 =	vld.idx.msk [tilespmem:v16+s26+$0x0], $0xffff  }
0x424: {  	v15 =	vor.u32 v34, v4;
	[tilespmem:v21+s31+$0x0] =	vst.idx.msk $0xffff, v20;
	v16 =	vld.idx.msk [tilespmem:v19+s26+$0x0], $0xffff  }
0x425: {  	v18 =	vld.idx.msk [tilespmem:v22+s26+$0x0], $0xffff  }
0x426: {  	v17 =	vor.u32 v34, v6;
	v22 =	vld [tilespmem:$0x1FD20]  }
0x427: {  	v20 =	vld.idx.msk [tilespmem:v25+s26+$0x0], $0xffff  }
0x428: {  	v19 =	vor.u32 v34, v7;
	v25 =	vld [tilespmem:$0x1FD50]  }
0x429: {  	v21 =	vor.u32 v34, v9;
	[tilespmem:v15+s31+$0x0] =	vst.idx.msk $0xffff, v14;
	v15 =	vld [tilespmem:$0x1FCB0]  }
0x42a: {  	v14 =	vld [tilespmem:$0x1FCA0]  }
0x42b: {  	[tilespmem:v17+s31+$0x0] =	vst.idx.msk $0xffff, v16;
	v17 =	vld [tilespmem:$0x1FCD0]  }
0x42c: {  	v4 =	vor.u32 v33, v4;
	v5 =	vld.idx.msk [tilespmem:v5+s26+$0x0], $0xffff  }
0x42d: {  	v6 =	vor.u32 v33, v6;
	[tilespmem:v19+s31+$0x0] =	vst.idx.msk $0xffff, v18;
	v11 =	vld.idx.msk [tilespmem:v11+s26+$0x0], $0xffff  }
0x42e: {  	v7 =	vor.u32 v33, v7;
	[tilespmem:v21+s31+$0x0] =	vst.idx.msk $0xffff, v20;
	v12 =	vld.idx.msk [tilespmem:v12+s26+$0x0], $0xffff  }
0x42f: {  	p2 =	por p1, p1;
	v9 =	vor.u32 v33, v9;
	v13 =	vld.idx.msk [tilespmem:v13+s26+$0x0], $0xffff  }
.Ltmp4:
0x430: {  	v16 =	vld [tilespmem:$0x1FCC0];
	(pc) =	sbr.rel @p2 .LBB2_7-.Ltmp4, $4  }
0x431: {  	v19 =	vld [tilespmem:$0x1FCF0];
	[tilespmem:v4+s31+$0x0] =	vst.idx.msk $0xffff, v5  }
0x432: {  	v18 =	vld [tilespmem:$0x1FCE0];
	[tilespmem:v6+s31+$0x0] =	vst.idx.msk $0xffff, v11  }
0x433: {  	v21 =	vld [tilespmem:$0x1FD10];
	[tilespmem:v7+s31+$0x0] =	vst.idx.msk $0xffff, v12  }
0x434: {  	p1 =	por $0x0, $0x0;
	s22 =	simm.s32 $0x40;
	v20 =	vld [tilespmem:$0x1FD00];
	[tilespmem:v9+s31+$0x0] =	vst.idx.msk $0xffff, v13  }
0x435: {  	s22 =	sshll.u32 s1, $0x10  }
0x436: {  	s28 =	sor.u32 s6, s22  }
0x437: {  	s22 =	sadd.s32 s24, s28  }
0x438: {  	[hbm4b:s22+s3] =	stream.linear.scatter [tilespmem:s31], [sflag:$0x3], $0x400, $0x38;
	[tilespmem:$0x14C00] =	vst v63  }
0x439: {  	s23 =	simm.s32 $0x11000;
	s22 =	sadd.s32 s28, s7  }
0x43a: {  	[hbm4b:s22+s3] =	stream.linear.scatter [tilespmem:s23], [sflag:$0x3], $0x400, $0x38;
	[tilespmem:$0x14C00] =	vst v63  }
0x43b: {  	s22 =	sadd.s32 s28, s8;
	s23 =	simm.s32 $0x11400  }
0x43c: {  	[hbm4b:s22+s3] =	stream.linear.scatter [tilespmem:s23], [sflag:$0x3], $0x400, $0x38;
	[tilespmem:$0x14C00] =	vst v63  }
0x43d: {  	s22 =	sadd.s32 s28, s9;
	s23 =	simm.s32 $0x11800  }
0x43e: {  	[hbm4b:s22+s3] =	stream.linear.scatter [tilespmem:s23], [sflag:$0x3], $0x400, $0x38;
	[tilespmem:$0x14C00] =	vst v63  }
0x43f: {  	s22 =	sadd.s32 s28, s10;
	s23 =	simm.s32 $0x11C00  }
0x440: {  	[hbm4b:s22+s3] =	stream.linear.scatter [tilespmem:s23], [sflag:$0x3], $0x400, $0x38;
	[tilespmem:$0x14C00] =	vst v63  }
0x441: {  	p1 =	sne.s32 s1, $0x63;
	s22 =	sadd.s32 s28, s11;
	s23 =	simm.s32 $0x12000  }
0x442: {  	[hbm4b:s22+s3] =	stream.linear.scatter [tilespmem:s23], [sflag:$0x3], $0x400, $0x38;
	[tilespmem:$0x14C00] =	vst v63  }
.Ltmp5:
0x443: {  	_ = 	snop;
	(pc) =	sbr.rel @p1 .LBB2_10-.Ltmp5, $4  }
0x444: {  	s22 =	sadd.s32 s28, s12;
	s23 =	simm.s32 $0x12400  }
0x445: {  	[hbm4b:s22+s3] =	stream.linear.scatter [tilespmem:s23], [sflag:$0x3], $0x400, $0x38;
	[tilespmem:$0x14C00] =	vst v63  }
0x446: {  	s22 =	sadd.s32 s28, s13;
	s23 =	simm.s32 $0x12800  }
0x447: {  	[hbm4b:s22+s3] =	stream.linear.scatter [tilespmem:s23], [sflag:$0x3], $0x400, $0x38;
	[tilespmem:$0x14C00] =	vst v63  }
.Ltmp6:
0x448: {  	(pc) =	sbr.rel .LBB2_11-.Ltmp6, $4  }
0x449: {  	_ = 	snop  }
0x44a: {  	_ =	swait.ge [sflag:s0], $0x2000  }
0x44b: {  	[sflag:s0] =	ssyncset.done $0x0  }
0x44c: {  	[sflag:s0] =	ssyncadd.s32 $0xFFFFE000  }
.LBB2_10:
0x44d: {  	s22 =	sshll.u32 s1, $0x8  }
0x44e: {  	s22 =	sand.u32 $0x3FFFFF00, s22  }
.Ltmp7:
0x44f: {  	s23 =	simm.s32 $0x80;
	s22 =	sadd.s32 $0x6900, s22;
	(pc) =	sbr.rel @p0 .LBB2_12-.Ltmp7, $4  }
0x450: {  	[tilespmem:s26], [sflag:$0x1] =	stream.indirect.gather [hbm4b:s4+s23], $0x40, s22, s23, $0xb8;
	[tilespmem:$0x14C00] =	vst v63  }
0x451: {  	_ =	swait.ge [sflag:s0], $0x2000  }
0x452: {  	[sflag:s0] =	ssyncset.done $0x0  }
0x453: {  	[sflag:s0] =	ssyncadd.s32 $0xFFFFE000  }
.LBB2_11:
0x454: {  	_ =	swait.ge [sflag:s2], $0x400  }
0x455: {  	[sflag:s2] =	ssyncset.done $0x0  }
0x456: {  	[sflag:s2] =	ssyncadd.s32 $0xFFFFFC00  }
0x457: {  	_ =	swait.ge [sflag:s2], $0x400  }
0x458: {  	[sflag:s2] =	ssyncset.done $0x0  }
0x459: {  	[sflag:s2] =	ssyncadd.s32 $0xFFFFFC00  }
0x45a: {  	_ =	swait.ge [sflag:s2], $0x400  }
0x45b: {  	[sflag:s2] =	ssyncset.done $0x0  }
0x45c: {  	[sflag:s2] =	ssyncadd.s32 $0xFFFFFC00  }
0x45d: {  	_ =	swait.ge [sflag:s2], $0x400  }
0x45e: {  	[sflag:s2] =	ssyncset.done $0x0  }
0x45f: {  	[sflag:s2] =	ssyncadd.s32 $0xFFFFFC00  }
0x460: {  	_ =	swait.ge [sflag:s2], $0x400  }
0x461: {  	[sflag:s2] =	ssyncset.done $0x0  }
0x462: {  	[sflag:s2] =	ssyncadd.s32 $0xFFFFFC00  }
0x463: {  	_ =	swait.ge [sflag:s2], $0x400  }
0x464: {  	[sflag:s2] =	ssyncset.done $0x0  }
0x465: {  	[sflag:s2] =	ssyncadd.s32 $0xFFFFFC00  }
0x466: {  	_ =	swait.ge [sflag:s2], $0x400  }
0x467: {  	[sflag:s2] =	ssyncset.done $0x0  }
0x468: {  	[sflag:s2] =	ssyncadd.s32 $0xFFFFFC00  }
0x469: {  	_ =	swait.ge [sflag:s2], $0x400  }
0x46a: {  	[sflag:s2] =	ssyncset.done $0x0  }
0x46b: {  	[sflag:s2] =	ssyncadd.s32 $0xFFFFFC00  }
.LBB2_12:
0x46c: {  	v27 =	vld [tilespmem:$0x1FC20]  }
0x46d: {  	v28 =	vld [tilespmem:$0x1FFE0]  }
0x46e: {  	v29 =	vld [tilespmem:$0x1FC30]  }
0x46f: {  	v30 =	vld [tilespmem:$0x1FFF0]  }
0x470: {  	s22 =	simm.s32 $0x0;
	p0 =	por $0x1, $0x1;
	v31 =	vld [tilespmem:$0x1FC40]  }
.LBB2_13:
0x471: {  	v4 =	vor.u32 s22, v10  }
0x472: {  	v5 =	vshll.u32 v4, $0x6  }
0x473: {  	v22 =	vld [tilespmem:$0x1F890];
	v6 =	vor.u32 v10, v5  }
0x474: {  	v23 =	vld [tilespmem:$0x1FF20];
	_ =	sdelay $0x2  }
0x475: {  	v4 =	vand.u32 $0x48, v4  }
0x476: {  	v7 =	vor.u32 v22, v4;
	v6 =	vld.idx.msk [tilespmem:v6+s29+$0x0], $0xffff  }
0x477: {  	v24 =	vld [tilespmem:$0x1F8A0];
	v9 =	vor.u32 v23, v5  }
0x478: {  	v35 =	vld [tilespmem:$0x1FB70];
	_ =	sdelay $0x2  }
0x479: {  	[tilespmem:v7+s25+$0x0] =	vst.idx.msk $0xffff, v6  }
0x47a: {  	v7 =	vor.u32 v24, v4;
	v6 =	vld.idx.msk [tilespmem:v9+s29+$0x0], $0xffff  }
0x47b: {  	v25 =	vld [tilespmem:$0x1F8B0];
	v9 =	vor.u32 v35, v5  }
0x47c: {  	v36 =	vld [tilespmem:$0x1FF30];
	_ =	sdelay $0x2  }
0x47d: {  	[tilespmem:v7+s25+$0x0] =	vst.idx.msk $0xffff, v6  }
0x47e: {  	v7 =	vor.u32 v25, v4;
	v6 =	vld.idx.msk [tilespmem:v9+s29+$0x0], $0xffff  }
0x47f: {  	v32 =	vld [tilespmem:$0x1F8C0];
	v9 =	vor.u32 v36, v5  }
0x480: {  	v37 =	vld [tilespmem:$0x1FB80];
	_ =	sdelay $0x2  }
0x481: {  	[tilespmem:v7+s25+$0x0] =	vst.idx.msk $0xffff, v6  }
0x482: {  	v7 =	vor.u32 v32, v4;
	v6 =	vld.idx.msk [tilespmem:v9+s29+$0x0], $0xffff  }
0x483: {  	v33 =	vld [tilespmem:$0x1F8D0];
	v9 =	vor.u32 v37, v5  }
0x484: {  	v38 =	vld [tilespmem:$0x1FF40];
	_ =	sdelay $0x2  }
0x485: {  	[tilespmem:v7+s25+$0x0] =	vst.idx.msk $0xffff, v6  }
0x486: {  	v7 =	vor.u32 v33, v4;
	v6 =	vld.idx.msk [tilespmem:v9+s29+$0x0], $0xffff  }
0x487: {  	v9 =	vor.u32 v38, v5  }
0x488: {  	v34 =	vld [tilespmem:$0x1F8E0];
	_ =	sdelay $0x2  }
0x489: {  	s23 =	sor.u32 $0x10, s22;
	[tilespmem:v7+s25+$0x0] =	vst.idx.msk $0xffff, v6  }
0x48a: {  	v6 =	vld.idx.msk [tilespmem:v9+s29+$0x0], $0xffff;
	v9 =	vor.u32 s23, v10;
	s23 =	sor.u32 $0x20, s22  }
0x48b: {  	v7 =	vor.u32 v34, v4;
	v11 =	vshll.u32 v9, $0x6;
	v15 =	vor.u32 s23, v10;
	s23 =	sor.u32 $0x30, s22  }
0x48c: {  	v16 =	vor.u32 v10, v11;
	v12 =	vshll.u32 v15, $0x6;
	v17 =	vor.u32 s23, v10  }
0x48d: {  	v18 =	vor.u32 v10, v12;
	v13 =	vshll.u32 v17, $0x6  }
0x48e: {  	v19 =	vor.u32 v10, v13;
	_ =	sdelay $0x1  }
0x48f: {  	[tilespmem:v7+s25+$0x0] =	vst.idx.msk $0xffff, v6;
	v6 =	vand.u32 $0x58, v9  }
0x490: {  	v7 =	vand.u32 $0x68, v15;
	v20 =	vor.u32 v22, v6;
	v16 =	vld.idx.msk [tilespmem:v16+s29+$0x0], $0xffff  }
0x491: {  	v15 =	vor.u32 v23, v11;
	v9 =	vand.u32 $0x78, v17;
	v21 =	vor.u32 v22, v7;
	v18 =	vld.idx.msk [tilespmem:v18+s29+$0x0], $0xffff  }
0x492: {  	v17 =	vor.u32 v23, v12;
	v22 =	vor.u32 v22, v9;
	v19 =	vld.idx.msk [tilespmem:v19+s29+$0x0], $0xffff  }
0x493: {  	v23 =	vor.u32 v23, v13;
	_ =	sdelay $0x1  }
0x494: {  	[tilespmem:v20+s25+$0x0] =	vst.idx.msk $0xffff, v16  }
0x495: {  	v16 =	vor.u32 v24, v6;
	v15 =	vld.idx.msk [tilespmem:v15+s29+$0x0], $0xffff;
	[tilespmem:v21+s25+$0x0] =	vst.idx.msk $0xffff, v18  }
0x496: {  	v20 =	vor.u32 v24, v7;
	v18 =	vor.u32 v35, v11;
	v17 =	vld.idx.msk [tilespmem:v17+s29+$0x0], $0xffff;
	[tilespmem:v22+s25+$0x0] =	vst.idx.msk $0xffff, v19  }
0x497: {  	v19 =	vor.u32 v35, v12;
	v22 =	vor.u32 v24, v9;
	v21 =	vld.idx.msk [tilespmem:v23+s29+$0x0], $0xffff  }
0x498: {  	v35 =	vor.u32 v35, v13;
	_ =	sdelay $0x1  }
0x499: {  	[tilespmem:v16+s25+$0x0] =	vst.idx.msk $0xffff, v15  }
0x49a: {  	v16 =	vor.u32 v25, v6;
	v15 =	vld.idx.msk [tilespmem:v18+s29+$0x0], $0xffff;
	[tilespmem:v20+s25+$0x0] =	vst.idx.msk $0xffff, v17  }
0x49b: {  	v17 =	vor.u32 v36, v11;
	v18 =	vld.idx.msk [tilespmem:v19+s29+$0x0], $0xffff;
	v19 =	vor.u32 v25, v7;
	[tilespmem:v22+s25+$0x0] =	vst.idx.msk $0xffff, v21  }
0x49c: {  	v20 =	vor.u32 v36, v12;
	v22 =	vor.u32 v25, v9;
	v21 =	vld.idx.msk [tilespmem:v35+s29+$0x0], $0xffff  }
0x49d: {  	v35 =	vor.u32 v36, v13;
	_ =	sdelay $0x1  }
0x49e: {  	v26 =	vld [tilespmem:$0x1FB90];
	[tilespmem:v16+s25+$0x0] =	vst.idx.msk $0xffff, v15  }
0x49f: {  	v16 =	vor.u32 v32, v6;
	v15 =	vld.idx.msk [tilespmem:v17+s29+$0x0], $0xffff;
	[tilespmem:v19+s25+$0x0] =	vst.idx.msk $0xffff, v18  }
0x4a0: {  	v36 =	vor.u32 v32, v7;
	v17 =	vor.u32 v37, v11;
	v18 =	vld.idx.msk [tilespmem:v20+s29+$0x0], $0xffff;
	[tilespmem:v22+s25+$0x0] =	vst.idx.msk $0xffff, v21  }
0x4a1: {  	v32 =	vor.u32 v32, v9;
	v20 =	vor.u32 v37, v12;
	v21 =	vld.idx.msk [tilespmem:v35+s29+$0x0], $0xffff  }
0x4a2: {  	v35 =	vor.u32 v37, v13;
	_ =	sdelay $0x1  }
0x4a3: {  	v25 =	vld [tilespmem:$0x1F900];
	[tilespmem:v16+s25+$0x0] =	vst.idx.msk $0xffff, v15  }
0x4a4: {  	v14 =	vor.u32 v26, v5;
	v16 =	vor.u32 v33, v6;
	v15 =	vld.idx.msk [tilespmem:v17+s29+$0x0], $0xffff;
	[tilespmem:v36+s25+$0x0] =	vst.idx.msk $0xffff, v18  }
0x4a5: {  	v37 =	vor.u32 v33, v7;
	v36 =	vor.u32 v38, v11;
	v18 =	vld.idx.msk [tilespmem:v20+s29+$0x0], $0xffff;
	[tilespmem:v32+s25+$0x0] =	vst.idx.msk $0xffff, v21  }
0x4a6: {  	v33 =	vor.u32 v33, v9;
	v32 =	vor.u32 v38, v12;
	v21 =	vld.idx.msk [tilespmem:v35+s29+$0x0], $0xffff;
	_ =	sdelay $0x1  }
0x4a7: {  	v35 =	vor.u32 v38, v13  }
0x4a8: {  	v14 =	vld.idx.msk [tilespmem:v14+s29+$0x0], $0xffff;
	[tilespmem:v16+s25+$0x0] =	vst.idx.msk $0xffff, v15  }
0x4a9: {  	v24 =	vor.u32 v25, v4;
	v38 =	vor.u32 v34, v7;
	v15 =	vld.idx.msk [tilespmem:v36+s29+$0x0], $0xffff;
	[tilespmem:v37+s25+$0x0] =	vst.idx.msk $0xffff, v18  }
0x4aa: {  	v36 =	vor.u32 v34, v6;
	v37 =	vor.u32 v26, v11;
	v18 =	vld.idx.msk [tilespmem:v32+s29+$0x0], $0xffff;
	[tilespmem:v33+s25+$0x0] =	vst.idx.msk $0xffff, v21  }
0x4ab: {  	v32 =	vor.u32 v26, v12;
	v33 =	vor.u32 v34, v9;
	v34 =	vor.u32 v26, v13;
	v26 =	vld [tilespmem:$0x1FF50]  }
0x4ac: {  	v21 =	vld.idx.msk [tilespmem:v35+s29+$0x0], $0xffff;
	_ =	sdelay $0x1  }
0x4ad: {  	[tilespmem:v24+s25+$0x0] =	vst.idx.msk $0xffff, v14  }
0x4ae: {  	v24 =	vld [tilespmem:$0x1F920];
	[tilespmem:v36+s25+$0x0] =	vst.idx.msk $0xffff, v15  }
0x4af: {  	v36 =	vor.u32 v25, v6;
	v35 =	vor.u32 v26, v5;
	v16 =	vld.idx.msk [tilespmem:v37+s29+$0x0], $0xffff;
	[tilespmem:v38+s25+$0x0] =	vst.idx.msk $0xffff, v18  }
0x4b0: {  	v37 =	vor.u32 v26, v11;
	v38 =	vor.u32 v25, v7;
	v19 =	vld.idx.msk [tilespmem:v32+s29+$0x0], $0xffff;
	[tilespmem:v33+s25+$0x0] =	vst.idx.msk $0xffff, v21  }
0x4b1: {  	v32 =	vor.u32 v26, v12;
	v33 =	vor.u32 v25, v9;
	v25 =	vor.u32 v26, v13;
	v26 =	vld [tilespmem:$0x1FBA0]  }
0x4b2: {  	v22 =	vld.idx.msk [tilespmem:v34+s29+$0x0], $0xffff;
	_ =	sdelay $0x1  }
0x4b3: {  	v14 =	vld.idx.msk [tilespmem:v35+s29+$0x0], $0xffff;
	[tilespmem:v36+s25+$0x0] =	vst.idx.msk $0xffff, v16  }
0x4b4: {  	v34 =	vor.u32 v24, v4;
	v17 =	vld.idx.msk [tilespmem:v37+s29+$0x0], $0xffff;
	[tilespmem:v38+s25+$0x0] =	vst.idx.msk $0xffff, v19  }
0x4b5: {  	v18 =	vor.u32 v24, v6;
	v35 =	vor.u32 v26, v5;
	v20 =	vld.idx.msk [tilespmem:v32+s29+$0x0], $0xffff  }
0x4b6: {  	v36 =	vor.u32 v26, v11;
	v37 =	vor.u32 v24, v7;
	[tilespmem:v33+s25+$0x0] =	vst.idx.msk $0xffff, v22;
	v32 =	vld [tilespmem:$0x1FC50]  }
0x4b7: {  	v38 =	vor.u32 v26, v12;
	v23 =	vld.idx.msk [tilespmem:v25+s29+$0x0], $0xffff  }
0x4b8: {  	v24 =	vor.u32 v24, v9;
	v25 =	vor.u32 v26, v13;
	v26 =	vld [tilespmem:$0x1FF60]  }
0x4b9: {  	[tilespmem:v34+s25+$0x0] =	vst.idx.msk $0xffff, v14  }
0x4ba: {  	v14 =	vld.idx.msk [tilespmem:v35+s29+$0x0], $0xffff;
	[tilespmem:v18+s25+$0x0] =	vst.idx.msk $0xffff, v17  }
0x4bb: {  	v17 =	vld.idx.msk [tilespmem:v36+s29+$0x0], $0xffff;
	[tilespmem:v37+s25+$0x0] =	vst.idx.msk $0xffff, v20  }
0x4bc: {  	v34 =	vor.u32 v32, v4;
	v18 =	vor.u32 v32, v6;
	v37 =	vor.u32 v32, v7;
	v20 =	vld.idx.msk [tilespmem:v38+s29+$0x0], $0xffff  }
0x4bd: {  	v35 =	vor.u32 v26, v5;
	[tilespmem:v24+s25+$0x0] =	vst.idx.msk $0xffff, v23;
	v24 =	vor.u32 v32, v9;
	v32 =	vld [tilespmem:$0x1FC60]  }
0x4be: {  	v36 =	vor.u32 v26, v11;
	v23 =	vld.idx.msk [tilespmem:v25+s29+$0x0], $0xffff  }
0x4bf: {  	v38 =	vor.u32 v26, v12;
	v25 =	vor.u32 v26, v13;
	v26 =	vld [tilespmem:$0x1FBB0];
	_ =	sdelay $0x1  }
0x4c0: {  	[tilespmem:v34+s25+$0x0] =	vst.idx.msk $0xffff, v14  }
0x4c1: {  	[tilespmem:v18+s25+$0x0] =	vst.idx.msk $0xffff, v17;
	v14 =	vld.idx.msk [tilespmem:v35+s29+$0x0], $0xffff  }
0x4c2: {  	v34 =	vor.u32 v32, v4;
	v17 =	vld.idx.msk [tilespmem:v36+s29+$0x0], $0xffff;
	[tilespmem:v37+s25+$0x0] =	vst.idx.msk $0xffff, v20  }
0x4c3: {  	v18 =	vor.u32 v32, v6;
	v37 =	vor.u32 v32, v7;
	v35 =	vor.u32 v26, v5;
	v20 =	vld.idx.msk [tilespmem:v38+s29+$0x0], $0xffff  }
0x4c4: {  	v36 =	vor.u32 v26, v11;
	[tilespmem:v24+s25+$0x0] =	vst.idx.msk $0xffff, v23;
	v24 =	vor.u32 v32, v9;
	v32 =	vld [tilespmem:$0x1F940]  }
0x4c5: {  	v38 =	vor.u32 v26, v12;
	v23 =	vld.idx.msk [tilespmem:v25+s29+$0x0], $0xffff  }
0x4c6: {  	v25 =	vor.u32 v26, v13;
	v26 =	vld [tilespmem:$0x1FF70]  }
0x4c7: {  	[tilespmem:v34+s25+$0x0] =	vst.idx.msk $0xffff, v14  }
0x4c8: {  	[tilespmem:v18+s25+$0x0] =	vst.idx.msk $0xffff, v17;
	v14 =	vld.idx.msk [tilespmem:v35+s29+$0x0], $0xffff  }
0x4c9: {  	v17 =	vld.idx.msk [tilespmem:v36+s29+$0x0], $0xffff;
	[tilespmem:v37+s25+$0x0] =	vst.idx.msk $0xffff, v20  }
0x4ca: {  	v34 =	vor.u32 v32, v4;
	v20 =	vld.idx.msk [tilespmem:v38+s29+$0x0], $0xffff;
	[tilespmem:v24+s25+$0x0] =	vst.idx.msk $0xffff, v23  }
0x4cb: {  	v18 =	vor.u32 v32, v6;
	v35 =	vor.u32 v26, v5;
	v23 =	vld.idx.msk [tilespmem:v25+s29+$0x0], $0xffff  }
0x4cc: {  	v37 =	vor.u32 v32, v7;
	v36 =	vor.u32 v26, v11;
	v24 =	vor.u32 v32, v9;
	v32 =	vld [tilespmem:$0x1FC70]  }
0x4cd: {  	v38 =	vor.u32 v26, v12;
	v25 =	vor.u32 v26, v13;
	v26 =	vld [tilespmem:$0x1FBC0];
	_ =	sdelay $0x1  }
0x4ce: {  	[tilespmem:v34+s25+$0x0] =	vst.idx.msk $0xffff, v14  }
0x4cf: {  	[tilespmem:v18+s25+$0x0] =	vst.idx.msk $0xffff, v17;
	v14 =	vld.idx.msk [tilespmem:v35+s29+$0x0], $0xffff  }
0x4d0: {  	v17 =	vld.idx.msk [tilespmem:v36+s29+$0x0], $0xffff;
	[tilespmem:v37+s25+$0x0] =	vst.idx.msk $0xffff, v20  }
0x4d1: {  	v34 =	vor.u32 v32, v4;
	v35 =	vor.u32 v26, v5;
	v18 =	vor.u32 v32, v6;
	v20 =	vld.idx.msk [tilespmem:v38+s29+$0x0], $0xffff  }
0x4d2: {  	v37 =	vor.u32 v32, v7;
	[tilespmem:v24+s25+$0x0] =	vst.idx.msk $0xffff, v23;
	v24 =	vor.u32 v32, v9;
	v32 =	vld [tilespmem:$0x1FC80]  }
0x4d3: {  	v36 =	vor.u32 v26, v11;
	v23 =	vld.idx.msk [tilespmem:v25+s29+$0x0], $0xffff  }
0x4d4: {  	v38 =	vor.u32 v26, v12;
	v25 =	vor.u32 v26, v13;
	v26 =	vld [tilespmem:$0x1FF80];
	_ =	sdelay $0x1  }
0x4d5: {  	[tilespmem:v34+s25+$0x0] =	vst.idx.msk $0xffff, v14  }
0x4d6: {  	[tilespmem:v18+s25+$0x0] =	vst.idx.msk $0xffff, v17;
	v14 =	vld.idx.msk [tilespmem:v35+s29+$0x0], $0xffff  }
0x4d7: {  	v34 =	vor.u32 v32, v4;
	[tilespmem:v37+s25+$0x0] =	vst.idx.msk $0xffff, v20;
	v17 =	vld.idx.msk [tilespmem:v36+s29+$0x0], $0xffff  }
0x4d8: {  	v18 =	vor.u32 v32, v6;
	v37 =	vor.u32 v32, v7;
	v35 =	vor.u32 v26, v5;
	v20 =	vld.idx.msk [tilespmem:v38+s29+$0x0], $0xffff  }
0x4d9: {  	v36 =	vor.u32 v26, v11;
	[tilespmem:v24+s25+$0x0] =	vst.idx.msk $0xffff, v23;
	v24 =	vor.u32 v32, v9;
	v32 =	vld [tilespmem:$0x1FC90]  }
0x4da: {  	v38 =	vor.u32 v26, v12;
	v23 =	vld.idx.msk [tilespmem:v25+s29+$0x0], $0xffff  }
0x4db: {  	v25 =	vor.u32 v26, v13;
	v26 =	vld [tilespmem:$0x1FBD0]  }
0x4dc: {  	[tilespmem:v34+s25+$0x0] =	vst.idx.msk $0xffff, v14  }
0x4dd: {  	[tilespmem:v18+s25+$0x0] =	vst.idx.msk $0xffff, v17;
	v14 =	vld.idx.msk [tilespmem:v35+s29+$0x0], $0xffff  }
0x4de: {  	[tilespmem:v37+s25+$0x0] =	vst.idx.msk $0xffff, v20;
	v17 =	vld.idx.msk [tilespmem:v36+s29+$0x0], $0xffff  }
0x4df: {  	v34 =	vor.u32 v32, v4;
	v18 =	vor.u32 v32, v6;
	v37 =	vor.u32 v32, v7;
	v20 =	vld.idx.msk [tilespmem:v38+s29+$0x0], $0xffff  }
0x4e0: {  	v35 =	vor.u32 v26, v5;
	[tilespmem:v24+s25+$0x0] =	vst.idx.msk $0xffff, v23;
	v24 =	vor.u32 v32, v9;
	v32 =	vld [tilespmem:$0x1FCA0]  }
0x4e1: {  	v36 =	vor.u32 v26, v11;
	v23 =	vld.idx.msk [tilespmem:v25+s29+$0x0], $0xffff  }
0x4e2: {  	v38 =	vor.u32 v26, v12;
	v25 =	vor.u32 v26, v13;
	v26 =	vld [tilespmem:$0x1FF90];
	_ =	sdelay $0x1  }
0x4e3: {  	[tilespmem:v34+s25+$0x0] =	vst.idx.msk $0xffff, v14  }
0x4e4: {  	[tilespmem:v18+s25+$0x0] =	vst.idx.msk $0xffff, v17;
	v14 =	vld.idx.msk [tilespmem:v35+s29+$0x0], $0xffff  }
0x4e5: {  	v34 =	vor.u32 v32, v4;
	[tilespmem:v37+s25+$0x0] =	vst.idx.msk $0xffff, v20;
	v17 =	vld.idx.msk [tilespmem:v36+s29+$0x0], $0xffff  }
0x4e6: {  	v18 =	vor.u32 v32, v6;
	v37 =	vor.u32 v32, v7;
	v35 =	vor.u32 v26, v5;
	v20 =	vld.idx.msk [tilespmem:v38+s29+$0x0], $0xffff  }
0x4e7: {  	v36 =	vor.u32 v26, v11;
	[tilespmem:v24+s25+$0x0] =	vst.idx.msk $0xffff, v23;
	v24 =	vor.u32 v32, v9;
	v32 =	vld [tilespmem:$0x1FCB0]  }
0x4e8: {  	v38 =	vor.u32 v26, v12;
	v23 =	vld.idx.msk [tilespmem:v25+s29+$0x0], $0xffff  }
0x4e9: {  	v25 =	vor.u32 v26, v13;
	v26 =	vld [tilespmem:$0x1FBE0]  }
0x4ea: {  	[tilespmem:v34+s25+$0x0] =	vst.idx.msk $0xffff, v14  }
0x4eb: {  	[tilespmem:v18+s25+$0x0] =	vst.idx.msk $0xffff, v17;
	v14 =	vld.idx.msk [tilespmem:v35+s29+$0x0], $0xffff  }
0x4ec: {  	[tilespmem:v37+s25+$0x0] =	vst.idx.msk $0xffff, v20;
	v17 =	vld.idx.msk [tilespmem:v36+s29+$0x0], $0xffff  }
0x4ed: {  	v34 =	vor.u32 v32, v4;
	v18 =	vor.u32 v32, v6;
	v37 =	vor.u32 v32, v7;
	v20 =	vld.idx.msk [tilespmem:v38+s29+$0x0], $0xffff  }
0x4ee: {  	v35 =	vor.u32 v26, v5;
	[tilespmem:v24+s25+$0x0] =	vst.idx.msk $0xffff, v23;
	v24 =	vor.u32 v32, v9;
	v32 =	vld [tilespmem:$0x1FCC0]  }
0x4ef: {  	v36 =	vor.u32 v26, v11;
	v23 =	vld.idx.msk [tilespmem:v25+s29+$0x0], $0xffff  }
0x4f0: {  	v38 =	vor.u32 v26, v12;
	v25 =	vor.u32 v26, v13;
	v26 =	vld [tilespmem:$0x1FFA0];
	_ =	sdelay $0x1  }
0x4f1: {  	[tilespmem:v34+s25+$0x0] =	vst.idx.msk $0xffff, v14  }
0x4f2: {  	[tilespmem:v18+s25+$0x0] =	vst.idx.msk $0xffff, v17;
	v14 =	vld.idx.msk [tilespmem:v35+s29+$0x0], $0xffff  }
0x4f3: {  	v34 =	vor.u32 v32, v4;
	[tilespmem:v37+s25+$0x0] =	vst.idx.msk $0xffff, v20;
	v17 =	vld.idx.msk [tilespmem:v36+s29+$0x0], $0xffff  }
0x4f4: {  	v18 =	vor.u32 v32, v6;
	v37 =	vor.u32 v32, v7;
	v35 =	vor.u32 v26, v5;
	v20 =	vld.idx.msk [tilespmem:v38+s29+$0x0], $0xffff  }
0x4f5: {  	v36 =	vor.u32 v26, v11;
	[tilespmem:v24+s25+$0x0] =	vst.idx.msk $0xffff, v23;
	v24 =	vor.u32 v32, v9;
	v32 =	vld [tilespmem:$0x1FCD0]  }
0x4f6: {  	v38 =	vor.u32 v26, v12;
	v23 =	vld.idx.msk [tilespmem:v25+s29+$0x0], $0xffff  }
0x4f7: {  	v25 =	vor.u32 v26, v13;
	v26 =	vld [tilespmem:$0x1FBF0]  }
0x4f8: {  	[tilespmem:v34+s25+$0x0] =	vst.idx.msk $0xffff, v14  }
0x4f9: {  	[tilespmem:v18+s25+$0x0] =	vst.idx.msk $0xffff, v17;
	v14 =	vld.idx.msk [tilespmem:v35+s29+$0x0], $0xffff  }
0x4fa: {  	[tilespmem:v37+s25+$0x0] =	vst.idx.msk $0xffff, v20;
	v17 =	vld.idx.msk [tilespmem:v36+s29+$0x0], $0xffff  }
0x4fb: {  	v34 =	vor.u32 v32, v4;
	v18 =	vor.u32 v32, v6;
	v37 =	vor.u32 v32, v7;
	v20 =	vld.idx.msk [tilespmem:v38+s29+$0x0], $0xffff  }
0x4fc: {  	v35 =	vor.u32 v26, v5;
	[tilespmem:v24+s25+$0x0] =	vst.idx.msk $0xffff, v23;
	v24 =	vor.u32 v32, v9;
	v32 =	vld [tilespmem:$0x1FCE0]  }
0x4fd: {  	v36 =	vor.u32 v26, v11;
	v23 =	vld.idx.msk [tilespmem:v25+s29+$0x0], $0xffff  }
0x4fe: {  	v38 =	vor.u32 v26, v12;
	v25 =	vor.u32 v26, v13;
	v26 =	vld [tilespmem:$0x1FFB0];
	_ =	sdelay $0x1  }
0x4ff: {  	[tilespmem:v34+s25+$0x0] =	vst.idx.msk $0xffff, v14  }
0x500: {  	[tilespmem:v18+s25+$0x0] =	vst.idx.msk $0xffff, v17;
	v14 =	vld.idx.msk [tilespmem:v35+s29+$0x0], $0xffff  }
0x501: {  	v34 =	vor.u32 v32, v4;
	[tilespmem:v37+s25+$0x0] =	vst.idx.msk $0xffff, v20;
	v17 =	vld.idx.msk [tilespmem:v36+s29+$0x0], $0xffff  }
0x502: {  	v18 =	vor.u32 v32, v6;
	v37 =	vor.u32 v32, v7;
	v35 =	vor.u32 v26, v5;
	v20 =	vld.idx.msk [tilespmem:v38+s29+$0x0], $0xffff  }
0x503: {  	v36 =	vor.u32 v26, v11;
	[tilespmem:v24+s25+$0x0] =	vst.idx.msk $0xffff, v23;
	v24 =	vor.u32 v32, v9;
	v32 =	vld [tilespmem:$0x1FCF0]  }
0x504: {  	v38 =	vor.u32 v26, v12;
	v23 =	vld.idx.msk [tilespmem:v25+s29+$0x0], $0xffff  }
0x505: {  	v25 =	vor.u32 v26, v13;
	v26 =	vld [tilespmem:$0x1FC00]  }
0x506: {  	[tilespmem:v34+s25+$0x0] =	vst.idx.msk $0xffff, v14  }
0x507: {  	[tilespmem:v18+s25+$0x0] =	vst.idx.msk $0xffff, v17;
	v14 =	vld.idx.msk [tilespmem:v35+s29+$0x0], $0xffff  }
0x508: {  	[tilespmem:v37+s25+$0x0] =	vst.idx.msk $0xffff, v20;
	v17 =	vld.idx.msk [tilespmem:v36+s29+$0x0], $0xffff  }
0x509: {  	v34 =	vor.u32 v32, v4;
	v18 =	vor.u32 v32, v6;
	v37 =	vor.u32 v32, v7;
	v20 =	vld.idx.msk [tilespmem:v38+s29+$0x0], $0xffff  }
0x50a: {  	v35 =	vor.u32 v26, v5;
	[tilespmem:v24+s25+$0x0] =	vst.idx.msk $0xffff, v23;
	v24 =	vor.u32 v32, v9;
	v32 =	vld [tilespmem:$0x1FD00]  }
0x50b: {  	v36 =	vor.u32 v26, v11;
	v23 =	vld.idx.msk [tilespmem:v25+s29+$0x0], $0xffff  }
0x50c: {  	v38 =	vor.u32 v26, v12;
	v25 =	vor.u32 v26, v13;
	v26 =	vld [tilespmem:$0x1FFC0];
	_ =	sdelay $0x1  }
0x50d: {  	[tilespmem:v34+s25+$0x0] =	vst.idx.msk $0xffff, v14  }
0x50e: {  	[tilespmem:v18+s25+$0x0] =	vst.idx.msk $0xffff, v17;
	v14 =	vld.idx.msk [tilespmem:v35+s29+$0x0], $0xffff  }
0x50f: {  	v34 =	vor.u32 v32, v4;
	[tilespmem:v37+s25+$0x0] =	vst.idx.msk $0xffff, v20;
	v17 =	vld.idx.msk [tilespmem:v36+s29+$0x0], $0xffff  }
0x510: {  	v18 =	vor.u32 v32, v6;
	v37 =	vor.u32 v32, v7;
	v35 =	vor.u32 v26, v5;
	v20 =	vld.idx.msk [tilespmem:v38+s29+$0x0], $0xffff  }
0x511: {  	v36 =	vor.u32 v26, v11;
	[tilespmem:v24+s25+$0x0] =	vst.idx.msk $0xffff, v23;
	v24 =	vor.u32 v32, v9;
	v32 =	vld [tilespmem:$0x1FD10]  }
0x512: {  	v38 =	vor.u32 v26, v12;
	v23 =	vld.idx.msk [tilespmem:v25+s29+$0x0], $0xffff  }
0x513: {  	v25 =	vor.u32 v26, v13;
	v26 =	vld [tilespmem:$0x1FC10]  }
0x514: {  	[tilespmem:v34+s25+$0x0] =	vst.idx.msk $0xffff, v14  }
0x515: {  	[tilespmem:v18+s25+$0x0] =	vst.idx.msk $0xffff, v17;
	v14 =	vld.idx.msk [tilespmem:v35+s29+$0x0], $0xffff  }
0x516: {  	[tilespmem:v37+s25+$0x0] =	vst.idx.msk $0xffff, v20;
	v17 =	vld.idx.msk [tilespmem:v36+s29+$0x0], $0xffff  }
0x517: {  	v34 =	vor.u32 v32, v4;
	v18 =	vor.u32 v32, v6;
	v37 =	vor.u32 v32, v7;
	v20 =	vld.idx.msk [tilespmem:v38+s29+$0x0], $0xffff  }
0x518: {  	v35 =	vor.u32 v26, v5;
	[tilespmem:v24+s25+$0x0] =	vst.idx.msk $0xffff, v23;
	v24 =	vor.u32 v32, v9;
	v32 =	vld [tilespmem:$0x1FD20]  }
0x519: {  	v36 =	vor.u32 v26, v11;
	v23 =	vld.idx.msk [tilespmem:v25+s29+$0x0], $0xffff  }
0x51a: {  	v38 =	vor.u32 v26, v12;
	v25 =	vor.u32 v26, v13;
	v26 =	vld [tilespmem:$0x1FFD0];
	_ =	sdelay $0x1  }
0x51b: {  	[tilespmem:v34+s25+$0x0] =	vst.idx.msk $0xffff, v14  }
0x51c: {  	v34 =	vor.u32 v32, v4;
	[tilespmem:v18+s25+$0x0] =	vst.idx.msk $0xffff, v17;
	v14 =	vld.idx.msk [tilespmem:v35+s29+$0x0], $0xffff  }
0x51d: {  	v18 =	vor.u32 v32, v6;
	[tilespmem:v37+s25+$0x0] =	vst.idx.msk $0xffff, v20;
	v37 =	vor.u32 v32, v7;
	v17 =	vld.idx.msk [tilespmem:v36+s29+$0x0], $0xffff  }
0x51e: {  	v35 =	vor.u32 v26, v5;
	[tilespmem:v24+s25+$0x0] =	vst.idx.msk $0xffff, v23;
	v24 =	vor.u32 v32, v9;
	v32 =	vld [tilespmem:$0x1FD30]  }
0x51f: {  	v36 =	vor.u32 v26, v11;
	v20 =	vld.idx.msk [tilespmem:v38+s29+$0x0], $0xffff  }
0x520: {  	v23 =	vld.idx.msk [tilespmem:v25+s29+$0x0], $0xffff  }
0x521: {  	v38 =	vor.u32 v26, v12  }
0x522: {  	v25 =	vor.u32 v26, v13;
	[tilespmem:v34+s25+$0x0] =	vst.idx.msk $0xffff, v14  }
0x523: {  	v34 =	vor.u32 v32, v4;
	[tilespmem:v18+s25+$0x0] =	vst.idx.msk $0xffff, v17;
	v14 =	vld.idx.msk [tilespmem:v35+s29+$0x0], $0xffff  }
0x524: {  	v18 =	vor.u32 v32, v6;
	[tilespmem:v37+s25+$0x0] =	vst.idx.msk $0xffff, v20;
	v37 =	vor.u32 v32, v7;
	v17 =	vld.idx.msk [tilespmem:v36+s29+$0x0], $0xffff  }
0x525: {  	v35 =	vor.u32 v27, v5;
	[tilespmem:v24+s25+$0x0] =	vst.idx.msk $0xffff, v23;
	v24 =	vor.u32 v32, v9;
	v32 =	vld [tilespmem:$0x1FD40]  }
0x526: {  	v36 =	vor.u32 v27, v11;
	v20 =	vld.idx.msk [tilespmem:v38+s29+$0x0], $0xffff  }
0x527: {  	v23 =	vld.idx.msk [tilespmem:v25+s29+$0x0], $0xffff  }
0x528: {  	v38 =	vor.u32 v27, v12  }
0x529: {  	v25 =	vor.u32 v27, v13;
	[tilespmem:v34+s25+$0x0] =	vst.idx.msk $0xffff, v14  }
0x52a: {  	v34 =	vor.u32 v32, v4;
	[tilespmem:v18+s25+$0x0] =	vst.idx.msk $0xffff, v17;
	v14 =	vld.idx.msk [tilespmem:v35+s29+$0x0], $0xffff  }
0x52b: {  	v18 =	vor.u32 v32, v6;
	[tilespmem:v37+s25+$0x0] =	vst.idx.msk $0xffff, v20;
	v37 =	vor.u32 v32, v7;
	v17 =	vld.idx.msk [tilespmem:v36+s29+$0x0], $0xffff  }
0x52c: {  	v35 =	vor.u32 v28, v5;
	[tilespmem:v24+s25+$0x0] =	vst.idx.msk $0xffff, v23;
	v24 =	vor.u32 v32, v9;
	v32 =	vld [tilespmem:$0x1FD50]  }
0x52d: {  	v36 =	vor.u32 v28, v11;
	v20 =	vld.idx.msk [tilespmem:v38+s29+$0x0], $0xffff  }
0x52e: {  	v23 =	vld.idx.msk [tilespmem:v25+s29+$0x0], $0xffff  }
0x52f: {  	v38 =	vor.u32 v28, v12  }
0x530: {  	v25 =	vor.u32 v28, v13;
	[tilespmem:v34+s25+$0x0] =	vst.idx.msk $0xffff, v14  }
0x531: {  	v34 =	vor.u32 v32, v4;
	[tilespmem:v18+s25+$0x0] =	vst.idx.msk $0xffff, v17;
	v14 =	vld.idx.msk [tilespmem:v35+s29+$0x0], $0xffff  }
0x532: {  	v18 =	vor.u32 v32, v6;
	[tilespmem:v37+s25+$0x0] =	vst.idx.msk $0xffff, v20;
	v37 =	vor.u32 v32, v7;
	v17 =	vld.idx.msk [tilespmem:v36+s29+$0x0], $0xffff  }
0x533: {  	v35 =	vor.u32 v29, v5;
	[tilespmem:v24+s25+$0x0] =	vst.idx.msk $0xffff, v23;
	v24 =	vor.u32 v32, v9;
	v32 =	vld [tilespmem:$0x1F950]  }
0x534: {  	v36 =	vor.u32 v29, v11;
	v20 =	vld.idx.msk [tilespmem:v38+s29+$0x0], $0xffff  }
0x535: {  	v23 =	vld.idx.msk [tilespmem:v25+s29+$0x0], $0xffff  }
0x536: {  	v38 =	vor.u32 v29, v12  }
0x537: {  	v25 =	vor.u32 v29, v13;
	[tilespmem:v34+s25+$0x0] =	vst.idx.msk $0xffff, v14  }
0x538: {  	v34 =	vor.u32 v32, v4;
	[tilespmem:v18+s25+$0x0] =	vst.idx.msk $0xffff, v17;
	v14 =	vld.idx.msk [tilespmem:v35+s29+$0x0], $0xffff  }
0x539: {  	v18 =	vor.u32 v32, v6;
	[tilespmem:v37+s25+$0x0] =	vst.idx.msk $0xffff, v20;
	v37 =	vor.u32 v32, v7;
	v17 =	vld.idx.msk [tilespmem:v36+s29+$0x0], $0xffff  }
0x53a: {  	v35 =	vor.u32 v30, v5;
	[tilespmem:v24+s25+$0x0] =	vst.idx.msk $0xffff, v23;
	v24 =	vor.u32 v32, v9;
	v32 =	vld [tilespmem:$0x1F960]  }
0x53b: {  	v36 =	vor.u32 v30, v11;
	v20 =	vld.idx.msk [tilespmem:v38+s29+$0x0], $0xffff  }
0x53c: {  	v23 =	vld.idx.msk [tilespmem:v25+s29+$0x0], $0xffff  }
0x53d: {  	v38 =	vor.u32 v30, v12  }
0x53e: {  	v25 =	vor.u32 v30, v13;
	[tilespmem:v34+s25+$0x0] =	vst.idx.msk $0xffff, v14  }
0x53f: {  	v34 =	vor.u32 v32, v4;
	[tilespmem:v18+s25+$0x0] =	vst.idx.msk $0xffff, v17;
	v14 =	vld.idx.msk [tilespmem:v35+s29+$0x0], $0xffff  }
0x540: {  	v18 =	vor.u32 v32, v6;
	[tilespmem:v37+s25+$0x0] =	vst.idx.msk $0xffff, v20;
	v37 =	vor.u32 v32, v7;
	v17 =	vld.idx.msk [tilespmem:v36+s29+$0x0], $0xffff  }
0x541: {  	v35 =	vor.u32 v31, v5;
	[tilespmem:v24+s25+$0x0] =	vst.idx.msk $0xffff, v23;
	v24 =	vor.u32 v32, v9;
	v32 =	vld [tilespmem:$0x1F970]  }
0x542: {  	v36 =	vor.u32 v31, v11;
	v20 =	vld.idx.msk [tilespmem:v38+s29+$0x0], $0xffff  }
0x543: {  	v23 =	vld.idx.msk [tilespmem:v25+s29+$0x0], $0xffff  }
0x544: {  	v38 =	vor.u32 v31, v12  }
0x545: {  	v25 =	vor.u32 v31, v13;
	[tilespmem:v34+s25+$0x0] =	vst.idx.msk $0xffff, v14  }
0x546: {  	v34 =	vor.u32 v32, v4;
	[tilespmem:v18+s25+$0x0] =	vst.idx.msk $0xffff, v17;
	v14 =	vld.idx.msk [tilespmem:v35+s29+$0x0], $0xffff  }
0x547: {  	v18 =	vor.u32 v32, v6;
	[tilespmem:v37+s25+$0x0] =	vst.idx.msk $0xffff, v20;
	v37 =	vor.u32 v32, v7;
	v17 =	vld.idx.msk [tilespmem:v36+s29+$0x0], $0xffff  }
0x548: {  	v35 =	vor.u32 v39, v5;
	[tilespmem:v24+s25+$0x0] =	vst.idx.msk $0xffff, v23;
	v24 =	vor.u32 v32, v9;
	v32 =	vld [tilespmem:$0x1F980]  }
0x549: {  	v36 =	vor.u32 v39, v11;
	v20 =	vld.idx.msk [tilespmem:v38+s29+$0x0], $0xffff  }
0x54a: {  	v23 =	vld.idx.msk [tilespmem:v25+s29+$0x0], $0xffff  }
0x54b: {  	v38 =	vor.u32 v39, v12  }
0x54c: {  	v25 =	vor.u32 v39, v13;
	[tilespmem:v34+s25+$0x0] =	vst.idx.msk $0xffff, v14  }
0x54d: {  	v34 =	vor.u32 v32, v4;
	[tilespmem:v18+s25+$0x0] =	vst.idx.msk $0xffff, v17;
	v14 =	vld.idx.msk [tilespmem:v35+s29+$0x0], $0xffff  }
0x54e: {  	v18 =	vor.u32 v32, v6;
	[tilespmem:v37+s25+$0x0] =	vst.idx.msk $0xffff, v20;
	v37 =	vor.u32 v32, v7;
	v17 =	vld.idx.msk [tilespmem:v36+s29+$0x0], $0xffff  }
0x54f: {  	v35 =	vor.u32 v40, v5;
	[tilespmem:v24+s25+$0x0] =	vst.idx.msk $0xffff, v23;
	v24 =	vor.u32 v32, v9;
	v32 =	vld [tilespmem:$0x1F990]  }
0x550: {  	v36 =	vor.u32 v40, v11;
	v20 =	vld.idx.msk [tilespmem:v38+s29+$0x0], $0xffff  }
0x551: {  	v23 =	vld.idx.msk [tilespmem:v25+s29+$0x0], $0xffff  }
0x552: {  	v38 =	vor.u32 v40, v12  }
0x553: {  	v25 =	vor.u32 v40, v13;
	[tilespmem:v34+s25+$0x0] =	vst.idx.msk $0xffff, v14  }
0x554: {  	v34 =	vor.u32 v32, v4;
	[tilespmem:v18+s25+$0x0] =	vst.idx.msk $0xffff, v17;
	v14 =	vld.idx.msk [tilespmem:v35+s29+$0x0], $0xffff  }
0x555: {  	v18 =	vor.u32 v32, v6;
	[tilespmem:v37+s25+$0x0] =	vst.idx.msk $0xffff, v20;
	v37 =	vor.u32 v32, v7;
	v17 =	vld.idx.msk [tilespmem:v36+s29+$0x0], $0xffff  }
0x556: {  	v35 =	vor.u32 v41, v5;
	[tilespmem:v24+s25+$0x0] =	vst.idx.msk $0xffff, v23;
	v24 =	vor.u32 v32, v9;
	v32 =	vld [tilespmem:$0x1F9A0]  }
0x557: {  	v36 =	vor.u32 v41, v11;
	v20 =	vld.idx.msk [tilespmem:v38+s29+$0x0], $0xffff  }
0x558: {  	v23 =	vld.idx.msk [tilespmem:v25+s29+$0x0], $0xffff  }
0x559: {  	v38 =	vor.u32 v41, v12  }
0x55a: {  	v25 =	vor.u32 v41, v13;
	[tilespmem:v34+s25+$0x0] =	vst.idx.msk $0xffff, v14  }
0x55b: {  	v34 =	vor.u32 v32, v4;
	[tilespmem:v18+s25+$0x0] =	vst.idx.msk $0xffff, v17;
	v14 =	vld.idx.msk [tilespmem:v35+s29+$0x0], $0xffff  }
0x55c: {  	v18 =	vor.u32 v32, v6;
	[tilespmem:v37+s25+$0x0] =	vst.idx.msk $0xffff, v20;
	v37 =	vor.u32 v32, v7;
	v17 =	vld.idx.msk [tilespmem:v36+s29+$0x0], $0xffff  }
0x55d: {  	v35 =	vor.u32 v42, v5;
	[tilespmem:v24+s25+$0x0] =	vst.idx.msk $0xffff, v23;
	v24 =	vor.u32 v32, v9;
	v32 =	vld [tilespmem:$0x1F9B0]  }
0x55e: {  	v36 =	vor.u32 v42, v11;
	v20 =	vld.idx.msk [tilespmem:v38+s29+$0x0], $0xffff  }
0x55f: {  	v23 =	vld.idx.msk [tilespmem:v25+s29+$0x0], $0xffff  }
0x560: {  	v38 =	vor.u32 v42, v12  }
0x561: {  	v25 =	vor.u32 v42, v13;
	[tilespmem:v34+s25+$0x0] =	vst.idx.msk $0xffff, v14  }
0x562: {  	v34 =	vor.u32 v32, v4;
	[tilespmem:v18+s25+$0x0] =	vst.idx.msk $0xffff, v17;
	v14 =	vld.idx.msk [tilespmem:v35+s29+$0x0], $0xffff  }
0x563: {  	v18 =	vor.u32 v32, v6;
	[tilespmem:v37+s25+$0x0] =	vst.idx.msk $0xffff, v20;
	v37 =	vor.u32 v32, v7;
	v17 =	vld.idx.msk [tilespmem:v36+s29+$0x0], $0xffff  }
0x564: {  	v35 =	vor.u32 v43, v5;
	[tilespmem:v24+s25+$0x0] =	vst.idx.msk $0xffff, v23;
	v24 =	vor.u32 v32, v9;
	v32 =	vld [tilespmem:$0x1F9C0]  }
0x565: {  	v36 =	vor.u32 v43, v11;
	v20 =	vld.idx.msk [tilespmem:v38+s29+$0x0], $0xffff  }
0x566: {  	v23 =	vld.idx.msk [tilespmem:v25+s29+$0x0], $0xffff  }
0x567: {  	v38 =	vor.u32 v43, v12  }
0x568: {  	v25 =	vor.u32 v43, v13;
	[tilespmem:v34+s25+$0x0] =	vst.idx.msk $0xffff, v14  }
0x569: {  	v34 =	vor.u32 v32, v4;
	[tilespmem:v18+s25+$0x0] =	vst.idx.msk $0xffff, v17;
	v14 =	vld.idx.msk [tilespmem:v35+s29+$0x0], $0xffff  }
0x56a: {  	v18 =	vor.u32 v32, v6;
	[tilespmem:v37+s25+$0x0] =	vst.idx.msk $0xffff, v20;
	v37 =	vor.u32 v32, v7;
	v17 =	vld.idx.msk [tilespmem:v36+s29+$0x0], $0xffff  }
0x56b: {  	v35 =	vor.u32 v44, v5;
	[tilespmem:v24+s25+$0x0] =	vst.idx.msk $0xffff, v23;
	v24 =	vor.u32 v32, v9;
	v32 =	vld [tilespmem:$0x1F9D0]  }
0x56c: {  	v36 =	vor.u32 v44, v11;
	v20 =	vld.idx.msk [tilespmem:v38+s29+$0x0], $0xffff  }
0x56d: {  	v23 =	vld.idx.msk [tilespmem:v25+s29+$0x0], $0xffff  }
0x56e: {  	v38 =	vor.u32 v44, v12  }
0x56f: {  	v25 =	vor.u32 v44, v13;
	[tilespmem:v34+s25+$0x0] =	vst.idx.msk $0xffff, v14  }
0x570: {  	v34 =	vor.u32 v32, v4;
	[tilespmem:v18+s25+$0x0] =	vst.idx.msk $0xffff, v17;
	v14 =	vld.idx.msk [tilespmem:v35+s29+$0x0], $0xffff  }
0x571: {  	v18 =	vor.u32 v32, v6;
	[tilespmem:v37+s25+$0x0] =	vst.idx.msk $0xffff, v20;
	v37 =	vor.u32 v32, v7;
	v17 =	vld.idx.msk [tilespmem:v36+s29+$0x0], $0xffff  }
0x572: {  	v35 =	vor.u32 v45, v5;
	[tilespmem:v24+s25+$0x0] =	vst.idx.msk $0xffff, v23;
	v24 =	vor.u32 v32, v9;
	v32 =	vld [tilespmem:$0x1F9E0]  }
0x573: {  	v36 =	vor.u32 v45, v11;
	v20 =	vld.idx.msk [tilespmem:v38+s29+$0x0], $0xffff  }
0x574: {  	v23 =	vld.idx.msk [tilespmem:v25+s29+$0x0], $0xffff  }
0x575: {  	v38 =	vor.u32 v45, v12  }
0x576: {  	v25 =	vor.u32 v45, v13;
	[tilespmem:v34+s25+$0x0] =	vst.idx.msk $0xffff, v14  }
0x577: {  	v34 =	vor.u32 v32, v4;
	[tilespmem:v18+s25+$0x0] =	vst.idx.msk $0xffff, v17;
	v14 =	vld.idx.msk [tilespmem:v35+s29+$0x0], $0xffff  }
0x578: {  	v18 =	vor.u32 v32, v6;
	[tilespmem:v37+s25+$0x0] =	vst.idx.msk $0xffff, v20;
	v37 =	vor.u32 v32, v7;
	v17 =	vld.idx.msk [tilespmem:v36+s29+$0x0], $0xffff  }
0x579: {  	v35 =	vor.u32 v46, v5;
	[tilespmem:v24+s25+$0x0] =	vst.idx.msk $0xffff, v23;
	v24 =	vor.u32 v32, v9;
	v32 =	vld [tilespmem:$0x1F9F0]  }
0x57a: {  	v36 =	vor.u32 v46, v11;
	v20 =	vld.idx.msk [tilespmem:v38+s29+$0x0], $0xffff  }
0x57b: {  	v23 =	vld.idx.msk [tilespmem:v25+s29+$0x0], $0xffff  }
0x57c: {  	v38 =	vor.u32 v46, v12  }
0x57d: {  	v25 =	vor.u32 v46, v13;
	[tilespmem:v34+s25+$0x0] =	vst.idx.msk $0xffff, v14  }
0x57e: {  	v34 =	vor.u32 v32, v4;
	[tilespmem:v18+s25+$0x0] =	vst.idx.msk $0xffff, v17;
	v14 =	vld.idx.msk [tilespmem:v35+s29+$0x0], $0xffff  }
0x57f: {  	v18 =	vor.u32 v32, v6;
	[tilespmem:v37+s25+$0x0] =	vst.idx.msk $0xffff, v20;
	v37 =	vor.u32 v32, v7;
	v17 =	vld.idx.msk [tilespmem:v36+s29+$0x0], $0xffff  }
0x580: {  	v35 =	vor.u32 v47, v5;
	[tilespmem:v24+s25+$0x0] =	vst.idx.msk $0xffff, v23;
	v24 =	vor.u32 v32, v9;
	v32 =	vld [tilespmem:$0x1FA00]  }
0x581: {  	v36 =	vor.u32 v47, v11;
	v20 =	vld.idx.msk [tilespmem:v38+s29+$0x0], $0xffff  }
0x582: {  	v23 =	vld.idx.msk [tilespmem:v25+s29+$0x0], $0xffff  }
0x583: {  	v38 =	vor.u32 v47, v12  }
0x584: {  	v25 =	vor.u32 v47, v13;
	[tilespmem:v34+s25+$0x0] =	vst.idx.msk $0xffff, v14  }
0x585: {  	v34 =	vor.u32 v32, v4;
	[tilespmem:v18+s25+$0x0] =	vst.idx.msk $0xffff, v17;
	v14 =	vld.idx.msk [tilespmem:v35+s29+$0x0], $0xffff  }
0x586: {  	v18 =	vor.u32 v32, v6;
	[tilespmem:v37+s25+$0x0] =	vst.idx.msk $0xffff, v20;
	v37 =	vor.u32 v32, v7;
	v17 =	vld.idx.msk [tilespmem:v36+s29+$0x0], $0xffff  }
0x587: {  	v35 =	vor.u32 v48, v5;
	[tilespmem:v24+s25+$0x0] =	vst.idx.msk $0xffff, v23;
	v24 =	vor.u32 v32, v9;
	v32 =	vld [tilespmem:$0x1FA10]  }
0x588: {  	v36 =	vor.u32 v48, v11;
	v20 =	vld.idx.msk [tilespmem:v38+s29+$0x0], $0xffff  }
0x589: {  	v23 =	vld.idx.msk [tilespmem:v25+s29+$0x0], $0xffff  }
0x58a: {  	v38 =	vor.u32 v48, v12  }
0x58b: {  	v25 =	vor.u32 v48, v13;
	[tilespmem:v34+s25+$0x0] =	vst.idx.msk $0xffff, v14  }
0x58c: {  	v34 =	vor.u32 v32, v4;
	[tilespmem:v18+s25+$0x0] =	vst.idx.msk $0xffff, v17;
	v14 =	vld.idx.msk [tilespmem:v35+s29+$0x0], $0xffff  }
0x58d: {  	v18 =	vor.u32 v32, v6;
	[tilespmem:v37+s25+$0x0] =	vst.idx.msk $0xffff, v20;
	v37 =	vor.u32 v32, v7;
	v17 =	vld.idx.msk [tilespmem:v36+s29+$0x0], $0xffff  }
0x58e: {  	v35 =	vor.u32 v49, v5;
	[tilespmem:v24+s25+$0x0] =	vst.idx.msk $0xffff, v23;
	v24 =	vor.u32 v32, v9;
	v32 =	vld [tilespmem:$0x1FD60]  }
0x58f: {  	v36 =	vor.u32 v49, v11;
	v20 =	vld.idx.msk [tilespmem:v38+s29+$0x0], $0xffff  }
0x590: {  	v23 =	vld.idx.msk [tilespmem:v25+s29+$0x0], $0xffff  }
0x591: {  	v38 =	vor.u32 v49, v12  }
0x592: {  	v25 =	vor.u32 v49, v13;
	[tilespmem:v34+s25+$0x0] =	vst.idx.msk $0xffff, v14  }
0x593: {  	v34 =	vor.u32 v32, v4;
	[tilespmem:v18+s25+$0x0] =	vst.idx.msk $0xffff, v17;
	v14 =	vld.idx.msk [tilespmem:v35+s29+$0x0], $0xffff  }
0x594: {  	v18 =	vor.u32 v32, v6;
	[tilespmem:v37+s25+$0x0] =	vst.idx.msk $0xffff, v20;
	v37 =	vor.u32 v32, v7;
	v17 =	vld.idx.msk [tilespmem:v36+s29+$0x0], $0xffff  }
0x595: {  	v35 =	vor.u32 v50, v5;
	[tilespmem:v24+s25+$0x0] =	vst.idx.msk $0xffff, v23;
	v24 =	vor.u32 v32, v9;
	v32 =	vld [tilespmem:$0x1FD70]  }
0x596: {  	v36 =	vor.u32 v50, v11;
	v20 =	vld.idx.msk [tilespmem:v38+s29+$0x0], $0xffff  }
0x597: {  	v23 =	vld.idx.msk [tilespmem:v25+s29+$0x0], $0xffff  }
0x598: {  	v38 =	vor.u32 v50, v12  }
0x599: {  	v25 =	vor.u32 v50, v13;
	[tilespmem:v34+s25+$0x0] =	vst.idx.msk $0xffff, v14  }
0x59a: {  	v34 =	vor.u32 v32, v4;
	[tilespmem:v18+s25+$0x0] =	vst.idx.msk $0xffff, v17;
	v14 =	vld.idx.msk [tilespmem:v35+s29+$0x0], $0xffff  }
0x59b: {  	v18 =	vor.u32 v32, v6;
	[tilespmem:v37+s25+$0x0] =	vst.idx.msk $0xffff, v20;
	v37 =	vor.u32 v32, v7;
	v17 =	vld.idx.msk [tilespmem:v36+s29+$0x0], $0xffff  }
0x59c: {  	v35 =	vor.u32 v51, v5;
	[tilespmem:v24+s25+$0x0] =	vst.idx.msk $0xffff, v23;
	v24 =	vor.u32 v32, v9;
	v32 =	vld [tilespmem:$0x1FD80]  }
0x59d: {  	v36 =	vor.u32 v51, v11;
	v20 =	vld.idx.msk [tilespmem:v38+s29+$0x0], $0xffff  }
0x59e: {  	v23 =	vld.idx.msk [tilespmem:v25+s29+$0x0], $0xffff  }
0x59f: {  	v38 =	vor.u32 v51, v12  }
0x5a0: {  	v25 =	vor.u32 v51, v13;
	[tilespmem:v34+s25+$0x0] =	vst.idx.msk $0xffff, v14  }
0x5a1: {  	v34 =	vor.u32 v32, v4;
	[tilespmem:v18+s25+$0x0] =	vst.idx.msk $0xffff, v17;
	v14 =	vld.idx.msk [tilespmem:v35+s29+$0x0], $0xffff  }
0x5a2: {  	v18 =	vor.u32 v32, v6;
	[tilespmem:v37+s25+$0x0] =	vst.idx.msk $0xffff, v20;
	v37 =	vor.u32 v32, v7;
	v17 =	vld.idx.msk [tilespmem:v36+s29+$0x0], $0xffff  }
0x5a3: {  	v35 =	vor.u32 v52, v5;
	[tilespmem:v24+s25+$0x0] =	vst.idx.msk $0xffff, v23;
	v24 =	vor.u32 v32, v9;
	v32 =	vld [tilespmem:$0x1FD90]  }
0x5a4: {  	v36 =	vor.u32 v52, v11;
	v20 =	vld.idx.msk [tilespmem:v38+s29+$0x0], $0xffff  }
0x5a5: {  	v23 =	vld.idx.msk [tilespmem:v25+s29+$0x0], $0xffff  }
0x5a6: {  	v38 =	vor.u32 v52, v12  }
0x5a7: {  	v25 =	vor.u32 v52, v13;
	[tilespmem:v34+s25+$0x0] =	vst.idx.msk $0xffff, v14  }
0x5a8: {  	v34 =	vor.u32 v32, v4;
	[tilespmem:v18+s25+$0x0] =	vst.idx.msk $0xffff, v17;
	v14 =	vld.idx.msk [tilespmem:v35+s29+$0x0], $0xffff  }
0x5a9: {  	v18 =	vor.u32 v32, v6;
	[tilespmem:v37+s25+$0x0] =	vst.idx.msk $0xffff, v20;
	v37 =	vor.u32 v32, v7;
	v17 =	vld.idx.msk [tilespmem:v36+s29+$0x0], $0xffff  }
0x5aa: {  	v35 =	vor.u32 v53, v5;
	[tilespmem:v24+s25+$0x0] =	vst.idx.msk $0xffff, v23;
	v24 =	vor.u32 v32, v9;
	v32 =	vld [tilespmem:$0x1FDA0]  }
0x5ab: {  	v36 =	vor.u32 v53, v11;
	v20 =	vld.idx.msk [tilespmem:v38+s29+$0x0], $0xffff  }
0x5ac: {  	v23 =	vld.idx.msk [tilespmem:v25+s29+$0x0], $0xffff  }
0x5ad: {  	v38 =	vor.u32 v53, v12  }
0x5ae: {  	v25 =	vor.u32 v53, v13;
	[tilespmem:v34+s25+$0x0] =	vst.idx.msk $0xffff, v14  }
0x5af: {  	v34 =	vor.u32 v32, v4;
	[tilespmem:v18+s25+$0x0] =	vst.idx.msk $0xffff, v17;
	v14 =	vld.idx.msk [tilespmem:v35+s29+$0x0], $0xffff  }
0x5b0: {  	v18 =	vor.u32 v32, v6;
	[tilespmem:v37+s25+$0x0] =	vst.idx.msk $0xffff, v20;
	v37 =	vor.u32 v32, v7;
	v17 =	vld.idx.msk [tilespmem:v36+s29+$0x0], $0xffff  }
0x5b1: {  	v35 =	vor.u32 v54, v5;
	[tilespmem:v24+s25+$0x0] =	vst.idx.msk $0xffff, v23;
	v24 =	vor.u32 v32, v9;
	v32 =	vld [tilespmem:$0x1FDB0]  }
0x5b2: {  	v36 =	vor.u32 v54, v11;
	v20 =	vld.idx.msk [tilespmem:v38+s29+$0x0], $0xffff  }
0x5b3: {  	v23 =	vld.idx.msk [tilespmem:v25+s29+$0x0], $0xffff  }
0x5b4: {  	v38 =	vor.u32 v54, v12  }
0x5b5: {  	v25 =	vor.u32 v54, v13;
	[tilespmem:v34+s25+$0x0] =	vst.idx.msk $0xffff, v14  }
0x5b6: {  	v34 =	vor.u32 v32, v4;
	[tilespmem:v18+s25+$0x0] =	vst.idx.msk $0xffff, v17;
	v14 =	vld.idx.msk [tilespmem:v35+s29+$0x0], $0xffff  }
0x5b7: {  	v18 =	vor.u32 v32, v6;
	[tilespmem:v37+s25+$0x0] =	vst.idx.msk $0xffff, v20;
	v37 =	vor.u32 v32, v7;
	v17 =	vld.idx.msk [tilespmem:v36+s29+$0x0], $0xffff  }
0x5b8: {  	v35 =	vor.u32 v55, v5;
	[tilespmem:v24+s25+$0x0] =	vst.idx.msk $0xffff, v23;
	v24 =	vor.u32 v32, v9;
	v32 =	vld [tilespmem:$0x1FDC0]  }
0x5b9: {  	v36 =	vor.u32 v55, v11;
	v20 =	vld.idx.msk [tilespmem:v38+s29+$0x0], $0xffff  }
0x5ba: {  	v23 =	vld.idx.msk [tilespmem:v25+s29+$0x0], $0xffff  }
0x5bb: {  	v38 =	vor.u32 v55, v12  }
0x5bc: {  	v25 =	vor.u32 v55, v13;
	[tilespmem:v34+s25+$0x0] =	vst.idx.msk $0xffff, v14  }
0x5bd: {  	v34 =	vor.u32 v32, v4;
	[tilespmem:v18+s25+$0x0] =	vst.idx.msk $0xffff, v17;
	v14 =	vld.idx.msk [tilespmem:v35+s29+$0x0], $0xffff  }
0x5be: {  	v18 =	vor.u32 v32, v6;
	[tilespmem:v37+s25+$0x0] =	vst.idx.msk $0xffff, v20;
	v37 =	vor.u32 v32, v7;
	v17 =	vld.idx.msk [tilespmem:v36+s29+$0x0], $0xffff  }
0x5bf: {  	v35 =	vor.u32 v56, v5;
	[tilespmem:v24+s25+$0x0] =	vst.idx.msk $0xffff, v23;
	v24 =	vor.u32 v32, v9;
	v32 =	vld [tilespmem:$0x1FDD0]  }
0x5c0: {  	v36 =	vor.u32 v56, v11;
	v20 =	vld.idx.msk [tilespmem:v38+s29+$0x0], $0xffff  }
0x5c1: {  	v23 =	vld.idx.msk [tilespmem:v25+s29+$0x0], $0xffff  }
0x5c2: {  	v38 =	vor.u32 v56, v12  }
0x5c3: {  	v25 =	vor.u32 v56, v13;
	[tilespmem:v34+s25+$0x0] =	vst.idx.msk $0xffff, v14  }
0x5c4: {  	v34 =	vor.u32 v32, v4;
	[tilespmem:v18+s25+$0x0] =	vst.idx.msk $0xffff, v17;
	v14 =	vld.idx.msk [tilespmem:v35+s29+$0x0], $0xffff  }
0x5c5: {  	v18 =	vor.u32 v32, v6;
	[tilespmem:v37+s25+$0x0] =	vst.idx.msk $0xffff, v20;
	v37 =	vor.u32 v32, v7;
	v17 =	vld.idx.msk [tilespmem:v36+s29+$0x0], $0xffff  }
0x5c6: {  	v35 =	vor.u32 v57, v5;
	[tilespmem:v24+s25+$0x0] =	vst.idx.msk $0xffff, v23;
	v24 =	vor.u32 v32, v9;
	v32 =	vld [tilespmem:$0x1FDE0]  }
0x5c7: {  	v36 =	vor.u32 v57, v11;
	v20 =	vld.idx.msk [tilespmem:v38+s29+$0x0], $0xffff  }
0x5c8: {  	v23 =	vld.idx.msk [tilespmem:v25+s29+$0x0], $0xffff  }
0x5c9: {  	v38 =	vor.u32 v57, v12  }
0x5ca: {  	v25 =	vor.u32 v57, v13;
	[tilespmem:v34+s25+$0x0] =	vst.idx.msk $0xffff, v14  }
0x5cb: {  	v34 =	vor.u32 v32, v4;
	[tilespmem:v18+s25+$0x0] =	vst.idx.msk $0xffff, v17;
	v14 =	vld.idx.msk [tilespmem:v35+s29+$0x0], $0xffff  }
0x5cc: {  	v18 =	vor.u32 v32, v6;
	[tilespmem:v37+s25+$0x0] =	vst.idx.msk $0xffff, v20;
	v37 =	vor.u32 v32, v7;
	v17 =	vld.idx.msk [tilespmem:v36+s29+$0x0], $0xffff  }
0x5cd: {  	v35 =	vor.u32 v58, v5;
	[tilespmem:v24+s25+$0x0] =	vst.idx.msk $0xffff, v23;
	v24 =	vor.u32 v32, v9;
	v32 =	vld [tilespmem:$0x1FDF0]  }
0x5ce: {  	v36 =	vor.u32 v58, v11;
	v20 =	vld.idx.msk [tilespmem:v38+s29+$0x0], $0xffff  }
0x5cf: {  	v23 =	vld.idx.msk [tilespmem:v25+s29+$0x0], $0xffff  }
0x5d0: {  	v38 =	vor.u32 v58, v12  }
0x5d1: {  	v25 =	vor.u32 v58, v13;
	[tilespmem:v34+s25+$0x0] =	vst.idx.msk $0xffff, v14  }
0x5d2: {  	v34 =	vor.u32 v32, v4;
	[tilespmem:v18+s25+$0x0] =	vst.idx.msk $0xffff, v17;
	v14 =	vld.idx.msk [tilespmem:v35+s29+$0x0], $0xffff  }
0x5d3: {  	v18 =	vor.u32 v32, v6;
	[tilespmem:v37+s25+$0x0] =	vst.idx.msk $0xffff, v20;
	v37 =	vor.u32 v32, v7;
	v17 =	vld.idx.msk [tilespmem:v36+s29+$0x0], $0xffff  }
0x5d4: {  	v35 =	vor.u32 v60, v5;
	[tilespmem:v24+s25+$0x0] =	vst.idx.msk $0xffff, v23;
	v24 =	vor.u32 v32, v9;
	v32 =	vld [tilespmem:$0x1FA20]  }
0x5d5: {  	v36 =	vor.u32 v60, v11;
	v20 =	vld.idx.msk [tilespmem:v38+s29+$0x0], $0xffff  }
0x5d6: {  	v23 =	vld.idx.msk [tilespmem:v25+s29+$0x0], $0xffff  }
0x5d7: {  	v38 =	vor.u32 v60, v12  }
0x5d8: {  	v25 =	vor.u32 v60, v13;
	[tilespmem:v34+s25+$0x0] =	vst.idx.msk $0xffff, v14  }
0x5d9: {  	v34 =	vor.u32 v32, v4;
	[tilespmem:v18+s25+$0x0] =	vst.idx.msk $0xffff, v17;
	v14 =	vld.idx.msk [tilespmem:v35+s29+$0x0], $0xffff  }
0x5da: {  	v18 =	vor.u32 v32, v6;
	[tilespmem:v37+s25+$0x0] =	vst.idx.msk $0xffff, v20;
	v37 =	vor.u32 v32, v7;
	v17 =	vld.idx.msk [tilespmem:v36+s29+$0x0], $0xffff  }
0x5db: {  	v35 =	vor.u32 v62, v5;
	[tilespmem:v24+s25+$0x0] =	vst.idx.msk $0xffff, v23;
	v24 =	vor.u32 v32, v9;
	v32 =	vld [tilespmem:$0x1FA30]  }
0x5dc: {  	v36 =	vor.u32 v62, v11;
	v20 =	vld.idx.msk [tilespmem:v38+s29+$0x0], $0xffff  }
0x5dd: {  	v38 =	vor.u32 v62, v12;
	v23 =	vld.idx.msk [tilespmem:v25+s29+$0x0], $0xffff  }
0x5de: {  	v25 =	vor.u32 v62, v13  }
0x5df: {  	v33 =	vld [tilespmem:$0x1FE10];
	[tilespmem:v34+s25+$0x0] =	vst.idx.msk $0xffff, v14  }
0x5e0: {  	v34 =	vor.u32 v32, v4;
	[tilespmem:v18+s25+$0x0] =	vst.idx.msk $0xffff, v17;
	v14 =	vld.idx.msk [tilespmem:v35+s29+$0x0], $0xffff  }
0x5e1: {  	v18 =	vor.u32 v32, v6;
	[tilespmem:v37+s25+$0x0] =	vst.idx.msk $0xffff, v20;
	v35 =	vor.u32 v63, v5;
	v17 =	vld.idx.msk [tilespmem:v36+s29+$0x0], $0xffff  }
0x5e2: {  	v37 =	vor.u32 v32, v7;
	v36 =	vor.u32 v63, v11;
	v20 =	vld.idx.msk [tilespmem:v38+s29+$0x0], $0xffff;
	[tilespmem:v24+s25+$0x0] =	vst.idx.msk $0xffff, v23  }
0x5e3: {  	v38 =	vor.u32 v63, v12;
	v24 =	vor.u32 v32, v9;
	v23 =	vld.idx.msk [tilespmem:v25+s29+$0x0], $0xffff  }
0x5e4: {  	v32 =	vld [tilespmem:$0x1F880];
	v25 =	vor.u32 v63, v13  }
0x5e5: {  	[tilespmem:v34+s25+$0x0] =	vst.idx.msk $0xffff, v14  }
0x5e6: {  	[tilespmem:v18+s25+$0x0] =	vst.idx.msk $0xffff, v17;
	v14 =	vld.idx.msk [tilespmem:v35+s29+$0x0], $0xffff  }
0x5e7: {  	v15 =	vor.u32 v33, v4;
	[tilespmem:v37+s25+$0x0] =	vst.idx.msk $0xffff, v20;
	v17 =	vld.idx.msk [tilespmem:v36+s29+$0x0], $0xffff  }
0x5e8: {  	v18 =	vor.u32 v33, v6;
	v20 =	vld.idx.msk [tilespmem:v38+s29+$0x0], $0xffff;
	[tilespmem:v24+s25+$0x0] =	vst.idx.msk $0xffff, v23  }
0x5e9: {  	v37 =	vor.u32 v33, v7;
	v35 =	vor.u32 v32, v5;
	v23 =	vld.idx.msk [tilespmem:v25+s29+$0x0], $0xffff  }
0x5ea: {  	v36 =	vor.u32 v32, v11;
	v38 =	vor.u32 v32, v12;
	v25 =	vor.u32 v32, v13;
	v32 =	vld [tilespmem:$0x1FE20]  }
0x5eb: {  	v24 =	vor.u32 v33, v9  }
0x5ec: {  	[tilespmem:v15+s25+$0x0] =	vst.idx.msk $0xffff, v14  }
0x5ed: {  	[tilespmem:v18+s25+$0x0] =	vst.idx.msk $0xffff, v17  }
0x5ee: {  	[tilespmem:v37+s25+$0x0] =	vst.idx.msk $0xffff, v20;
	v14 =	vld.idx.msk [tilespmem:v35+s29+$0x0], $0xffff  }
0x5ef: {  	v34 =	vor.u32 v32, v4;
	v35 =	vor.u32 v0, v5;
	v17 =	vld.idx.msk [tilespmem:v36+s29+$0x0], $0xffff;
	v18 =	vor.u32 v32, v6  }
0x5f0: {  	v37 =	vor.u32 v32, v7;
	[tilespmem:v24+s25+$0x0] =	vst.idx.msk $0xffff, v23;
	v24 =	vor.u32 v32, v9;
	v32 =	vld [tilespmem:$0x1FE30]  }
0x5f1: {  	v36 =	vor.u32 v0, v11;
	v20 =	vld.idx.msk [tilespmem:v38+s29+$0x0], $0xffff  }
0x5f2: {  	v23 =	vld.idx.msk [tilespmem:v25+s29+$0x0], $0xffff  }
0x5f3: {  	v38 =	vor.u32 v0, v12  }
0x5f4: {  	v25 =	vor.u32 v0, v13;
	[tilespmem:v34+s25+$0x0] =	vst.idx.msk $0xffff, v14  }
0x5f5: {  	v34 =	vor.u32 v32, v4;
	[tilespmem:v18+s25+$0x0] =	vst.idx.msk $0xffff, v17;
	v14 =	vld.idx.msk [tilespmem:v35+s29+$0x0], $0xffff  }
0x5f6: {  	v18 =	vor.u32 v32, v6;
	[tilespmem:v37+s25+$0x0] =	vst.idx.msk $0xffff, v20;
	v37 =	vor.u32 v32, v7;
	v17 =	vld.idx.msk [tilespmem:v36+s29+$0x0], $0xffff  }
0x5f7: {  	v35 =	vor.u32 v1, v5;
	[tilespmem:v24+s25+$0x0] =	vst.idx.msk $0xffff, v23;
	v24 =	vor.u32 v32, v9;
	v32 =	vld [tilespmem:$0x1FE40]  }
0x5f8: {  	v36 =	vor.u32 v1, v11;
	v20 =	vld.idx.msk [tilespmem:v38+s29+$0x0], $0xffff  }
0x5f9: {  	v23 =	vld.idx.msk [tilespmem:v25+s29+$0x0], $0xffff  }
0x5fa: {  	v38 =	vor.u32 v1, v12  }
0x5fb: {  	v25 =	vor.u32 v1, v13;
	[tilespmem:v34+s25+$0x0] =	vst.idx.msk $0xffff, v14  }
0x5fc: {  	v34 =	vor.u32 v32, v4;
	[tilespmem:v18+s25+$0x0] =	vst.idx.msk $0xffff, v17;
	v14 =	vld.idx.msk [tilespmem:v35+s29+$0x0], $0xffff  }
0x5fd: {  	v18 =	vor.u32 v32, v6;
	[tilespmem:v37+s25+$0x0] =	vst.idx.msk $0xffff, v20;
	v37 =	vor.u32 v32, v7;
	v17 =	vld.idx.msk [tilespmem:v36+s29+$0x0], $0xffff  }
0x5fe: {  	v35 =	vor.u32 v2, v5;
	[tilespmem:v24+s25+$0x0] =	vst.idx.msk $0xffff, v23;
	v24 =	vor.u32 v32, v9;
	v32 =	vld [tilespmem:$0x1FE50]  }
0x5ff: {  	v36 =	vor.u32 v2, v11;
	v20 =	vld.idx.msk [tilespmem:v38+s29+$0x0], $0xffff  }
0x600: {  	v23 =	vld.idx.msk [tilespmem:v25+s29+$0x0], $0xffff  }
0x601: {  	v38 =	vor.u32 v2, v12  }
0x602: {  	v25 =	vor.u32 v2, v13;
	[tilespmem:v34+s25+$0x0] =	vst.idx.msk $0xffff, v14  }
0x603: {  	v34 =	vor.u32 v32, v4;
	[tilespmem:v18+s25+$0x0] =	vst.idx.msk $0xffff, v17;
	v14 =	vld.idx.msk [tilespmem:v35+s29+$0x0], $0xffff  }
0x604: {  	v18 =	vor.u32 v32, v6;
	[tilespmem:v37+s25+$0x0] =	vst.idx.msk $0xffff, v20;
	v37 =	vor.u32 v32, v7;
	v17 =	vld.idx.msk [tilespmem:v36+s29+$0x0], $0xffff  }
0x605: {  	v35 =	vor.u32 v3, v5;
	[tilespmem:v24+s25+$0x0] =	vst.idx.msk $0xffff, v23;
	v24 =	vor.u32 v32, v9;
	v32 =	vld [tilespmem:$0x1FE60]  }
0x606: {  	v36 =	vor.u32 v3, v11;
	v20 =	vld.idx.msk [tilespmem:v38+s29+$0x0], $0xffff  }
0x607: {  	v23 =	vld.idx.msk [tilespmem:v25+s29+$0x0], $0xffff  }
0x608: {  	v38 =	vor.u32 v3, v12  }
0x609: {  	v25 =	vor.u32 v3, v13;
	[tilespmem:v34+s25+$0x0] =	vst.idx.msk $0xffff, v14  }
0x60a: {  	v34 =	vor.u32 v32, v4;
	[tilespmem:v18+s25+$0x0] =	vst.idx.msk $0xffff, v17;
	v14 =	vld.idx.msk [tilespmem:v35+s29+$0x0], $0xffff  }
0x60b: {  	v18 =	vor.u32 v32, v6;
	[tilespmem:v37+s25+$0x0] =	vst.idx.msk $0xffff, v20;
	v37 =	vor.u32 v32, v7;
	v17 =	vld.idx.msk [tilespmem:v36+s29+$0x0], $0xffff  }
0x60c: {  	v35 =	vor.u32 v8, v5;
	[tilespmem:v24+s25+$0x0] =	vst.idx.msk $0xffff, v23;
	v24 =	vor.u32 v32, v9;
	v32 =	vld [tilespmem:$0x1FE70]  }
0x60d: {  	v36 =	vor.u32 v8, v11;
	v20 =	vld.idx.msk [tilespmem:v38+s29+$0x0], $0xffff  }
0x60e: {  	v23 =	vld.idx.msk [tilespmem:v25+s29+$0x0], $0xffff  }
0x60f: {  	v38 =	vor.u32 v8, v12  }
0x610: {  	[tilespmem:v34+s25+$0x0] =	vst.idx.msk $0xffff, v14  }
0x611: {  	v25 =	vor.u32 v8, v13;
	v34 =	vor.u32 v32, v4;
	[tilespmem:v18+s25+$0x0] =	vst.idx.msk $0xffff, v17;
	v14 =	vld.idx.msk [tilespmem:v35+s29+$0x0], $0xffff  }
0x612: {  	v18 =	vor.u32 v32, v6;
	[tilespmem:v37+s25+$0x0] =	vst.idx.msk $0xffff, v20;
	v37 =	vor.u32 v32, v7;
	v17 =	vld.idx.msk [tilespmem:v36+s29+$0x0], $0xffff  }
0x613: {  	v35 =	vor.u32 v59, v5;
	[tilespmem:v24+s25+$0x0] =	vst.idx.msk $0xffff, v23;
	v24 =	vor.u32 v32, v9;
	v32 =	vld [tilespmem:$0x1FE80]  }
0x614: {  	v36 =	vor.u32 v59, v11;
	v20 =	vld.idx.msk [tilespmem:v38+s29+$0x0], $0xffff  }
0x615: {  	v38 =	vor.u32 v59, v12  }
0x616: {  	v23 =	vld.idx.msk [tilespmem:v25+s29+$0x0], $0xffff  }
0x617: {  	v25 =	vor.u32 v59, v13;
	[tilespmem:v34+s25+$0x0] =	vst.idx.msk $0xffff, v14  }
0x618: {  	v34 =	vor.u32 v32, v4;
	[tilespmem:v18+s25+$0x0] =	vst.idx.msk $0xffff, v17;
	v14 =	vld.idx.msk [tilespmem:v35+s29+$0x0], $0xffff  }
0x619: {  	v18 =	vor.u32 v32, v6;
	[tilespmem:v37+s25+$0x0] =	vst.idx.msk $0xffff, v20;
	v35 =	vor.u32 v61, v5;
	v17 =	vld.idx.msk [tilespmem:v36+s29+$0x0], $0xffff  }
0x61a: {  	v37 =	vor.u32 v32, v7;
	v36 =	vor.u32 v61, v11;
	v20 =	vld.idx.msk [tilespmem:v38+s29+$0x0], $0xffff  }
0x61b: {  	v33 =	vld [tilespmem:$0x1FE90];
	[tilespmem:v24+s25+$0x0] =	vst.idx.msk $0xffff, v23;
	v38 =	vor.u32 v61, v12  }
0x61c: {  	v24 =	vor.u32 v32, v9;
	v23 =	vld.idx.msk [tilespmem:v25+s29+$0x0], $0xffff  }
0x61d: {  	v32 =	vld [tilespmem:$0x1F820];
	v25 =	vor.u32 v61, v13;
	[tilespmem:v34+s25+$0x0] =	vst.idx.msk $0xffff, v14  }
0x61e: {  	[tilespmem:v18+s25+$0x0] =	vst.idx.msk $0xffff, v17;
	v14 =	vld.idx.msk [tilespmem:v35+s29+$0x0], $0xffff  }
0x61f: {  	[tilespmem:v37+s25+$0x0] =	vst.idx.msk $0xffff, v20;
	v17 =	vld.idx.msk [tilespmem:v36+s29+$0x0], $0xffff  }
0x620: {  	v15 =	vor.u32 v33, v4;
	v18 =	vor.u32 v33, v6;
	v20 =	vld.idx.msk [tilespmem:v38+s29+$0x0], $0xffff  }
0x621: {  	v37 =	vor.u32 v33, v7;
	[tilespmem:v24+s25+$0x0] =	vst.idx.msk $0xffff, v23;
	v24 =	vor.u32 v33, v9;
	v33 =	vld [tilespmem:$0x1FEA0]  }
0x622: {  	v35 =	vor.u32 v32, v5;
	v23 =	vld.idx.msk [tilespmem:v25+s29+$0x0], $0xffff  }
0x623: {  	v36 =	vor.u32 v32, v11;
	v38 =	vor.u32 v32, v12;
	v25 =	vor.u32 v32, v13;
	v32 =	vld [tilespmem:$0x1F830];
	_ =	sdelay $0x2  }
0x624: {  	[tilespmem:v15+s25+$0x0] =	vst.idx.msk $0xffff, v14  }
0x625: {  	v15 =	vor.u32 v33, v4;
	[tilespmem:v18+s25+$0x0] =	vst.idx.msk $0xffff, v17  }
0x626: {  	v18 =	vor.u32 v33, v6;
	[tilespmem:v37+s25+$0x0] =	vst.idx.msk $0xffff, v20;
	v17 =	vld.idx.msk [tilespmem:v36+s29+$0x0], $0xffff;
	v37 =	vor.u32 v32, v11  }
0x627: {  	v36 =	vor.u32 v33, v7;
	[tilespmem:v24+s25+$0x0] =	vst.idx.msk $0xffff, v23;
	v24 =	vor.u32 v33, v9;
	v33 =	vld [tilespmem:$0x1FEB0]  }
0x628: {  	v14 =	vld.idx.msk [tilespmem:v35+s29+$0x0], $0xffff  }
0x629: {  	v20 =	vld.idx.msk [tilespmem:v38+s29+$0x0], $0xffff  }
0x62a: {  	v35 =	vor.u32 v32, v5;
	v23 =	vld.idx.msk [tilespmem:v25+s29+$0x0], $0xffff  }
0x62b: {  	v38 =	vor.u32 v32, v12;
	v25 =	vor.u32 v32, v13;
	v32 =	vld [tilespmem:$0x1F840];
	[tilespmem:v18+s25+$0x0] =	vst.idx.msk $0xffff, v17  }
0x62c: {  	v17 =	vld.idx.msk [tilespmem:v37+s29+$0x0], $0xffff;
	v37 =	vor.u32 v33, v6;
	_ =	sdelay $0x2  }
0x62d: {  	[tilespmem:v36+s25+$0x0] =	vst.idx.msk $0xffff, v20  }
0x62e: {  	v20 =	vld.idx.msk [tilespmem:v38+s29+$0x0], $0xffff  }
0x62f: {  	v19 =	vor.u32 v32, v11;
	v38 =	vor.u32 v33, v7;
	[tilespmem:v37+s25+$0x0] =	vst.idx.msk $0xffff, v17;
	v37 =	vld [tilespmem:$0x1FEC0]  }
0x630: {  	[tilespmem:v15+s25+$0x0] =	vst.idx.msk $0xffff, v14  }
0x631: {  	v14 =	vld.idx.msk [tilespmem:v35+s29+$0x0], $0xffff;
	[tilespmem:v24+s25+$0x0] =	vst.idx.msk $0xffff, v23  }
0x632: {  	v15 =	vor.u32 v33, v4;
	v23 =	vld.idx.msk [tilespmem:v25+s29+$0x0], $0xffff  }
0x633: {  	v35 =	vor.u32 v32, v5;
	v36 =	vor.u32 v32, v12;
	v25 =	vor.u32 v32, v13;
	v32 =	vld [tilespmem:$0x1F850]  }
0x634: {  	[tilespmem:v38+s25+$0x0] =	vst.idx.msk $0xffff, v20;
	v16 =	vld.idx.msk [tilespmem:v19+s29+$0x0], $0xffff;
	v38 =	vor.u32 v37, v6  }
0x635: {  	v24 =	vor.u32 v33, v9;
	_ =	sdelay $0x1  }
0x636: {  	[tilespmem:v15+s25+$0x0] =	vst.idx.msk $0xffff, v14  }
0x637: {  	v14 =	vld.idx.msk [tilespmem:v35+s29+$0x0], $0xffff;
	v15 =	vor.u32 v37, v4  }
0x638: {  	v5 =	vor.u32 v32, v5;
	[tilespmem:v38+s25+$0x0] =	vst.idx.msk $0xffff, v16;
	v38 =	vld [tilespmem:$0x1FED0]  }
0x639: {  	v11 =	vor.u32 v32, v11;
	v34 =	vld.idx.msk [tilespmem:v36+s29+$0x0], $0xffff;
	[tilespmem:v24+s25+$0x0] =	vst.idx.msk $0xffff, v23;
	v35 =	vor.u32 v37, v7  }
0x63a: {  	v12 =	vor.u32 v32, v12;
	v36 =	vld.idx.msk [tilespmem:v25+s29+$0x0], $0xffff;
	v37 =	vor.u32 v37, v9  }
0x63b: {  	v13 =	vor.u32 v32, v13  }
0x63c: {  	[tilespmem:v15+s25+$0x0] =	vst.idx.msk $0xffff, v14  }
0x63d: {  	v5 =	vld.idx.msk [tilespmem:v5+s29+$0x0], $0xffff;
	v4 =	vor.u32 v38, v4  }
0x63e: {  	[tilespmem:v35+s25+$0x0] =	vst.idx.msk $0xffff, v34;
	v11 =	vld.idx.msk [tilespmem:v11+s29+$0x0], $0xffff;
	v6 =	vor.u32 v38, v6  }
0x63f: {  	[tilespmem:v37+s25+$0x0] =	vst.idx.msk $0xffff, v36;
	v12 =	vld.idx.msk [tilespmem:v12+s29+$0x0], $0xffff;
	v7 =	vor.u32 v38, v7  }
0x640: {  	p1 =	por p0, p0;
	v13 =	vld.idx.msk [tilespmem:v13+s29+$0x0], $0xffff;
	v9 =	vor.u32 v38, v9  }
.Ltmp8:
0x641: {  	_ = 	snop;
	(pc) =	sbr.rel @p1 .LBB2_13-.Ltmp8, $4  }
0x642: {  	[tilespmem:v4+s25+$0x0] =	vst.idx.msk $0xffff, v5  }
0x643: {  	[tilespmem:v6+s25+$0x0] =	vst.idx.msk $0xffff, v11  }
0x644: {  	[tilespmem:v7+s25+$0x0] =	vst.idx.msk $0xffff, v12  }
0x645: {  	p0 =	por $0x0, $0x0;
	s22 =	simm.s32 $0x40;
	[tilespmem:v9+s25+$0x0] =	vst.idx.msk $0xffff, v13  }
0x646: {  	s22 =	sadd.s32 s28, s14  }
0x647: {  	[hbm4b:s22+s3] =	stream.linear.scatter [tilespmem:s25], [sflag:$0x4], $0x400, $0x38;
	[tilespmem:$0x14C00] =	vst v63  }
0x648: {  	s23 =	simm.s32 $0x13000;
	s22 =	sadd.s32 s28, s15  }
0x649: {  	[hbm4b:s22+s3] =	stream.linear.scatter [tilespmem:s23], [sflag:$0x4], $0x400, $0x38;
	[tilespmem:$0x14C00] =	vst v63  }
0x64a: {  	s22 =	sadd.s32 s28, s16;
	s23 =	simm.s32 $0x13400  }
0x64b: {  	[hbm4b:s22+s3] =	stream.linear.scatter [tilespmem:s23], [sflag:$0x4], $0x400, $0x38;
	[tilespmem:$0x14C00] =	vst v63  }
0x64c: {  	s22 =	sadd.s32 s28, s17;
	s23 =	simm.s32 $0x13800  }
0x64d: {  	[hbm4b:s22+s3] =	stream.linear.scatter [tilespmem:s23], [sflag:$0x4], $0x400, $0x38;
	[tilespmem:$0x14C00] =	vst v63  }
0x64e: {  	s22 =	sadd.s32 s28, s18;
	s23 =	simm.s32 $0x13C00  }
0x64f: {  	[hbm4b:s22+s3] =	stream.linear.scatter [tilespmem:s23], [sflag:$0x4], $0x400, $0x38;
	[tilespmem:$0x14C00] =	vst v63  }
0x650: {  	p0 =	seq.s32 s1, $0x63;
	s22 =	sadd.s32 s28, s19;
	s23 =	simm.s32 $0x14000  }
0x651: {  	[hbm4b:s22+s3] =	stream.linear.scatter [tilespmem:s23], [sflag:$0x4], $0x400, $0x38;
	[tilespmem:$0x14C00] =	vst v63  }
.Ltmp9:
0x652: {  	_ = 	snop;
	(pc) =	sbr.rel @p0 .LBB2_16-.Ltmp9, $4  }
0x653: {  	s22 =	sadd.s32 s28, s20;
	s23 =	simm.s32 $0x14400  }
0x654: {  	[hbm4b:s22+s3] =	stream.linear.scatter [tilespmem:s23], [sflag:$0x4], $0x400, $0x38;
	[tilespmem:$0x14C00] =	vst v63  }
0x655: {  	s23 =	sadd.s32 s28, s21;
	s28 =	simm.s32 $0x14800  }
0x656: {  	[hbm4b:s23+s3] =	stream.linear.scatter [tilespmem:s28], [sflag:$0x4], $0x400, $0x38;
	[tilespmem:$0x14C00] =	vst v63  }
0x657: {  	v14 =	vld [tilespmem:$0x1FCA0]  }
0x658: {  	v15 =	vld [tilespmem:$0x1FCB0]  }
0x659: {  	v16 =	vld [tilespmem:$0x1FCC0]  }
0x65a: {  	v17 =	vld [tilespmem:$0x1FCD0]  }
0x65b: {  	v18 =	vld [tilespmem:$0x1FCE0]  }
0x65c: {  	v19 =	vld [tilespmem:$0x1FCF0]  }
0x65d: {  	v20 =	vld [tilespmem:$0x1FD00]  }
.Ltmp10:
0x65e: {  	v21 =	vld [tilespmem:$0x1FD10];
	(pc) =	sbr.rel .LBB2_6-.Ltmp10, $4  }
0x65f: {  	s22 =	sshll.u32 s1, $0x8;
	v22 =	vld [tilespmem:$0x1FD20]  }
0x660: {  	v23 =	vld [tilespmem:$0x1FD30];
	s22 =	sand.u32 $0x3FFFFF00, s22  }
0x661: {  	s23 =	simm.s32 $0x80;
	s1 =	sadd.s32 $0x1, s1;
	v24 =	vld [tilespmem:$0x1FD40];
	s22 =	sadd.s32 $0x6980, s22  }
0x662: {  	v25 =	vld [tilespmem:$0x1FD50];
	[tilespmem:s29], [sflag:$0x2] =	stream.indirect.gather [hbm4b:s4+s23], $0x40, s22, s23, $0xb8  }
.LBB2_17:
0x663: {  	_ =	sfence.sel $0x180000  }
0x664: {  	[bflag:$0x0] =	sbarrier.arrive $0xFFFF  }
0x665: {  	_ =	strace $0x90000047  }
0x666: {  	s0 =	stileid.u32;
	[bflag:$0x2] =	sbarrier.arrive $0xFFFF  }
0x667: {  	p0 =	sne.s32 s0, $0x0;
	s0 =	rddreg [dreg:$0x2]  }
0x668: {  	s0 =	sadd.s32 @!p0 $0x100000, s0  }
0x669: {  	[sflag:s0] =	ssyncadd.tile.s32 @!p0 $0x1;
	_ =	shalt  }
.Lfunc_end2:
_tile_overlayer_lowered:
.L_overlay_start_2:
0x66a: {  	(tag) =	ssettag $0x2  }
0x66b: {  	s0 =	rddreg [dreg:$0x0];
	s2 =	stileid.u32  }
0x66c: {  	s1 =	rddreg [dreg:$0x1];
	p0 =	sne.s32 s2, $0x0  }
0x66d: {  	s3 =	rddreg [dreg:$0x2];
	[bflag:$0x3] =	sbarrier.arrive $0xFFFF;
	s2 =	simm.s32 @!p0 $0x1C05  }
0x66e: {  	[timem:s3], [sflag:s2] =	dma.local @!p0 [hbm:s0], s1  }
0x66f: {  	s0 =	simm.s32 @!p0 $0x5  }
0x670: {  	_ =	swait.ge @!p0 [sflag:s0], s1  }
0x671: {  	s1 =	ssub.s32 @!p0 $0x0, s1;
	[sflag:s0] =	ssyncset.done @!p0 $0x0  }
0x672: {  	[sflag:s0] =	ssyncadd.s32 @!p0 s1  }
0x673: {  	[bflag:$0x3] =	sbarrier.arrive $0xFFFF  }
0x674: {  	_ =	shalt  }

</sc_bundles>
